<compile_context>
chip_gen: v7x
topology: tpu7x:2x2x1
jax: 0.10.2.dev20260603
libtpu: 0.0.44.dev20260713+nightly
codegen_flags: <defaults>
</compile_context>

<pallas_src>
import functools

import numpy as np
import jax
import jax.numpy as jnp
from jax import lax
from jax.experimental import pallas as pl
from jax.experimental.pallas import tpu as pltpu
from jax.experimental.pallas import tpu_sc as plsc

B = 8
G = 16
NG = G ** 3
CD = 64
HD = 64
NB = 2
K = 16
SP = 2.0
N = B * NG
ROWS = K * N

T = 512

NGROUPS = 2
BG = B // NGROUPS
NN = BG * NG

NWORK = 32
CH = 128
TW = 2 * HD


_GRAPH_CACHE = None


def _graph_tables():
    global _GRAPH_CACHE
    if _GRAPH_CACHE is None:
        r = np.arange(G, dtype=np.float32) * np.float32(SP)
        xx, yy, zz = np.meshgrid(r, r, r, indexing="ij")
        c = np.stack([xx.ravel(), yy.ravel(), zz.ravel()], axis=-1)
        d2 = ((c[:, None, :] - c[None, :, :]) ** 2).sum(-1).astype(np.float32)
        d2 = d2 + np.eye(NG, dtype=np.float32) * np.float32(1e10)
        nbr = np.argsort(d2, axis=1, kind="stable")[:, :K]
        dist = np.sqrt(((c[nbr] - c[:, None, :]) ** 2).sum(-1)).astype(np.float32)
        nbr_p = nbr.reshape(NG, K // 2, 2).transpose(1, 0, 2)
        idx = (nbr_p[:, None, :, :]
               + (np.arange(BG, dtype=np.int64) * NG)[None, :, None, None])
        idx_flat = idx.reshape(-1).astype(np.int32)
        _GRAPH_CACHE = (idx_flat, dist.astype(np.float32))
    return _GRAPH_CACHE


def _silu(x):
    h = 0.5 * x
    return h * (jnp.tanh(h) + 1.0)


def _ln(x, g, b):
    m = jnp.mean(x, axis=-1, keepdims=True)
    v = jnp.mean((x - m) ** 2, axis=-1, keepdims=True)
    return (x - m) / jnp.sqrt(v + 1e-5) * g + b



def _sc_gather(table, idx):
    RPW = idx.shape[1]
    rows = NWORK * RPW
    NCH = RPW // CH
    mesh = plsc.VectorSubcoreMesh(core_axis_name="c", subcore_axis_name="s")

    @functools.partial(
        pl.kernel,
        out_type=jax.ShapeDtypeStruct((rows // 2, TW), jnp.float32),
        mesh=mesh,
        scratch_types=[
            pltpu.VMEM((RPW,), jnp.int32),
            pltpu.VMEM((4 * CH, TW), jnp.float32),
            pltpu.VMEM((CH // 2, TW), jnp.float32),
            pltpu.SemaphoreType.DMA,
            pltpu.SemaphoreType.DMA,
            pltpu.SemaphoreType.DMA,
            pltpu.SemaphoreType.DMA,
        ],
    )
    def gather_kernel(table_hbm, idx_hbm, out_hbm, idx_v, rows_v, oc_v,
                      sem0, sem1, sem2, sem3):
        wid = lax.axis_index("s") * 2 + lax.axis_index("c")
        base0 = wid * RPW
        sems = (sem0, sem1, sem2, sem3)

        pltpu.sync_copy(idx_hbm.at[wid], idx_v)

        def slot_refs(s):
            return rows_v.at[pl.ds(s * CH, CH)], sems[s]

        def fire(ci, s):
            dst, sem = slot_refs(s)
            return pltpu.async_copy(
                table_hbm.at[idx_v.at[pl.ds(ci * CH, CH)]], dst, sem)

        def drain(ci, s):
            dst, sem = slot_refs(s)
            pltpu.make_async_copy(
                table_hbm.at[idx_v.at[pl.ds(ci * CH, CH)]], dst, sem).wait()
            base = s * CH

            def crow(r, carry):
                r0 = base + 2 * r
                for w in range(0, HD, 16):
                    oc_v[r, pl.ds(w, 16)] = rows_v[r0, pl.ds(w, 16)]
                    oc_v[r, pl.ds(HD + w, 16)] = rows_v[r0 + 1,
                                                        pl.ds(HD + w, 16)]
                return carry

            lax.fori_loop(0, CH // 2, crow, 0)
            off = pl.multiple_of((base0 + ci * CH) // 2, CH // 2)
            pltpu.sync_copy(oc_v, out_hbm.at[pl.ds(off, CH // 2)])

        fire(0, 0)
        fire(1, 1)

        def body(q, carry):
            c = 4 * q

            @pl.when(c + 2 < NCH)
            def _():
                fire(c + 2, 2)
                fire(c + 3, 3)

            drain(c, 0)
            drain(c + 1, 1)

            @pl.when(c + 4 < NCH)
            def _():
                fire(c + 4, 0)
                fire(c + 5, 1)

            drain(c + 2, 2)
            drain(c + 3, 3)
            return carry

        lax.fori_loop(0, NCH // 4, body, 0)

    return gather_kernel(table, idx)



def _dot(a, b):
    return jnp.dot(a, b, preferred_element_type=jnp.float32)


def _tc_in_kernel(y_ref, Win_ref, bin_ref, g1_ref, b1_ref, W1ab_ref, eb1_ref,
                  h_ref, hn_ref, A_ref, Bc_ref):
    h = _dot(y_ref[...], Win_ref[...]) + bin_ref[...]
    hn = _ln(h, g1_ref[...], b1_ref[...])
    AB = _dot(hn, W1ab_ref[...])
    h_ref[...] = h
    hn_ref[...] = hn
    A_ref[...] = jnp.concatenate([AB[:, :HD], AB[:, :HD]], axis=1)
    bc = AB[:, HD:] + eb1_ref[...]
    Bc_ref[...] = jnp.concatenate([bc, bc], axis=1)


def _edge_agg(G_ref, Bc2, dist_ref, w1c2, Wbig, eb2x4):
    lanemask = lax.broadcasted_iota(jnp.int32, (T, TW), 1) < HD
    acc = jnp.zeros((T, TW), jnp.float32)
    for j in range(4):
        cols = []
        for p2 in range(2):
            p = 2 * j + p2
            dsel = jnp.where(lanemask, dist_ref[:, 2 * p:2 * p + 1],
                             dist_ref[:, 2 * p + 1:2 * p + 2])
            cols.append(_silu(G_ref[p] + Bc2 + dsel * w1c2))
        X = jnp.concatenate(cols, axis=1)
        Y = _silu(_dot(X, Wbig) + eb2x4)
        acc = acc + Y[:, :TW] + Y[:, TW:]
    return (acc[:, :HD] + acc[:, HD:]) * (1.0 / K)


def _block_core(G_ref, h, hn, Bc, dist_ref, w1c_ref, Wbig_ref, eb2x4_ref,
                nW1_ref, nb1_ref, nW2_ref, nb2_ref, g2_ref, b2_ref,
                mW1_ref, mb1_ref, mW2_ref, mb2_ref):
    agg = _edge_agg(G_ref, Bc, dist_ref, w1c_ref[...], Wbig_ref[...],
                    eb2x4_ref[...])
    nd = jnp.concatenate([hn, agg], axis=1)
    t = _silu(_dot(nd, nW1_ref[...]) + nb1_ref[...])
    h1 = h + hn + _dot(t, nW2_ref[...]) + nb2_ref[...]
    hn2 = _ln(h1, g2_ref[...], b2_ref[...])
    mo = _dot(_silu(_dot(hn2, mW1_ref[...]) + mb1_ref[...]), mW2_ref[...]) \
        + mb2_ref[...]
    return h1 + mo


def _tc_mid_kernel(G_ref, h_ref, hn_ref, Bc_ref, dist_ref, w1c_ref, Wbig_ref,
                   eb2x4_ref, nW1_ref, nb1_ref, nW2_ref, nb2_ref, g2_ref,
                   b2_ref, mW1_ref, mb1_ref, mW2_ref, mb2_ref,
                   g1n_ref, b1n_ref, W1abn_ref, eb1n_ref,
                   h_out, hn_out, A_out, Bc_out):
    h2 = _block_core(G_ref, h_ref[...], hn_ref[...], Bc_ref[...], dist_ref,
                     w1c_ref, Wbig_ref, eb2x4_ref, nW1_ref, nb1_ref, nW2_ref,
                     nb2_ref, g2_ref, b2_ref, mW1_ref, mb1_ref, mW2_ref,
                     mb2_ref)
    hn_n = _ln(h2, g1n_ref[...], b1n_ref[...])
    ABn = _dot(hn_n, W1abn_ref[...])
    h_out[...] = h2
    hn_out[...] = hn_n
    A_out[...] = jnp.concatenate([ABn[:, :HD], ABn[:, :HD]], axis=1)
    bcn = ABn[:, HD:] + eb1n_ref[...]
    Bc_out[...] = jnp.concatenate([bcn, bcn], axis=1)


def _tc_last_kernel(G_ref, h_ref, hn_ref, Bc_ref, dist_ref, w1c_ref, Wbig_ref,
                    eb2x4_ref, nW1_ref, nb1_ref, nW2_ref, nb2_ref, g2_ref,
                    b2_ref, mW1_ref, mb1_ref, mW2_ref, mb2_ref,
                    Wout_ref, bout_ref, out_ref):
    h2 = _block_core(G_ref, h_ref[...], hn_ref[...], Bc_ref[...], dist_ref,
                     w1c_ref, Wbig_ref, eb2x4_ref, nW1_ref, nb1_ref, nW2_ref,
                     nb2_ref, g2_ref, b2_ref, mW1_ref, mb1_ref, mW2_ref,
                     mb2_ref)
    out_ref[...] = _dot(h2, Wout_ref[...]) + bout_ref[...]


def _tile_spec():
    return pl.BlockSpec((T, HD), lambda t: (t, 0))


def _full_spec(shape):
    return pl.BlockSpec(shape, lambda t: tuple(0 for _ in shape))


def _hABc_outs(nn):
    shapes = [jax.ShapeDtypeStruct((nn, HD), jnp.float32),
              jax.ShapeDtypeStruct((nn, HD), jnp.float32),
              jax.ShapeDtypeStruct((nn, TW), jnp.float32),
              jax.ShapeDtypeStruct((nn, TW), jnp.float32)]
    specs = [_tile_spec(), _tile_spec(),
             pl.BlockSpec((T, TW), lambda t: (t, 0)),
             pl.BlockSpec((T, TW), lambda t: (t, 0))]
    return shapes, specs


def _tc_in(y2d, W_in, b_in, g1, b1, W1ab, eb1):
    outs, ospecs = _hABc_outs(y2d.shape[0])
    return pl.pallas_call(
        _tc_in_kernel,
        grid=(y2d.shape[0] // T,),
        in_specs=[
            _tile_spec(),
            _full_spec((CD, HD)),
            _full_spec((1, HD)),
            _full_spec((1, HD)),
            _full_spec((1, HD)),
            _full_spec((HD, 2 * HD)),
            _full_spec((1, HD)),
        ],
        out_specs=ospecs,
        out_shape=outs,
    )(y2d, W_in, b_in, g1, b1, W1ab, eb1)


def _block_in_specs():
    return [
        pl.BlockSpec((K // 2, T, TW), lambda t: (0, t, 0)),
        _tile_spec(),
        _tile_spec(),
        pl.BlockSpec((T, TW), lambda t: (t, 0)),
        pl.BlockSpec((T, K), lambda t: (t % (NG // T), 0)),
        _full_spec((1, TW)),
        _full_spec((4 * HD, 4 * HD)),
        _full_spec((1, 4 * HD)),
        _full_spec((2 * HD, HD)),
        _full_spec((1, HD)),
        _full_spec((HD, HD)),
        _full_spec((1, HD)),
        _full_spec((1, HD)),
        _full_spec((1, HD)),
        _full_spec((HD, HD)),
        _full_spec((1, HD)),
        _full_spec((HD, HD)),
        _full_spec((1, HD)),
    ]


def _tc_mid(Gm, h, hn, Bc, dist, w1c, Wbig, eb2x4, nW1, nb1, nW2, nb2, g2, b2,
            mW1, mb1, mW2, mb2, g1n, b1n, W1abn, eb1n):
    outs, ospecs = _hABc_outs(h.shape[0])
    return pl.pallas_call(
        _tc_mid_kernel,
        grid=(h.shape[0] // T,),
        in_specs=_block_in_specs() + [
            _full_spec((1, HD)),
            _full_spec((1, HD)),
            _full_spec((HD, 2 * HD)),
            _full_spec((1, HD)),
        ],
        out_specs=ospecs,
        out_shape=outs,
    )(Gm, h, hn, Bc, dist, w1c, Wbig, eb2x4, nW1, nb1, nW2, nb2, g2, b2,
      mW1, mb1, mW2, mb2, g1n, b1n, W1abn, eb1n)


def _tc_last(Gm, h, hn, Bc, dist, w1c, Wbig, eb2x4, nW1, nb1, nW2, nb2, g2,
             b2, mW1, mb1, mW2, mb2, W_out, b_out):
    return pl.pallas_call(
        _tc_last_kernel,
        grid=(h.shape[0] // T,),
        in_specs=_block_in_specs() + [
            _full_spec((HD, CD)),
            _full_spec((1, CD)),
        ],
        out_specs=pl.BlockSpec((T, CD), lambda t: (t, 0)),
        out_shape=jax.ShapeDtypeStruct((h.shape[0], CD), jnp.float32),
    )(Gm, h, hn, Bc, dist, w1c, Wbig, eb2x4, nW1, nb1, nW2, nb2, g2, b2,
      mW1, mb1, mW2, mb2, W_out, b_out)


def kernel(y, W_in, b_in, norm1_g, norm1_b, edge_W1, edge_b1, edge_W2,
           edge_b2, node_W1, node_b1, node_W2, node_b2, norm2_g, norm2_b,
           mlp_W1, mlp_b1, mlp_W2, mlp_b2, W_out, b_out):
    idx_np, dist_np = _graph_tables()
    idx = jnp.asarray(idx_np.reshape(NWORK, -1))
    dist = jnp.asarray(dist_np)

    row = lambda x: x.reshape(1, -1)

    W1ab = [jnp.concatenate([edge_W1[i][:HD, :], edge_W1[i][HD:2 * HD, :]],
                            axis=1) for i in range(NB)]
    w1c = [row(jnp.tile(edge_W1[i][2 * HD, :], 2)) for i in range(NB)]
    eye4 = jnp.eye(4, dtype=jnp.float32)
    Wbig = [jnp.kron(eye4, edge_W2[i]) for i in range(NB)]
    eb2x4 = [row(jnp.tile(edge_b2[i], 4)) for i in range(NB)]

    def chain(y2d):
        h, hn, A, Bc = _tc_in(y2d, W_in, row(b_in), row(norm1_g[0]),
                              row(norm1_b[0]), W1ab[0], row(edge_b1[0]))
        Gm = _sc_gather(A, idx).reshape(K // 2, NN, TW)
        h, hn, A, Bc = _tc_mid(
            Gm, h, hn, Bc, dist, w1c[0], Wbig[0], eb2x4[0], node_W1[0],
            row(node_b1[0]), node_W2[0], row(node_b2[0]), row(norm2_g[0]),
            row(norm2_b[0]), mlp_W1[0], row(mlp_b1[0]), mlp_W2[0],
            row(mlp_b2[0]), row(norm1_g[1]), row(norm1_b[1]), W1ab[1],
            row(edge_b1[1]))
        Gm = _sc_gather(A, idx).reshape(K // 2, NN, TW)
        return _tc_last(
            Gm, h, hn, Bc, dist, w1c[1], Wbig[1], eb2x4[1], node_W1[1],
            row(node_b1[1]), node_W2[1], row(node_b2[1]), row(norm2_g[1]),
            row(norm2_b[1]), mlp_W1[1], row(mlp_b1[1]), mlp_W2[1],
            row(mlp_b2[1]), W_out, row(b_out))

    yg = y.reshape(NGROUPS, NN, CD)
    outs = [chain(yg[g]) for g in range(NGROUPS)]
    return jnp.concatenate(outs, axis=0).reshape(B, NG, CD)

# --- scband reference (transcript-rebuilt; emitter-appended) ---
"""Pipeline reference for scband-gnndenoiser-46849503264903 (READ-ONLY COPY).

The authoritative reference and input builder live on the scoring server;
editing this copy changes nothing except your own understanding.
"""

import jax, jax.numpy as jnp
import numpy as np

B = 8; G = 16; NG = G ** 3; CD = 64; HD = 64; NB = 2; K = 16; SP = 2.0


def _grid():
    r = jnp.arange(G, dtype=jnp.float32) * SP
    xx, yy, zz = jnp.meshgrid(r, r, r, indexing='ij')
    return jnp.stack([xx.ravel(), yy.ravel(), zz.ravel()], axis=-1)


def _knn(c):
    d2 = jnp.sum((c[:, None, :] - c[None, :, :]) ** 2, axis=-1)
    d2 = d2 + jnp.eye(NG, dtype=d2.dtype) * 1e10
    nbr = jnp.argsort(d2, axis=1)[:, :K]
    src = nbr.reshape(-1)
    dst = jnp.repeat(jnp.arange(NG), K)
    return src, dst


def _ln(x, g, b):
    m = jnp.mean(x, axis=-1, keepdims=True)
    v = jnp.var(x, axis=-1, keepdims=True)
    return (x - m) / jnp.sqrt(v + 1e-5) * g + b


def _silu(x):
    return x * jax.nn.sigmoid(x)


def _forward(y, W_in, b_in, norm1_g, norm1_b, edge_W1, edge_b1, edge_W2, edge_b2, node_W1, node_b1, node_W2, node_b2, norm2_g, norm2_b, mlp_W1, mlp_b1, mlp_W2, mlp_b2, W_out, b_out):
    c1 = _grid()
    s1, d1 = _knn(c1)
    offs = (jnp.arange(B) * NG)[:, None]
    src = (s1[None, :] + offs).reshape(-1)
    dst = (d1[None, :] + offs).reshape(-1)
    coords = jnp.tile(c1, (B, 1))
    N = B * NG
    h = (y @ W_in + b_in).reshape(N, HD)
    for i in range(NB):
        hres = h
        hn = _ln(h, norm1_g[i], norm1_b[i])
        rel = coords[src] - coords[dst]
        dist = jnp.linalg.norm(rel, axis=-1, keepdims=True)
        ein = jnp.concatenate([hn[src], hn[dst], dist], axis=-1)
        m = _silu(ein @ edge_W1[i] + edge_b1[i])
        m = _silu(m @ edge_W2[i] + edge_b2[i])
        agg = jax.ops.segment_sum(m, dst, num_segments=N)
        cnt = jax.ops.segment_sum(jnp.ones((dst.shape[0], 1), dtype=m.dtype), dst, num_segments=N)
        agg = agg / jnp.clip(cnt, 1.0, None)
        nd = jnp.concatenate([hn, agg], axis=-1)
        hdelta = _silu(nd @ node_W1[i] + node_b1[i]) @ node_W2[i] + node_b2[i]
        h = hres + (hn + hdelta)
        hres = h
        hn2 = _ln(h, norm2_g[i], norm2_b[i])
        mo = _silu(hn2 @ mlp_W1[i] + mlp_b1[i]) @ mlp_W2[i] + mlp_b2[i]
        h = hres + mo
    out = h.reshape(B, NG, HD) @ W_out + b_out
    return out


def setup_inputs(seed: int = 0):
    key = jax.random.key(seed)
    def k(i):
        return jax.random.fold_in(key, i)
    def xav(kk, shape):
        fi, fo = shape[-2], shape[-1]
        lim = float(np.sqrt(6.0 / (fi + fo)))
        return jax.random.uniform(kk, shape, minval=-lim, maxval=lim, dtype=jnp.float32)
    z = lambda s: jnp.zeros(s, dtype=jnp.float32)
    o = lambda s: jnp.ones(s, dtype=jnp.float32)
    return {
        'y': jax.random.normal(k(0), (B, NG, CD), dtype=jnp.float32),
        'W_in': xav(k(1), (CD, HD)), 'b_in': z((HD,)),
        'norm1_g': o((NB, HD)), 'norm1_b': z((NB, HD)),
        'edge_W1': xav(k(2), (NB, 2 * HD + 1, HD)), 'edge_b1': z((NB, HD)),
        'edge_W2': xav(k(3), (NB, HD, HD)), 'edge_b2': z((NB, HD)),
        'node_W1': xav(k(4), (NB, 2 * HD, HD)), 'node_b1': z((NB, HD)),
        'node_W2': xav(k(5), (NB, HD, HD)), 'node_b2': z((NB, HD)),
        'norm2_g': o((NB, HD)), 'norm2_b': z((NB, HD)),
        'mlp_W1': xav(k(6), (NB, HD, HD)), 'mlp_b1': z((NB, HD)),
        'mlp_W2': xav(k(7), (NB, HD, HD)), 'mlp_b2': z((NB, HD)),
        'W_out': xav(k(8), (HD, CD)), 'b_out': z((CD,)),
    }


def reference(y, W_in, b_in, norm1_g, norm1_b, edge_W1, edge_b1, edge_W2, edge_b2, node_W1, node_b1, node_W2, node_b2, norm2_g, norm2_b, mlp_W1, mlp_b1, mlp_W2, mlp_b2, W_out, b_out):
    return _forward(y, W_in, b_in, norm1_g, norm1_b, edge_W1, edge_b1, edge_W2, edge_b2, node_W1, node_b1, node_W2, node_b2, norm2_g, norm2_b, mlp_W1, mlp_b1, mlp_W2, mlp_b2, W_out, b_out)

if __name__ == "__main__":
    import jax
    _d = setup_inputs()
    print(jax.jit(kernel)(*tuple(_d.values())))

</pallas_src>

<mosaic_0001>
#map = affine_map<(d0, d1) -> (0, 0)>
module attributes {stable_mosaic.version = 14 : i64} {
  func.func @gather_kernel(%arg0: i32, %arg1: i32, %arg2: memref<16384x128xf32, #tpu.memory_space<hbm>>, %arg3: memref<32x8192xi32, #tpu.memory_space<hbm>>, %arg4: memref<131072x128xf32, #tpu.memory_space<hbm>>, %arg5: memref<8192xi32, #tpu.memory_space<vmem>>, %arg6: memref<512x128xf32, #tpu.memory_space<vmem>>, %arg7: memref<64x128xf32, #tpu.memory_space<vmem>>, %arg8: memref<!tpu.dma_semaphore, #tpu.memory_space<semaphore_mem>>, %arg9: memref<!tpu.dma_semaphore, #tpu.memory_space<semaphore_mem>>, %arg10: memref<!tpu.dma_semaphore, #tpu.memory_space<semaphore_mem>>, %arg11: memref<!tpu.dma_semaphore, #tpu.memory_space<semaphore_mem>>) attributes {dimension_semantics = [#tpu.dimension_semantics<core_parallel>, #tpu.dimension_semantics<subcore_parallel>], iteration_bounds = array<i64: 2, 16>, scalar_prefetch = 0 : i64, scratch_operands = 7 : i64, tpu.core_type = #tpu.core_type<sc_vector_subcore>, window_params = [{transform_indices = #map}, {transform_indices = #map}, {transform_indices = #map}]} {
    %mul3A = arith.constant 2 : i32
    %mul3A_0 = arith.muli %arg1, %mul3A : i32
    %add3A = arith.addi %mul3A_0, %arg0 : i32
    %mul3A_1 = arith.constant 8192 : i32
    %mul3A_2 = arith.muli %add3A, %mul3A_1 : i32
    "tpu.region"() ({
      %run_scoped3A = tpu.sem_alloc : memref<!tpu.dma_semaphore, #tpu.memory_space<semaphore_mem>>
      %dma_start3A_23 = arith.constant 0 : i32
      %dma_start3A_24 = tpu.memref_slice %arg3[%add3A, %dma_start3A_23] : memref<32x8192xi32, #tpu.memory_space<hbm>> -> memref<1x8192xi32, #tpu.memory_space<hbm>>
      %dma_start3A_25 = tpu.memref_squeeze %dma_start3A_24 : memref<1x8192xi32, #tpu.memory_space<hbm>> -> memref<8192xi32, #tpu.memory_space<hbm>>
      %dma_start3A_26 = arith.constant 0 : i32
      %dma_start3A_27 = tpu.memref_slice %arg3[%add3A, %dma_start3A_26] : memref<32x8192xi32, #tpu.memory_space<hbm>> -> memref<1x8192xi32, #tpu.memory_space<hbm>>
      %dma_start3A_28 = tpu.memref_squeeze %dma_start3A_27 : memref<1x8192xi32, #tpu.memory_space<hbm>> -> memref<8192xi32, #tpu.memory_space<hbm>>
      tpu.enqueue_dma source(%dma_start3A_28 : memref<8192xi32, #tpu.memory_space<hbm>>) target(%arg5 : memref<8192xi32, #tpu.memory_space<vmem>>) target_semaphore(%run_scoped3A : memref<!tpu.dma_semaphore, #tpu.memory_space<semaphore_mem>>)
      %dma_wait3A = arith.constant 0 : i32
      %dma_wait3A_29 = tpu.memref_slice %arg3[%add3A, %dma_wait3A] : memref<32x8192xi32, #tpu.memory_space<hbm>> -> memref<1x8192xi32, #tpu.memory_space<hbm>>
      %dma_wait3A_30 = tpu.memref_squeeze %dma_wait3A_29 : memref<1x8192xi32, #tpu.memory_space<hbm>> -> memref<8192xi32, #tpu.memory_space<hbm>>
      %dma_wait3A_31 = arith.constant 0 : i32
      %dma_wait3A_32 = tpu.memref_slice %arg3[%add3A, %dma_wait3A_31] : memref<32x8192xi32, #tpu.memory_space<hbm>> -> memref<1x8192xi32, #tpu.memory_space<hbm>>
      %dma_wait3A_33 = tpu.memref_squeeze %dma_wait3A_32 : memref<1x8192xi32, #tpu.memory_space<hbm>> -> memref<8192xi32, #tpu.memory_space<hbm>>
      tpu.wait_dma2 semaphore(%run_scoped3A : memref<!tpu.dma_semaphore, #tpu.memory_space<semaphore_mem>>) src(%dma_wait3A_33 : memref<8192xi32, #tpu.memory_space<hbm>>) dst(%arg5 : memref<8192xi32, #tpu.memory_space<vmem>>)
      tpu.yield
    }) : () -> ()
    %dma_start3A = arith.constant 0 : i32
    %dma_start3A_3 = arith.constant 0 : i32
    %dma_start3A_4 = tpu.memref_slice %arg6[%dma_start3A, %dma_start3A_3] : memref<512x128xf32, #tpu.memory_space<vmem>> -> memref<128x128xf32, #tpu.memory_space<vmem>>
    %dma_start3A_5 = arith.constant 0 : i32
    %dma_start3A_6 = tpu.memref_slice %arg5[%dma_start3A_5] : memref<8192xi32, #tpu.memory_space<vmem>> -> memref<128xi32, #tpu.memory_space<vmem>>
    %dma_start3A_7 = arith.constant 0 : i32
    %dma_start3A_8 = arith.constant 0 : i32
    %dma_start3A_9 = tpu.memref_slice %arg2[%dma_start3A_7, %dma_start3A_8] : memref<16384x128xf32, #tpu.memory_space<hbm>> -> memref<16384x128xf32, #tpu.memory_space<hbm>>
    tpu.enqueue_indirect_dma source(%dma_start3A_9 : memref<16384x128xf32, #tpu.memory_space<hbm>>) target(%dma_start3A_4 : memref<128x128xf32, #tpu.memory_space<vmem>>) offsets(%dma_start3A_6 : memref<128xi32, #tpu.memory_space<vmem>>) semaphore(%arg8 : memref<!tpu.dma_semaphore, #tpu.memory_space<semaphore_mem>>)
    %dma_start3A_10 = arith.constant 128 : i32
    %dma_start3A_11 = arith.constant 0 : i32
    %dma_start3A_12 = tpu.memref_slice %arg6[%dma_start3A_10, %dma_start3A_11] : memref<512x128xf32, #tpu.memory_space<vmem>> -> memref<128x128xf32, #tpu.memory_space<vmem>>
    %dma_start3A_13 = arith.constant 128 : i32
    %dma_start3A_14 = tpu.memref_slice %arg5[%dma_start3A_13] : memref<8192xi32, #tpu.memory_space<vmem>> -> memref<128xi32, #tpu.memory_space<vmem>>
    %dma_start3A_15 = arith.constant 0 : i32
    %dma_start3A_16 = arith.constant 0 : i32
    %dma_start3A_17 = tpu.memref_slice %arg2[%dma_start3A_15, %dma_start3A_16] : memref<16384x128xf32, #tpu.memory_space<hbm>> -> memref<16384x128xf32, #tpu.memory_space<hbm>>
    tpu.enqueue_indirect_dma source(%dma_start3A_17 : memref<16384x128xf32, #tpu.memory_space<hbm>>) target(%dma_start3A_12 : memref<128x128xf32, #tpu.memory_space<vmem>>) offsets(%dma_start3A_14 : memref<128xi32, #tpu.memory_space<vmem>>) semaphore(%arg9 : memref<!tpu.dma_semaphore, #tpu.memory_space<semaphore_mem>>)
    %scan3A = arith.constant 0 : i32
    %scan3A_18 = arith.constant 0 : i32
    %scan3A_19 = arith.constant 16 : i32
    %scan3A_20 = arith.addi %scan3A_18, %scan3A_19 : i32
    %scan3A_21 = arith.constant 1 : i32
    scf.for %scan3A_23 = %scan3A_18 to %scan3A_20 step %scan3A_21  : i32 {
      %mul3A_24 = arith.constant 4 : i32
      %mul3A_25 = arith.muli %mul3A_24, %scan3A_23 : i32
      %add3A_26 = arith.constant 2 : i32
      %add3A_27 = arith.addi %mul3A_25, %add3A_26 : i32
      %lt3A = arith.constant 64 : i32
      %lt3A_28 = arith.cmpi slt, %add3A_27, %lt3A : i32
      %convert_element_type3A = arith.extui %lt3A_28 : i1 to i32
      %cond3A = arith.constant 0 : i32
      %cond3A_29 = arith.cmpi ne, %convert_element_type3A, %cond3A : i32
      scf.if %cond3A_29 {
        %add3A_205 = arith.constant 2 : i32
        %add3A_206 = arith.addi %mul3A_25, %add3A_205 : i32
        %mul3A_207 = arith.constant 128 : i32
        %mul3A_208 = arith.muli %add3A_206, %mul3A_207 : i32
        %dma_start3A_209 = arith.constant 256 : i32
        %dma_start3A_210 = arith.constant 0 : i32
        %dma_start3A_211 = tpu.memref_slice %arg6[%dma_start3A_209, %dma_start3A_210] : memref<512x128xf32, #tpu.memory_space<vmem>> -> memref<128x128xf32, #tpu.memory_space<vmem>>
        %dma_start3A_212 = tpu.memref_slice %arg5[%mul3A_208] : memref<8192xi32, #tpu.memory_space<vmem>> -> memref<128xi32, #tpu.memory_space<vmem>>
        %dma_start3A_213 = arith.constant 0 : i32
        %dma_start3A_214 = arith.constant 0 : i32
        %dma_start3A_215 = tpu.memref_slice %arg2[%dma_start3A_213, %dma_start3A_214] : memref<16384x128xf32, #tpu.memory_space<hbm>> -> memref<16384x128xf32, #tpu.memory_space<hbm>>
        tpu.enqueue_indirect_dma source(%dma_start3A_215 : memref<16384x128xf32, #tpu.memory_space<hbm>>) target(%dma_start3A_211 : memref<128x128xf32, #tpu.memory_space<vmem>>) offsets(%dma_start3A_212 : memref<128xi32, #tpu.memory_space<vmem>>) semaphore(%arg10 : memref<!tpu.dma_semaphore, #tpu.memory_space<semaphore_mem>>)
        %add3A_216 = arith.constant 3 : i32
        %add3A_217 = arith.addi %mul3A_25, %add3A_216 : i32
        %mul3A_218 = arith.constant 128 : i32
        %mul3A_219 = arith.muli %add3A_217, %mul3A_218 : i32
        %dma_start3A_220 = arith.constant 384 : i32
        %dma_start3A_221 = arith.constant 0 : i32
        %dma_start3A_222 = tpu.memref_slice %arg6[%dma_start3A_220, %dma_start3A_221] : memref<512x128xf32, #tpu.memory_space<vmem>> -> memref<128x128xf32, #tpu.memory_space<vmem>>
        %dma_start3A_223 = tpu.memref_slice %arg5[%mul3A_219] : memref<8192xi32, #tpu.memory_space<vmem>> -> memref<128xi32, #tpu.memory_space<vmem>>
        %dma_start3A_224 = arith.constant 0 : i32
        %dma_start3A_225 = arith.constant 0 : i32
        %dma_start3A_226 = tpu.memref_slice %arg2[%dma_start3A_224, %dma_start3A_225] : memref<16384x128xf32, #tpu.memory_space<hbm>> -> memref<16384x128xf32, #tpu.memory_space<hbm>>
        tpu.enqueue_indirect_dma source(%dma_start3A_226 : memref<16384x128xf32, #tpu.memory_space<hbm>>) target(%dma_start3A_222 : memref<128x128xf32, #tpu.memory_space<vmem>>) offsets(%dma_start3A_223 : memref<128xi32, #tpu.memory_space<vmem>>) semaphore(%arg11 : memref<!tpu.dma_semaphore, #tpu.memory_space<semaphore_mem>>)
      } else {
      }
      %mul3A_30 = arith.constant 128 : i32
      %mul3A_31 = arith.muli %mul3A_25, %mul3A_30 : i32
      %dma_wait3A = arith.constant 0 : i32
      %dma_wait3A_32 = arith.constant 0 : i32
      %dma_wait3A_33 = tpu.memref_slice %arg6[%dma_wait3A, %dma_wait3A_32] : memref<512x128xf32, #tpu.memory_space<vmem>> -> memref<128x128xf32, #tpu.memory_space<vmem>>
      %dma_wait3A_34 = tpu.memref_slice %arg5[%mul3A_31] : memref<8192xi32, #tpu.memory_space<vmem>> -> memref<128xi32, #tpu.memory_space<vmem>>
      %dma_wait3A_35 = arith.constant 0 : i32
      %dma_wait3A_36 = arith.constant 0 : i32
      %dma_wait3A_37 = tpu.memref_slice %arg2[%dma_wait3A_35, %dma_wait3A_36] : memref<16384x128xf32, #tpu.memory_space<hbm>> -> memref<16384x128xf32, #tpu.memory_space<hbm>>
      tpu.wait_indirect_dma semaphore(%arg8 : memref<!tpu.dma_semaphore, #tpu.memory_space<semaphore_mem>>) src(%dma_wait3A_37 : memref<16384x128xf32, #tpu.memory_space<hbm>>) dst(%dma_wait3A_33 : memref<128x128xf32, #tpu.memory_space<vmem>>)
      %scan3A_38 = arith.constant 0 : i32
      %scan3A_39 = arith.constant 0 : i32
      %scan3A_40 = arith.constant 64 : i32
      %scan3A_41 = arith.addi %scan3A_39, %scan3A_40 : i32
      %scan3A_42 = arith.constant 1 : i32
      scf.for %scan3A_205 = %scan3A_39 to %scan3A_41 step %scan3A_42  : i32 {
        %mul3A_206 = arith.constant 2 : i32
        %mul3A_207 = arith.muli %mul3A_206, %scan3A_205 : i32
        %add3A_208 = arith.constant 0 : i32
        %add3A_209 = arith.addi %add3A_208, %mul3A_207 : i32
        %get3A = arith.index_cast %add3A_209 : i32 to index
        %get3A_210 = arith.constant 0 : index
        %get3A_211 = tpu.vector_load %arg6[%get3A, %get3A_210] {strides = array<i32>} : memref<512x128xf32, #tpu.memory_space<vmem>>, vector<1x16xf32>,
        %get3A_212 = vector.shape_cast %get3A_211 : vector<1x16xf32> to vector<16xf32>
        %swap3A = arith.index_cast %scan3A_205 : i32 to index
        %swap3A_213 = arith.constant 0 : index
        %swap3A_214 = tpu.vector_load %arg7[%swap3A, %swap3A_213] {strides = array<i32>} : memref<64x128xf32, #tpu.memory_space<vmem>>, vector<1x16xf32>,
        %swap3A_215 = vector.shape_cast %swap3A_214 : vector<1x16xf32> to vector<16xf32>
        %swap3A_216 = vector.shape_cast %get3A_212 : vector<16xf32> to vector<1x16xf32>
        tpu.vector_store %arg7[%swap3A, %swap3A_213], %swap3A_216 {strides = array<i32>} : memref<64x128xf32, #tpu.memory_space<vmem>>, vector<1x16xf32>,
        %add3A_217 = arith.constant 1 : i32
        %add3A_218 = arith.addi %add3A_209, %add3A_217 : i32
        %get3A_219 = arith.index_cast %add3A_218 : i32 to index
        %get3A_220 = arith.constant 64 : index
        %get3A_221 = tpu.vector_load %arg6[%get3A_219, %get3A_220] {strides = array<i32>} : memref<512x128xf32, #tpu.memory_space<vmem>>, vector<1x16xf32>,
        %get3A_222 = vector.shape_cast %get3A_221 : vector<1x16xf32> to vector<16xf32>
        %swap3A_223 = arith.index_cast %scan3A_205 : i32 to index
        %swap3A_224 = arith.constant 64 : index
        %swap3A_225 = tpu.vector_load %arg7[%swap3A_223, %swap3A_224] {strides = array<i32>} : memref<64x128xf32, #tpu.memory_space<vmem>>, vector<1x16xf32>,
        %swap3A_226 = vector.shape_cast %swap3A_225 : vector<1x16xf32> to vector<16xf32>
        %swap3A_227 = vector.shape_cast %get3A_222 : vector<16xf32> to vector<1x16xf32>
        tpu.vector_store %arg7[%swap3A_223, %swap3A_224], %swap3A_227 {strides = array<i32>} : memref<64x128xf32, #tpu.memory_space<vmem>>, vector<1x16xf32>,
        %get3A_228 = arith.index_cast %add3A_209 : i32 to index
        %get3A_229 = arith.constant 16 : index
        %get3A_230 = tpu.vector_load %arg6[%get3A_228, %get3A_229] {strides = array<i32>} : memref<512x128xf32, #tpu.memory_space<vmem>>, vector<1x16xf32>,
        %get3A_231 = vector.shape_cast %get3A_230 : vector<1x16xf32> to vector<16xf32>
        %swap3A_232 = arith.index_cast %scan3A_205 : i32 to index
        %swap3A_233 = arith.constant 16 : index
        %swap3A_234 = tpu.vector_load %arg7[%swap3A_232, %swap3A_233] {strides = array<i32>} : memref<64x128xf32, #tpu.memory_space<vmem>>, vector<1x16xf32>,
        %swap3A_235 = vector.shape_cast %swap3A_234 : vector<1x16xf32> to vector<16xf32>
        %swap3A_236 = vector.shape_cast %get3A_231 : vector<16xf32> to vector<1x16xf32>
        tpu.vector_store %arg7[%swap3A_232, %swap3A_233], %swap3A_236 {strides = array<i32>} : memref<64x128xf32, #tpu.memory_space<vmem>>, vector<1x16xf32>,
        %add3A_237 = arith.constant 1 : i32
        %add3A_238 = arith.addi %add3A_209, %add3A_237 : i32
        %get3A_239 = arith.index_cast %add3A_238 : i32 to index
        %get3A_240 = arith.constant 80 : index
        %get3A_241 = tpu.vector_load %arg6[%get3A_239, %get3A_240] {strides = array<i32>} : memref<512x128xf32, #tpu.memory_space<vmem>>, vector<1x16xf32>,
        %get3A_242 = vector.shape_cast %get3A_241 : vector<1x16xf32> to vector<16xf32>
        %swap3A_243 = arith.index_cast %scan3A_205 : i32 to index
        %swap3A_244 = arith.constant 80 : index
        %swap3A_245 = tpu.vector_load %arg7[%swap3A_243, %swap3A_244] {strides = array<i32>} : memref<64x128xf32, #tpu.memory_space<vmem>>, vector<1x16xf32>,
        %swap3A_246 = vector.shape_cast %swap3A_245 : vector<1x16xf32> to vector<16xf32>
        %swap3A_247 = vector.shape_cast %get3A_242 : vector<16xf32> to vector<1x16xf32>
        tpu.vector_store %arg7[%swap3A_243, %swap3A_244], %swap3A_247 {strides = array<i32>} : memref<64x128xf32, #tpu.memory_space<vmem>>, vector<1x16xf32>,
        %get3A_248 = arith.index_cast %add3A_209 : i32 to index
        %get3A_249 = arith.constant 32 : index
        %get3A_250 = tpu.vector_load %arg6[%get3A_248, %get3A_249] {strides = array<i32>} : memref<512x128xf32, #tpu.memory_space<vmem>>, vector<1x16xf32>,
        %get3A_251 = vector.shape_cast %get3A_250 : vector<1x16xf32> to vector<16xf32>
        %swap3A_252 = arith.index_cast %scan3A_205 : i32 to index
        %swap3A_253 = arith.constant 32 : index
        %swap3A_254 = tpu.vector_load %arg7[%swap3A_252, %swap3A_253] {strides = array<i32>} : memref<64x128xf32, #tpu.memory_space<vmem>>, vector<1x16xf32>,
        %swap3A_255 = vector.shape_cast %swap3A_254 : vector<1x16xf32> to vector<16xf32>
        %swap3A_256 = vector.shape_cast %get3A_251 : vector<16xf32> to vector<1x16xf32>
        tpu.vector_store %arg7[%swap3A_252, %swap3A_253], %swap3A_256 {strides = array<i32>} : memref<64x128xf32, #tpu.memory_space<vmem>>, vector<1x16xf32>,
        %add3A_257 = arith.constant 1 : i32
        %add3A_258 = arith.addi %add3A_209, %add3A_257 : i32
        %get3A_259 = arith.index_cast %add3A_258 : i32 to index
        %get3A_260 = arith.constant 96 : index
        %get3A_261 = tpu.vector_load %arg6[%get3A_259, %get3A_260] {strides = array<i32>} : memref<512x128xf32, #tpu.memory_space<vmem>>, vector<1x16xf32>,
        %get3A_262 = vector.shape_cast %get3A_261 : vector<1x16xf32> to vector<16xf32>
        %swap3A_263 = arith.index_cast %scan3A_205 : i32 to index
        %swap3A_264 = arith.constant 96 : index
        %swap3A_265 = tpu.vector_load %arg7[%swap3A_263, %swap3A_264] {strides = array<i32>} : memref<64x128xf32, #tpu.memory_space<vmem>>, vector<1x16xf32>,
        %swap3A_266 = vector.shape_cast %swap3A_265 : vector<1x16xf32> to vector<16xf32>
        %swap3A_267 = vector.shape_cast %get3A_262 : vector<16xf32> to vector<1x16xf32>
        tpu.vector_store %arg7[%swap3A_263, %swap3A_264], %swap3A_267 {strides = array<i32>} : memref<64x128xf32, #tpu.memory_space<vmem>>, vector<1x16xf32>,
        %get3A_268 = arith.index_cast %add3A_209 : i32 to index
        %get3A_269 = arith.constant 48 : index
        %get3A_270 = tpu.vector_load %arg6[%get3A_268, %get3A_269] {strides = array<i32>} : memref<512x128xf32, #tpu.memory_space<vmem>>, vector<1x16xf32>,
        %get3A_271 = vector.shape_cast %get3A_270 : vector<1x16xf32> to vector<16xf32>
        %swap3A_272 = arith.index_cast %scan3A_205 : i32 to index
        %swap3A_273 = arith.constant 48 : index
        %swap3A_274 = tpu.vector_load %arg7[%swap3A_272, %swap3A_273] {strides = array<i32>} : memref<64x128xf32, #tpu.memory_space<vmem>>, vector<1x16xf32>,
        %swap3A_275 = vector.shape_cast %swap3A_274 : vector<1x16xf32> to vector<16xf32>
        %swap3A_276 = vector.shape_cast %get3A_271 : vector<16xf32> to vector<1x16xf32>
        tpu.vector_store %arg7[%swap3A_272, %swap3A_273], %swap3A_276 {strides = array<i32>} : memref<64x128xf32, #tpu.memory_space<vmem>>, vector<1x16xf32>,
        %add3A_277 = arith.constant 1 : i32
        %add3A_278 = arith.addi %add3A_209, %add3A_277 : i32
        %get3A_279 = arith.index_cast %add3A_278 : i32 to index
        %get3A_280 = arith.constant 112 : index
        %get3A_281 = tpu.vector_load %arg6[%get3A_279, %get3A_280] {strides = array<i32>} : memref<512x128xf32, #tpu.memory_space<vmem>>, vector<1x16xf32>,
        %get3A_282 = vector.shape_cast %get3A_281 : vector<1x16xf32> to vector<16xf32>
        %swap3A_283 = arith.index_cast %scan3A_205 : i32 to index
        %swap3A_284 = arith.constant 112 : index
        %swap3A_285 = tpu.vector_load %arg7[%swap3A_283, %swap3A_284] {strides = array<i32>} : memref<64x128xf32, #tpu.memory_space<vmem>>, vector<1x16xf32>,
        %swap3A_286 = vector.shape_cast %swap3A_285 : vector<1x16xf32> to vector<16xf32>
        %swap3A_287 = vector.shape_cast %get3A_282 : vector<16xf32> to vector<1x16xf32>
        tpu.vector_store %arg7[%swap3A_283, %swap3A_284], %swap3A_287 {strides = array<i32>} : memref<64x128xf32, #tpu.memory_space<vmem>>, vector<1x16xf32>,
      }
      %scan3A_43 = arith.constant 64 : i32
      %mul3A_44 = arith.constant 128 : i32
      %mul3A_45 = arith.muli %mul3A_25, %mul3A_44 : i32
      %add3A_46 = arith.addi %mul3A_2, %mul3A_45 : i32
      %jit3A = arith.constant 2 : i32
      %div3A = arith.divsi %add3A_46, %jit3A : i32
      %sign3A = arith.constant 0 : i32
      %sign3A_47 = arith.cmpi sgt, %add3A_46, %sign3A : i32
      %sign3A_48 = arith.extui %sign3A_47 : i1 to i32
      %sign3A_49 = arith.constant 0 : i32
      %sign3A_50 = arith.cmpi slt, %add3A_46, %sign3A_49 : i32
      %sign3A_51 = arith.extui %sign3A_50 : i1 to i32
      %sign3A_52 = arith.subi %sign3A_48, %sign3A_51 : i32
      %sign3A_53 = arith.constant 0 : i32
      %sign3A_54 = arith.cmpi sgt, %jit3A, %sign3A_53 : i32
      %sign3A_55 = arith.extui %sign3A_54 : i1 to i32
      %sign3A_56 = arith.constant 0 : i32
      %sign3A_57 = arith.cmpi slt, %jit3A, %sign3A_56 : i32
      %sign3A_58 = arith.extui %sign3A_57 : i1 to i32
      %sign3A_59 = arith.subi %sign3A_55, %sign3A_58 : i32
      %ne3A = arith.cmpi ne, %sign3A_52, %sign3A_59 : i32
      %rem3A = arith.remsi %add3A_46, %jit3A : i32
      %ne3A_60 = arith.constant 0 : i32
      %ne3A_61 = arith.cmpi ne, %rem3A, %ne3A_60 : i32
      %and3A = arith.andi %ne3A, %ne3A_61 : i1
      %sub3A = arith.constant 1 : i32
      %sub3A_62 = arith.subi %div3A, %sub3A : i32
      %select_n3A = arith.select %and3A, %sub3A_62, %div3A : i32
      %multiple_of3A = tpu.assume_multiple %select_n3A, 64 : i32
      "tpu.region"() ({
        %run_scoped3A = tpu.sem_alloc : memref<!tpu.dma_semaphore, #tpu.memory_space<semaphore_mem>>
        %dma_start3A_205 = arith.constant 0 : i32
        %dma_start3A_206 = tpu.memref_slice %arg4[%multiple_of3A, %dma_start3A_205] : memref<131072x128xf32, #tpu.memory_space<hbm>> -> memref<64x128xf32, #tpu.memory_space<hbm>>
        %dma_start3A_207 = arith.constant 0 : i32
        %dma_start3A_208 = tpu.memref_slice %arg4[%multiple_of3A, %dma_start3A_207] : memref<131072x128xf32, #tpu.memory_space<hbm>> -> memref<64x128xf32, #tpu.memory_space<hbm>>
        tpu.enqueue_dma source(%arg7 : memref<64x128xf32, #tpu.memory_space<vmem>>) target(%dma_start3A_208 : memref<64x128xf32, #tpu.memory_space<hbm>>) target_semaphore(%run_scoped3A : memref<!tpu.dma_semaphore, #tpu.memory_space<semaphore_mem>>)
        %dma_wait3A_209 = arith.constant 0 : i32
        %dma_wait3A_210 = tpu.memref_slice %arg4[%multiple_of3A, %dma_wait3A_209] : memref<131072x128xf32, #tpu.memory_space<hbm>> -> memref<64x128xf32, #tpu.memory_space<hbm>>
        %dma_wait3A_211 = arith.constant 0 : i32
        %dma_wait3A_212 = tpu.memref_slice %arg4[%multiple_of3A, %dma_wait3A_211] : memref<131072x128xf32, #tpu.memory_space<hbm>> -> memref<64x128xf32, #tpu.memory_space<hbm>>
        tpu.wait_dma2 semaphore(%run_scoped3A : memref<!tpu.dma_semaphore, #tpu.memory_space<semaphore_mem>>) src(%arg7 : memref<64x128xf32, #tpu.memory_space<vmem>>) dst(%dma_wait3A_212 : memref<64x128xf32, #tpu.memory_space<hbm>>)
        tpu.yield
      }) : () -> ()
      %add3A_63 = arith.constant 1 : i32
      %add3A_64 = arith.addi %mul3A_25, %add3A_63 : i32
      %mul3A_65 = arith.constant 128 : i32
      %mul3A_66 = arith.muli %add3A_64, %mul3A_65 : i32
      %dma_wait3A_67 = arith.constant 128 : i32
      %dma_wait3A_68 = arith.constant 0 : i32
      %dma_wait3A_69 = tpu.memref_slice %arg6[%dma_wait3A_67, %dma_wait3A_68] : memref<512x128xf32, #tpu.memory_space<vmem>> -> memref<128x128xf32, #tpu.memory_space<vmem>>
      %dma_wait3A_70 = tpu.memref_slice %arg5[%mul3A_66] : memref<8192xi32, #tpu.memory_space<vmem>> -> memref<128xi32, #tpu.memory_space<vmem>>
      %dma_wait3A_71 = arith.constant 0 : i32
      %dma_wait3A_72 = arith.constant 0 : i32
      %dma_wait3A_73 = tpu.memref_slice %arg2[%dma_wait3A_71, %dma_wait3A_72] : memref<16384x128xf32, #tpu.memory_space<hbm>> -> memref<16384x128xf32, #tpu.memory_space<hbm>>
      tpu.wait_indirect_dma semaphore(%arg9 : memref<!tpu.dma_semaphore, #tpu.memory_space<semaphore_mem>>) src(%dma_wait3A_73 : memref<16384x128xf32, #tpu.memory_space<hbm>>) dst(%dma_wait3A_69 : memref<128x128xf32, #tpu.memory_space<vmem>>)
      %scan3A_74 = arith.constant 0 : i32
      %scan3A_75 = arith.constant 0 : i32
      %scan3A_76 = arith.constant 64 : i32
      %scan3A_77 = arith.addi %scan3A_75, %scan3A_76 : i32
      %scan3A_78 = arith.constant 1 : i32
      scf.for %scan3A_205 = %scan3A_75 to %scan3A_77 step %scan3A_78  : i32 {
        %mul3A_206 = arith.constant 2 : i32
        %mul3A_207 = arith.muli %mul3A_206, %scan3A_205 : i32
        %add3A_208 = arith.constant 128 : i32
        %add3A_209 = arith.addi %add3A_208, %mul3A_207 : i32
        %get3A = arith.index_cast %add3A_209 : i32 to index
        %get3A_210 = arith.constant 0 : index
        %get3A_211 = tpu.vector_load %arg6[%get3A, %get3A_210] {strides = array<i32>} : memref<512x128xf32, #tpu.memory_space<vmem>>, vector<1x16xf32>,
        %get3A_212 = vector.shape_cast %get3A_211 : vector<1x16xf32> to vector<16xf32>
        %swap3A = arith.index_cast %scan3A_205 : i32 to index
        %swap3A_213 = arith.constant 0 : index
        %swap3A_214 = tpu.vector_load %arg7[%swap3A, %swap3A_213] {strides = array<i32>} : memref<64x128xf32, #tpu.memory_space<vmem>>, vector<1x16xf32>,
        %swap3A_215 = vector.shape_cast %swap3A_214 : vector<1x16xf32> to vector<16xf32>
        %swap3A_216 = vector.shape_cast %get3A_212 : vector<16xf32> to vector<1x16xf32>
        tpu.vector_store %arg7[%swap3A, %swap3A_213], %swap3A_216 {strides = array<i32>} : memref<64x128xf32, #tpu.memory_space<vmem>>, vector<1x16xf32>,
        %add3A_217 = arith.constant 1 : i32
        %add3A_218 = arith.addi %add3A_209, %add3A_217 : i32
        %get3A_219 = arith.index_cast %add3A_218 : i32 to index
        %get3A_220 = arith.constant 64 : index
        %get3A_221 = tpu.vector_load %arg6[%get3A_219, %get3A_220] {strides = array<i32>} : memref<512x128xf32, #tpu.memory_space<vmem>>, vector<1x16xf32>,
        %get3A_222 = vector.shape_cast %get3A_221 : vector<1x16xf32> to vector<16xf32>
        %swap3A_223 = arith.index_cast %scan3A_205 : i32 to index
        %swap3A_224 = arith.constant 64 : index
        %swap3A_225 = tpu.vector_load %arg7[%swap3A_223, %swap3A_224] {strides = array<i32>} : memref<64x128xf32, #tpu.memory_space<vmem>>, vector<1x16xf32>,
        %swap3A_226 = vector.shape_cast %swap3A_225 : vector<1x16xf32> to vector<16xf32>
        %swap3A_227 = vector.shape_cast %get3A_222 : vector<16xf32> to vector<1x16xf32>
        tpu.vector_store %arg7[%swap3A_223, %swap3A_224], %swap3A_227 {strides = array<i32>} : memref<64x128xf32, #tpu.memory_space<vmem>>, vector<1x16xf32>,
        %get3A_228 = arith.index_cast %add3A_209 : i32 to index
        %get3A_229 = arith.constant 16 : index
        %get3A_230 = tpu.vector_load %arg6[%get3A_228, %get3A_229] {strides = array<i32>} : memref<512x128xf32, #tpu.memory_space<vmem>>, vector<1x16xf32>,
        %get3A_231 = vector.shape_cast %get3A_230 : vector<1x16xf32> to vector<16xf32>
        %swap3A_232 = arith.index_cast %scan3A_205 : i32 to index
        %swap3A_233 = arith.constant 16 : index
        %swap3A_234 = tpu.vector_load %arg7[%swap3A_232, %swap3A_233] {strides = array<i32>} : memref<64x128xf32, #tpu.memory_space<vmem>>, vector<1x16xf32>,
        %swap3A_235 = vector.shape_cast %swap3A_234 : vector<1x16xf32> to vector<16xf32>
        %swap3A_236 = vector.shape_cast %get3A_231 : vector<16xf32> to vector<1x16xf32>
        tpu.vector_store %arg7[%swap3A_232, %swap3A_233], %swap3A_236 {strides = array<i32>} : memref<64x128xf32, #tpu.memory_space<vmem>>, vector<1x16xf32>,
        %add3A_237 = arith.constant 1 : i32
        %add3A_238 = arith.addi %add3A_209, %add3A_237 : i32
        %get3A_239 = arith.index_cast %add3A_238 : i32 to index
        %get3A_240 = arith.constant 80 : index
        %get3A_241 = tpu.vector_load %arg6[%get3A_239, %get3A_240] {strides = array<i32>} : memref<512x128xf32, #tpu.memory_space<vmem>>, vector<1x16xf32>,
        %get3A_242 = vector.shape_cast %get3A_241 : vector<1x16xf32> to vector<16xf32>
        %swap3A_243 = arith.index_cast %scan3A_205 : i32 to index
        %swap3A_244 = arith.constant 80 : index
        %swap3A_245 = tpu.vector_load %arg7[%swap3A_243, %swap3A_244] {strides = array<i32>} : memref<64x128xf32, #tpu.memory_space<vmem>>, vector<1x16xf32>,
        %swap3A_246 = vector.shape_cast %swap3A_245 : vector<1x16xf32> to vector<16xf32>
        %swap3A_247 = vector.shape_cast %get3A_242 : vector<16xf32> to vector<1x16xf32>
        tpu.vector_store %arg7[%swap3A_243, %swap3A_244], %swap3A_247 {strides = array<i32>} : memref<64x128xf32, #tpu.memory_space<vmem>>, vector<1x16xf32>,
        %get3A_248 = arith.index_cast %add3A_209 : i32 to index
        %get3A_249 = arith.constant 32 : index
        %get3A_250 = tpu.vector_load %arg6[%get3A_248, %get3A_249] {strides = array<i32>} : memref<512x128xf32, #tpu.memory_space<vmem>>, vector<1x16xf32>,
        %get3A_251 = vector.shape_cast %get3A_250 : vector<1x16xf32> to vector<16xf32>
        %swap3A_252 = arith.index_cast %scan3A_205 : i32 to index
        %swap3A_253 = arith.constant 32 : index
        %swap3A_254 = tpu.vector_load %arg7[%swap3A_252, %swap3A_253] {strides = array<i32>} : memref<64x128xf32, #tpu.memory_space<vmem>>, vector<1x16xf32>,
        %swap3A_255 = vector.shape_cast %swap3A_254 : vector<1x16xf32> to vector<16xf32>
        %swap3A_256 = vector.shape_cast %get3A_251 : vector<16xf32> to vector<1x16xf32>
        tpu.vector_store %arg7[%swap3A_252, %swap3A_253], %swap3A_256 {strides = array<i32>} : memref<64x128xf32, #tpu.memory_space<vmem>>, vector<1x16xf32>,
        %add3A_257 = arith.constant 1 : i32
        %add3A_258 = arith.addi %add3A_209, %add3A_257 : i32
        %get3A_259 = arith.index_cast %add3A_258 : i32 to index
        %get3A_260 = arith.constant 96 : index
        %get3A_261 = tpu.vector_load %arg6[%get3A_259, %get3A_260] {strides = array<i32>} : memref<512x128xf32, #tpu.memory_space<vmem>>, vector<1x16xf32>,
        %get3A_262 = vector.shape_cast %get3A_261 : vector<1x16xf32> to vector<16xf32>
        %swap3A_263 = arith.index_cast %scan3A_205 : i32 to index
        %swap3A_264 = arith.constant 96 : index
        %swap3A_265 = tpu.vector_load %arg7[%swap3A_263, %swap3A_264] {strides = array<i32>} : memref<64x128xf32, #tpu.memory_space<vmem>>, vector<1x16xf32>,
        %swap3A_266 = vector.shape_cast %swap3A_265 : vector<1x16xf32> to vector<16xf32>
        %swap3A_267 = vector.shape_cast %get3A_262 : vector<16xf32> to vector<1x16xf32>
        tpu.vector_store %arg7[%swap3A_263, %swap3A_264], %swap3A_267 {strides = array<i32>} : memref<64x128xf32, #tpu.memory_space<vmem>>, vector<1x16xf32>,
        %get3A_268 = arith.index_cast %add3A_209 : i32 to index
        %get3A_269 = arith.constant 48 : index
        %get3A_270 = tpu.vector_load %arg6[%get3A_268, %get3A_269] {strides = array<i32>} : memref<512x128xf32, #tpu.memory_space<vmem>>, vector<1x16xf32>,
        %get3A_271 = vector.shape_cast %get3A_270 : vector<1x16xf32> to vector<16xf32>
        %swap3A_272 = arith.index_cast %scan3A_205 : i32 to index
        %swap3A_273 = arith.constant 48 : index
        %swap3A_274 = tpu.vector_load %arg7[%swap3A_272, %swap3A_273] {strides = array<i32>} : memref<64x128xf32, #tpu.memory_space<vmem>>, vector<1x16xf32>,
        %swap3A_275 = vector.shape_cast %swap3A_274 : vector<1x16xf32> to vector<16xf32>
        %swap3A_276 = vector.shape_cast %get3A_271 : vector<16xf32> to vector<1x16xf32>
        tpu.vector_store %arg7[%swap3A_272, %swap3A_273], %swap3A_276 {strides = array<i32>} : memref<64x128xf32, #tpu.memory_space<vmem>>, vector<1x16xf32>,
        %add3A_277 = arith.constant 1 : i32
        %add3A_278 = arith.addi %add3A_209, %add3A_277 : i32
        %get3A_279 = arith.index_cast %add3A_278 : i32 to index
        %get3A_280 = arith.constant 112 : index
        %get3A_281 = tpu.vector_load %arg6[%get3A_279, %get3A_280] {strides = array<i32>} : memref<512x128xf32, #tpu.memory_space<vmem>>, vector<1x16xf32>,
        %get3A_282 = vector.shape_cast %get3A_281 : vector<1x16xf32> to vector<16xf32>
        %swap3A_283 = arith.index_cast %scan3A_205 : i32 to index
        %swap3A_284 = arith.constant 112 : index
        %swap3A_285 = tpu.vector_load %arg7[%swap3A_283, %swap3A_284] {strides = array<i32>} : memref<64x128xf32, #tpu.memory_space<vmem>>, vector<1x16xf32>,
        %swap3A_286 = vector.shape_cast %swap3A_285 : vector<1x16xf32> to vector<16xf32>
        %swap3A_287 = vector.shape_cast %get3A_282 : vector<16xf32> to vector<1x16xf32>
        tpu.vector_store %arg7[%swap3A_283, %swap3A_284], %swap3A_287 {strides = array<i32>} : memref<64x128xf32, #tpu.memory_space<vmem>>, vector<1x16xf32>,
      }
      %scan3A_79 = arith.constant 64 : i32
      %mul3A_80 = arith.constant 128 : i32
      %mul3A_81 = arith.muli %add3A_64, %mul3A_80 : i32
      %add3A_82 = arith.addi %mul3A_2, %mul3A_81 : i32
      %jit3A_83 = arith.constant 2 : i32
      %div3A_84 = arith.divsi %add3A_82, %jit3A_83 : i32
      %sign3A_85 = arith.constant 0 : i32
      %sign3A_86 = arith.cmpi sgt, %add3A_82, %sign3A_85 : i32
      %sign3A_87 = arith.extui %sign3A_86 : i1 to i32
      %sign3A_88 = arith.constant 0 : i32
      %sign3A_89 = arith.cmpi slt, %add3A_82, %sign3A_88 : i32
      %sign3A_90 = arith.extui %sign3A_89 : i1 to i32
      %sign3A_91 = arith.subi %sign3A_87, %sign3A_90 : i32
      %sign3A_92 = arith.constant 0 : i32
      %sign3A_93 = arith.cmpi sgt, %jit3A_83, %sign3A_92 : i32
      %sign3A_94 = arith.extui %sign3A_93 : i1 to i32
      %sign3A_95 = arith.constant 0 : i32
      %sign3A_96 = arith.cmpi slt, %jit3A_83, %sign3A_95 : i32
      %sign3A_97 = arith.extui %sign3A_96 : i1 to i32
      %sign3A_98 = arith.subi %sign3A_94, %sign3A_97 : i32
      %ne3A_99 = arith.cmpi ne, %sign3A_91, %sign3A_98 : i32
      %rem3A_100 = arith.remsi %add3A_82, %jit3A_83 : i32
      %ne3A_101 = arith.constant 0 : i32
      %ne3A_102 = arith.cmpi ne, %rem3A_100, %ne3A_101 : i32
      %and3A_103 = arith.andi %ne3A_99, %ne3A_102 : i1
      %sub3A_104 = arith.constant 1 : i32
      %sub3A_105 = arith.subi %div3A_84, %sub3A_104 : i32
      %select_n3A_106 = arith.select %and3A_103, %sub3A_105, %div3A_84 : i32
      %multiple_of3A_107 = tpu.assume_multiple %select_n3A_106, 64 : i32
      "tpu.region"() ({
        %run_scoped3A = tpu.sem_alloc : memref<!tpu.dma_semaphore, #tpu.memory_space<semaphore_mem>>
        %dma_start3A_205 = arith.constant 0 : i32
        %dma_start3A_206 = tpu.memref_slice %arg4[%multiple_of3A_107, %dma_start3A_205] : memref<131072x128xf32, #tpu.memory_space<hbm>> -> memref<64x128xf32, #tpu.memory_space<hbm>>
        %dma_start3A_207 = arith.constant 0 : i32
        %dma_start3A_208 = tpu.memref_slice %arg4[%multiple_of3A_107, %dma_start3A_207] : memref<131072x128xf32, #tpu.memory_space<hbm>> -> memref<64x128xf32, #tpu.memory_space<hbm>>
        tpu.enqueue_dma source(%arg7 : memref<64x128xf32, #tpu.memory_space<vmem>>) target(%dma_start3A_208 : memref<64x128xf32, #tpu.memory_space<hbm>>) target_semaphore(%run_scoped3A : memref<!tpu.dma_semaphore, #tpu.memory_space<semaphore_mem>>)
        %dma_wait3A_209 = arith.constant 0 : i32
        %dma_wait3A_210 = tpu.memref_slice %arg4[%multiple_of3A_107, %dma_wait3A_209] : memref<131072x128xf32, #tpu.memory_space<hbm>> -> memref<64x128xf32, #tpu.memory_space<hbm>>
        %dma_wait3A_211 = arith.constant 0 : i32
        %dma_wait3A_212 = tpu.memref_slice %arg4[%multiple_of3A_107, %dma_wait3A_211] : memref<131072x128xf32, #tpu.memory_space<hbm>> -> memref<64x128xf32, #tpu.memory_space<hbm>>
        tpu.wait_dma2 semaphore(%run_scoped3A : memref<!tpu.dma_semaphore, #tpu.memory_space<semaphore_mem>>) src(%arg7 : memref<64x128xf32, #tpu.memory_space<vmem>>) dst(%dma_wait3A_212 : memref<64x128xf32, #tpu.memory_space<hbm>>)
        tpu.yield
      }) : () -> ()
      %add3A_108 = arith.constant 4 : i32
      %add3A_109 = arith.addi %mul3A_25, %add3A_108 : i32
      %lt3A_110 = arith.constant 64 : i32
      %lt3A_111 = arith.cmpi slt, %add3A_109, %lt3A_110 : i32
      %convert_element_type3A_112 = arith.extui %lt3A_111 : i1 to i32
      %cond3A_113 = arith.constant 0 : i32
      %cond3A_114 = arith.cmpi ne, %convert_element_type3A_112, %cond3A_113 : i32
      scf.if %cond3A_114 {
        %add3A_205 = arith.constant 4 : i32
        %add3A_206 = arith.addi %mul3A_25, %add3A_205 : i32
        %mul3A_207 = arith.constant 128 : i32
        %mul3A_208 = arith.muli %add3A_206, %mul3A_207 : i32
        %dma_start3A_209 = arith.constant 0 : i32
        %dma_start3A_210 = arith.constant 0 : i32
        %dma_start3A_211 = tpu.memref_slice %arg6[%dma_start3A_209, %dma_start3A_210] : memref<512x128xf32, #tpu.memory_space<vmem>> -> memref<128x128xf32, #tpu.memory_space<vmem>>
        %dma_start3A_212 = tpu.memref_slice %arg5[%mul3A_208] : memref<8192xi32, #tpu.memory_space<vmem>> -> memref<128xi32, #tpu.memory_space<vmem>>
        %dma_start3A_213 = arith.constant 0 : i32
        %dma_start3A_214 = arith.constant 0 : i32
        %dma_start3A_215 = tpu.memref_slice %arg2[%dma_start3A_213, %dma_start3A_214] : memref<16384x128xf32, #tpu.memory_space<hbm>> -> memref<16384x128xf32, #tpu.memory_space<hbm>>
        tpu.enqueue_indirect_dma source(%dma_start3A_215 : memref<16384x128xf32, #tpu.memory_space<hbm>>) target(%dma_start3A_211 : memref<128x128xf32, #tpu.memory_space<vmem>>) offsets(%dma_start3A_212 : memref<128xi32, #tpu.memory_space<vmem>>) semaphore(%arg8 : memref<!tpu.dma_semaphore, #tpu.memory_space<semaphore_mem>>)
        %add3A_216 = arith.constant 5 : i32
        %add3A_217 = arith.addi %mul3A_25, %add3A_216 : i32
        %mul3A_218 = arith.constant 128 : i32
        %mul3A_219 = arith.muli %add3A_217, %mul3A_218 : i32
        %dma_start3A_220 = arith.constant 128 : i32
        %dma_start3A_221 = arith.constant 0 : i32
        %dma_start3A_222 = tpu.memref_slice %arg6[%dma_start3A_220, %dma_start3A_221] : memref<512x128xf32, #tpu.memory_space<vmem>> -> memref<128x128xf32, #tpu.memory_space<vmem>>
        %dma_start3A_223 = tpu.memref_slice %arg5[%mul3A_219] : memref<8192xi32, #tpu.memory_space<vmem>> -> memref<128xi32, #tpu.memory_space<vmem>>
        %dma_start3A_224 = arith.constant 0 : i32
        %dma_start3A_225 = arith.constant 0 : i32
        %dma_start3A_226 = tpu.memref_slice %arg2[%dma_start3A_224, %dma_start3A_225] : memref<16384x128xf32, #tpu.memory_space<hbm>> -> memref<16384x128xf32, #tpu.memory_space<hbm>>
        tpu.enqueue_indirect_dma source(%dma_start3A_226 : memref<16384x128xf32, #tpu.memory_space<hbm>>) target(%dma_start3A_222 : memref<128x128xf32, #tpu.memory_space<vmem>>) offsets(%dma_start3A_223 : memref<128xi32, #tpu.memory_space<vmem>>) semaphore(%arg9 : memref<!tpu.dma_semaphore, #tpu.memory_space<semaphore_mem>>)
      } else {
      }
      %add3A_115 = arith.constant 2 : i32
      %add3A_116 = arith.addi %mul3A_25, %add3A_115 : i32
      %mul3A_117 = arith.constant 128 : i32
      %mul3A_118 = arith.muli %add3A_116, %mul3A_117 : i32
      %dma_wait3A_119 = arith.constant 256 : i32
      %dma_wait3A_120 = arith.constant 0 : i32
      %dma_wait3A_121 = tpu.memref_slice %arg6[%dma_wait3A_119, %dma_wait3A_120] : memref<512x128xf32, #tpu.memory_space<vmem>> -> memref<128x128xf32, #tpu.memory_space<vmem>>
      %dma_wait3A_122 = tpu.memref_slice %arg5[%mul3A_118] : memref<8192xi32, #tpu.memory_space<vmem>> -> memref<128xi32, #tpu.memory_space<vmem>>
      %dma_wait3A_123 = arith.constant 0 : i32
      %dma_wait3A_124 = arith.constant 0 : i32
      %dma_wait3A_125 = tpu.memref_slice %arg2[%dma_wait3A_123, %dma_wait3A_124] : memref<16384x128xf32, #tpu.memory_space<hbm>> -> memref<16384x128xf32, #tpu.memory_space<hbm>>
      tpu.wait_indirect_dma semaphore(%arg10 : memref<!tpu.dma_semaphore, #tpu.memory_space<semaphore_mem>>) src(%dma_wait3A_125 : memref<16384x128xf32, #tpu.memory_space<hbm>>) dst(%dma_wait3A_121 : memref<128x128xf32, #tpu.memory_space<vmem>>)
      %scan3A_126 = arith.constant 0 : i32
      %scan3A_127 = arith.constant 0 : i32
      %scan3A_128 = arith.constant 64 : i32
      %scan3A_129 = arith.addi %scan3A_127, %scan3A_128 : i32
      %scan3A_130 = arith.constant 1 : i32
      scf.for %scan3A_205 = %scan3A_127 to %scan3A_129 step %scan3A_130  : i32 {
        %mul3A_206 = arith.constant 2 : i32
        %mul3A_207 = arith.muli %mul3A_206, %scan3A_205 : i32
        %add3A_208 = arith.constant 256 : i32
        %add3A_209 = arith.addi %add3A_208, %mul3A_207 : i32
        %get3A = arith.index_cast %add3A_209 : i32 to index
        %get3A_210 = arith.constant 0 : index
        %get3A_211 = tpu.vector_load %arg6[%get3A, %get3A_210] {strides = array<i32>} : memref<512x128xf32, #tpu.memory_space<vmem>>, vector<1x16xf32>,
        %get3A_212 = vector.shape_cast %get3A_211 : vector<1x16xf32> to vector<16xf32>
        %swap3A = arith.index_cast %scan3A_205 : i32 to index
        %swap3A_213 = arith.constant 0 : index
        %swap3A_214 = tpu.vector_load %arg7[%swap3A, %swap3A_213] {strides = array<i32>} : memref<64x128xf32, #tpu.memory_space<vmem>>, vector<1x16xf32>,
        %swap3A_215 = vector.shape_cast %swap3A_214 : vector<1x16xf32> to vector<16xf32>
        %swap3A_216 = vector.shape_cast %get3A_212 : vector<16xf32> to vector<1x16xf32>
        tpu.vector_store %arg7[%swap3A, %swap3A_213], %swap3A_216 {strides = array<i32>} : memref<64x128xf32, #tpu.memory_space<vmem>>, vector<1x16xf32>,
        %add3A_217 = arith.constant 1 : i32
        %add3A_218 = arith.addi %add3A_209, %add3A_217 : i32
        %get3A_219 = arith.index_cast %add3A_218 : i32 to index
        %get3A_220 = arith.constant 64 : index
        %get3A_221 = tpu.vector_load %arg6[%get3A_219, %get3A_220] {strides = array<i32>} : memref<512x128xf32, #tpu.memory_space<vmem>>, vector<1x16xf32>,
        %get3A_222 = vector.shape_cast %get3A_221 : vector<1x16xf32> to vector<16xf32>
        %swap3A_223 = arith.index_cast %scan3A_205 : i32 to index
        %swap3A_224 = arith.constant 64 : index
        %swap3A_225 = tpu.vector_load %arg7[%swap3A_223, %swap3A_224] {strides = array<i32>} : memref<64x128xf32, #tpu.memory_space<vmem>>, vector<1x16xf32>,
        %swap3A_226 = vector.shape_cast %swap3A_225 : vector<1x16xf32> to vector<16xf32>
        %swap3A_227 = vector.shape_cast %get3A_222 : vector<16xf32> to vector<1x16xf32>
        tpu.vector_store %arg7[%swap3A_223, %swap3A_224], %swap3A_227 {strides = array<i32>} : memref<64x128xf32, #tpu.memory_space<vmem>>, vector<1x16xf32>,
        %get3A_228 = arith.index_cast %add3A_209 : i32 to index
        %get3A_229 = arith.constant 16 : index
        %get3A_230 = tpu.vector_load %arg6[%get3A_228, %get3A_229] {strides = array<i32>} : memref<512x128xf32, #tpu.memory_space<vmem>>, vector<1x16xf32>,
        %get3A_231 = vector.shape_cast %get3A_230 : vector<1x16xf32> to vector<16xf32>
        %swap3A_232 = arith.index_cast %scan3A_205 : i32 to index
        %swap3A_233 = arith.constant 16 : index
        %swap3A_234 = tpu.vector_load %arg7[%swap3A_232, %swap3A_233] {strides = array<i32>} : memref<64x128xf32, #tpu.memory_space<vmem>>, vector<1x16xf32>,
        %swap3A_235 = vector.shape_cast %swap3A_234 : vector<1x16xf32> to vector<16xf32>
        %swap3A_236 = vector.shape_cast %get3A_231 : vector<16xf32> to vector<1x16xf32>
        tpu.vector_store %arg7[%swap3A_232, %swap3A_233], %swap3A_236 {strides = array<i32>} : memref<64x128xf32, #tpu.memory_space<vmem>>, vector<1x16xf32>,
        %add3A_237 = arith.constant 1 : i32
        %add3A_238 = arith.addi %add3A_209, %add3A_237 : i32
        %get3A_239 = arith.index_cast %add3A_238 : i32 to index
        %get3A_240 = arith.constant 80 : index
        %get3A_241 = tpu.vector_load %arg6[%get3A_239, %get3A_240] {strides = array<i32>} : memref<512x128xf32, #tpu.memory_space<vmem>>, vector<1x16xf32>,
        %get3A_242 = vector.shape_cast %get3A_241 : vector<1x16xf32> to vector<16xf32>
        %swap3A_243 = arith.index_cast %scan3A_205 : i32 to index
        %swap3A_244 = arith.constant 80 : index
        %swap3A_245 = tpu.vector_load %arg7[%swap3A_243, %swap3A_244] {strides = array<i32>} : memref<64x128xf32, #tpu.memory_space<vmem>>, vector<1x16xf32>,
        %swap3A_246 = vector.shape_cast %swap3A_245 : vector<1x16xf32> to vector<16xf32>
        %swap3A_247 = vector.shape_cast %get3A_242 : vector<16xf32> to vector<1x16xf32>
        tpu.vector_store %arg7[%swap3A_243, %swap3A_244], %swap3A_247 {strides = array<i32>} : memref<64x128xf32, #tpu.memory_space<vmem>>, vector<1x16xf32>,
        %get3A_248 = arith.index_cast %add3A_209 : i32 to index
        %get3A_249 = arith.constant 32 : index
        %get3A_250 = tpu.vector_load %arg6[%get3A_248, %get3A_249] {strides = array<i32>} : memref<512x128xf32, #tpu.memory_space<vmem>>, vector<1x16xf32>,
        %get3A_251 = vector.shape_cast %get3A_250 : vector<1x16xf32> to vector<16xf32>
        %swap3A_252 = arith.index_cast %scan3A_205 : i32 to index
        %swap3A_253 = arith.constant 32 : index
        %swap3A_254 = tpu.vector_load %arg7[%swap3A_252, %swap3A_253] {strides = array<i32>} : memref<64x128xf32, #tpu.memory_space<vmem>>, vector<1x16xf32>,
        %swap3A_255 = vector.shape_cast %swap3A_254 : vector<1x16xf32> to vector<16xf32>
        %swap3A_256 = vector.shape_cast %get3A_251 : vector<16xf32> to vector<1x16xf32>
        tpu.vector_store %arg7[%swap3A_252, %swap3A_253], %swap3A_256 {strides = array<i32>} : memref<64x128xf32, #tpu.memory_space<vmem>>, vector<1x16xf32>,
        %add3A_257 = arith.constant 1 : i32
        %add3A_258 = arith.addi %add3A_209, %add3A_257 : i32
        %get3A_259 = arith.index_cast %add3A_258 : i32 to index
        %get3A_260 = arith.constant 96 : index
        %get3A_261 = tpu.vector_load %arg6[%get3A_259, %get3A_260] {strides = array<i32>} : memref<512x128xf32, #tpu.memory_space<vmem>>, vector<1x16xf32>,
        %get3A_262 = vector.shape_cast %get3A_261 : vector<1x16xf32> to vector<16xf32>
        %swap3A_263 = arith.index_cast %scan3A_205 : i32 to index
        %swap3A_264 = arith.constant 96 : index
        %swap3A_265 = tpu.vector_load %arg7[%swap3A_263, %swap3A_264] {strides = array<i32>} : memref<64x128xf32, #tpu.memory_space<vmem>>, vector<1x16xf32>,
        %swap3A_266 = vector.shape_cast %swap3A_265 : vector<1x16xf32> to vector<16xf32>
        %swap3A_267 = vector.shape_cast %get3A_262 : vector<16xf32> to vector<1x16xf32>
        tpu.vector_store %arg7[%swap3A_263, %swap3A_264], %swap3A_267 {strides = array<i32>} : memref<64x128xf32, #tpu.memory_space<vmem>>, vector<1x16xf32>,
        %get3A_268 = arith.index_cast %add3A_209 : i32 to index
        %get3A_269 = arith.constant 48 : index
        %get3A_270 = tpu.vector_load %arg6[%get3A_268, %get3A_269] {strides = array<i32>} : memref<512x128xf32, #tpu.memory_space<vmem>>, vector<1x16xf32>,
        %get3A_271 = vector.shape_cast %get3A_270 : vector<1x16xf32> to vector<16xf32>
        %swap3A_272 = arith.index_cast %scan3A_205 : i32 to index
        %swap3A_273 = arith.constant 48 : index
        %swap3A_274 = tpu.vector_load %arg7[%swap3A_272, %swap3A_273] {strides = array<i32>} : memref<64x128xf32, #tpu.memory_space<vmem>>, vector<1x16xf32>,
        %swap3A_275 = vector.shape_cast %swap3A_274 : vector<1x16xf32> to vector<16xf32>
        %swap3A_276 = vector.shape_cast %get3A_271 : vector<16xf32> to vector<1x16xf32>
        tpu.vector_store %arg7[%swap3A_272, %swap3A_273], %swap3A_276 {strides = array<i32>} : memref<64x128xf32, #tpu.memory_space<vmem>>, vector<1x16xf32>,
        %add3A_277 = arith.constant 1 : i32
        %add3A_278 = arith.addi %add3A_209, %add3A_277 : i32
        %get3A_279 = arith.index_cast %add3A_278 : i32 to index
        %get3A_280 = arith.constant 112 : index
        %get3A_281 = tpu.vector_load %arg6[%get3A_279, %get3A_280] {strides = array<i32>} : memref<512x128xf32, #tpu.memory_space<vmem>>, vector<1x16xf32>,
        %get3A_282 = vector.shape_cast %get3A_281 : vector<1x16xf32> to vector<16xf32>
        %swap3A_283 = arith.index_cast %scan3A_205 : i32 to index
        %swap3A_284 = arith.constant 112 : index
        %swap3A_285 = tpu.vector_load %arg7[%swap3A_283, %swap3A_284] {strides = array<i32>} : memref<64x128xf32, #tpu.memory_space<vmem>>, vector<1x16xf32>,
        %swap3A_286 = vector.shape_cast %swap3A_285 : vector<1x16xf32> to vector<16xf32>
        %swap3A_287 = vector.shape_cast %get3A_282 : vector<16xf32> to vector<1x16xf32>
        tpu.vector_store %arg7[%swap3A_283, %swap3A_284], %swap3A_287 {strides = array<i32>} : memref<64x128xf32, #tpu.memory_space<vmem>>, vector<1x16xf32>,
      }
      %scan3A_131 = arith.constant 64 : i32
      %mul3A_132 = arith.constant 128 : i32
      %mul3A_133 = arith.muli %add3A_116, %mul3A_132 : i32
      %add3A_134 = arith.addi %mul3A_2, %mul3A_133 : i32
      %jit3A_135 = arith.constant 2 : i32
      %div3A_136 = arith.divsi %add3A_134, %jit3A_135 : i32
      %sign3A_137 = arith.constant 0 : i32
      %sign3A_138 = arith.cmpi sgt, %add3A_134, %sign3A_137 : i32
      %sign3A_139 = arith.extui %sign3A_138 : i1 to i32
      %sign3A_140 = arith.constant 0 : i32
      %sign3A_141 = arith.cmpi slt, %add3A_134, %sign3A_140 : i32
      %sign3A_142 = arith.extui %sign3A_141 : i1 to i32
      %sign3A_143 = arith.subi %sign3A_139, %sign3A_142 : i32
      %sign3A_144 = arith.constant 0 : i32
      %sign3A_145 = arith.cmpi sgt, %jit3A_135, %sign3A_144 : i32
      %sign3A_146 = arith.extui %sign3A_145 : i1 to i32
      %sign3A_147 = arith.constant 0 : i32
      %sign3A_148 = arith.cmpi slt, %jit3A_135, %sign3A_147 : i32
      %sign3A_149 = arith.extui %sign3A_148 : i1 to i32
      %sign3A_150 = arith.subi %sign3A_146, %sign3A_149 : i32
      %ne3A_151 = arith.cmpi ne, %sign3A_143, %sign3A_150 : i32
      %rem3A_152 = arith.remsi %add3A_134, %jit3A_135 : i32
      %ne3A_153 = arith.constant 0 : i32
      %ne3A_154 = arith.cmpi ne, %rem3A_152, %ne3A_153 : i32
      %and3A_155 = arith.andi %ne3A_151, %ne3A_154 : i1
      %sub3A_156 = arith.constant 1 : i32
      %sub3A_157 = arith.subi %div3A_136, %sub3A_156 : i32
      %select_n3A_158 = arith.select %and3A_155, %sub3A_157, %div3A_136 : i32
      %multiple_of3A_159 = tpu.assume_multiple %select_n3A_158, 64 : i32
      "tpu.region"() ({
        %run_scoped3A = tpu.sem_alloc : memref<!tpu.dma_semaphore, #tpu.memory_space<semaphore_mem>>
        %dma_start3A_205 = arith.constant 0 : i32
        %dma_start3A_206 = tpu.memref_slice %arg4[%multiple_of3A_159, %dma_start3A_205] : memref<131072x128xf32, #tpu.memory_space<hbm>> -> memref<64x128xf32, #tpu.memory_space<hbm>>
        %dma_start3A_207 = arith.constant 0 : i32
        %dma_start3A_208 = tpu.memref_slice %arg4[%multiple_of3A_159, %dma_start3A_207] : memref<131072x128xf32, #tpu.memory_space<hbm>> -> memref<64x128xf32, #tpu.memory_space<hbm>>
        tpu.enqueue_dma source(%arg7 : memref<64x128xf32, #tpu.memory_space<vmem>>) target(%dma_start3A_208 : memref<64x128xf32, #tpu.memory_space<hbm>>) target_semaphore(%run_scoped3A : memref<!tpu.dma_semaphore, #tpu.memory_space<semaphore_mem>>)
        %dma_wait3A_209 = arith.constant 0 : i32
        %dma_wait3A_210 = tpu.memref_slice %arg4[%multiple_of3A_159, %dma_wait3A_209] : memref<131072x128xf32, #tpu.memory_space<hbm>> -> memref<64x128xf32, #tpu.memory_space<hbm>>
        %dma_wait3A_211 = arith.constant 0 : i32
        %dma_wait3A_212 = tpu.memref_slice %arg4[%multiple_of3A_159, %dma_wait3A_211] : memref<131072x128xf32, #tpu.memory_space<hbm>> -> memref<64x128xf32, #tpu.memory_space<hbm>>
        tpu.wait_dma2 semaphore(%run_scoped3A : memref<!tpu.dma_semaphore, #tpu.memory_space<semaphore_mem>>) src(%arg7 : memref<64x128xf32, #tpu.memory_space<vmem>>) dst(%dma_wait3A_212 : memref<64x128xf32, #tpu.memory_space<hbm>>)
        tpu.yield
      }) : () -> ()
      %add3A_160 = arith.constant 3 : i32
      %add3A_161 = arith.addi %mul3A_25, %add3A_160 : i32
      %mul3A_162 = arith.constant 128 : i32
      %mul3A_163 = arith.muli %add3A_161, %mul3A_162 : i32
      %dma_wait3A_164 = arith.constant 384 : i32
      %dma_wait3A_165 = arith.constant 0 : i32
      %dma_wait3A_166 = tpu.memref_slice %arg6[%dma_wait3A_164, %dma_wait3A_165] : memref<512x128xf32, #tpu.memory_space<vmem>> -> memref<128x128xf32, #tpu.memory_space<vmem>>
      %dma_wait3A_167 = tpu.memref_slice %arg5[%mul3A_163] : memref<8192xi32, #tpu.memory_space<vmem>> -> memref<128xi32, #tpu.memory_space<vmem>>
      %dma_wait3A_168 = arith.constant 0 : i32
      %dma_wait3A_169 = arith.constant 0 : i32
      %dma_wait3A_170 = tpu.memref_slice %arg2[%dma_wait3A_168, %dma_wait3A_169] : memref<16384x128xf32, #tpu.memory_space<hbm>> -> memref<16384x128xf32, #tpu.memory_space<hbm>>
      tpu.wait_indirect_dma semaphore(%arg11 : memref<!tpu.dma_semaphore, #tpu.memory_space<semaphore_mem>>) src(%dma_wait3A_170 : memref<16384x128xf32, #tpu.memory_space<hbm>>) dst(%dma_wait3A_166 : memref<128x128xf32, #tpu.memory_space<vmem>>)
      %scan3A_171 = arith.constant 0 : i32
      %scan3A_172 = arith.constant 0 : i32
      %scan3A_173 = arith.constant 64 : i32
      %scan3A_174 = arith.addi %scan3A_172, %scan3A_173 : i32
      %scan3A_175 = arith.constant 1 : i32
      scf.for %scan3A_205 = %scan3A_172 to %scan3A_174 step %scan3A_175  : i32 {
        %mul3A_206 = arith.constant 2 : i32
        %mul3A_207 = arith.muli %mul3A_206, %scan3A_205 : i32
        %add3A_208 = arith.constant 384 : i32
        %add3A_209 = arith.addi %add3A_208, %mul3A_207 : i32
        %get3A = arith.index_cast %add3A_209 : i32 to index
        %get3A_210 = arith.constant 0 : index
        %get3A_211 = tpu.vector_load %arg6[%get3A, %get3A_210] {strides = array<i32>} : memref<512x128xf32, #tpu.memory_space<vmem>>, vector<1x16xf32>,
        %get3A_212 = vector.shape_cast %get3A_211 : vector<1x16xf32> to vector<16xf32>
        %swap3A = arith.index_cast %scan3A_205 : i32 to index
        %swap3A_213 = arith.constant 0 : index
        %swap3A_214 = tpu.vector_load %arg7[%swap3A, %swap3A_213] {strides = array<i32>} : memref<64x128xf32, #tpu.memory_space<vmem>>, vector<1x16xf32>,
        %swap3A_215 = vector.shape_cast %swap3A_214 : vector<1x16xf32> to vector<16xf32>
        %swap3A_216 = vector.shape_cast %get3A_212 : vector<16xf32> to vector<1x16xf32>
        tpu.vector_store %arg7[%swap3A, %swap3A_213], %swap3A_216 {strides = array<i32>} : memref<64x128xf32, #tpu.memory_space<vmem>>, vector<1x16xf32>,
        %add3A_217 = arith.constant 1 : i32
        %add3A_218 = arith.addi %add3A_209, %add3A_217 : i32
        %get3A_219 = arith.index_cast %add3A_218 : i32 to index
        %get3A_220 = arith.constant 64 : index
        %get3A_221 = tpu.vector_load %arg6[%get3A_219, %get3A_220] {strides = array<i32>} : memref<512x128xf32, #tpu.memory_space<vmem>>, vector<1x16xf32>,
        %get3A_222 = vector.shape_cast %get3A_221 : vector<1x16xf32> to vector<16xf32>
        %swap3A_223 = arith.index_cast %scan3A_205 : i32 to index
        %swap3A_224 = arith.constant 64 : index
        %swap3A_225 = tpu.vector_load %arg7[%swap3A_223, %swap3A_224] {strides = array<i32>} : memref<64x128xf32, #tpu.memory_space<vmem>>, vector<1x16xf32>,
        %swap3A_226 = vector.shape_cast %swap3A_225 : vector<1x16xf32> to vector<16xf32>
        %swap3A_227 = vector.shape_cast %get3A_222 : vector<16xf32> to vector<1x16xf32>
        tpu.vector_store %arg7[%swap3A_223, %swap3A_224], %swap3A_227 {strides = array<i32>} : memref<64x128xf32, #tpu.memory_space<vmem>>, vector<1x16xf32>,
        %get3A_228 = arith.index_cast %add3A_209 : i32 to index
        %get3A_229 = arith.constant 16 : index
        %get3A_230 = tpu.vector_load %arg6[%get3A_228, %get3A_229] {strides = array<i32>} : memref<512x128xf32, #tpu.memory_space<vmem>>, vector<1x16xf32>,
        %get3A_231 = vector.shape_cast %get3A_230 : vector<1x16xf32> to vector<16xf32>
        %swap3A_232 = arith.index_cast %scan3A_205 : i32 to index
        %swap3A_233 = arith.constant 16 : index
        %swap3A_234 = tpu.vector_load %arg7[%swap3A_232, %swap3A_233] {strides = array<i32>} : memref<64x128xf32, #tpu.memory_space<vmem>>, vector<1x16xf32>,
        %swap3A_235 = vector.shape_cast %swap3A_234 : vector<1x16xf32> to vector<16xf32>
        %swap3A_236 = vector.shape_cast %get3A_231 : vector<16xf32> to vector<1x16xf32>
        tpu.vector_store %arg7[%swap3A_232, %swap3A_233], %swap3A_236 {strides = array<i32>} : memref<64x128xf32, #tpu.memory_space<vmem>>, vector<1x16xf32>,
        %add3A_237 = arith.constant 1 : i32
        %add3A_238 = arith.addi %add3A_209, %add3A_237 : i32
        %get3A_239 = arith.index_cast %add3A_238 : i32 to index
        %get3A_240 = arith.constant 80 : index
        %get3A_241 = tpu.vector_load %arg6[%get3A_239, %get3A_240] {strides = array<i32>} : memref<512x128xf32, #tpu.memory_space<vmem>>, vector<1x16xf32>,
        %get3A_242 = vector.shape_cast %get3A_241 : vector<1x16xf32> to vector<16xf32>
        %swap3A_243 = arith.index_cast %scan3A_205 : i32 to index
        %swap3A_244 = arith.constant 80 : index
        %swap3A_245 = tpu.vector_load %arg7[%swap3A_243, %swap3A_244] {strides = array<i32>} : memref<64x128xf32, #tpu.memory_space<vmem>>, vector<1x16xf32>,
        %swap3A_246 = vector.shape_cast %swap3A_245 : vector<1x16xf32> to vector<16xf32>
        %swap3A_247 = vector.shape_cast %get3A_242 : vector<16xf32> to vector<1x16xf32>
        tpu.vector_store %arg7[%swap3A_243, %swap3A_244], %swap3A_247 {strides = array<i32>} : memref<64x128xf32, #tpu.memory_space<vmem>>, vector<1x16xf32>,
        %get3A_248 = arith.index_cast %add3A_209 : i32 to index
        %get3A_249 = arith.constant 32 : index
        %get3A_250 = tpu.vector_load %arg6[%get3A_248, %get3A_249] {strides = array<i32>} : memref<512x128xf32, #tpu.memory_space<vmem>>, vector<1x16xf32>,
        %get3A_251 = vector.shape_cast %get3A_250 : vector<1x16xf32> to vector<16xf32>
        %swap3A_252 = arith.index_cast %scan3A_205 : i32 to index
        %swap3A_253 = arith.constant 32 : index
        %swap3A_254 = tpu.vector_load %arg7[%swap3A_252, %swap3A_253] {strides = array<i32>} : memref<64x128xf32, #tpu.memory_space<vmem>>, vector<1x16xf32>,
        %swap3A_255 = vector.shape_cast %swap3A_254 : vector<1x16xf32> to vector<16xf32>
        %swap3A_256 = vector.shape_cast %get3A_251 : vector<16xf32> to vector<1x16xf32>
        tpu.vector_store %arg7[%swap3A_252, %swap3A_253], %swap3A_256 {strides = array<i32>} : memref<64x128xf32, #tpu.memory_space<vmem>>, vector<1x16xf32>,
        %add3A_257 = arith.constant 1 : i32
        %add3A_258 = arith.addi %add3A_209, %add3A_257 : i32
        %get3A_259 = arith.index_cast %add3A_258 : i32 to index
        %get3A_260 = arith.constant 96 : index
        %get3A_261 = tpu.vector_load %arg6[%get3A_259, %get3A_260] {strides = array<i32>} : memref<512x128xf32, #tpu.memory_space<vmem>>, vector<1x16xf32>,
        %get3A_262 = vector.shape_cast %get3A_261 : vector<1x16xf32> to vector<16xf32>
        %swap3A_263 = arith.index_cast %scan3A_205 : i32 to index
        %swap3A_264 = arith.constant 96 : index
        %swap3A_265 = tpu.vector_load %arg7[%swap3A_263, %swap3A_264] {strides = array<i32>} : memref<64x128xf32, #tpu.memory_space<vmem>>, vector<1x16xf32>,
        %swap3A_266 = vector.shape_cast %swap3A_265 : vector<1x16xf32> to vector<16xf32>
        %swap3A_267 = vector.shape_cast %get3A_262 : vector<16xf32> to vector<1x16xf32>
        tpu.vector_store %arg7[%swap3A_263, %swap3A_264], %swap3A_267 {strides = array<i32>} : memref<64x128xf32, #tpu.memory_space<vmem>>, vector<1x16xf32>,
        %get3A_268 = arith.index_cast %add3A_209 : i32 to index
        %get3A_269 = arith.constant 48 : index
        %get3A_270 = tpu.vector_load %arg6[%get3A_268, %get3A_269] {strides = array<i32>} : memref<512x128xf32, #tpu.memory_space<vmem>>, vector<1x16xf32>,
        %get3A_271 = vector.shape_cast %get3A_270 : vector<1x16xf32> to vector<16xf32>
        %swap3A_272 = arith.index_cast %scan3A_205 : i32 to index
        %swap3A_273 = arith.constant 48 : index
        %swap3A_274 = tpu.vector_load %arg7[%swap3A_272, %swap3A_273] {strides = array<i32>} : memref<64x128xf32, #tpu.memory_space<vmem>>, vector<1x16xf32>,
        %swap3A_275 = vector.shape_cast %swap3A_274 : vector<1x16xf32> to vector<16xf32>
        %swap3A_276 = vector.shape_cast %get3A_271 : vector<16xf32> to vector<1x16xf32>
        tpu.vector_store %arg7[%swap3A_272, %swap3A_273], %swap3A_276 {strides = array<i32>} : memref<64x128xf32, #tpu.memory_space<vmem>>, vector<1x16xf32>,
        %add3A_277 = arith.constant 1 : i32
        %add3A_278 = arith.addi %add3A_209, %add3A_277 : i32
        %get3A_279 = arith.index_cast %add3A_278 : i32 to index
        %get3A_280 = arith.constant 112 : index
        %get3A_281 = tpu.vector_load %arg6[%get3A_279, %get3A_280] {strides = array<i32>} : memref<512x128xf32, #tpu.memory_space<vmem>>, vector<1x16xf32>,
        %get3A_282 = vector.shape_cast %get3A_281 : vector<1x16xf32> to vector<16xf32>
        %swap3A_283 = arith.index_cast %scan3A_205 : i32 to index
        %swap3A_284 = arith.constant 112 : index
        %swap3A_285 = tpu.vector_load %arg7[%swap3A_283, %swap3A_284] {strides = array<i32>} : memref<64x128xf32, #tpu.memory_space<vmem>>, vector<1x16xf32>,
        %swap3A_286 = vector.shape_cast %swap3A_285 : vector<1x16xf32> to vector<16xf32>
        %swap3A_287 = vector.shape_cast %get3A_282 : vector<16xf32> to vector<1x16xf32>
        tpu.vector_store %arg7[%swap3A_283, %swap3A_284], %swap3A_287 {strides = array<i32>} : memref<64x128xf32, #tpu.memory_space<vmem>>, vector<1x16xf32>,
      }
      %scan3A_176 = arith.constant 64 : i32
      %mul3A_177 = arith.constant 128 : i32
      %mul3A_178 = arith.muli %add3A_161, %mul3A_177 : i32
      %add3A_179 = arith.addi %mul3A_2, %mul3A_178 : i32
      %jit3A_180 = arith.constant 2 : i32
      %div3A_181 = arith.divsi %add3A_179, %jit3A_180 : i32
      %sign3A_182 = arith.constant 0 : i32
      %sign3A_183 = arith.cmpi sgt, %add3A_179, %sign3A_182 : i32
      %sign3A_184 = arith.extui %sign3A_183 : i1 to i32
      %sign3A_185 = arith.constant 0 : i32
      %sign3A_186 = arith.cmpi slt, %add3A_179, %sign3A_185 : i32
      %sign3A_187 = arith.extui %sign3A_186 : i1 to i32
      %sign3A_188 = arith.subi %sign3A_184, %sign3A_187 : i32
      %sign3A_189 = arith.constant 0 : i32
      %sign3A_190 = arith.cmpi sgt, %jit3A_180, %sign3A_189 : i32
      %sign3A_191 = arith.extui %sign3A_190 : i1 to i32
      %sign3A_192 = arith.constant 0 : i32
      %sign3A_193 = arith.cmpi slt, %jit3A_180, %sign3A_192 : i32
      %sign3A_194 = arith.extui %sign3A_193 : i1 to i32
      %sign3A_195 = arith.subi %sign3A_191, %sign3A_194 : i32
      %ne3A_196 = arith.cmpi ne, %sign3A_188, %sign3A_195 : i32
      %rem3A_197 = arith.remsi %add3A_179, %jit3A_180 : i32
      %ne3A_198 = arith.constant 0 : i32
      %ne3A_199 = arith.cmpi ne, %rem3A_197, %ne3A_198 : i32
      %and3A_200 = arith.andi %ne3A_196, %ne3A_199 : i1
      %sub3A_201 = arith.constant 1 : i32
      %sub3A_202 = arith.subi %div3A_181, %sub3A_201 : i32
      %select_n3A_203 = arith.select %and3A_200, %sub3A_202, %div3A_181 : i32
      %multiple_of3A_204 = tpu.assume_multiple %select_n3A_203, 64 : i32
      "tpu.region"() ({
        %run_scoped3A = tpu.sem_alloc : memref<!tpu.dma_semaphore, #tpu.memory_space<semaphore_mem>>
        %dma_start3A_205 = arith.constant 0 : i32
        %dma_start3A_206 = tpu.memref_slice %arg4[%multiple_of3A_204, %dma_start3A_205] : memref<131072x128xf32, #tpu.memory_space<hbm>> -> memref<64x128xf32, #tpu.memory_space<hbm>>
        %dma_start3A_207 = arith.constant 0 : i32
        %dma_start3A_208 = tpu.memref_slice %arg4[%multiple_of3A_204, %dma_start3A_207] : memref<131072x128xf32, #tpu.memory_space<hbm>> -> memref<64x128xf32, #tpu.memory_space<hbm>>
        tpu.enqueue_dma source(%arg7 : memref<64x128xf32, #tpu.memory_space<vmem>>) target(%dma_start3A_208 : memref<64x128xf32, #tpu.memory_space<hbm>>) target_semaphore(%run_scoped3A : memref<!tpu.dma_semaphore, #tpu.memory_space<semaphore_mem>>)
        %dma_wait3A_209 = arith.constant 0 : i32
        %dma_wait3A_210 = tpu.memref_slice %arg4[%multiple_of3A_204, %dma_wait3A_209] : memref<131072x128xf32, #tpu.memory_space<hbm>> -> memref<64x128xf32, #tpu.memory_space<hbm>>
        %dma_wait3A_211 = arith.constant 0 : i32
        %dma_wait3A_212 = tpu.memref_slice %arg4[%multiple_of3A_204, %dma_wait3A_211] : memref<131072x128xf32, #tpu.memory_space<hbm>> -> memref<64x128xf32, #tpu.memory_space<hbm>>
        tpu.wait_dma2 semaphore(%run_scoped3A : memref<!tpu.dma_semaphore, #tpu.memory_space<semaphore_mem>>) src(%arg7 : memref<64x128xf32, #tpu.memory_space<vmem>>) dst(%dma_wait3A_212 : memref<64x128xf32, #tpu.memory_space<hbm>>)
        tpu.yield
      }) : () -> ()
    }
    %scan3A_22 = arith.constant 16 : i32
    return
  }
}

#map = affine_map<(d0, d1) -> (0, 0)>
module attributes {stable_mosaic.version = 14 : i64} {
  func.func @gather_kernel(%arg0: i32, %arg1: i32, %arg2: memref<16384x128xf32, #tpu.memory_space<hbm>>, %arg3: memref<32x8192xi32, #tpu.memory_space<hbm>>, %arg4: memref<131072x128xf32, #tpu.memory_space<hbm>>, %arg5: memref<8192xi32, #tpu.memory_space<vmem>>, %arg6: memref<512x128xf32, #tpu.memory_space<vmem>>, %arg7: memref<64x128xf32, #tpu.memory_space<vmem>>, %arg8: memref<!tpu.dma_semaphore, #tpu.memory_space<semaphore_mem>>, %arg9: memref<!tpu.dma_semaphore, #tpu.memory_space<semaphore_mem>>, %arg10: memref<!tpu.dma_semaphore, #tpu.memory_space<semaphore_mem>>, %arg11: memref<!tpu.dma_semaphore, #tpu.memory_space<semaphore_mem>>) attributes {dimension_semantics = [#tpu.dimension_semantics<core_parallel>, #tpu.dimension_semantics<subcore_parallel>], iteration_bounds = array<i64: 2, 16>, scalar_prefetch = 0 : i64, scratch_operands = 7 : i64, tpu.core_type = #tpu.core_type<sc_vector_subcore>, window_params = [{transform_indices = #map}, {transform_indices = #map}, {transform_indices = #map}]} {
    %mul3A = arith.constant 2 : i32
    %mul3A_0 = arith.muli %arg1, %mul3A : i32
    %add3A = arith.addi %mul3A_0, %arg0 : i32
    %mul3A_1 = arith.constant 8192 : i32
    %mul3A_2 = arith.muli %add3A, %mul3A_1 : i32
    "tpu.region"() ({
      %run_scoped3A = tpu.sem_alloc : memref<!tpu.dma_semaphore, #tpu.memory_space<semaphore_mem>>
      %dma_start3A_23 = arith.constant 0 : i32
      %dma_start3A_24 = tpu.memref_slice %arg3[%add3A, %dma_start3A_23] : memref<32x8192xi32, #tpu.memory_space<hbm>> -> memref<1x8192xi32, #tpu.memory_space<hbm>>
      %dma_start3A_25 = tpu.memref_squeeze %dma_start3A_24 : memref<1x8192xi32, #tpu.memory_space<hbm>> -> memref<8192xi32, #tpu.memory_space<hbm>>
      %dma_start3A_26 = arith.constant 0 : i32
      %dma_start3A_27 = tpu.memref_slice %arg3[%add3A, %dma_start3A_26] : memref<32x8192xi32, #tpu.memory_space<hbm>> -> memref<1x8192xi32, #tpu.memory_space<hbm>>
      %dma_start3A_28 = tpu.memref_squeeze %dma_start3A_27 : memref<1x8192xi32, #tpu.memory_space<hbm>> -> memref<8192xi32, #tpu.memory_space<hbm>>
      tpu.enqueue_dma source(%dma_start3A_28 : memref<8192xi32, #tpu.memory_space<hbm>>) target(%arg5 : memref<8192xi32, #tpu.memory_space<vmem>>) target_semaphore(%run_scoped3A : memref<!tpu.dma_semaphore, #tpu.memory_space<semaphore_mem>>)
      %dma_wait3A = arith.constant 0 : i32
      %dma_wait3A_29 = tpu.memref_slice %arg3[%add3A, %dma_wait3A] : memref<32x8192xi32, #tpu.memory_space<hbm>> -> memref<1x8192xi32, #tpu.memory_space<hbm>>
      %dma_wait3A_30 = tpu.memref_squeeze %dma_wait3A_29 : memref<1x8192xi32, #tpu.memory_space<hbm>> -> memref<8192xi32, #tpu.memory_space<hbm>>
      %dma_wait3A_31 = arith.constant 0 : i32
      %dma_wait3A_32 = tpu.memref_slice %arg3[%add3A, %dma_wait3A_31] : memref<32x8192xi32, #tpu.memory_space<hbm>> -> memref<1x8192xi32, #tpu.memory_space<hbm>>
      %dma_wait3A_33 = tpu.memref_squeeze %dma_wait3A_32 : memref<1x8192xi32, #tpu.memory_space<hbm>> -> memref<8192xi32, #tpu.memory_space<hbm>>
      tpu.wait_dma2 semaphore(%run_scoped3A : memref<!tpu.dma_semaphore, #tpu.memory_space<semaphore_mem>>) src(%dma_wait3A_33 : memref<8192xi32, #tpu.memory_space<hbm>>) dst(%arg5 : memref<8192xi32, #tpu.memory_space<vmem>>)
      tpu.yield
    }) : () -> ()
    %dma_start3A = arith.constant 0 : i32
    %dma_start3A_3 = arith.constant 0 : i32
    %dma_start3A_4 = tpu.memref_slice %arg6[%dma_start3A, %dma_start3A_3] : memref<512x128xf32, #tpu.memory_space<vmem>> -> memref<128x128xf32, #tpu.memory_space<vmem>>
    %dma_start3A_5 = arith.constant 0 : i32
    %dma_start3A_6 = tpu.memref_slice %arg5[%dma_start3A_5] : memref<8192xi32, #tpu.memory_space<vmem>> -> memref<128xi32, #tpu.memory_space<vmem>>
    %dma_start3A_7 = arith.constant 0 : i32
    %dma_start3A_8 = arith.constant 0 : i32
    %dma_start3A_9 = tpu.memref_slice %arg2[%dma_start3A_7, %dma_start3A_8] : memref<16384x128xf32, #tpu.memory_space<hbm>> -> memref<16384x128xf32, #tpu.memory_space<hbm>>
    tpu.enqueue_indirect_dma source(%dma_start3A_9 : memref<16384x128xf32, #tpu.memory_space<hbm>>) target(%dma_start3A_4 : memref<128x128xf32, #tpu.memory_space<vmem>>) offsets(%dma_start3A_6 : memref<128xi32, #tpu.memory_space<vmem>>) semaphore(%arg8 : memref<!tpu.dma_semaphore, #tpu.memory_space<semaphore_mem>>)
    %dma_start3A_10 = arith.constant 128 : i32
    %dma_start3A_11 = arith.constant 0 : i32
    %dma_start3A_12 = tpu.memref_slice %arg6[%dma_start3A_10, %dma_start3A_11] : memref<512x128xf32, #tpu.memory_space<vmem>> -> memref<128x128xf32, #tpu.memory_space<vmem>>
    %dma_start3A_13 = arith.constant 128 : i32
    %dma_start3A_14 = tpu.memref_slice %arg5[%dma_start3A_13] : memref<8192xi32, #tpu.memory_space<vmem>> -> memref<128xi32, #tpu.memory_space<vmem>>
    %dma_start3A_15 = arith.constant 0 : i32
    %dma_start3A_16 = arith.constant 0 : i32
    %dma_start3A_17 = tpu.memref_slice %arg2[%dma_start3A_15, %dma_start3A_16] : memref<16384x128xf32, #tpu.memory_space<hbm>> -> memref<16384x128xf32, #tpu.memory_space<hbm>>
    tpu.enqueue_indirect_dma source(%dma_start3A_17 : memref<16384x128xf32, #tpu.memory_space<hbm>>) target(%dma_start3A_12 : memref<128x128xf32, #tpu.memory_space<vmem>>) offsets(%dma_start3A_14 : memref<128xi32, #tpu.memory_space<vmem>>) semaphore(%arg9 : memref<!tpu.dma_semaphore, #tpu.memory_space<semaphore_mem>>)
    %scan3A = arith.constant 0 : i32
    %scan3A_18 = arith.constant 0 : i32
    %scan3A_19 = arith.constant 16 : i32
    %scan3A_20 = arith.addi %scan3A_18, %scan3A_19 : i32
    %scan3A_21 = arith.constant 1 : i32
    scf.for %scan3A_23 = %scan3A_18 to %scan3A_20 step %scan3A_21  : i32 {
      %mul3A_24 = arith.constant 4 : i32
      %mul3A_25 = arith.muli %mul3A_24, %scan3A_23 : i32
      %add3A_26 = arith.constant 2 : i32
      %add3A_27 = arith.addi %mul3A_25, %add3A_26 : i32
      %lt3A = arith.constant 64 : i32
      %lt3A_28 = arith.cmpi slt, %add3A_27, %lt3A : i32
      %convert_element_type3A = arith.extui %lt3A_28 : i1 to i32
      %cond3A = arith.constant 0 : i32
      %cond3A_29 = arith.cmpi ne, %convert_element_type3A, %cond3A : i32
      scf.if %cond3A_29 {
        %add3A_205 = arith.constant 2 : i32
        %add3A_206 = arith.addi %mul3A_25, %add3A_205 : i32
        %mul3A_207 = arith.constant 128 : i32
        %mul3A_208 = arith.muli %add3A_206, %mul3A_207 : i32
        %dma_start3A_209 = arith.constant 256 : i32
        %dma_start3A_210 = arith.constant 0 : i32
        %dma_start3A_211 = tpu.memref_slice %arg6[%dma_start3A_209, %dma_start3A_210] : memref<512x128xf32, #tpu.memory_space<vmem>> -> memref<128x128xf32, #tpu.memory_space<vmem>>
        %dma_start3A_212 = tpu.memref_slice %arg5[%mul3A_208] : memref<8192xi32, #tpu.memory_space<vmem>> -> memref<128xi32, #tpu.memory_space<vmem>>
        %dma_start3A_213 = arith.constant 0 : i32
        %dma_start3A_214 = arith.constant 0 : i32
        %dma_start3A_215 = tpu.memref_slice %arg2[%dma_start3A_213, %dma_start3A_214] : memref<16384x128xf32, #tpu.memory_space<hbm>> -> memref<16384x128xf32, #tpu.memory_space<hbm>>
        tpu.enqueue_indirect_dma source(%dma_start3A_215 : memref<16384x128xf32, #tpu.memory_space<hbm>>) target(%dma_start3A_211 : memref<128x128xf32, #tpu.memory_space<vmem>>) offsets(%dma_start3A_212 : memref<128xi32, #tpu.memory_space<vmem>>) semaphore(%arg10 : memref<!tpu.dma_semaphore, #tpu.memory_space<semaphore_mem>>)
        %add3A_216 = arith.constant 3 : i32
        %add3A_217 = arith.addi %mul3A_25, %add3A_216 : i32
        %mul3A_218 = arith.constant 128 : i32
        %mul3A_219 = arith.muli %add3A_217, %mul3A_218 : i32
        %dma_start3A_220 = arith.constant 384 : i32
        %dma_start3A_221 = arith.constant 0 : i32
        %dma_start3A_222 = tpu.memref_slice %arg6[%dma_start3A_220, %dma_start3A_221] : memref<512x128xf32, #tpu.memory_space<vmem>> -> memref<128x128xf32, #tpu.memory_space<vmem>>
        %dma_start3A_223 = tpu.memref_slice %arg5[%mul3A_219] : memref<8192xi32, #tpu.memory_space<vmem>> -> memref<128xi32, #tpu.memory_space<vmem>>
        %dma_start3A_224 = arith.constant 0 : i32
        %dma_start3A_225 = arith.constant 0 : i32
        %dma_start3A_226 = tpu.memref_slice %arg2[%dma_start3A_224, %dma_start3A_225] : memref<16384x128xf32, #tpu.memory_space<hbm>> -> memref<16384x128xf32, #tpu.memory_space<hbm>>
        tpu.enqueue_indirect_dma source(%dma_start3A_226 : memref<16384x128xf32, #tpu.memory_space<hbm>>) target(%dma_start3A_222 : memref<128x128xf32, #tpu.memory_space<vmem>>) offsets(%dma_start3A_223 : memref<128xi32, #tpu.memory_space<vmem>>) semaphore(%arg11 : memref<!tpu.dma_semaphore, #tpu.memory_space<semaphore_mem>>)
      } else {
      }
      %mul3A_30 = arith.constant 128 : i32
      %mul3A_31 = arith.muli %mul3A_25, %mul3A_30 : i32
      %dma_wait3A = arith.constant 0 : i32
      %dma_wait3A_32 = arith.constant 0 : i32
      %dma_wait3A_33 = tpu.memref_slice %arg6[%dma_wait3A, %dma_wait3A_32] : memref<512x128xf32, #tpu.memory_space<vmem>> -> memref<128x128xf32, #tpu.memory_space<vmem>>
      %dma_wait3A_34 = tpu.memref_slice %arg5[%mul3A_31] : memref<8192xi32, #tpu.memory_space<vmem>> -> memref<128xi32, #tpu.memory_space<vmem>>
      %dma_wait3A_35 = arith.constant 0 : i32
      %dma_wait3A_36 = arith.constant 0 : i32
      %dma_wait3A_37 = tpu.memref_slice %arg2[%dma_wait3A_35, %dma_wait3A_36] : memref<16384x128xf32, #tpu.memory_space<hbm>> -> memref<16384x128xf32, #tpu.memory_space<hbm>>
      tpu.wait_indirect_dma semaphore(%arg8 : memref<!tpu.dma_semaphore, #tpu.memory_space<semaphore_mem>>) src(%dma_wait3A_37 : memref<16384x128xf32, #tpu.memory_space<hbm>>) dst(%dma_wait3A_33 : memref<128x128xf32, #tpu.memory_space<vmem>>)
      %scan3A_38 = arith.constant 0 : i32
      %scan3A_39 = arith.constant 0 : i32
      %scan3A_40 = arith.constant 64 : i32
      %scan3A_41 = arith.addi %scan3A_39, %scan3A_40 : i32
      %scan3A_42 = arith.constant 1 : i32
      scf.for %scan3A_205 = %scan3A_39 to %scan3A_41 step %scan3A_42  : i32 {
        %mul3A_206 = arith.constant 2 : i32
        %mul3A_207 = arith.muli %mul3A_206, %scan3A_205 : i32
        %add3A_208 = arith.constant 0 : i32
        %add3A_209 = arith.addi %add3A_208, %mul3A_207 : i32
        %get3A = arith.index_cast %add3A_209 : i32 to index
        %get3A_210 = arith.constant 0 : index
        %get3A_211 = tpu.vector_load %arg6[%get3A, %get3A_210] {strides = array<i32>} : memref<512x128xf32, #tpu.memory_space<vmem>>, vector<1x16xf32>,
        %get3A_212 = vector.shape_cast %get3A_211 : vector<1x16xf32> to vector<16xf32>
        %swap3A = arith.index_cast %scan3A_205 : i32 to index
        %swap3A_213 = arith.constant 0 : index
        %swap3A_214 = tpu.vector_load %arg7[%swap3A, %swap3A_213] {strides = array<i32>} : memref<64x128xf32, #tpu.memory_space<vmem>>, vector<1x16xf32>,
        %swap3A_215 = vector.shape_cast %swap3A_214 : vector<1x16xf32> to vector<16xf32>
        %swap3A_216 = vector.shape_cast %get3A_212 : vector<16xf32> to vector<1x16xf32>
        tpu.vector_store %arg7[%swap3A, %swap3A_213], %swap3A_216 {strides = array<i32>} : memref<64x128xf32, #tpu.memory_space<vmem>>, vector<1x16xf32>,
        %add3A_217 = arith.constant 1 : i32
        %add3A_218 = arith.addi %add3A_209, %add3A_217 : i32
        %get3A_219 = arith.index_cast %add3A_218 : i32 to index
        %get3A_220 = arith.constant 64 : index
        %get3A_221 = tpu.vector_load %arg6[%get3A_219, %get3A_220] {strides = array<i32>} : memref<512x128xf32, #tpu.memory_space<vmem>>, vector<1x16xf32>,
        %get3A_222 = vector.shape_cast %get3A_221 : vector<1x16xf32> to vector<16xf32>
        %swap3A_223 = arith.index_cast %scan3A_205 : i32 to index
        %swap3A_224 = arith.constant 64 : index
        %swap3A_225 = tpu.vector_load %arg7[%swap3A_223, %swap3A_224] {strides = array<i32>} : memref<64x128xf32, #tpu.memory_space<vmem>>, vector<1x16xf32>,
        %swap3A_226 = vector.shape_cast %swap3A_225 : vector<1x16xf32> to vector<16xf32>
        %swap3A_227 = vector.shape_cast %get3A_222 : vector<16xf32> to vector<1x16xf32>
        tpu.vector_store %arg7[%swap3A_223, %swap3A_224], %swap3A_227 {strides = array<i32>} : memref<64x128xf32, #tpu.memory_space<vmem>>, vector<1x16xf32>,
        %get3A_228 = arith.index_cast %add3A_209 : i32 to index
        %get3A_229 = arith.constant 16 : index
        %get3A_230 = tpu.vector_load %arg6[%get3A_228, %get3A_229] {strides = array<i32>} : memref<512x128xf32, #tpu.memory_space<vmem>>, vector<1x16xf32>,
        %get3A_231 = vector.shape_cast %get3A_230 : vector<1x16xf32> to vector<16xf32>
        %swap3A_232 = arith.index_cast %scan3A_205 : i32 to index
        %swap3A_233 = arith.constant 16 : index
        %swap3A_234 = tpu.vector_load %arg7[%swap3A_232, %swap3A_233] {strides = array<i32>} : memref<64x128xf32, #tpu.memory_space<vmem>>, vector<1x16xf32>,
        %swap3A_235 = vector.shape_cast %swap3A_234 : vector<1x16xf32> to vector<16xf32>
        %swap3A_236 = vector.shape_cast %get3A_231 : vector<16xf32> to vector<1x16xf32>
        tpu.vector_store %arg7[%swap3A_232, %swap3A_233], %swap3A_236 {strides = array<i32>} : memref<64x128xf32, #tpu.memory_space<vmem>>, vector<1x16xf32>,
        %add3A_237 = arith.constant 1 : i32
        %add3A_238 = arith.addi %add3A_209, %add3A_237 : i32
        %get3A_239 = arith.index_cast %add3A_238 : i32 to index
        %get3A_240 = arith.constant 80 : index
        %get3A_241 = tpu.vector_load %arg6[%get3A_239, %get3A_240] {strides = array<i32>} : memref<512x128xf32, #tpu.memory_space<vmem>>, vector<1x16xf32>,
        %get3A_242 = vector.shape_cast %get3A_241 : vector<1x16xf32> to vector<16xf32>
        %swap3A_243 = arith.index_cast %scan3A_205 : i32 to index
        %swap3A_244 = arith.constant 80 : index
        %swap3A_245 = tpu.vector_load %arg7[%swap3A_243, %swap3A_244] {strides = array<i32>} : memref<64x128xf32, #tpu.memory_space<vmem>>, vector<1x16xf32>,
        %swap3A_246 = vector.shape_cast %swap3A_245 : vector<1x16xf32> to vector<16xf32>
        %swap3A_247 = vector.shape_cast %get3A_242 : vector<16xf32> to vector<1x16xf32>
        tpu.vector_store %arg7[%swap3A_243, %swap3A_244], %swap3A_247 {strides = array<i32>} : memref<64x128xf32, #tpu.memory_space<vmem>>, vector<1x16xf32>,
        %get3A_248 = arith.index_cast %add3A_209 : i32 to index
        %get3A_249 = arith.constant 32 : index
        %get3A_250 = tpu.vector_load %arg6[%get3A_248, %get3A_249] {strides = array<i32>} : memref<512x128xf32, #tpu.memory_space<vmem>>, vector<1x16xf32>,
        %get3A_251 = vector.shape_cast %get3A_250 : vector<1x16xf32> to vector<16xf32>
        %swap3A_252 = arith.index_cast %scan3A_205 : i32 to index
        %swap3A_253 = arith.constant 32 : index
        %swap3A_254 = tpu.vector_load %arg7[%swap3A_252, %swap3A_253] {strides = array<i32>} : memref<64x128xf32, #tpu.memory_space<vmem>>, vector<1x16xf32>,
        %swap3A_255 = vector.shape_cast %swap3A_254 : vector<1x16xf32> to vector<16xf32>
        %swap3A_256 = vector.shape_cast %get3A_251 : vector<16xf32> to vector<1x16xf32>
        tpu.vector_store %arg7[%swap3A_252, %swap3A_253], %swap3A_256 {strides = array<i32>} : memref<64x128xf32, #tpu.memory_space<vmem>>, vector<1x16xf32>,
        %add3A_257 = arith.constant 1 : i32
        %add3A_258 = arith.addi %add3A_209, %add3A_257 : i32
        %get3A_259 = arith.index_cast %add3A_258 : i32 to index
        %get3A_260 = arith.constant 96 : index
        %get3A_261 = tpu.vector_load %arg6[%get3A_259, %get3A_260] {strides = array<i32>} : memref<512x128xf32, #tpu.memory_space<vmem>>, vector<1x16xf32>,
        %get3A_262 = vector.shape_cast %get3A_261 : vector<1x16xf32> to vector<16xf32>
        %swap3A_263 = arith.index_cast %scan3A_205 : i32 to index
        %swap3A_264 = arith.constant 96 : index
        %swap3A_265 = tpu.vector_load %arg7[%swap3A_263, %swap3A_264] {strides = array<i32>} : memref<64x128xf32, #tpu.memory_space<vmem>>, vector<1x16xf32>,
        %swap3A_266 = vector.shape_cast %swap3A_265 : vector<1x16xf32> to vector<16xf32>
        %swap3A_267 = vector.shape_cast %get3A_262 : vector<16xf32> to vector<1x16xf32>
        tpu.vector_store %arg7[%swap3A_263, %swap3A_264], %swap3A_267 {strides = array<i32>} : memref<64x128xf32, #tpu.memory_space<vmem>>, vector<1x16xf32>,
        %get3A_268 = arith.index_cast %add3A_209 : i32 to index
        %get3A_269 = arith.constant 48 : index
        %get3A_270 = tpu.vector_load %arg6[%get3A_268, %get3A_269] {strides = array<i32>} : memref<512x128xf32, #tpu.memory_space<vmem>>, vector<1x16xf32>,
        %get3A_271 = vector.shape_cast %get3A_270 : vector<1x16xf32> to vector<16xf32>
        %swap3A_272 = arith.index_cast %scan3A_205 : i32 to index
        %swap3A_273 = arith.constant 48 : index
        %swap3A_274 = tpu.vector_load %arg7[%swap3A_272, %swap3A_273] {strides = array<i32>} : memref<64x128xf32, #tpu.memory_space<vmem>>, vector<1x16xf32>,
        %swap3A_275 = vector.shape_cast %swap3A_274 : vector<1x16xf32> to vector<16xf32>
        %swap3A_276 = vector.shape_cast %get3A_271 : vector<16xf32> to vector<1x16xf32>
        tpu.vector_store %arg7[%swap3A_272, %swap3A_273], %swap3A_276 {strides = array<i32>} : memref<64x128xf32, #tpu.memory_space<vmem>>, vector<1x16xf32>,
        %add3A_277 = arith.constant 1 : i32
        %add3A_278 = arith.addi %add3A_209, %add3A_277 : i32
        %get3A_279 = arith.index_cast %add3A_278 : i32 to index
        %get3A_280 = arith.constant 112 : index
        %get3A_281 = tpu.vector_load %arg6[%get3A_279, %get3A_280] {strides = array<i32>} : memref<512x128xf32, #tpu.memory_space<vmem>>, vector<1x16xf32>,
        %get3A_282 = vector.shape_cast %get3A_281 : vector<1x16xf32> to vector<16xf32>
        %swap3A_283 = arith.index_cast %scan3A_205 : i32 to index
        %swap3A_284 = arith.constant 112 : index
        %swap3A_285 = tpu.vector_load %arg7[%swap3A_283, %swap3A_284] {strides = array<i32>} : memref<64x128xf32, #tpu.memory_space<vmem>>, vector<1x16xf32>,
        %swap3A_286 = vector.shape_cast %swap3A_285 : vector<1x16xf32> to vector<16xf32>
        %swap3A_287 = vector.shape_cast %get3A_282 : vector<16xf32> to vector<1x16xf32>
        tpu.vector_store %arg7[%swap3A_283, %swap3A_284], %swap3A_287 {strides = array<i32>} : memref<64x128xf32, #tpu.memory_space<vmem>>, vector<1x16xf32>,
      }
      %scan3A_43 = arith.constant 64 : i32
      %mul3A_44 = arith.constant 128 : i32
      %mul3A_45 = arith.muli %mul3A_25, %mul3A_44 : i32
      %add3A_46 = arith.addi %mul3A_2, %mul3A_45 : i32
      %jit3A = arith.constant 2 : i32
      %div3A = arith.divsi %add3A_46, %jit3A : i32
      %sign3A = arith.constant 0 : i32
      %sign3A_47 = arith.cmpi sgt, %add3A_46, %sign3A : i32
      %sign3A_48 = arith.extui %sign3A_47 : i1 to i32
      %sign3A_49 = arith.constant 0 : i32
      %sign3A_50 = arith.cmpi slt, %add3A_46, %sign3A_49 : i32
      %sign3A_51 = arith.extui %sign3A_50 : i1 to i32
      %sign3A_52 = arith.subi %sign3A_48, %sign3A_51 : i32
      %sign3A_53 = arith.constant 0 : i32
      %sign3A_54 = arith.cmpi sgt, %jit3A, %sign3A_53 : i32
      %sign3A_55 = arith.extui %sign3A_54 : i1 to i32
      %sign3A_56 = arith.constant 0 : i32
      %sign3A_57 = arith.cmpi slt, %jit3A, %sign3A_56 : i32
      %sign3A_58 = arith.extui %sign3A_57 : i1 to i32
      %sign3A_59 = arith.subi %sign3A_55, %sign3A_58 : i32
      %ne3A = arith.cmpi ne, %sign3A_52, %sign3A_59 : i32
      %rem3A = arith.remsi %add3A_46, %jit3A : i32
      %ne3A_60 = arith.constant 0 : i32
      %ne3A_61 = arith.cmpi ne, %rem3A, %ne3A_60 : i32
      %and3A = arith.andi %ne3A, %ne3A_61 : i1
      %sub3A = arith.constant 1 : i32
      %sub3A_62 = arith.subi %div3A, %sub3A : i32
      %select_n3A = arith.select %and3A, %sub3A_62, %div3A : i32
      %multiple_of3A = tpu.assume_multiple %select_n3A, 64 : i32
      "tpu.region"() ({
        %run_scoped3A = tpu.sem_alloc : memref<!tpu.dma_semaphore, #tpu.memory_space<semaphore_mem>>
        %dma_start3A_205 = arith.constant 0 : i32
        %dma_start3A_206 = tpu.memref_slice %arg4[%multiple_of3A, %dma_start3A_205] : memref<131072x128xf32, #tpu.memory_space<hbm>> -> memref<64x128xf32, #tpu.memory_space<hbm>>
        %dma_start3A_207 = arith.constant 0 : i32
        %dma_start3A_208 = tpu.memref_slice %arg4[%multiple_of3A, %dma_start3A_207] : memref<131072x128xf32, #tpu.memory_space<hbm>> -> memref<64x128xf32, #tpu.memory_space<hbm>>
        tpu.enqueue_dma source(%arg7 : memref<64x128xf32, #tpu.memory_space<vmem>>) target(%dma_start3A_208 : memref<64x128xf32, #tpu.memory_space<hbm>>) target_semaphore(%run_scoped3A : memref<!tpu.dma_semaphore, #tpu.memory_space<semaphore_mem>>)
        %dma_wait3A_209 = arith.constant 0 : i32
        %dma_wait3A_210 = tpu.memref_slice %arg4[%multiple_of3A, %dma_wait3A_209] : memref<131072x128xf32, #tpu.memory_space<hbm>> -> memref<64x128xf32, #tpu.memory_space<hbm>>
        %dma_wait3A_211 = arith.constant 0 : i32
        %dma_wait3A_212 = tpu.memref_slice %arg4[%multiple_of3A, %dma_wait3A_211] : memref<131072x128xf32, #tpu.memory_space<hbm>> -> memref<64x128xf32, #tpu.memory_space<hbm>>
        tpu.wait_dma2 semaphore(%run_scoped3A : memref<!tpu.dma_semaphore, #tpu.memory_space<semaphore_mem>>) src(%arg7 : memref<64x128xf32, #tpu.memory_space<vmem>>) dst(%dma_wait3A_212 : memref<64x128xf32, #tpu.memory_space<hbm>>)
        tpu.yield
      }) : () -> ()
      %add3A_63 = arith.constant 1 : i32
      %add3A_64 = arith.addi %mul3A_25, %add3A_63 : i32
      %mul3A_65 = arith.constant 128 : i32
      %mul3A_66 = arith.muli %add3A_64, %mul3A_65 : i32
      %dma_wait3A_67 = arith.constant 128 : i32
      %dma_wait3A_68 = arith.constant 0 : i32
      %dma_wait3A_69 = tpu.memref_slice %arg6[%dma_wait3A_67, %dma_wait3A_68] : memref<512x128xf32, #tpu.memory_space<vmem>> -> memref<128x128xf32, #tpu.memory_space<vmem>>
      %dma_wait3A_70 = tpu.memref_slice %arg5[%mul3A_66] : memref<8192xi32, #tpu.memory_space<vmem>> -> memref<128xi32, #tpu.memory_space<vmem>>
      %dma_wait3A_71 = arith.constant 0 : i32
      %dma_wait3A_72 = arith.constant 0 : i32
      %dma_wait3A_73 = tpu.memref_slice %arg2[%dma_wait3A_71, %dma_wait3A_72] : memref<16384x128xf32, #tpu.memory_space<hbm>> -> memref<16384x128xf32, #tpu.memory_space<hbm>>
      tpu.wait_indirect_dma semaphore(%arg9 : memref<!tpu.dma_semaphore, #tpu.memory_space<semaphore_mem>>) src(%dma_wait3A_73 : memref<16384x128xf32, #tpu.memory_space<hbm>>) dst(%dma_wait3A_69 : memref<128x128xf32, #tpu.memory_space<vmem>>)
      %scan3A_74 = arith.constant 0 : i32
      %scan3A_75 = arith.constant 0 : i32
      %scan3A_76 = arith.constant 64 : i32
      %scan3A_77 = arith.addi %scan3A_75, %scan3A_76 : i32
      %scan3A_78 = arith.constant 1 : i32
      scf.for %scan3A_205 = %scan3A_75 to %scan3A_77 step %scan3A_78  : i32 {
        %mul3A_206 = arith.constant 2 : i32
        %mul3A_207 = arith.muli %mul3A_206, %scan3A_205 : i32
        %add3A_208 = arith.constant 128 : i32
        %add3A_209 = arith.addi %add3A_208, %mul3A_207 : i32
        %get3A = arith.index_cast %add3A_209 : i32 to index
        %get3A_210 = arith.constant 0 : index
        %get3A_211 = tpu.vector_load %arg6[%get3A, %get3A_210] {strides = array<i32>} : memref<512x128xf32, #tpu.memory_space<vmem>>, vector<1x16xf32>,
        %get3A_212 = vector.shape_cast %get3A_211 : vector<1x16xf32> to vector<16xf32>
        %swap3A = arith.index_cast %scan3A_205 : i32 to index
        %swap3A_213 = arith.constant 0 : index
        %swap3A_214 = tpu.vector_load %arg7[%swap3A, %swap3A_213] {strides = array<i32>} : memref<64x128xf32, #tpu.memory_space<vmem>>, vector<1x16xf32>,
        %swap3A_215 = vector.shape_cast %swap3A_214 : vector<1x16xf32> to vector<16xf32>
        %swap3A_216 = vector.shape_cast %get3A_212 : vector<16xf32> to vector<1x16xf32>
        tpu.vector_store %arg7[%swap3A, %swap3A_213], %swap3A_216 {strides = array<i32>} : memref<64x128xf32, #tpu.memory_space<vmem>>, vector<1x16xf32>,
        %add3A_217 = arith.constant 1 : i32
        %add3A_218 = arith.addi %add3A_209, %add3A_217 : i32
        %get3A_219 = arith.index_cast %add3A_218 : i32 to index
        %get3A_220 = arith.constant 64 : index
        %get3A_221 = tpu.vector_load %arg6[%get3A_219, %get3A_220] {strides = array<i32>} : memref<512x128xf32, #tpu.memory_space<vmem>>, vector<1x16xf32>,
        %get3A_222 = vector.shape_cast %get3A_221 : vector<1x16xf32> to vector<16xf32>
        %swap3A_223 = arith.index_cast %scan3A_205 : i32 to index
        %swap3A_224 = arith.constant 64 : index
        %swap3A_225 = tpu.vector_load %arg7[%swap3A_223, %swap3A_224] {strides = array<i32>} : memref<64x128xf32, #tpu.memory_space<vmem>>, vector<1x16xf32>,
        %swap3A_226 = vector.shape_cast %swap3A_225 : vector<1x16xf32> to vector<16xf32>
        %swap3A_227 = vector.shape_cast %get3A_222 : vector<16xf32> to vector<1x16xf32>
        tpu.vector_store %arg7[%swap3A_223, %swap3A_224], %swap3A_227 {strides = array<i32>} : memref<64x128xf32, #tpu.memory_space<vmem>>, vector<1x16xf32>,
        %get3A_228 = arith.index_cast %add3A_209 : i32 to index
        %get3A_229 = arith.constant 16 : index
        %get3A_230 = tpu.vector_load %arg6[%get3A_228, %get3A_229] {strides = array<i32>} : memref<512x128xf32, #tpu.memory_space<vmem>>, vector<1x16xf32>,
        %get3A_231 = vector.shape_cast %get3A_230 : vector<1x16xf32> to vector<16xf32>
        %swap3A_232 = arith.index_cast %scan3A_205 : i32 to index
        %swap3A_233 = arith.constant 16 : index
        %swap3A_234 = tpu.vector_load %arg7[%swap3A_232, %swap3A_233] {strides = array<i32>} : memref<64x128xf32, #tpu.memory_space<vmem>>, vector<1x16xf32>,
        %swap3A_235 = vector.shape_cast %swap3A_234 : vector<1x16xf32> to vector<16xf32>
        %swap3A_236 = vector.shape_cast %get3A_231 : vector<16xf32> to vector<1x16xf32>
        tpu.vector_store %arg7[%swap3A_232, %swap3A_233], %swap3A_236 {strides = array<i32>} : memref<64x128xf32, #tpu.memory_space<vmem>>, vector<1x16xf32>,
        %add3A_237 = arith.constant 1 : i32
        %add3A_238 = arith.addi %add3A_209, %add3A_237 : i32
        %get3A_239 = arith.index_cast %add3A_238 : i32 to index
        %get3A_240 = arith.constant 80 : index
        %get3A_241 = tpu.vector_load %arg6[%get3A_239, %get3A_240] {strides = array<i32>} : memref<512x128xf32, #tpu.memory_space<vmem>>, vector<1x16xf32>,
        %get3A_242 = vector.shape_cast %get3A_241 : vector<1x16xf32> to vector<16xf32>
        %swap3A_243 = arith.index_cast %scan3A_205 : i32 to index
        %swap3A_244 = arith.constant 80 : index
        %swap3A_245 = tpu.vector_load %arg7[%swap3A_243, %swap3A_244] {strides = array<i32>} : memref<64x128xf32, #tpu.memory_space<vmem>>, vector<1x16xf32>,
        %swap3A_246 = vector.shape_cast %swap3A_245 : vector<1x16xf32> to vector<16xf32>
        %swap3A_247 = vector.shape_cast %get3A_242 : vector<16xf32> to vector<1x16xf32>
        tpu.vector_store %arg7[%swap3A_243, %swap3A_244], %swap3A_247 {strides = array<i32>} : memref<64x128xf32, #tpu.memory_space<vmem>>, vector<1x16xf32>,
        %get3A_248 = arith.index_cast %add3A_209 : i32 to index
        %get3A_249 = arith.constant 32 : index
        %get3A_250 = tpu.vector_load %arg6[%get3A_248, %get3A_249] {strides = array<i32>} : memref<512x128xf32, #tpu.memory_space<vmem>>, vector<1x16xf32>,
        %get3A_251 = vector.shape_cast %get3A_250 : vector<1x16xf32> to vector<16xf32>
        %swap3A_252 = arith.index_cast %scan3A_205 : i32 to index
        %swap3A_253 = arith.constant 32 : index
        %swap3A_254 = tpu.vector_load %arg7[%swap3A_252, %swap3A_253] {strides = array<i32>} : memref<64x128xf32, #tpu.memory_space<vmem>>, vector<1x16xf32>,
        %swap3A_255 = vector.shape_cast %swap3A_254 : vector<1x16xf32> to vector<16xf32>
        %swap3A_256 = vector.shape_cast %get3A_251 : vector<16xf32> to vector<1x16xf32>
        tpu.vector_store %arg7[%swap3A_252, %swap3A_253], %swap3A_256 {strides = array<i32>} : memref<64x128xf32, #tpu.memory_space<vmem>>, vector<1x16xf32>,
        %add3A_257 = arith.constant 1 : i32
        %add3A_258 = arith.addi %add3A_209, %add3A_257 : i32
        %get3A_259 = arith.index_cast %add3A_258 : i32 to index
        %get3A_260 = arith.constant 96 : index
        %get3A_261 = tpu.vector_load %arg6[%get3A_259, %get3A_260] {strides = array<i32>} : memref<512x128xf32, #tpu.memory_space<vmem>>, vector<1x16xf32>,
        %get3A_262 = vector.shape_cast %get3A_261 : vector<1x16xf32> to vector<16xf32>
        %swap3A_263 = arith.index_cast %scan3A_205 : i32 to index
        %swap3A_264 = arith.constant 96 : index
        %swap3A_265 = tpu.vector_load %arg7[%swap3A_263, %swap3A_264] {strides = array<i32>} : memref<64x128xf32, #tpu.memory_space<vmem>>, vector<1x16xf32>,
        %swap3A_266 = vector.shape_cast %swap3A_265 : vector<1x16xf32> to vector<16xf32>
        %swap3A_267 = vector.shape_cast %get3A_262 : vector<16xf32> to vector<1x16xf32>
        tpu.vector_store %arg7[%swap3A_263, %swap3A_264], %swap3A_267 {strides = array<i32>} : memref<64x128xf32, #tpu.memory_space<vmem>>, vector<1x16xf32>,
        %get3A_268 = arith.index_cast %add3A_209 : i32 to index
        %get3A_269 = arith.constant 48 : index
        %get3A_270 = tpu.vector_load %arg6[%get3A_268, %get3A_269] {strides = array<i32>} : memref<512x128xf32, #tpu.memory_space<vmem>>, vector<1x16xf32>,
        %get3A_271 = vector.shape_cast %get3A_270 : vector<1x16xf32> to vector<16xf32>
        %swap3A_272 = arith.index_cast %scan3A_205 : i32 to index
        %swap3A_273 = arith.constant 48 : index
        %swap3A_274 = tpu.vector_load %arg7[%swap3A_272, %swap3A_273] {strides = array<i32>} : memref<64x128xf32, #tpu.memory_space<vmem>>, vector<1x16xf32>,
        %swap3A_275 = vector.shape_cast %swap3A_274 : vector<1x16xf32> to vector<16xf32>
        %swap3A_276 = vector.shape_cast %get3A_271 : vector<16xf32> to vector<1x16xf32>
        tpu.vector_store %arg7[%swap3A_272, %swap3A_273], %swap3A_276 {strides = array<i32>} : memref<64x128xf32, #tpu.memory_space<vmem>>, vector<1x16xf32>,
        %add3A_277 = arith.constant 1 : i32
        %add3A_278 = arith.addi %add3A_209, %add3A_277 : i32
        %get3A_279 = arith.index_cast %add3A_278 : i32 to index
        %get3A_280 = arith.constant 112 : index
        %get3A_281 = tpu.vector_load %arg6[%get3A_279, %get3A_280] {strides = array<i32>} : memref<512x128xf32, #tpu.memory_space<vmem>>, vector<1x16xf32>,
        %get3A_282 = vector.shape_cast %get3A_281 : vector<1x16xf32> to vector<16xf32>
        %swap3A_283 = arith.index_cast %scan3A_205 : i32 to index
        %swap3A_284 = arith.constant 112 : index
        %swap3A_285 = tpu.vector_load %arg7[%swap3A_283, %swap3A_284] {strides = array<i32>} : memref<64x128xf32, #tpu.memory_space<vmem>>, vector<1x16xf32>,
        %swap3A_286 = vector.shape_cast %swap3A_285 : vector<1x16xf32> to vector<16xf32>
        %swap3A_287 = vector.shape_cast %get3A_282 : vector<16xf32> to vector<1x16xf32>
        tpu.vector_store %arg7[%swap3A_283, %swap3A_284], %swap3A_287 {strides = array<i32>} : memref<64x128xf32, #tpu.memory_space<vmem>>, vector<1x16xf32>,
      }
      %scan3A_79 = arith.constant 64 : i32
      %mul3A_80 = arith.constant 128 : i32
      %mul3A_81 = arith.muli %add3A_64, %mul3A_80 : i32
      %add3A_82 = arith.addi %mul3A_2, %mul3A_81 : i32
      %jit3A_83 = arith.constant 2 : i32
      %div3A_84 = arith.divsi %add3A_82, %jit3A_83 : i32
      %sign3A_85 = arith.constant 0 : i32
      %sign3A_86 = arith.cmpi sgt, %add3A_82, %sign3A_85 : i32
      %sign3A_87 = arith.extui %sign3A_86 : i1 to i32
      %sign3A_88 = arith.constant 0 : i32
      %sign3A_89 = arith.cmpi slt, %add3A_82, %sign3A_88 : i32
      %sign3A_90 = arith.extui %sign3A_89 : i1 to i32
      %sign3A_91 = arith.subi %sign3A_87, %sign3A_90 : i32
      %sign3A_92 = arith.constant 0 : i32
      %sign3A_93 = arith.cmpi sgt, %jit3A_83, %sign3A_92 : i32
      %sign3A_94 = arith.extui %sign3A_93 : i1 to i32
      %sign3A_95 = arith.constant 0 : i32
      %sign3A_96 = arith.cmpi slt, %jit3A_83, %sign3A_95 : i32
      %sign3A_97 = arith.extui %sign3A_96 : i1 to i32
      %sign3A_98 = arith.subi %sign3A_94, %sign3A_97 : i32
      %ne3A_99 = arith.cmpi ne, %sign3A_91, %sign3A_98 : i32
      %rem3A_100 = arith.remsi %add3A_82, %jit3A_83 : i32
      %ne3A_101 = arith.constant 0 : i32
      %ne3A_102 = arith.cmpi ne, %rem3A_100, %ne3A_101 : i32
      %and3A_103 = arith.andi %ne3A_99, %ne3A_102 : i1
      %sub3A_104 = arith.constant 1 : i32
      %sub3A_105 = arith.subi %div3A_84, %sub3A_104 : i32
      %select_n3A_106 = arith.select %and3A_103, %sub3A_105, %div3A_84 : i32
      %multiple_of3A_107 = tpu.assume_multiple %select_n3A_106, 64 : i32
      "tpu.region"() ({
        %run_scoped3A = tpu.sem_alloc : memref<!tpu.dma_semaphore, #tpu.memory_space<semaphore_mem>>
        %dma_start3A_205 = arith.constant 0 : i32
        %dma_start3A_206 = tpu.memref_slice %arg4[%multiple_of3A_107, %dma_start3A_205] : memref<131072x128xf32, #tpu.memory_space<hbm>> -> memref<64x128xf32, #tpu.memory_space<hbm>>
        %dma_start3A_207 = arith.constant 0 : i32
        %dma_start3A_208 = tpu.memref_slice %arg4[%multiple_of3A_107, %dma_start3A_207] : memref<131072x128xf32, #tpu.memory_space<hbm>> -> memref<64x128xf32, #tpu.memory_space<hbm>>
        tpu.enqueue_dma source(%arg7 : memref<64x128xf32, #tpu.memory_space<vmem>>) target(%dma_start3A_208 : memref<64x128xf32, #tpu.memory_space<hbm>>) target_semaphore(%run_scoped3A : memref<!tpu.dma_semaphore, #tpu.memory_space<semaphore_mem>>)
        %dma_wait3A_209 = arith.constant 0 : i32
        %dma_wait3A_210 = tpu.memref_slice %arg4[%multiple_of3A_107, %dma_wait3A_209] : memref<131072x128xf32, #tpu.memory_space<hbm>> -> memref<64x128xf32, #tpu.memory_space<hbm>>
        %dma_wait3A_211 = arith.constant 0 : i32
        %dma_wait3A_212 = tpu.memref_slice %arg4[%multiple_of3A_107, %dma_wait3A_211] : memref<131072x128xf32, #tpu.memory_space<hbm>> -> memref<64x128xf32, #tpu.memory_space<hbm>>
        tpu.wait_dma2 semaphore(%run_scoped3A : memref<!tpu.dma_semaphore, #tpu.memory_space<semaphore_mem>>) src(%arg7 : memref<64x128xf32, #tpu.memory_space<vmem>>) dst(%dma_wait3A_212 : memref<64x128xf32, #tpu.memory_space<hbm>>)
        tpu.yield
      }) : () -> ()
      %add3A_108 = arith.constant 4 : i32
      %add3A_109 = arith.addi %mul3A_25, %add3A_108 : i32
      %lt3A_110 = arith.constant 64 : i32
      %lt3A_111 = arith.cmpi slt, %add3A_109, %lt3A_110 : i32
      %convert_element_type3A_112 = arith.extui %lt3A_111 : i1 to i32
      %cond3A_113 = arith.constant 0 : i32
      %cond3A_114 = arith.cmpi ne, %convert_element_type3A_112, %cond3A_113 : i32
      scf.if %cond3A_114 {
        %add3A_205 = arith.constant 4 : i32
        %add3A_206 = arith.addi %mul3A_25, %add3A_205 : i32
        %mul3A_207 = arith.constant 128 : i32
        %mul3A_208 = arith.muli %add3A_206, %mul3A_207 : i32
        %dma_start3A_209 = arith.constant 0 : i32
        %dma_start3A_210 = arith.constant 0 : i32
        %dma_start3A_211 = tpu.memref_slice %arg6[%dma_start3A_209, %dma_start3A_210] : memref<512x128xf32, #tpu.memory_space<vmem>> -> memref<128x128xf32, #tpu.memory_space<vmem>>
        %dma_start3A_212 = tpu.memref_slice %arg5[%mul3A_208] : memref<8192xi32, #tpu.memory_space<vmem>> -> memref<128xi32, #tpu.memory_space<vmem>>
        %dma_start3A_213 = arith.constant 0 : i32
        %dma_start3A_214 = arith.constant 0 : i32
        %dma_start3A_215 = tpu.memref_slice %arg2[%dma_start3A_213, %dma_start3A_214] : memref<16384x128xf32, #tpu.memory_space<hbm>> -> memref<16384x128xf32, #tpu.memory_space<hbm>>
        tpu.enqueue_indirect_dma source(%dma_start3A_215 : memref<16384x128xf32, #tpu.memory_space<hbm>>) target(%dma_start3A_211 : memref<128x128xf32, #tpu.memory_space<vmem>>) offsets(%dma_start3A_212 : memref<128xi32, #tpu.memory_space<vmem>>) semaphore(%arg8 : memref<!tpu.dma_semaphore, #tpu.memory_space<semaphore_mem>>)
        %add3A_216 = arith.constant 5 : i32
        %add3A_217 = arith.addi %mul3A_25, %add3A_216 : i32
        %mul3A_218 = arith.constant 128 : i32
        %mul3A_219 = arith.muli %add3A_217, %mul3A_218 : i32
        %dma_start3A_220 = arith.constant 128 : i32
        %dma_start3A_221 = arith.constant 0 : i32
        %dma_start3A_222 = tpu.memref_slice %arg6[%dma_start3A_220, %dma_start3A_221] : memref<512x128xf32, #tpu.memory_space<vmem>> -> memref<128x128xf32, #tpu.memory_space<vmem>>
        %dma_start3A_223 = tpu.memref_slice %arg5[%mul3A_219] : memref<8192xi32, #tpu.memory_space<vmem>> -> memref<128xi32, #tpu.memory_space<vmem>>
        %dma_start3A_224 = arith.constant 0 : i32
        %dma_start3A_225 = arith.constant 0 : i32
        %dma_start3A_226 = tpu.memref_slice %arg2[%dma_start3A_224, %dma_start3A_225] : memref<16384x128xf32, #tpu.memory_space<hbm>> -> memref<16384x128xf32, #tpu.memory_space<hbm>>
        tpu.enqueue_indirect_dma source(%dma_start3A_226 : memref<16384x128xf32, #tpu.memory_space<hbm>>) target(%dma_start3A_222 : memref<128x128xf32, #tpu.memory_space<vmem>>) offsets(%dma_start3A_223 : memref<128xi32, #tpu.memory_space<vmem>>) semaphore(%arg9 : memref<!tpu.dma_semaphore, #tpu.memory_space<semaphore_mem>>)
      } else {
      }
      %add3A_115 = arith.constant 2 : i32
      %add3A_116 = arith.addi %mul3A_25, %add3A_115 : i32
      %mul3A_117 = arith.constant 128 : i32
      %mul3A_118 = arith.muli %add3A_116, %mul3A_117 : i32
      %dma_wait3A_119 = arith.constant 256 : i32
      %dma_wait3A_120 = arith.constant 0 : i32
      %dma_wait3A_121 = tpu.memref_slice %arg6[%dma_wait3A_119, %dma_wait3A_120] : memref<512x128xf32, #tpu.memory_space<vmem>> -> memref<128x128xf32, #tpu.memory_space<vmem>>
      %dma_wait3A_122 = tpu.memref_slice %arg5[%mul3A_118] : memref<8192xi32, #tpu.memory_space<vmem>> -> memref<128xi32, #tpu.memory_space<vmem>>
      %dma_wait3A_123 = arith.constant 0 : i32
      %dma_wait3A_124 = arith.constant 0 : i32
      %dma_wait3A_125 = tpu.memref_slice %arg2[%dma_wait3A_123, %dma_wait3A_124] : memref<16384x128xf32, #tpu.memory_space<hbm>> -> memref<16384x128xf32, #tpu.memory_space<hbm>>
      tpu.wait_indirect_dma semaphore(%arg10 : memref<!tpu.dma_semaphore, #tpu.memory_space<semaphore_mem>>) src(%dma_wait3A_125 : memref<16384x128xf32, #tpu.memory_space<hbm>>) dst(%dma_wait3A_121 : memref<128x128xf32, #tpu.memory_space<vmem>>)
      %scan3A_126 = arith.constant 0 : i32
      %scan3A_127 = arith.constant 0 : i32
      %scan3A_128 = arith.constant 64 : i32
      %scan3A_129 = arith.addi %scan3A_127, %scan3A_128 : i32
      %scan3A_130 = arith.constant 1 : i32
      scf.for %scan3A_205 = %scan3A_127 to %scan3A_129 step %scan3A_130  : i32 {
        %mul3A_206 = arith.constant 2 : i32
        %mul3A_207 = arith.muli %mul3A_206, %scan3A_205 : i32
        %add3A_208 = arith.constant 256 : i32
        %add3A_209 = arith.addi %add3A_208, %mul3A_207 : i32
        %get3A = arith.index_cast %add3A_209 : i32 to index
        %get3A_210 = arith.constant 0 : index
        %get3A_211 = tpu.vector_load %arg6[%get3A, %get3A_210] {strides = array<i32>} : memref<512x128xf32, #tpu.memory_space<vmem>>, vector<1x16xf32>,
        %get3A_212 = vector.shape_cast %get3A_211 : vector<1x16xf32> to vector<16xf32>
        %swap3A = arith.index_cast %scan3A_205 : i32 to index
        %swap3A_213 = arith.constant 0 : index
        %swap3A_214 = tpu.vector_load %arg7[%swap3A, %swap3A_213] {strides = array<i32>} : memref<64x128xf32, #tpu.memory_space<vmem>>, vector<1x16xf32>,
        %swap3A_215 = vector.shape_cast %swap3A_214 : vector<1x16xf32> to vector<16xf32>
        %swap3A_216 = vector.shape_cast %get3A_212 : vector<16xf32> to vector<1x16xf32>
        tpu.vector_store %arg7[%swap3A, %swap3A_213], %swap3A_216 {strides = array<i32>} : memref<64x128xf32, #tpu.memory_space<vmem>>, vector<1x16xf32>,
        %add3A_217 = arith.constant 1 : i32
        %add3A_218 = arith.addi %add3A_209, %add3A_217 : i32
        %get3A_219 = arith.index_cast %add3A_218 : i32 to index
        %get3A_220 = arith.constant 64 : index
        %get3A_221 = tpu.vector_load %arg6[%get3A_219, %get3A_220] {strides = array<i32>} : memref<512x128xf32, #tpu.memory_space<vmem>>, vector<1x16xf32>,
        %get3A_222 = vector.shape_cast %get3A_221 : vector<1x16xf32> to vector<16xf32>
        %swap3A_223 = arith.index_cast %scan3A_205 : i32 to index
        %swap3A_224 = arith.constant 64 : index
        %swap3A_225 = tpu.vector_load %arg7[%swap3A_223, %swap3A_224] {strides = array<i32>} : memref<64x128xf32, #tpu.memory_space<vmem>>, vector<1x16xf32>,
        %swap3A_226 = vector.shape_cast %swap3A_225 : vector<1x16xf32> to vector<16xf32>
        %swap3A_227 = vector.shape_cast %get3A_222 : vector<16xf32> to vector<1x16xf32>
        tpu.vector_store %arg7[%swap3A_223, %swap3A_224], %swap3A_227 {strides = array<i32>} : memref<64x128xf32, #tpu.memory_space<vmem>>, vector<1x16xf32>,
        %get3A_228 = arith.index_cast %add3A_209 : i32 to index
        %get3A_229 = arith.constant 16 : index
        %get3A_230 = tpu.vector_load %arg6[%get3A_228, %get3A_229] {strides = array<i32>} : memref<512x128xf32, #tpu.memory_space<vmem>>, vector<1x16xf32>,
        %get3A_231 = vector.shape_cast %get3A_230 : vector<1x16xf32> to vector<16xf32>
        %swap3A_232 = arith.index_cast %scan3A_205 : i32 to index
        %swap3A_233 = arith.constant 16 : index
        %swap3A_234 = tpu.vector_load %arg7[%swap3A_232, %swap3A_233] {strides = array<i32>} : memref<64x128xf32, #tpu.memory_space<vmem>>, vector<1x16xf32>,
        %swap3A_235 = vector.shape_cast %swap3A_234 : vector<1x16xf32> to vector<16xf32>
        %swap3A_236 = vector.shape_cast %get3A_231 : vector<16xf32> to vector<1x16xf32>
        tpu.vector_store %arg7[%swap3A_232, %swap3A_233], %swap3A_236 {strides = array<i32>} : memref<64x128xf32, #tpu.memory_space<vmem>>, vector<1x16xf32>,
        %add3A_237 = arith.constant 1 : i32
        %add3A_238 = arith.addi %add3A_209, %add3A_237 : i32
        %get3A_239 = arith.index_cast %add3A_238 : i32 to index
        %get3A_240 = arith.constant 80 : index
        %get3A_241 = tpu.vector_load %arg6[%get3A_239, %get3A_240] {strides = array<i32>} : memref<512x128xf32, #tpu.memory_space<vmem>>, vector<1x16xf32>,
        %get3A_242 = vector.shape_cast %get3A_241 : vector<1x16xf32> to vector<16xf32>
        %swap3A_243 = arith.index_cast %scan3A_205 : i32 to index
        %swap3A_244 = arith.constant 80 : index
        %swap3A_245 = tpu.vector_load %arg7[%swap3A_243, %swap3A_244] {strides = array<i32>} : memref<64x128xf32, #tpu.memory_space<vmem>>, vector<1x16xf32>,
        %swap3A_246 = vector.shape_cast %swap3A_245 : vector<1x16xf32> to vector<16xf32>
        %swap3A_247 = vector.shape_cast %get3A_242 : vector<16xf32> to vector<1x16xf32>
        tpu.vector_store %arg7[%swap3A_243, %swap3A_244], %swap3A_247 {strides = array<i32>} : memref<64x128xf32, #tpu.memory_space<vmem>>, vector<1x16xf32>,
        %get3A_248 = arith.index_cast %add3A_209 : i32 to index
        %get3A_249 = arith.constant 32 : index
        %get3A_250 = tpu.vector_load %arg6[%get3A_248, %get3A_249] {strides = array<i32>} : memref<512x128xf32, #tpu.memory_space<vmem>>, vector<1x16xf32>,
        %get3A_251 = vector.shape_cast %get3A_250 : vector<1x16xf32> to vector<16xf32>
        %swap3A_252 = arith.index_cast %scan3A_205 : i32 to index
        %swap3A_253 = arith.constant 32 : index
        %swap3A_254 = tpu.vector_load %arg7[%swap3A_252, %swap3A_253] {strides = array<i32>} : memref<64x128xf32, #tpu.memory_space<vmem>>, vector<1x16xf32>,
        %swap3A_255 = vector.shape_cast %swap3A_254 : vector<1x16xf32> to vector<16xf32>
        %swap3A_256 = vector.shape_cast %get3A_251 : vector<16xf32> to vector<1x16xf32>
        tpu.vector_store %arg7[%swap3A_252, %swap3A_253], %swap3A_256 {strides = array<i32>} : memref<64x128xf32, #tpu.memory_space<vmem>>, vector<1x16xf32>,
        %add3A_257 = arith.constant 1 : i32
        %add3A_258 = arith.addi %add3A_209, %add3A_257 : i32
        %get3A_259 = arith.index_cast %add3A_258 : i32 to index
        %get3A_260 = arith.constant 96 : index
        %get3A_261 = tpu.vector_load %arg6[%get3A_259, %get3A_260] {strides = array<i32>} : memref<512x128xf32, #tpu.memory_space<vmem>>, vector<1x16xf32>,
        %get3A_262 = vector.shape_cast %get3A_261 : vector<1x16xf32> to vector<16xf32>
        %swap3A_263 = arith.index_cast %scan3A_205 : i32 to index
        %swap3A_264 = arith.constant 96 : index
        %swap3A_265 = tpu.vector_load %arg7[%swap3A_263, %swap3A_264] {strides = array<i32>} : memref<64x128xf32, #tpu.memory_space<vmem>>, vector<1x16xf32>,
        %swap3A_266 = vector.shape_cast %swap3A_265 : vector<1x16xf32> to vector<16xf32>
        %swap3A_267 = vector.shape_cast %get3A_262 : vector<16xf32> to vector<1x16xf32>
        tpu.vector_store %arg7[%swap3A_263, %swap3A_264], %swap3A_267 {strides = array<i32>} : memref<64x128xf32, #tpu.memory_space<vmem>>, vector<1x16xf32>,
        %get3A_268 = arith.index_cast %add3A_209 : i32 to index
        %get3A_269 = arith.constant 48 : index
        %get3A_270 = tpu.vector_load %arg6[%get3A_268, %get3A_269] {strides = array<i32>} : memref<512x128xf32, #tpu.memory_space<vmem>>, vector<1x16xf32>,
        %get3A_271 = vector.shape_cast %get3A_270 : vector<1x16xf32> to vector<16xf32>
        %swap3A_272 = arith.index_cast %scan3A_205 : i32 to index
        %swap3A_273 = arith.constant 48 : index
        %swap3A_274 = tpu.vector_load %arg7[%swap3A_272, %swap3A_273] {strides = array<i32>} : memref<64x128xf32, #tpu.memory_space<vmem>>, vector<1x16xf32>,
        %swap3A_275 = vector.shape_cast %swap3A_274 : vector<1x16xf32> to vector<16xf32>
        %swap3A_276 = vector.shape_cast %get3A_271 : vector<16xf32> to vector<1x16xf32>
        tpu.vector_store %arg7[%swap3A_272, %swap3A_273], %swap3A_276 {strides = array<i32>} : memref<64x128xf32, #tpu.memory_space<vmem>>, vector<1x16xf32>,
        %add3A_277 = arith.constant 1 : i32
        %add3A_278 = arith.addi %add3A_209, %add3A_277 : i32
        %get3A_279 = arith.index_cast %add3A_278 : i32 to index
        %get3A_280 = arith.constant 112 : index
        %get3A_281 = tpu.vector_load %arg6[%get3A_279, %get3A_280] {strides = array<i32>} : memref<512x128xf32, #tpu.memory_space<vmem>>, vector<1x16xf32>,
        %get3A_282 = vector.shape_cast %get3A_281 : vector<1x16xf32> to vector<16xf32>
        %swap3A_283 = arith.index_cast %scan3A_205 : i32 to index
        %swap3A_284 = arith.constant 112 : index
        %swap3A_285 = tpu.vector_load %arg7[%swap3A_283, %swap3A_284] {strides = array<i32>} : memref<64x128xf32, #tpu.memory_space<vmem>>, vector<1x16xf32>,
        %swap3A_286 = vector.shape_cast %swap3A_285 : vector<1x16xf32> to vector<16xf32>
        %swap3A_287 = vector.shape_cast %get3A_282 : vector<16xf32> to vector<1x16xf32>
        tpu.vector_store %arg7[%swap3A_283, %swap3A_284], %swap3A_287 {strides = array<i32>} : memref<64x128xf32, #tpu.memory_space<vmem>>, vector<1x16xf32>,
      }
      %scan3A_131 = arith.constant 64 : i32
      %mul3A_132 = arith.constant 128 : i32
      %mul3A_133 = arith.muli %add3A_116, %mul3A_132 : i32
      %add3A_134 = arith.addi %mul3A_2, %mul3A_133 : i32
      %jit3A_135 = arith.constant 2 : i32
      %div3A_136 = arith.divsi %add3A_134, %jit3A_135 : i32
      %sign3A_137 = arith.constant 0 : i32
      %sign3A_138 = arith.cmpi sgt, %add3A_134, %sign3A_137 : i32
      %sign3A_139 = arith.extui %sign3A_138 : i1 to i32
      %sign3A_140 = arith.constant 0 : i32
      %sign3A_141 = arith.cmpi slt, %add3A_134, %sign3A_140 : i32
      %sign3A_142 = arith.extui %sign3A_141 : i1 to i32
      %sign3A_143 = arith.subi %sign3A_139, %sign3A_142 : i32
      %sign3A_144 = arith.constant 0 : i32
      %sign3A_145 = arith.cmpi sgt, %jit3A_135, %sign3A_144 : i32
      %sign3A_146 = arith.extui %sign3A_145 : i1 to i32
      %sign3A_147 = arith.constant 0 : i32
      %sign3A_148 = arith.cmpi slt, %jit3A_135, %sign3A_147 : i32
      %sign3A_149 = arith.extui %sign3A_148 : i1 to i32
      %sign3A_150 = arith.subi %sign3A_146, %sign3A_149 : i32
      %ne3A_151 = arith.cmpi ne, %sign3A_143, %sign3A_150 : i32
      %rem3A_152 = arith.remsi %add3A_134, %jit3A_135 : i32
      %ne3A_153 = arith.constant 0 : i32
      %ne3A_154 = arith.cmpi ne, %rem3A_152, %ne3A_153 : i32
      %and3A_155 = arith.andi %ne3A_151, %ne3A_154 : i1
      %sub3A_156 = arith.constant 1 : i32
      %sub3A_157 = arith.subi %div3A_136, %sub3A_156 : i32
      %select_n3A_158 = arith.select %and3A_155, %sub3A_157, %div3A_136 : i32
      %multiple_of3A_159 = tpu.assume_multiple %select_n3A_158, 64 : i32
      "tpu.region"() ({
        %run_scoped3A = tpu.sem_alloc : memref<!tpu.dma_semaphore, #tpu.memory_space<semaphore_mem>>
        %dma_start3A_205 = arith.constant 0 : i32
        %dma_start3A_206 = tpu.memref_slice %arg4[%multiple_of3A_159, %dma_start3A_205] : memref<131072x128xf32, #tpu.memory_space<hbm>> -> memref<64x128xf32, #tpu.memory_space<hbm>>
        %dma_start3A_207 = arith.constant 0 : i32
        %dma_start3A_208 = tpu.memref_slice %arg4[%multiple_of3A_159, %dma_start3A_207] : memref<131072x128xf32, #tpu.memory_space<hbm>> -> memref<64x128xf32, #tpu.memory_space<hbm>>
        tpu.enqueue_dma source(%arg7 : memref<64x128xf32, #tpu.memory_space<vmem>>) target(%dma_start3A_208 : memref<64x128xf32, #tpu.memory_space<hbm>>) target_semaphore(%run_scoped3A : memref<!tpu.dma_semaphore, #tpu.memory_space<semaphore_mem>>)
        %dma_wait3A_209 = arith.constant 0 : i32
        %dma_wait3A_210 = tpu.memref_slice %arg4[%multiple_of3A_159, %dma_wait3A_209] : memref<131072x128xf32, #tpu.memory_space<hbm>> -> memref<64x128xf32, #tpu.memory_space<hbm>>
        %dma_wait3A_211 = arith.constant 0 : i32
        %dma_wait3A_212 = tpu.memref_slice %arg4[%multiple_of3A_159, %dma_wait3A_211] : memref<131072x128xf32, #tpu.memory_space<hbm>> -> memref<64x128xf32, #tpu.memory_space<hbm>>
        tpu.wait_dma2 semaphore(%run_scoped3A : memref<!tpu.dma_semaphore, #tpu.memory_space<semaphore_mem>>) src(%arg7 : memref<64x128xf32, #tpu.memory_space<vmem>>) dst(%dma_wait3A_212 : memref<64x128xf32, #tpu.memory_space<hbm>>)
        tpu.yield
      }) : () -> ()
      %add3A_160 = arith.constant 3 : i32
      %add3A_161 = arith.addi %mul3A_25, %add3A_160 : i32
      %mul3A_162 = arith.constant 128 : i32
      %mul3A_163 = arith.muli %add3A_161, %mul3A_162 : i32
      %dma_wait3A_164 = arith.constant 384 : i32
      %dma_wait3A_165 = arith.constant 0 : i32
      %dma_wait3A_166 = tpu.memref_slice %arg6[%dma_wait3A_164, %dma_wait3A_165] : memref<512x128xf32, #tpu.memory_space<vmem>> -> memref<128x128xf32, #tpu.memory_space<vmem>>
      %dma_wait3A_167 = tpu.memref_slice %arg5[%mul3A_163] : memref<8192xi32, #tpu.memory_space<vmem>> -> memref<128xi32, #tpu.memory_space<vmem>>
      %dma_wait3A_168 = arith.constant 0 : i32
      %dma_wait3A_169 = arith.constant 0 : i32
      %dma_wait3A_170 = tpu.memref_slice %arg2[%dma_wait3A_168, %dma_wait3A_169] : memref<16384x128xf32, #tpu.memory_space<hbm>> -> memref<16384x128xf32, #tpu.memory_space<hbm>>
      tpu.wait_indirect_dma semaphore(%arg11 : memref<!tpu.dma_semaphore, #tpu.memory_space<semaphore_mem>>) src(%dma_wait3A_170 : memref<16384x128xf32, #tpu.memory_space<hbm>>) dst(%dma_wait3A_166 : memref<128x128xf32, #tpu.memory_space<vmem>>)
      %scan3A_171 = arith.constant 0 : i32
      %scan3A_172 = arith.constant 0 : i32
      %scan3A_173 = arith.constant 64 : i32
      %scan3A_174 = arith.addi %scan3A_172, %scan3A_173 : i32
      %scan3A_175 = arith.constant 1 : i32
      scf.for %scan3A_205 = %scan3A_172 to %scan3A_174 step %scan3A_175  : i32 {
        %mul3A_206 = arith.constant 2 : i32
        %mul3A_207 = arith.muli %mul3A_206, %scan3A_205 : i32
        %add3A_208 = arith.constant 384 : i32
        %add3A_209 = arith.addi %add3A_208, %mul3A_207 : i32
        %get3A = arith.index_cast %add3A_209 : i32 to index
        %get3A_210 = arith.constant 0 : index
        %get3A_211 = tpu.vector_load %arg6[%get3A, %get3A_210] {strides = array<i32>} : memref<512x128xf32, #tpu.memory_space<vmem>>, vector<1x16xf32>,
        %get3A_212 = vector.shape_cast %get3A_211 : vector<1x16xf32> to vector<16xf32>
        %swap3A = arith.index_cast %scan3A_205 : i32 to index
        %swap3A_213 = arith.constant 0 : index
        %swap3A_214 = tpu.vector_load %arg7[%swap3A, %swap3A_213] {strides = array<i32>} : memref<64x128xf32, #tpu.memory_space<vmem>>, vector<1x16xf32>,
        %swap3A_215 = vector.shape_cast %swap3A_214 : vector<1x16xf32> to vector<16xf32>
        %swap3A_216 = vector.shape_cast %get3A_212 : vector<16xf32> to vector<1x16xf32>
        tpu.vector_store %arg7[%swap3A, %swap3A_213], %swap3A_216 {strides = array<i32>} : memref<64x128xf32, #tpu.memory_space<vmem>>, vector<1x16xf32>,
        %add3A_217 = arith.constant 1 : i32
        %add3A_218 = arith.addi %add3A_209, %add3A_217 : i32
        %get3A_219 = arith.index_cast %add3A_218 : i32 to index
        %get3A_220 = arith.constant 64 : index
        %get3A_221 = tpu.vector_load %arg6[%get3A_219, %get3A_220] {strides = array<i32>} : memref<512x128xf32, #tpu.memory_space<vmem>>, vector<1x16xf32>,
        %get3A_222 = vector.shape_cast %get3A_221 : vector<1x16xf32> to vector<16xf32>
        %swap3A_223 = arith.index_cast %scan3A_205 : i32 to index
        %swap3A_224 = arith.constant 64 : index
        %swap3A_225 = tpu.vector_load %arg7[%swap3A_223, %swap3A_224] {strides = array<i32>} : memref<64x128xf32, #tpu.memory_space<vmem>>, vector<1x16xf32>,
        %swap3A_226 = vector.shape_cast %swap3A_225 : vector<1x16xf32> to vector<16xf32>
        %swap3A_227 = vector.shape_cast %get3A_222 : vector<16xf32> to vector<1x16xf32>
        tpu.vector_store %arg7[%swap3A_223, %swap3A_224], %swap3A_227 {strides = array<i32>} : memref<64x128xf32, #tpu.memory_space<vmem>>, vector<1x16xf32>,
        %get3A_228 = arith.index_cast %add3A_209 : i32 to index
        %get3A_229 = arith.constant 16 : index
        %get3A_230 = tpu.vector_load %arg6[%get3A_228, %get3A_229] {strides = array<i32>} : memref<512x128xf32, #tpu.memory_space<vmem>>, vector<1x16xf32>,
        %get3A_231 = vector.shape_cast %get3A_230 : vector<1x16xf32> to vector<16xf32>
        %swap3A_232 = arith.index_cast %scan3A_205 : i32 to index
        %swap3A_233 = arith.constant 16 : index
        %swap3A_234 = tpu.vector_load %arg7[%swap3A_232, %swap3A_233] {strides = array<i32>} : memref<64x128xf32, #tpu.memory_space<vmem>>, vector<1x16xf32>,
        %swap3A_235 = vector.shape_cast %swap3A_234 : vector<1x16xf32> to vector<16xf32>
        %swap3A_236 = vector.shape_cast %get3A_231 : vector<16xf32> to vector<1x16xf32>
        tpu.vector_store %arg7[%swap3A_232, %swap3A_233], %swap3A_236 {strides = array<i32>} : memref<64x128xf32, #tpu.memory_space<vmem>>, vector<1x16xf32>,
        %add3A_237 = arith.constant 1 : i32
        %add3A_238 = arith.addi %add3A_209, %add3A_237 : i32
        %get3A_239 = arith.index_cast %add3A_238 : i32 to index
        %get3A_240 = arith.constant 80 : index
        %get3A_241 = tpu.vector_load %arg6[%get3A_239, %get3A_240] {strides = array<i32>} : memref<512x128xf32, #tpu.memory_space<vmem>>, vector<1x16xf32>,
        %get3A_242 = vector.shape_cast %get3A_241 : vector<1x16xf32> to vector<16xf32>
        %swap3A_243 = arith.index_cast %scan3A_205 : i32 to index
        %swap3A_244 = arith.constant 80 : index
        %swap3A_245 = tpu.vector_load %arg7[%swap3A_243, %swap3A_244] {strides = array<i32>} : memref<64x128xf32, #tpu.memory_space<vmem>>, vector<1x16xf32>,
        %swap3A_246 = vector.shape_cast %swap3A_245 : vector<1x16xf32> to vector<16xf32>
        %swap3A_247 = vector.shape_cast %get3A_242 : vector<16xf32> to vector<1x16xf32>
        tpu.vector_store %arg7[%swap3A_243, %swap3A_244], %swap3A_247 {strides = array<i32>} : memref<64x128xf32, #tpu.memory_space<vmem>>, vector<1x16xf32>,
        %get3A_248 = arith.index_cast %add3A_209 : i32 to index
        %get3A_249 = arith.constant 32 : index
        %get3A_250 = tpu.vector_load %arg6[%get3A_248, %get3A_249] {strides = array<i32>} : memref<512x128xf32, #tpu.memory_space<vmem>>, vector<1x16xf32>,
        %get3A_251 = vector.shape_cast %get3A_250 : vector<1x16xf32> to vector<16xf32>
        %swap3A_252 = arith.index_cast %scan3A_205 : i32 to index
        %swap3A_253 = arith.constant 32 : index
        %swap3A_254 = tpu.vector_load %arg7[%swap3A_252, %swap3A_253] {strides = array<i32>} : memref<64x128xf32, #tpu.memory_space<vmem>>, vector<1x16xf32>,
        %swap3A_255 = vector.shape_cast %swap3A_254 : vector<1x16xf32> to vector<16xf32>
        %swap3A_256 = vector.shape_cast %get3A_251 : vector<16xf32> to vector<1x16xf32>
        tpu.vector_store %arg7[%swap3A_252, %swap3A_253], %swap3A_256 {strides = array<i32>} : memref<64x128xf32, #tpu.memory_space<vmem>>, vector<1x16xf32>,
        %add3A_257 = arith.constant 1 : i32
        %add3A_258 = arith.addi %add3A_209, %add3A_257 : i32
        %get3A_259 = arith.index_cast %add3A_258 : i32 to index
        %get3A_260 = arith.constant 96 : index
        %get3A_261 = tpu.vector_load %arg6[%get3A_259, %get3A_260] {strides = array<i32>} : memref<512x128xf32, #tpu.memory_space<vmem>>, vector<1x16xf32>,
        %get3A_262 = vector.shape_cast %get3A_261 : vector<1x16xf32> to vector<16xf32>
        %swap3A_263 = arith.index_cast %scan3A_205 : i32 to index
        %swap3A_264 = arith.constant 96 : index
        %swap3A_265 = tpu.vector_load %arg7[%swap3A_263, %swap3A_264] {strides = array<i32>} : memref<64x128xf32, #tpu.memory_space<vmem>>, vector<1x16xf32>,
        %swap3A_266 = vector.shape_cast %swap3A_265 : vector<1x16xf32> to vector<16xf32>
        %swap3A_267 = vector.shape_cast %get3A_262 : vector<16xf32> to vector<1x16xf32>
        tpu.vector_store %arg7[%swap3A_263, %swap3A_264], %swap3A_267 {strides = array<i32>} : memref<64x128xf32, #tpu.memory_space<vmem>>, vector<1x16xf32>,
        %get3A_268 = arith.index_cast %add3A_209 : i32 to index
        %get3A_269 = arith.constant 48 : index
        %get3A_270 = tpu.vector_load %arg6[%get3A_268, %get3A_269] {strides = array<i32>} : memref<512x128xf32, #tpu.memory_space<vmem>>, vector<1x16xf32>,
        %get3A_271 = vector.shape_cast %get3A_270 : vector<1x16xf32> to vector<16xf32>
        %swap3A_272 = arith.index_cast %scan3A_205 : i32 to index
        %swap3A_273 = arith.constant 48 : index
        %swap3A_274 = tpu.vector_load %arg7[%swap3A_272, %swap3A_273] {strides = array<i32>} : memref<64x128xf32, #tpu.memory_space<vmem>>, vector<1x16xf32>,
        %swap3A_275 = vector.shape_cast %swap3A_274 : vector<1x16xf32> to vector<16xf32>
        %swap3A_276 = vector.shape_cast %get3A_271 : vector<16xf32> to vector<1x16xf32>
        tpu.vector_store %arg7[%swap3A_272, %swap3A_273], %swap3A_276 {strides = array<i32>} : memref<64x128xf32, #tpu.memory_space<vmem>>, vector<1x16xf32>,
        %add3A_277 = arith.constant 1 : i32
        %add3A_278 = arith.addi %add3A_209, %add3A_277 : i32
        %get3A_279 = arith.index_cast %add3A_278 : i32 to index
        %get3A_280 = arith.constant 112 : index
        %get3A_281 = tpu.vector_load %arg6[%get3A_279, %get3A_280] {strides = array<i32>} : memref<512x128xf32, #tpu.memory_space<vmem>>, vector<1x16xf32>,
        %get3A_282 = vector.shape_cast %get3A_281 : vector<1x16xf32> to vector<16xf32>
        %swap3A_283 = arith.index_cast %scan3A_205 : i32 to index
        %swap3A_284 = arith.constant 112 : index
        %swap3A_285 = tpu.vector_load %arg7[%swap3A_283, %swap3A_284] {strides = array<i32>} : memref<64x128xf32, #tpu.memory_space<vmem>>, vector<1x16xf32>,
        %swap3A_286 = vector.shape_cast %swap3A_285 : vector<1x16xf32> to vector<16xf32>
        %swap3A_287 = vector.shape_cast %get3A_282 : vector<16xf32> to vector<1x16xf32>
        tpu.vector_store %arg7[%swap3A_283, %swap3A_284], %swap3A_287 {strides = array<i32>} : memref<64x128xf32, #tpu.memory_space<vmem>>, vector<1x16xf32>,
      }
      %scan3A_176 = arith.constant 64 : i32
      %mul3A_177 = arith.constant 128 : i32
      %mul3A_178 = arith.muli %add3A_161, %mul3A_177 : i32
      %add3A_179 = arith.addi %mul3A_2, %mul3A_178 : i32
      %jit3A_180 = arith.constant 2 : i32
      %div3A_181 = arith.divsi %add3A_179, %jit3A_180 : i32
      %sign3A_182 = arith.constant 0 : i32
      %sign3A_183 = arith.cmpi sgt, %add3A_179, %sign3A_182 : i32
      %sign3A_184 = arith.extui %sign3A_183 : i1 to i32
      %sign3A_185 = arith.constant 0 : i32
      %sign3A_186 = arith.cmpi slt, %add3A_179, %sign3A_185 : i32
      %sign3A_187 = arith.extui %sign3A_186 : i1 to i32
      %sign3A_188 = arith.subi %sign3A_184, %sign3A_187 : i32
      %sign3A_189 = arith.constant 0 : i32
      %sign3A_190 = arith.cmpi sgt, %jit3A_180, %sign3A_189 : i32
      %sign3A_191 = arith.extui %sign3A_190 : i1 to i32
      %sign3A_192 = arith.constant 0 : i32
      %sign3A_193 = arith.cmpi slt, %jit3A_180, %sign3A_192 : i32
      %sign3A_194 = arith.extui %sign3A_193 : i1 to i32
      %sign3A_195 = arith.subi %sign3A_191, %sign3A_194 : i32
      %ne3A_196 = arith.cmpi ne, %sign3A_188, %sign3A_195 : i32
      %rem3A_197 = arith.remsi %add3A_179, %jit3A_180 : i32
      %ne3A_198 = arith.constant 0 : i32
      %ne3A_199 = arith.cmpi ne, %rem3A_197, %ne3A_198 : i32
      %and3A_200 = arith.andi %ne3A_196, %ne3A_199 : i1
      %sub3A_201 = arith.constant 1 : i32
      %sub3A_202 = arith.subi %div3A_181, %sub3A_201 : i32
      %select_n3A_203 = arith.select %and3A_200, %sub3A_202, %div3A_181 : i32
      %multiple_of3A_204 = tpu.assume_multiple %select_n3A_203, 64 : i32
      "tpu.region"() ({
        %run_scoped3A = tpu.sem_alloc : memref<!tpu.dma_semaphore, #tpu.memory_space<semaphore_mem>>
        %dma_start3A_205 = arith.constant 0 : i32
        %dma_start3A_206 = tpu.memref_slice %arg4[%multiple_of3A_204, %dma_start3A_205] : memref<131072x128xf32, #tpu.memory_space<hbm>> -> memref<64x128xf32, #tpu.memory_space<hbm>>
        %dma_start3A_207 = arith.constant 0 : i32
        %dma_start3A_208 = tpu.memref_slice %arg4[%multiple_of3A_204, %dma_start3A_207] : memref<131072x128xf32, #tpu.memory_space<hbm>> -> memref<64x128xf32, #tpu.memory_space<hbm>>
        tpu.enqueue_dma source(%arg7 : memref<64x128xf32, #tpu.memory_space<vmem>>) target(%dma_start3A_208 : memref<64x128xf32, #tpu.memory_space<hbm>>) target_semaphore(%run_scoped3A : memref<!tpu.dma_semaphore, #tpu.memory_space<semaphore_mem>>)
        %dma_wait3A_209 = arith.constant 0 : i32
        %dma_wait3A_210 = tpu.memref_slice %arg4[%multiple_of3A_204, %dma_wait3A_209] : memref<131072x128xf32, #tpu.memory_space<hbm>> -> memref<64x128xf32, #tpu.memory_space<hbm>>
        %dma_wait3A_211 = arith.constant 0 : i32
        %dma_wait3A_212 = tpu.memref_slice %arg4[%multiple_of3A_204, %dma_wait3A_211] : memref<131072x128xf32, #tpu.memory_space<hbm>> -> memref<64x128xf32, #tpu.memory_space<hbm>>
        tpu.wait_dma2 semaphore(%run_scoped3A : memref<!tpu.dma_semaphore, #tpu.memory_space<semaphore_mem>>) src(%arg7 : memref<64x128xf32, #tpu.memory_space<vmem>>) dst(%dma_wait3A_212 : memref<64x128xf32, #tpu.memory_space<hbm>>)
        tpu.yield
      }) : () -> ()
    }
    %scan3A_22 = arith.constant 16 : i32
    return
  }
}

#map = affine_map<(d0, d1) -> (0, 0)>
module attributes {stable_mosaic.version = 14 : i64} {
  func.func @gather_kernel(%arg0: i32, %arg1: i32, %arg2: memref<16384x128xf32, #tpu.memory_space<hbm>>, %arg3: memref<32x8192xi32, #tpu.memory_space<hbm>>, %arg4: memref<131072x128xf32, #tpu.memory_space<hbm>>, %arg5: memref<8192xi32, #tpu.memory_space<vmem>>, %arg6: memref<512x128xf32, #tpu.memory_space<vmem>>, %arg7: memref<64x128xf32, #tpu.memory_space<vmem>>, %arg8: memref<!tpu.dma_semaphore, #tpu.memory_space<semaphore_mem>>, %arg9: memref<!tpu.dma_semaphore, #tpu.memory_space<semaphore_mem>>, %arg10: memref<!tpu.dma_semaphore, #tpu.memory_space<semaphore_mem>>, %arg11: memref<!tpu.dma_semaphore, #tpu.memory_space<semaphore_mem>>) attributes {dimension_semantics = [#tpu.dimension_semantics<core_parallel>, #tpu.dimension_semantics<subcore_parallel>], iteration_bounds = array<i64: 2, 16>, scalar_prefetch = 0 : i64, scratch_operands = 7 : i64, tpu.core_type = #tpu.core_type<sc_vector_subcore>, window_params = [{transform_indices = #map}, {transform_indices = #map}, {transform_indices = #map}]} {
    %mul3A = arith.constant 2 : i32
    %mul3A_0 = arith.muli %arg1, %mul3A : i32
    %add3A = arith.addi %mul3A_0, %arg0 : i32
    %mul3A_1 = arith.constant 8192 : i32
    %mul3A_2 = arith.muli %add3A, %mul3A_1 : i32
    "tpu.region"() ({
      %run_scoped3A = tpu.sem_alloc : memref<!tpu.dma_semaphore, #tpu.memory_space<semaphore_mem>>
      %dma_start3A_23 = arith.constant 0 : i32
      %dma_start3A_24 = tpu.memref_slice %arg3[%add3A, %dma_start3A_23] : memref<32x8192xi32, #tpu.memory_space<hbm>> -> memref<1x8192xi32, #tpu.memory_space<hbm>>
      %dma_start3A_25 = tpu.memref_squeeze %dma_start3A_24 : memref<1x8192xi32, #tpu.memory_space<hbm>> -> memref<8192xi32, #tpu.memory_space<hbm>>
      %dma_start3A_26 = arith.constant 0 : i32
      %dma_start3A_27 = tpu.memref_slice %arg3[%add3A, %dma_start3A_26] : memref<32x8192xi32, #tpu.memory_space<hbm>> -> memref<1x8192xi32, #tpu.memory_space<hbm>>
      %dma_start3A_28 = tpu.memref_squeeze %dma_start3A_27 : memref<1x8192xi32, #tpu.memory_space<hbm>> -> memref<8192xi32, #tpu.memory_space<hbm>>
      tpu.enqueue_dma source(%dma_start3A_28 : memref<8192xi32, #tpu.memory_space<hbm>>) target(%arg5 : memref<8192xi32, #tpu.memory_space<vmem>>) target_semaphore(%run_scoped3A : memref<!tpu.dma_semaphore, #tpu.memory_space<semaphore_mem>>)
      %dma_wait3A = arith.constant 0 : i32
      %dma_wait3A_29 = tpu.memref_slice %arg3[%add3A, %dma_wait3A] : memref<32x8192xi32, #tpu.memory_space<hbm>> -> memref<1x8192xi32, #tpu.memory_space<hbm>>
      %dma_wait3A_30 = tpu.memref_squeeze %dma_wait3A_29 : memref<1x8192xi32, #tpu.memory_space<hbm>> -> memref<8192xi32, #tpu.memory_space<hbm>>
      %dma_wait3A_31 = arith.constant 0 : i32
      %dma_wait3A_32 = tpu.memref_slice %arg3[%add3A, %dma_wait3A_31] : memref<32x8192xi32, #tpu.memory_space<hbm>> -> memref<1x8192xi32, #tpu.memory_space<hbm>>
      %dma_wait3A_33 = tpu.memref_squeeze %dma_wait3A_32 : memref<1x8192xi32, #tpu.memory_space<hbm>> -> memref<8192xi32, #tpu.memory_space<hbm>>
      tpu.wait_dma2 semaphore(%run_scoped3A : memref<!tpu.dma_semaphore, #tpu.memory_space<semaphore_mem>>) src(%dma_wait3A_33 : memref<8192xi32, #tpu.memory_space<hbm>>) dst(%arg5 : memref<8192xi32, #tpu.memory_space<vmem>>)
      tpu.yield
    }) : () -> ()
    %dma_start3A = arith.constant 0 : i32
    %dma_start3A_3 = arith.constant 0 : i32
    %dma_start3A_4 = tpu.memref_slice %arg6[%dma_start3A, %dma_start3A_3] : memref<512x128xf32, #tpu.memory_space<vmem>> -> memref<128x128xf32, #tpu.memory_space<vmem>>
    %dma_start3A_5 = arith.constant 0 : i32
    %dma_start3A_6 = tpu.memref_slice %arg5[%dma_start3A_5] : memref<8192xi32, #tpu.memory_space<vmem>> -> memref<128xi32, #tpu.memory_space<vmem>>
    %dma_start3A_7 = arith.constant 0 : i32
    %dma_start3A_8 = arith.constant 0 : i32
    %dma_start3A_9 = tpu.memref_slice %arg2[%dma_start3A_7, %dma_start3A_8] : memref<16384x128xf32, #tpu.memory_space<hbm>> -> memref<16384x128xf32, #tpu.memory_space<hbm>>
    tpu.enqueue_indirect_dma source(%dma_start3A_9 : memref<16384x128xf32, #tpu.memory_space<hbm>>) target(%dma_start3A_4 : memref<128x128xf32, #tpu.memory_space<vmem>>) offsets(%dma_start3A_6 : memref<128xi32, #tpu.memory_space<vmem>>) semaphore(%arg8 : memref<!tpu.dma_semaphore, #tpu.memory_space<semaphore_mem>>)
    %dma_start3A_10 = arith.constant 128 : i32
    %dma_start3A_11 = arith.constant 0 : i32
    %dma_start3A_12 = tpu.memref_slice %arg6[%dma_start3A_10, %dma_start3A_11] : memref<512x128xf32, #tpu.memory_space<vmem>> -> memref<128x128xf32, #tpu.memory_space<vmem>>
    %dma_start3A_13 = arith.constant 128 : i32
    %dma_start3A_14 = tpu.memref_slice %arg5[%dma_start3A_13] : memref<8192xi32, #tpu.memory_space<vmem>> -> memref<128xi32, #tpu.memory_space<vmem>>
    %dma_start3A_15 = arith.constant 0 : i32
    %dma_start3A_16 = arith.constant 0 : i32
    %dma_start3A_17 = tpu.memref_slice %arg2[%dma_start3A_15, %dma_start3A_16] : memref<16384x128xf32, #tpu.memory_space<hbm>> -> memref<16384x128xf32, #tpu.memory_space<hbm>>
    tpu.enqueue_indirect_dma source(%dma_start3A_17 : memref<16384x128xf32, #tpu.memory_space<hbm>>) target(%dma_start3A_12 : memref<128x128xf32, #tpu.memory_space<vmem>>) offsets(%dma_start3A_14 : memref<128xi32, #tpu.memory_space<vmem>>) semaphore(%arg9 : memref<!tpu.dma_semaphore, #tpu.memory_space<semaphore_mem>>)
    %scan3A = arith.constant 0 : i32
    %scan3A_18 = arith.constant 0 : i32
    %scan3A_19 = arith.constant 16 : i32
    %scan3A_20 = arith.addi %scan3A_18, %scan3A_19 : i32
    %scan3A_21 = arith.constant 1 : i32
    scf.for %scan3A_23 = %scan3A_18 to %scan3A_20 step %scan3A_21  : i32 {
      %mul3A_24 = arith.constant 4 : i32
      %mul3A_25 = arith.muli %mul3A_24, %scan3A_23 : i32
      %add3A_26 = arith.constant 2 : i32
      %add3A_27 = arith.addi %mul3A_25, %add3A_26 : i32
      %lt3A = arith.constant 64 : i32
      %lt3A_28 = arith.cmpi slt, %add3A_27, %lt3A : i32
      %convert_element_type3A = arith.extui %lt3A_28 : i1 to i32
      %cond3A = arith.constant 0 : i32
      %cond3A_29 = arith.cmpi ne, %convert_element_type3A, %cond3A : i32
      scf.if %cond3A_29 {
        %add3A_205 = arith.constant 2 : i32
        %add3A_206 = arith.addi %mul3A_25, %add3A_205 : i32
        %mul3A_207 = arith.constant 128 : i32
        %mul3A_208 = arith.muli %add3A_206, %mul3A_207 : i32
        %dma_start3A_209 = arith.constant 256 : i32
        %dma_start3A_210 = arith.constant 0 : i32
        %dma_start3A_211 = tpu.memref_slice %arg6[%dma_start3A_209, %dma_start3A_210] : memref<512x128xf32, #tpu.memory_space<vmem>> -> memref<128x128xf32, #tpu.memory_space<vmem>>
        %dma_start3A_212 = tpu.memref_slice %arg5[%mul3A_208] : memref<8192xi32, #tpu.memory_space<vmem>> -> memref<128xi32, #tpu.memory_space<vmem>>
        %dma_start3A_213 = arith.constant 0 : i32
        %dma_start3A_214 = arith.constant 0 : i32
        %dma_start3A_215 = tpu.memref_slice %arg2[%dma_start3A_213, %dma_start3A_214] : memref<16384x128xf32, #tpu.memory_space<hbm>> -> memref<16384x128xf32, #tpu.memory_space<hbm>>
        tpu.enqueue_indirect_dma source(%dma_start3A_215 : memref<16384x128xf32, #tpu.memory_space<hbm>>) target(%dma_start3A_211 : memref<128x128xf32, #tpu.memory_space<vmem>>) offsets(%dma_start3A_212 : memref<128xi32, #tpu.memory_space<vmem>>) semaphore(%arg10 : memref<!tpu.dma_semaphore, #tpu.memory_space<semaphore_mem>>)
        %add3A_216 = arith.constant 3 : i32
        %add3A_217 = arith.addi %mul3A_25, %add3A_216 : i32
        %mul3A_218 = arith.constant 128 : i32
        %mul3A_219 = arith.muli %add3A_217, %mul3A_218 : i32
        %dma_start3A_220 = arith.constant 384 : i32
        %dma_start3A_221 = arith.constant 0 : i32
        %dma_start3A_222 = tpu.memref_slice %arg6[%dma_start3A_220, %dma_start3A_221] : memref<512x128xf32, #tpu.memory_space<vmem>> -> memref<128x128xf32, #tpu.memory_space<vmem>>
        %dma_start3A_223 = tpu.memref_slice %arg5[%mul3A_219] : memref<8192xi32, #tpu.memory_space<vmem>> -> memref<128xi32, #tpu.memory_space<vmem>>
        %dma_start3A_224 = arith.constant 0 : i32
        %dma_start3A_225 = arith.constant 0 : i32
        %dma_start3A_226 = tpu.memref_slice %arg2[%dma_start3A_224, %dma_start3A_225] : memref<16384x128xf32, #tpu.memory_space<hbm>> -> memref<16384x128xf32, #tpu.memory_space<hbm>>
        tpu.enqueue_indirect_dma source(%dma_start3A_226 : memref<16384x128xf32, #tpu.memory_space<hbm>>) target(%dma_start3A_222 : memref<128x128xf32, #tpu.memory_space<vmem>>) offsets(%dma_start3A_223 : memref<128xi32, #tpu.memory_space<vmem>>) semaphore(%arg11 : memref<!tpu.dma_semaphore, #tpu.memory_space<semaphore_mem>>)
      } else {
      }
      %mul3A_30 = arith.constant 128 : i32
      %mul3A_31 = arith.muli %mul3A_25, %mul3A_30 : i32
      %dma_wait3A = arith.constant 0 : i32
      %dma_wait3A_32 = arith.constant 0 : i32
      %dma_wait3A_33 = tpu.memref_slice %arg6[%dma_wait3A, %dma_wait3A_32] : memref<512x128xf32, #tpu.memory_space<vmem>> -> memref<128x128xf32, #tpu.memory_space<vmem>>
      %dma_wait3A_34 = tpu.memref_slice %arg5[%mul3A_31] : memref<8192xi32, #tpu.memory_space<vmem>> -> memref<128xi32, #tpu.memory_space<vmem>>
      %dma_wait3A_35 = arith.constant 0 : i32
      %dma_wait3A_36 = arith.constant 0 : i32
      %dma_wait3A_37 = tpu.memref_slice %arg2[%dma_wait3A_35, %dma_wait3A_36] : memref<16384x128xf32, #tpu.memory_space<hbm>> -> memref<16384x128xf32, #tpu.memory_space<hbm>>
      tpu.wait_indirect_dma semaphore(%arg8 : memref<!tpu.dma_semaphore, #tpu.memory_space<semaphore_mem>>) src(%dma_wait3A_37 : memref<16384x128xf32, #tpu.memory_space<hbm>>) dst(%dma_wait3A_33 : memref<128x128xf32, #tpu.memory_space<vmem>>)
      %scan3A_38 = arith.constant 0 : i32
      %scan3A_39 = arith.constant 0 : i32
      %scan3A_40 = arith.constant 64 : i32
      %scan3A_41 = arith.addi %scan3A_39, %scan3A_40 : i32
      %scan3A_42 = arith.constant 1 : i32
      scf.for %scan3A_205 = %scan3A_39 to %scan3A_41 step %scan3A_42  : i32 {
        %mul3A_206 = arith.constant 2 : i32
        %mul3A_207 = arith.muli %mul3A_206, %scan3A_205 : i32
        %add3A_208 = arith.constant 0 : i32
        %add3A_209 = arith.addi %add3A_208, %mul3A_207 : i32
        %get3A = arith.index_cast %add3A_209 : i32 to index
        %get3A_210 = arith.constant 0 : index
        %get3A_211 = tpu.vector_load %arg6[%get3A, %get3A_210] {strides = array<i32>} : memref<512x128xf32, #tpu.memory_space<vmem>>, vector<1x16xf32>,
        %get3A_212 = vector.shape_cast %get3A_211 : vector<1x16xf32> to vector<16xf32>
        %swap3A = arith.index_cast %scan3A_205 : i32 to index
        %swap3A_213 = arith.constant 0 : index
        %swap3A_214 = tpu.vector_load %arg7[%swap3A, %swap3A_213] {strides = array<i32>} : memref<64x128xf32, #tpu.memory_space<vmem>>, vector<1x16xf32>,
        %swap3A_215 = vector.shape_cast %swap3A_214 : vector<1x16xf32> to vector<16xf32>
        %swap3A_216 = vector.shape_cast %get3A_212 : vector<16xf32> to vector<1x16xf32>
        tpu.vector_store %arg7[%swap3A, %swap3A_213], %swap3A_216 {strides = array<i32>} : memref<64x128xf32, #tpu.memory_space<vmem>>, vector<1x16xf32>,
        %add3A_217 = arith.constant 1 : i32
        %add3A_218 = arith.addi %add3A_209, %add3A_217 : i32
        %get3A_219 = arith.index_cast %add3A_218 : i32 to index
        %get3A_220 = arith.constant 64 : index
        %get3A_221 = tpu.vector_load %arg6[%get3A_219, %get3A_220] {strides = array<i32>} : memref<512x128xf32, #tpu.memory_space<vmem>>, vector<1x16xf32>,
        %get3A_222 = vector.shape_cast %get3A_221 : vector<1x16xf32> to vector<16xf32>
        %swap3A_223 = arith.index_cast %scan3A_205 : i32 to index
        %swap3A_224 = arith.constant 64 : index
        %swap3A_225 = tpu.vector_load %arg7[%swap3A_223, %swap3A_224] {strides = array<i32>} : memref<64x128xf32, #tpu.memory_space<vmem>>, vector<1x16xf32>,
        %swap3A_226 = vector.shape_cast %swap3A_225 : vector<1x16xf32> to vector<16xf32>
        %swap3A_227 = vector.shape_cast %get3A_222 : vector<16xf32> to vector<1x16xf32>
        tpu.vector_store %arg7[%swap3A_223, %swap3A_224], %swap3A_227 {strides = array<i32>} : memref<64x128xf32, #tpu.memory_space<vmem>>, vector<1x16xf32>,
        %get3A_228 = arith.index_cast %add3A_209 : i32 to index
        %get3A_229 = arith.constant 16 : index
        %get3A_230 = tpu.vector_load %arg6[%get3A_228, %get3A_229] {strides = array<i32>} : memref<512x128xf32, #tpu.memory_space<vmem>>, vector<1x16xf32>,
        %get3A_231 = vector.shape_cast %get3A_230 : vector<1x16xf32> to vector<16xf32>
        %swap3A_232 = arith.index_cast %scan3A_205 : i32 to index
        %swap3A_233 = arith.constant 16 : index
        %swap3A_234 = tpu.vector_load %arg7[%swap3A_232, %swap3A_233] {strides = array<i32>} : memref<64x128xf32, #tpu.memory_space<vmem>>, vector<1x16xf32>,
        %swap3A_235 = vector.shape_cast %swap3A_234 : vector<1x16xf32> to vector<16xf32>
        %swap3A_236 = vector.shape_cast %get3A_231 : vector<16xf32> to vector<1x16xf32>
        tpu.vector_store %arg7[%swap3A_232, %swap3A_233], %swap3A_236 {strides = array<i32>} : memref<64x128xf32, #tpu.memory_space<vmem>>, vector<1x16xf32>,
        %add3A_237 = arith.constant 1 : i32
        %add3A_238 = arith.addi %add3A_209, %add3A_237 : i32
        %get3A_239 = arith.index_cast %add3A_238 : i32 to index
        %get3A_240 = arith.constant 80 : index
        %get3A_241 = tpu.vector_load %arg6[%get3A_239, %get3A_240] {strides = array<i32>} : memref<512x128xf32, #tpu.memory_space<vmem>>, vector<1x16xf32>,
        %get3A_242 = vector.shape_cast %get3A_241 : vector<1x16xf32> to vector<16xf32>
        %swap3A_243 = arith.index_cast %scan3A_205 : i32 to index
        %swap3A_244 = arith.constant 80 : index
        %swap3A_245 = tpu.vector_load %arg7[%swap3A_243, %swap3A_244] {strides = array<i32>} : memref<64x128xf32, #tpu.memory_space<vmem>>, vector<1x16xf32>,
        %swap3A_246 = vector.shape_cast %swap3A_245 : vector<1x16xf32> to vector<16xf32>
        %swap3A_247 = vector.shape_cast %get3A_242 : vector<16xf32> to vector<1x16xf32>
        tpu.vector_store %arg7[%swap3A_243, %swap3A_244], %swap3A_247 {strides = array<i32>} : memref<64x128xf32, #tpu.memory_space<vmem>>, vector<1x16xf32>,
        %get3A_248 = arith.index_cast %add3A_209 : i32 to index
        %get3A_249 = arith.constant 32 : index
        %get3A_250 = tpu.vector_load %arg6[%get3A_248, %get3A_249] {strides = array<i32>} : memref<512x128xf32, #tpu.memory_space<vmem>>, vector<1x16xf32>,
        %get3A_251 = vector.shape_cast %get3A_250 : vector<1x16xf32> to vector<16xf32>
        %swap3A_252 = arith.index_cast %scan3A_205 : i32 to index
        %swap3A_253 = arith.constant 32 : index
        %swap3A_254 = tpu.vector_load %arg7[%swap3A_252, %swap3A_253] {strides = array<i32>} : memref<64x128xf32, #tpu.memory_space<vmem>>, vector<1x16xf32>,
        %swap3A_255 = vector.shape_cast %swap3A_254 : vector<1x16xf32> to vector<16xf32>
        %swap3A_256 = vector.shape_cast %get3A_251 : vector<16xf32> to vector<1x16xf32>
        tpu.vector_store %arg7[%swap3A_252, %swap3A_253], %swap3A_256 {strides = array<i32>} : memref<64x128xf32, #tpu.memory_space<vmem>>, vector<1x16xf32>,
        %add3A_257 = arith.constant 1 : i32
        %add3A_258 = arith.addi %add3A_209, %add3A_257 : i32
        %get3A_259 = arith.index_cast %add3A_258 : i32 to index
        %get3A_260 = arith.constant 96 : index
        %get3A_261 = tpu.vector_load %arg6[%get3A_259, %get3A_260] {strides = array<i32>} : memref<512x128xf32, #tpu.memory_space<vmem>>, vector<1x16xf32>,
        %get3A_262 = vector.shape_cast %get3A_261 : vector<1x16xf32> to vector<16xf32>
        %swap3A_263 = arith.index_cast %scan3A_205 : i32 to index
        %swap3A_264 = arith.constant 96 : index
        %swap3A_265 = tpu.vector_load %arg7[%swap3A_263, %swap3A_264] {strides = array<i32>} : memref<64x128xf32, #tpu.memory_space<vmem>>, vector<1x16xf32>,
        %swap3A_266 = vector.shape_cast %swap3A_265 : vector<1x16xf32> to vector<16xf32>
        %swap3A_267 = vector.shape_cast %get3A_262 : vector<16xf32> to vector<1x16xf32>
        tpu.vector_store %arg7[%swap3A_263, %swap3A_264], %swap3A_267 {strides = array<i32>} : memref<64x128xf32, #tpu.memory_space<vmem>>, vector<1x16xf32>,
        %get3A_268 = arith.index_cast %add3A_209 : i32 to index
        %get3A_269 = arith.constant 48 : index
        %get3A_270 = tpu.vector_load %arg6[%get3A_268, %get3A_269] {strides = array<i32>} : memref<512x128xf32, #tpu.memory_space<vmem>>, vector<1x16xf32>,
        %get3A_271 = vector.shape_cast %get3A_270 : vector<1x16xf32> to vector<16xf32>
        %swap3A_272 = arith.index_cast %scan3A_205 : i32 to index
        %swap3A_273 = arith.constant 48 : index
        %swap3A_274 = tpu.vector_load %arg7[%swap3A_272, %swap3A_273] {strides = array<i32>} : memref<64x128xf32, #tpu.memory_space<vmem>>, vector<1x16xf32>,
        %swap3A_275 = vector.shape_cast %swap3A_274 : vector<1x16xf32> to vector<16xf32>
        %swap3A_276 = vector.shape_cast %get3A_271 : vector<16xf32> to vector<1x16xf32>
        tpu.vector_store %arg7[%swap3A_272, %swap3A_273], %swap3A_276 {strides = array<i32>} : memref<64x128xf32, #tpu.memory_space<vmem>>, vector<1x16xf32>,
        %add3A_277 = arith.constant 1 : i32
        %add3A_278 = arith.addi %add3A_209, %add3A_277 : i32
        %get3A_279 = arith.index_cast %add3A_278 : i32 to index
        %get3A_280 = arith.constant 112 : index
        %get3A_281 = tpu.vector_load %arg6[%get3A_279, %get3A_280] {strides = array<i32>} : memref<512x128xf32, #tpu.memory_space<vmem>>, vector<1x16xf32>,
        %get3A_282 = vector.shape_cast %get3A_281 : vector<1x16xf32> to vector<16xf32>
        %swap3A_283 = arith.index_cast %scan3A_205 : i32 to index
        %swap3A_284 = arith.constant 112 : index
        %swap3A_285 = tpu.vector_load %arg7[%swap3A_283, %swap3A_284] {strides = array<i32>} : memref<64x128xf32, #tpu.memory_space<vmem>>, vector<1x16xf32>,
        %swap3A_286 = vector.shape_cast %swap3A_285 : vector<1x16xf32> to vector<16xf32>
        %swap3A_287 = vector.shape_cast %get3A_282 : vector<16xf32> to vector<1x16xf32>
        tpu.vector_store %arg7[%swap3A_283, %swap3A_284], %swap3A_287 {strides = array<i32>} : memref<64x128xf32, #tpu.memory_space<vmem>>, vector<1x16xf32>,
      }
      %scan3A_43 = arith.constant 64 : i32
      %mul3A_44 = arith.constant 128 : i32
      %mul3A_45 = arith.muli %mul3A_25, %mul3A_44 : i32
      %add3A_46 = arith.addi %mul3A_2, %mul3A_45 : i32
      %jit3A = arith.constant 2 : i32
      %div3A = arith.divsi %add3A_46, %jit3A : i32
      %sign3A = arith.constant 0 : i32
      %sign3A_47 = arith.cmpi sgt, %add3A_46, %sign3A : i32
      %sign3A_48 = arith.extui %sign3A_47 : i1 to i32
      %sign3A_49 = arith.constant 0 : i32
      %sign3A_50 = arith.cmpi slt, %add3A_46, %sign3A_49 : i32
      %sign3A_51 = arith.extui %sign3A_50 : i1 to i32
      %sign3A_52 = arith.subi %sign3A_48, %sign3A_51 : i32
      %sign3A_53 = arith.constant 0 : i32
      %sign3A_54 = arith.cmpi sgt, %jit3A, %sign3A_53 : i32
      %sign3A_55 = arith.extui %sign3A_54 : i1 to i32
      %sign3A_56 = arith.constant 0 : i32
      %sign3A_57 = arith.cmpi slt, %jit3A, %sign3A_56 : i32
      %sign3A_58 = arith.extui %sign3A_57 : i1 to i32
      %sign3A_59 = arith.subi %sign3A_55, %sign3A_58 : i32
      %ne3A = arith.cmpi ne, %sign3A_52, %sign3A_59 : i32
      %rem3A = arith.remsi %add3A_46, %jit3A : i32
      %ne3A_60 = arith.constant 0 : i32
      %ne3A_61 = arith.cmpi ne, %rem3A, %ne3A_60 : i32
      %and3A = arith.andi %ne3A, %ne3A_61 : i1
      %sub3A = arith.constant 1 : i32
      %sub3A_62 = arith.subi %div3A, %sub3A : i32
      %select_n3A = arith.select %and3A, %sub3A_62, %div3A : i32
      %multiple_of3A = tpu.assume_multiple %select_n3A, 64 : i32
      "tpu.region"() ({
        %run_scoped3A = tpu.sem_alloc : memref<!tpu.dma_semaphore, #tpu.memory_space<semaphore_mem>>
        %dma_start3A_205 = arith.constant 0 : i32
        %dma_start3A_206 = tpu.memref_slice %arg4[%multiple_of3A, %dma_start3A_205] : memref<131072x128xf32, #tpu.memory_space<hbm>> -> memref<64x128xf32, #tpu.memory_space<hbm>>
        %dma_start3A_207 = arith.constant 0 : i32
        %dma_start3A_208 = tpu.memref_slice %arg4[%multiple_of3A, %dma_start3A_207] : memref<131072x128xf32, #tpu.memory_space<hbm>> -> memref<64x128xf32, #tpu.memory_space<hbm>>
        tpu.enqueue_dma source(%arg7 : memref<64x128xf32, #tpu.memory_space<vmem>>) target(%dma_start3A_208 : memref<64x128xf32, #tpu.memory_space<hbm>>) target_semaphore(%run_scoped3A : memref<!tpu.dma_semaphore, #tpu.memory_space<semaphore_mem>>)
        %dma_wait3A_209 = arith.constant 0 : i32
        %dma_wait3A_210 = tpu.memref_slice %arg4[%multiple_of3A, %dma_wait3A_209] : memref<131072x128xf32, #tpu.memory_space<hbm>> -> memref<64x128xf32, #tpu.memory_space<hbm>>
        %dma_wait3A_211 = arith.constant 0 : i32
        %dma_wait3A_212 = tpu.memref_slice %arg4[%multiple_of3A, %dma_wait3A_211] : memref<131072x128xf32, #tpu.memory_space<hbm>> -> memref<64x128xf32, #tpu.memory_space<hbm>>
        tpu.wait_dma2 semaphore(%run_scoped3A : memref<!tpu.dma_semaphore, #tpu.memory_space<semaphore_mem>>) src(%arg7 : memref<64x128xf32, #tpu.memory_space<vmem>>) dst(%dma_wait3A_212 : memref<64x128xf32, #tpu.memory_space<hbm>>)
        tpu.yield
      }) : () -> ()
      %add3A_63 = arith.constant 1 : i32
      %add3A_64 = arith.addi %mul3A_25, %add3A_63 : i32
      %mul3A_65 = arith.constant 128 : i32
      %mul3A_66 = arith.muli %add3A_64, %mul3A_65 : i32
      %dma_wait3A_67 = arith.constant 128 : i32
      %dma_wait3A_68 = arith.constant 0 : i32
      %dma_wait3A_69 = tpu.memref_slice %arg6[%dma_wait3A_67, %dma_wait3A_68] : memref<512x128xf32, #tpu.memory_space<vmem>> -> memref<128x128xf32, #tpu.memory_space<vmem>>
      %dma_wait3A_70 = tpu.memref_slice %arg5[%mul3A_66] : memref<8192xi32, #tpu.memory_space<vmem>> -> memref<128xi32, #tpu.memory_space<vmem>>
      %dma_wait3A_71 = arith.constant 0 : i32
      %dma_wait3A_72 = arith.constant 0 : i32
      %dma_wait3A_73 = tpu.memref_slice %arg2[%dma_wait3A_71, %dma_wait3A_72] : memref<16384x128xf32, #tpu.memory_space<hbm>> -> memref<16384x128xf32, #tpu.memory_space<hbm>>
      tpu.wait_indirect_dma semaphore(%arg9 : memref<!tpu.dma_semaphore, #tpu.memory_space<semaphore_mem>>) src(%dma_wait3A_73 : memref<16384x128xf32, #tpu.memory_space<hbm>>) dst(%dma_wait3A_69 : memref<128x128xf32, #tpu.memory_space<vmem>>)
      %scan3A_74 = arith.constant 0 : i32
      %scan3A_75 = arith.constant 0 : i32
      %scan3A_76 = arith.constant 64 : i32
      %scan3A_77 = arith.addi %scan3A_75, %scan3A_76 : i32
      %scan3A_78 = arith.constant 1 : i32
      scf.for %scan3A_205 = %scan3A_75 to %scan3A_77 step %scan3A_78  : i32 {
        %mul3A_206 = arith.constant 2 : i32
        %mul3A_207 = arith.muli %mul3A_206, %scan3A_205 : i32
        %add3A_208 = arith.constant 128 : i32
        %add3A_209 = arith.addi %add3A_208, %mul3A_207 : i32
        %get3A = arith.index_cast %add3A_209 : i32 to index
        %get3A_210 = arith.constant 0 : index
        %get3A_211 = tpu.vector_load %arg6[%get3A, %get3A_210] {strides = array<i32>} : memref<512x128xf32, #tpu.memory_space<vmem>>, vector<1x16xf32>,
        %get3A_212 = vector.shape_cast %get3A_211 : vector<1x16xf32> to vector<16xf32>
        %swap3A = arith.index_cast %scan3A_205 : i32 to index
        %swap3A_213 = arith.constant 0 : index
        %swap3A_214 = tpu.vector_load %arg7[%swap3A, %swap3A_213] {strides = array<i32>} : memref<64x128xf32, #tpu.memory_space<vmem>>, vector<1x16xf32>,
        %swap3A_215 = vector.shape_cast %swap3A_214 : vector<1x16xf32> to vector<16xf32>
        %swap3A_216 = vector.shape_cast %get3A_212 : vector<16xf32> to vector<1x16xf32>
        tpu.vector_store %arg7[%swap3A, %swap3A_213], %swap3A_216 {strides = array<i32>} : memref<64x128xf32, #tpu.memory_space<vmem>>, vector<1x16xf32>,
        %add3A_217 = arith.constant 1 : i32
        %add3A_218 = arith.addi %add3A_209, %add3A_217 : i32
        %get3A_219 = arith.index_cast %add3A_218 : i32 to index
        %get3A_220 = arith.constant 64 : index
        %get3A_221 = tpu.vector_load %arg6[%get3A_219, %get3A_220] {strides = array<i32>} : memref<512x128xf32, #tpu.memory_space<vmem>>, vector<1x16xf32>,
        %get3A_222 = vector.shape_cast %get3A_221 : vector<1x16xf32> to vector<16xf32>
        %swap3A_223 = arith.index_cast %scan3A_205 : i32 to index
        %swap3A_224 = arith.constant 64 : index
        %swap3A_225 = tpu.vector_load %arg7[%swap3A_223, %swap3A_224] {strides = array<i32>} : memref<64x128xf32, #tpu.memory_space<vmem>>, vector<1x16xf32>,
        %swap3A_226 = vector.shape_cast %swap3A_225 : vector<1x16xf32> to vector<16xf32>
        %swap3A_227 = vector.shape_cast %get3A_222 : vector<16xf32> to vector<1x16xf32>
        tpu.vector_store %arg7[%swap3A_223, %swap3A_224], %swap3A_227 {strides = array<i32>} : memref<64x128xf32, #tpu.memory_space<vmem>>, vector<1x16xf32>,
        %get3A_228 = arith.index_cast %add3A_209 : i32 to index
        %get3A_229 = arith.constant 16 : index
        %get3A_230 = tpu.vector_load %arg6[%get3A_228, %get3A_229] {strides = array<i32>} : memref<512x128xf32, #tpu.memory_space<vmem>>, vector<1x16xf32>,
        %get3A_231 = vector.shape_cast %get3A_230 : vector<1x16xf32> to vector<16xf32>
        %swap3A_232 = arith.index_cast %scan3A_205 : i32 to index
        %swap3A_233 = arith.constant 16 : index
        %swap3A_234 = tpu.vector_load %arg7[%swap3A_232, %swap3A_233] {strides = array<i32>} : memref<64x128xf32, #tpu.memory_space<vmem>>, vector<1x16xf32>,
        %swap3A_235 = vector.shape_cast %swap3A_234 : vector<1x16xf32> to vector<16xf32>
        %swap3A_236 = vector.shape_cast %get3A_231 : vector<16xf32> to vector<1x16xf32>
        tpu.vector_store %arg7[%swap3A_232, %swap3A_233], %swap3A_236 {strides = array<i32>} : memref<64x128xf32, #tpu.memory_space<vmem>>, vector<1x16xf32>,
        %add3A_237 = arith.constant 1 : i32
        %add3A_238 = arith.addi %add3A_209, %add3A_237 : i32
        %get3A_239 = arith.index_cast %add3A_238 : i32 to index
        %get3A_240 = arith.constant 80 : index
        %get3A_241 = tpu.vector_load %arg6[%get3A_239, %get3A_240] {strides = array<i32>} : memref<512x128xf32, #tpu.memory_space<vmem>>, vector<1x16xf32>,
        %get3A_242 = vector.shape_cast %get3A_241 : vector<1x16xf32> to vector<16xf32>
        %swap3A_243 = arith.index_cast %scan3A_205 : i32 to index
        %swap3A_244 = arith.constant 80 : index
        %swap3A_245 = tpu.vector_load %arg7[%swap3A_243, %swap3A_244] {strides = array<i32>} : memref<64x128xf32, #tpu.memory_space<vmem>>, vector<1x16xf32>,
        %swap3A_246 = vector.shape_cast %swap3A_245 : vector<1x16xf32> to vector<16xf32>
        %swap3A_247 = vector.shape_cast %get3A_242 : vector<16xf32> to vector<1x16xf32>
        tpu.vector_store %arg7[%swap3A_243, %swap3A_244], %swap3A_247 {strides = array<i32>} : memref<64x128xf32, #tpu.memory_space<vmem>>, vector<1x16xf32>,
        %get3A_248 = arith.index_cast %add3A_209 : i32 to index
        %get3A_249 = arith.constant 32 : index
        %get3A_250 = tpu.vector_load %arg6[%get3A_248, %get3A_249] {strides = array<i32>} : memref<512x128xf32, #tpu.memory_space<vmem>>, vector<1x16xf32>,
        %get3A_251 = vector.shape_cast %get3A_250 : vector<1x16xf32> to vector<16xf32>
        %swap3A_252 = arith.index_cast %scan3A_205 : i32 to index
        %swap3A_253 = arith.constant 32 : index
        %swap3A_254 = tpu.vector_load %arg7[%swap3A_252, %swap3A_253] {strides = array<i32>} : memref<64x128xf32, #tpu.memory_space<vmem>>, vector<1x16xf32>,
        %swap3A_255 = vector.shape_cast %swap3A_254 : vector<1x16xf32> to vector<16xf32>
        %swap3A_256 = vector.shape_cast %get3A_251 : vector<16xf32> to vector<1x16xf32>
        tpu.vector_store %arg7[%swap3A_252, %swap3A_253], %swap3A_256 {strides = array<i32>} : memref<64x128xf32, #tpu.memory_space<vmem>>, vector<1x16xf32>,
        %add3A_257 = arith.constant 1 : i32
        %add3A_258 = arith.addi %add3A_209, %add3A_257 : i32
        %get3A_259 = arith.index_cast %add3A_258 : i32 to index
        %get3A_260 = arith.constant 96 : index
        %get3A_261 = tpu.vector_load %arg6[%get3A_259, %get3A_260] {strides = array<i32>} : memref<512x128xf32, #tpu.memory_space<vmem>>, vector<1x16xf32>,
        %get3A_262 = vector.shape_cast %get3A_261 : vector<1x16xf32> to vector<16xf32>
        %swap3A_263 = arith.index_cast %scan3A_205 : i32 to index
        %swap3A_264 = arith.constant 96 : index
        %swap3A_265 = tpu.vector_load %arg7[%swap3A_263, %swap3A_264] {strides = array<i32>} : memref<64x128xf32, #tpu.memory_space<vmem>>, vector<1x16xf32>,
        %swap3A_266 = vector.shape_cast %swap3A_265 : vector<1x16xf32> to vector<16xf32>
        %swap3A_267 = vector.shape_cast %get3A_262 : vector<16xf32> to vector<1x16xf32>
        tpu.vector_store %arg7[%swap3A_263, %swap3A_264], %swap3A_267 {strides = array<i32>} : memref<64x128xf32, #tpu.memory_space<vmem>>, vector<1x16xf32>,
        %get3A_268 = arith.index_cast %add3A_209 : i32 to index
        %get3A_269 = arith.constant 48 : index
        %get3A_270 = tpu.vector_load %arg6[%get3A_268, %get3A_269] {strides = array<i32>} : memref<512x128xf32, #tpu.memory_space<vmem>>, vector<1x16xf32>,
        %get3A_271 = vector.shape_cast %get3A_270 : vector<1x16xf32> to vector<16xf32>
        %swap3A_272 = arith.index_cast %scan3A_205 : i32 to index
        %swap3A_273 = arith.constant 48 : index
        %swap3A_274 = tpu.vector_load %arg7[%swap3A_272, %swap3A_273] {strides = array<i32>} : memref<64x128xf32, #tpu.memory_space<vmem>>, vector<1x16xf32>,
        %swap3A_275 = vector.shape_cast %swap3A_274 : vector<1x16xf32> to vector<16xf32>
        %swap3A_276 = vector.shape_cast %get3A_271 : vector<16xf32> to vector<1x16xf32>
        tpu.vector_store %arg7[%swap3A_272, %swap3A_273], %swap3A_276 {strides = array<i32>} : memref<64x128xf32, #tpu.memory_space<vmem>>, vector<1x16xf32>,
        %add3A_277 = arith.constant 1 : i32
        %add3A_278 = arith.addi %add3A_209, %add3A_277 : i32
        %get3A_279 = arith.index_cast %add3A_278 : i32 to index
        %get3A_280 = arith.constant 112 : index
        %get3A_281 = tpu.vector_load %arg6[%get3A_279, %get3A_280] {strides = array<i32>} : memref<512x128xf32, #tpu.memory_space<vmem>>, vector<1x16xf32>,
        %get3A_282 = vector.shape_cast %get3A_281 : vector<1x16xf32> to vector<16xf32>
        %swap3A_283 = arith.index_cast %scan3A_205 : i32 to index
        %swap3A_284 = arith.constant 112 : index
        %swap3A_285 = tpu.vector_load %arg7[%swap3A_283, %swap3A_284] {strides = array<i32>} : memref<64x128xf32, #tpu.memory_space<vmem>>, vector<1x16xf32>,
        %swap3A_286 = vector.shape_cast %swap3A_285 : vector<1x16xf32> to vector<16xf32>
        %swap3A_287 = vector.shape_cast %get3A_282 : vector<16xf32> to vector<1x16xf32>
        tpu.vector_store %arg7[%swap3A_283, %swap3A_284], %swap3A_287 {strides = array<i32>} : memref<64x128xf32, #tpu.memory_space<vmem>>, vector<1x16xf32>,
      }
      %scan3A_79 = arith.constant 64 : i32
      %mul3A_80 = arith.constant 128 : i32
      %mul3A_81 = arith.muli %add3A_64, %mul3A_80 : i32
      %add3A_82 = arith.addi %mul3A_2, %mul3A_81 : i32
      %jit3A_83 = arith.constant 2 : i32
      %div3A_84 = arith.divsi %add3A_82, %jit3A_83 : i32
      %sign3A_85 = arith.constant 0 : i32
      %sign3A_86 = arith.cmpi sgt, %add3A_82, %sign3A_85 : i32
      %sign3A_87 = arith.extui %sign3A_86 : i1 to i32
      %sign3A_88 = arith.constant 0 : i32
      %sign3A_89 = arith.cmpi slt, %add3A_82, %sign3A_88 : i32
      %sign3A_90 = arith.extui %sign3A_89 : i1 to i32
      %sign3A_91 = arith.subi %sign3A_87, %sign3A_90 : i32
      %sign3A_92 = arith.constant 0 : i32
      %sign3A_93 = arith.cmpi sgt, %jit3A_83, %sign3A_92 : i32
      %sign3A_94 = arith.extui %sign3A_93 : i1 to i32
      %sign3A_95 = arith.constant 0 : i32
      %sign3A_96 = arith.cmpi slt, %jit3A_83, %sign3A_95 : i32
      %sign3A_97 = arith.extui %sign3A_96 : i1 to i32
      %sign3A_98 = arith.subi %sign3A_94, %sign3A_97 : i32
      %ne3A_99 = arith.cmpi ne, %sign3A_91, %sign3A_98 : i32
      %rem3A_100 = arith.remsi %add3A_82, %jit3A_83 : i32
      %ne3A_101 = arith.constant 0 : i32
      %ne3A_102 = arith.cmpi ne, %rem3A_100, %ne3A_101 : i32
      %and3A_103 = arith.andi %ne3A_99, %ne3A_102 : i1
      %sub3A_104 = arith.constant 1 : i32
      %sub3A_105 = arith.subi %div3A_84, %sub3A_104 : i32
      %select_n3A_106 = arith.select %and3A_103, %sub3A_105, %div3A_84 : i32
      %multiple_of3A_107 = tpu.assume_multiple %select_n3A_106, 64 : i32
      "tpu.region"() ({
        %run_scoped3A = tpu.sem_alloc : memref<!tpu.dma_semaphore, #tpu.memory_space<semaphore_mem>>
        %dma_start3A_205 = arith.constant 0 : i32
        %dma_start3A_206 = tpu.memref_slice %arg4[%multiple_of3A_107, %dma_start3A_205] : memref<131072x128xf32, #tpu.memory_space<hbm>> -> memref<64x128xf32, #tpu.memory_space<hbm>>
        %dma_start3A_207 = arith.constant 0 : i32
        %dma_start3A_208 = tpu.memref_slice %arg4[%multiple_of3A_107, %dma_start3A_207] : memref<131072x128xf32, #tpu.memory_space<hbm>> -> memref<64x128xf32, #tpu.memory_space<hbm>>
        tpu.enqueue_dma source(%arg7 : memref<64x128xf32, #tpu.memory_space<vmem>>) target(%dma_start3A_208 : memref<64x128xf32, #tpu.memory_space<hbm>>) target_semaphore(%run_scoped3A : memref<!tpu.dma_semaphore, #tpu.memory_space<semaphore_mem>>)
        %dma_wait3A_209 = arith.constant 0 : i32
        %dma_wait3A_210 = tpu.memref_slice %arg4[%multiple_of3A_107, %dma_wait3A_209] : memref<131072x128xf32, #tpu.memory_space<hbm>> -> memref<64x128xf32, #tpu.memory_space<hbm>>
        %dma_wait3A_211 = arith.constant 0 : i32
        %dma_wait3A_212 = tpu.memref_slice %arg4[%multiple_of3A_107, %dma_wait3A_211] : memref<131072x128xf32, #tpu.memory_space<hbm>> -> memref<64x128xf32, #tpu.memory_space<hbm>>
        tpu.wait_dma2 semaphore(%run_scoped3A : memref<!tpu.dma_semaphore, #tpu.memory_space<semaphore_mem>>) src(%arg7 : memref<64x128xf32, #tpu.memory_space<vmem>>) dst(%dma_wait3A_212 : memref<64x128xf32, #tpu.memory_space<hbm>>)
        tpu.yield
      }) : () -> ()
      %add3A_108 = arith.constant 4 : i32
      %add3A_109 = arith.addi %mul3A_25, %add3A_108 : i32
      %lt3A_110 = arith.constant 64 : i32
      %lt3A_111 = arith.cmpi slt, %add3A_109, %lt3A_110 : i32
      %convert_element_type3A_112 = arith.extui %lt3A_111 : i1 to i32
      %cond3A_113 = arith.constant 0 : i32
      %cond3A_114 = arith.cmpi ne, %convert_element_type3A_112, %cond3A_113 : i32
      scf.if %cond3A_114 {
        %add3A_205 = arith.constant 4 : i32
        %add3A_206 = arith.addi %mul3A_25, %add3A_205 : i32
        %mul3A_207 = arith.constant 128 : i32
        %mul3A_208 = arith.muli %add3A_206, %mul3A_207 : i32
        %dma_start3A_209 = arith.constant 0 : i32
        %dma_start3A_210 = arith.constant 0 : i32
        %dma_start3A_211 = tpu.memref_slice %arg6[%dma_start3A_209, %dma_start3A_210] : memref<512x128xf32, #tpu.memory_space<vmem>> -> memref<128x128xf32, #tpu.memory_space<vmem>>
        %dma_start3A_212 = tpu.memref_slice %arg5[%mul3A_208] : memref<8192xi32, #tpu.memory_space<vmem>> -> memref<128xi32, #tpu.memory_space<vmem>>
        %dma_start3A_213 = arith.constant 0 : i32
        %dma_start3A_214 = arith.constant 0 : i32
        %dma_start3A_215 = tpu.memref_slice %arg2[%dma_start3A_213, %dma_start3A_214] : memref<16384x128xf32, #tpu.memory_space<hbm>> -> memref<16384x128xf32, #tpu.memory_space<hbm>>
        tpu.enqueue_indirect_dma source(%dma_start3A_215 : memref<16384x128xf32, #tpu.memory_space<hbm>>) target(%dma_start3A_211 : memref<128x128xf32, #tpu.memory_space<vmem>>) offsets(%dma_start3A_212 : memref<128xi32, #tpu.memory_space<vmem>>) semaphore(%arg8 : memref<!tpu.dma_semaphore, #tpu.memory_space<semaphore_mem>>)
        %add3A_216 = arith.constant 5 : i32
        %add3A_217 = arith.addi %mul3A_25, %add3A_216 : i32
        %mul3A_218 = arith.constant 128 : i32
        %mul3A_219 = arith.muli %add3A_217, %mul3A_218 : i32
        %dma_start3A_220 = arith.constant 128 : i32
        %dma_start3A_221 = arith.constant 0 : i32
        %dma_start3A_222 = tpu.memref_slice %arg6[%dma_start3A_220, %dma_start3A_221] : memref<512x128xf32, #tpu.memory_space<vmem>> -> memref<128x128xf32, #tpu.memory_space<vmem>>
        %dma_start3A_223 = tpu.memref_slice %arg5[%mul3A_219] : memref<8192xi32, #tpu.memory_space<vmem>> -> memref<128xi32, #tpu.memory_space<vmem>>
        %dma_start3A_224 = arith.constant 0 : i32
        %dma_start3A_225 = arith.constant 0 : i32
        %dma_start3A_226 = tpu.memref_slice %arg2[%dma_start3A_224, %dma_start3A_225] : memref<16384x128xf32, #tpu.memory_space<hbm>> -> memref<16384x128xf32, #tpu.memory_space<hbm>>
        tpu.enqueue_indirect_dma source(%dma_start3A_226 : memref<16384x128xf32, #tpu.memory_space<hbm>>) target(%dma_start3A_222 : memref<128x128xf32, #tpu.memory_space<vmem>>) offsets(%dma_start3A_223 : memref<128xi32, #tpu.memory_space<vmem>>) semaphore(%arg9 : memref<!tpu.dma_semaphore, #tpu.memory_space<semaphore_mem>>)
      } else {
      }
      %add3A_115 = arith.constant 2 : i32
      %add3A_116 = arith.addi %mul3A_25, %add3A_115 : i32
      %mul3A_117 = arith.constant 128 : i32
      %mul3A_118 = arith.muli %add3A_116, %mul3A_117 : i32
      %dma_wait3A_119 = arith.constant 256 : i32
      %dma_wait3A_120 = arith.constant 0 : i32
      %dma_wait3A_121 = tpu.memref_slice %arg6[%dma_wait3A_119, %dma_wait3A_120] : memref<512x128xf32, #tpu.memory_space<vmem>> -> memref<128x128xf32, #tpu.memory_space<vmem>>
      %dma_wait3A_122 = tpu.memref_slice %arg5[%mul3A_118] : memref<8192xi32, #tpu.memory_space<vmem>> -> memref<128xi32, #tpu.memory_space<vmem>>
      %dma_wait3A_123 = arith.constant 0 : i32
      %dma_wait3A_124 = arith.constant 0 : i32
      %dma_wait3A_125 = tpu.memref_slice %arg2[%dma_wait3A_123, %dma_wait3A_124] : memref<16384x128xf32, #tpu.memory_space<hbm>> -> memref<16384x128xf32, #tpu.memory_space<hbm>>
      tpu.wait_indirect_dma semaphore(%arg10 : memref<!tpu.dma_semaphore, #tpu.memory_space<semaphore_mem>>) src(%dma_wait3A_125 : memref<16384x128xf32, #tpu.memory_space<hbm>>) dst(%dma_wait3A_121 : memref<128x128xf32, #tpu.memory_space<vmem>>)
      %scan3A_126 = arith.constant 0 : i32
      %scan3A_127 = arith.constant 0 : i32
      %scan3A_128 = arith.constant 64 : i32
      %scan3A_129 = arith.addi %scan3A_127, %scan3A_128 : i32
      %scan3A_130 = arith.constant 1 : i32
      scf.for %scan3A_205 = %scan3A_127 to %scan3A_129 step %scan3A_130  : i32 {
        %mul3A_206 = arith.constant 2 : i32
        %mul3A_207 = arith.muli %mul3A_206, %scan3A_205 : i32
        %add3A_208 = arith.constant 256 : i32
        %add3A_209 = arith.addi %add3A_208, %mul3A_207 : i32
        %get3A = arith.index_cast %add3A_209 : i32 to index
        %get3A_210 = arith.constant 0 : index
        %get3A_211 = tpu.vector_load %arg6[%get3A, %get3A_210] {strides = array<i32>} : memref<512x128xf32, #tpu.memory_space<vmem>>, vector<1x16xf32>,
        %get3A_212 = vector.shape_cast %get3A_211 : vector<1x16xf32> to vector<16xf32>
        %swap3A = arith.index_cast %scan3A_205 : i32 to index
        %swap3A_213 = arith.constant 0 : index
        %swap3A_214 = tpu.vector_load %arg7[%swap3A, %swap3A_213] {strides = array<i32>} : memref<64x128xf32, #tpu.memory_space<vmem>>, vector<1x16xf32>,
        %swap3A_215 = vector.shape_cast %swap3A_214 : vector<1x16xf32> to vector<16xf32>
        %swap3A_216 = vector.shape_cast %get3A_212 : vector<16xf32> to vector<1x16xf32>
        tpu.vector_store %arg7[%swap3A, %swap3A_213], %swap3A_216 {strides = array<i32>} : memref<64x128xf32, #tpu.memory_space<vmem>>, vector<1x16xf32>,
        %add3A_217 = arith.constant 1 : i32
        %add3A_218 = arith.addi %add3A_209, %add3A_217 : i32
        %get3A_219 = arith.index_cast %add3A_218 : i32 to index
        %get3A_220 = arith.constant 64 : index
        %get3A_221 = tpu.vector_load %arg6[%get3A_219, %get3A_220] {strides = array<i32>} : memref<512x128xf32, #tpu.memory_space<vmem>>, vector<1x16xf32>,
        %get3A_222 = vector.shape_cast %get3A_221 : vector<1x16xf32> to vector<16xf32>
        %swap3A_223 = arith.index_cast %scan3A_205 : i32 to index
        %swap3A_224 = arith.constant 64 : index
        %swap3A_225 = tpu.vector_load %arg7[%swap3A_223, %swap3A_224] {strides = array<i32>} : memref<64x128xf32, #tpu.memory_space<vmem>>, vector<1x16xf32>,
        %swap3A_226 = vector.shape_cast %swap3A_225 : vector<1x16xf32> to vector<16xf32>
        %swap3A_227 = vector.shape_cast %get3A_222 : vector<16xf32> to vector<1x16xf32>
        tpu.vector_store %arg7[%swap3A_223, %swap3A_224], %swap3A_227 {strides = array<i32>} : memref<64x128xf32, #tpu.memory_space<vmem>>, vector<1x16xf32>,
        %get3A_228 = arith.index_cast %add3A_209 : i32 to index
        %get3A_229 = arith.constant 16 : index
        %get3A_230 = tpu.vector_load %arg6[%get3A_228, %get3A_229] {strides = array<i32>} : memref<512x128xf32, #tpu.memory_space<vmem>>, vector<1x16xf32>,
        %get3A_231 = vector.shape_cast %get3A_230 : vector<1x16xf32> to vector<16xf32>
        %swap3A_232 = arith.index_cast %scan3A_205 : i32 to index
        %swap3A_233 = arith.constant 16 : index
        %swap3A_234 = tpu.vector_load %arg7[%swap3A_232, %swap3A_233] {strides = array<i32>} : memref<64x128xf32, #tpu.memory_space<vmem>>, vector<1x16xf32>,
        %swap3A_235 = vector.shape_cast %swap3A_234 : vector<1x16xf32> to vector<16xf32>
        %swap3A_236 = vector.shape_cast %get3A_231 : vector<16xf32> to vector<1x16xf32>
        tpu.vector_store %arg7[%swap3A_232, %swap3A_233], %swap3A_236 {strides = array<i32>} : memref<64x128xf32, #tpu.memory_space<vmem>>, vector<1x16xf32>,
        %add3A_237 = arith.constant 1 : i32
        %add3A_238 = arith.addi %add3A_209, %add3A_237 : i32
        %get3A_239 = arith.index_cast %add3A_238 : i32 to index
        %get3A_240 = arith.constant 80 : index
        %get3A_241 = tpu.vector_load %arg6[%get3A_239, %get3A_240] {strides = array<i32>} : memref<512x128xf32, #tpu.memory_space<vmem>>, vector<1x16xf32>,
        %get3A_242 = vector.shape_cast %get3A_241 : vector<1x16xf32> to vector<16xf32>
        %swap3A_243 = arith.index_cast %scan3A_205 : i32 to index
        %swap3A_244 = arith.constant 80 : index
        %swap3A_245 = tpu.vector_load %arg7[%swap3A_243, %swap3A_244] {strides = array<i32>} : memref<64x128xf32, #tpu.memory_space<vmem>>, vector<1x16xf32>,
        %swap3A_246 = vector.shape_cast %swap3A_245 : vector<1x16xf32> to vector<16xf32>
        %swap3A_247 = vector.shape_cast %get3A_242 : vector<16xf32> to vector<1x16xf32>
        tpu.vector_store %arg7[%swap3A_243, %swap3A_244], %swap3A_247 {strides = array<i32>} : memref<64x128xf32, #tpu.memory_space<vmem>>, vector<1x16xf32>,
        %get3A_248 = arith.index_cast %add3A_209 : i32 to index
        %get3A_249 = arith.constant 32 : index
        %get3A_250 = tpu.vector_load %arg6[%get3A_248, %get3A_249] {strides = array<i32>} : memref<512x128xf32, #tpu.memory_space<vmem>>, vector<1x16xf32>,
        %get3A_251 = vector.shape_cast %get3A_250 : vector<1x16xf32> to vector<16xf32>
        %swap3A_252 = arith.index_cast %scan3A_205 : i32 to index
        %swap3A_253 = arith.constant 32 : index
        %swap3A_254 = tpu.vector_load %arg7[%swap3A_252, %swap3A_253] {strides = array<i32>} : memref<64x128xf32, #tpu.memory_space<vmem>>, vector<1x16xf32>,
        %swap3A_255 = vector.shape_cast %swap3A_254 : vector<1x16xf32> to vector<16xf32>
        %swap3A_256 = vector.shape_cast %get3A_251 : vector<16xf32> to vector<1x16xf32>
        tpu.vector_store %arg7[%swap3A_252, %swap3A_253], %swap3A_256 {strides = array<i32>} : memref<64x128xf32, #tpu.memory_space<vmem>>, vector<1x16xf32>,
        %add3A_257 = arith.constant 1 : i32
        %add3A_258 = arith.addi %add3A_209, %add3A_257 : i32
        %get3A_259 = arith.index_cast %add3A_258 : i32 to index
        %get3A_260 = arith.constant 96 : index
        %get3A_261 = tpu.vector_load %arg6[%get3A_259, %get3A_260] {strides = array<i32>} : memref<512x128xf32, #tpu.memory_space<vmem>>, vector<1x16xf32>,
        %get3A_262 = vector.shape_cast %get3A_261 : vector<1x16xf32> to vector<16xf32>
        %swap3A_263 = arith.index_cast %scan3A_205 : i32 to index
        %swap3A_264 = arith.constant 96 : index
        %swap3A_265 = tpu.vector_load %arg7[%swap3A_263, %swap3A_264] {strides = array<i32>} : memref<64x128xf32, #tpu.memory_space<vmem>>, vector<1x16xf32>,
        %swap3A_266 = vector.shape_cast %swap3A_265 : vector<1x16xf32> to vector<16xf32>
        %swap3A_267 = vector.shape_cast %get3A_262 : vector<16xf32> to vector<1x16xf32>
        tpu.vector_store %arg7[%swap3A_263, %swap3A_264], %swap3A_267 {strides = array<i32>} : memref<64x128xf32, #tpu.memory_space<vmem>>, vector<1x16xf32>,
        %get3A_268 = arith.index_cast %add3A_209 : i32 to index
        %get3A_269 = arith.constant 48 : index
        %get3A_270 = tpu.vector_load %arg6[%get3A_268, %get3A_269] {strides = array<i32>} : memref<512x128xf32, #tpu.memory_space<vmem>>, vector<1x16xf32>,
        %get3A_271 = vector.shape_cast %get3A_270 : vector<1x16xf32> to vector<16xf32>
        %swap3A_272 = arith.index_cast %scan3A_205 : i32 to index
        %swap3A_273 = arith.constant 48 : index
        %swap3A_274 = tpu.vector_load %arg7[%swap3A_272, %swap3A_273] {strides = array<i32>} : memref<64x128xf32, #tpu.memory_space<vmem>>, vector<1x16xf32>,
        %swap3A_275 = vector.shape_cast %swap3A_274 : vector<1x16xf32> to vector<16xf32>
        %swap3A_276 = vector.shape_cast %get3A_271 : vector<16xf32> to vector<1x16xf32>
        tpu.vector_store %arg7[%swap3A_272, %swap3A_273], %swap3A_276 {strides = array<i32>} : memref<64x128xf32, #tpu.memory_space<vmem>>, vector<1x16xf32>,
        %add3A_277 = arith.constant 1 : i32
        %add3A_278 = arith.addi %add3A_209, %add3A_277 : i32
        %get3A_279 = arith.index_cast %add3A_278 : i32 to index
        %get3A_280 = arith.constant 112 : index
        %get3A_281 = tpu.vector_load %arg6[%get3A_279, %get3A_280] {strides = array<i32>} : memref<512x128xf32, #tpu.memory_space<vmem>>, vector<1x16xf32>,
        %get3A_282 = vector.shape_cast %get3A_281 : vector<1x16xf32> to vector<16xf32>
        %swap3A_283 = arith.index_cast %scan3A_205 : i32 to index
        %swap3A_284 = arith.constant 112 : index
        %swap3A_285 = tpu.vector_load %arg7[%swap3A_283, %swap3A_284] {strides = array<i32>} : memref<64x128xf32, #tpu.memory_space<vmem>>, vector<1x16xf32>,
        %swap3A_286 = vector.shape_cast %swap3A_285 : vector<1x16xf32> to vector<16xf32>
        %swap3A_287 = vector.shape_cast %get3A_282 : vector<16xf32> to vector<1x16xf32>
        tpu.vector_store %arg7[%swap3A_283, %swap3A_284], %swap3A_287 {strides = array<i32>} : memref<64x128xf32, #tpu.memory_space<vmem>>, vector<1x16xf32>,
      }
      %scan3A_131 = arith.constant 64 : i32
      %mul3A_132 = arith.constant 128 : i32
      %mul3A_133 = arith.muli %add3A_116, %mul3A_132 : i32
      %add3A_134 = arith.addi %mul3A_2, %mul3A_133 : i32
      %jit3A_135 = arith.constant 2 : i32
      %div3A_136 = arith.divsi %add3A_134, %jit3A_135 : i32
      %sign3A_137 = arith.constant 0 : i32
      %sign3A_138 = arith.cmpi sgt, %add3A_134, %sign3A_137 : i32
      %sign3A_139 = arith.extui %sign3A_138 : i1 to i32
      %sign3A_140 = arith.constant 0 : i32
      %sign3A_141 = arith.cmpi slt, %add3A_134, %sign3A_140 : i32
      %sign3A_142 = arith.extui %sign3A_141 : i1 to i32
      %sign3A_143 = arith.subi %sign3A_139, %sign3A_142 : i32
      %sign3A_144 = arith.constant 0 : i32
      %sign3A_145 = arith.cmpi sgt, %jit3A_135, %sign3A_144 : i32
      %sign3A_146 = arith.extui %sign3A_145 : i1 to i32
      %sign3A_147 = arith.constant 0 : i32
      %sign3A_148 = arith.cmpi slt, %jit3A_135, %sign3A_147 : i32
      %sign3A_149 = arith.extui %sign3A_148 : i1 to i32
      %sign3A_150 = arith.subi %sign3A_146, %sign3A_149 : i32
      %ne3A_151 = arith.cmpi ne, %sign3A_143, %sign3A_150 : i32
      %rem3A_152 = arith.remsi %add3A_134, %jit3A_135 : i32
      %ne3A_153 = arith.constant 0 : i32
      %ne3A_154 = arith.cmpi ne, %rem3A_152, %ne3A_153 : i32
      %and3A_155 = arith.andi %ne3A_151, %ne3A_154 : i1
      %sub3A_156 = arith.constant 1 : i32
      %sub3A_157 = arith.subi %div3A_136, %sub3A_156 : i32
      %select_n3A_158 = arith.select %and3A_155, %sub3A_157, %div3A_136 : i32
      %multiple_of3A_159 = tpu.assume_multiple %select_n3A_158, 64 : i32
      "tpu.region"() ({
        %run_scoped3A = tpu.sem_alloc : memref<!tpu.dma_semaphore, #tpu.memory_space<semaphore_mem>>
        %dma_start3A_205 = arith.constant 0 : i32
        %dma_start3A_206 = tpu.memref_slice %arg4[%multiple_of3A_159, %dma_start3A_205] : memref<131072x128xf32, #tpu.memory_space<hbm>> -> memref<64x128xf32, #tpu.memory_space<hbm>>
        %dma_start3A_207 = arith.constant 0 : i32
        %dma_start3A_208 = tpu.memref_slice %arg4[%multiple_of3A_159, %dma_start3A_207] : memref<131072x128xf32, #tpu.memory_space<hbm>> -> memref<64x128xf32, #tpu.memory_space<hbm>>
        tpu.enqueue_dma source(%arg7 : memref<64x128xf32, #tpu.memory_space<vmem>>) target(%dma_start3A_208 : memref<64x128xf32, #tpu.memory_space<hbm>>) target_semaphore(%run_scoped3A : memref<!tpu.dma_semaphore, #tpu.memory_space<semaphore_mem>>)
        %dma_wait3A_209 = arith.constant 0 : i32
        %dma_wait3A_210 = tpu.memref_slice %arg4[%multiple_of3A_159, %dma_wait3A_209] : memref<131072x128xf32, #tpu.memory_space<hbm>> -> memref<64x128xf32, #tpu.memory_space<hbm>>
        %dma_wait3A_211 = arith.constant 0 : i32
        %dma_wait3A_212 = tpu.memref_slice %arg4[%multiple_of3A_159, %dma_wait3A_211] : memref<131072x128xf32, #tpu.memory_space<hbm>> -> memref<64x128xf32, #tpu.memory_space<hbm>>
        tpu.wait_dma2 semaphore(%run_scoped3A : memref<!tpu.dma_semaphore, #tpu.memory_space<semaphore_mem>>) src(%arg7 : memref<64x128xf32, #tpu.memory_space<vmem>>) dst(%dma_wait3A_212 : memref<64x128xf32, #tpu.memory_space<hbm>>)
        tpu.yield
      }) : () -> ()
      %add3A_160 = arith.constant 3 : i32
      %add3A_161 = arith.addi %mul3A_25, %add3A_160 : i32
      %mul3A_162 = arith.constant 128 : i32
      %mul3A_163 = arith.muli %add3A_161, %mul3A_162 : i32
      %dma_wait3A_164 = arith.constant 384 : i32
      %dma_wait3A_165 = arith.constant 0 : i32
      %dma_wait3A_166 = tpu.memref_slice %arg6[%dma_wait3A_164, %dma_wait3A_165] : memref<512x128xf32, #tpu.memory_space<vmem>> -> memref<128x128xf32, #tpu.memory_space<vmem>>
      %dma_wait3A_167 = tpu.memref_slice %arg5[%mul3A_163] : memref<8192xi32, #tpu.memory_space<vmem>> -> memref<128xi32, #tpu.memory_space<vmem>>
      %dma_wait3A_168 = arith.constant 0 : i32
      %dma_wait3A_169 = arith.constant 0 : i32
      %dma_wait3A_170 = tpu.memref_slice %arg2[%dma_wait3A_168, %dma_wait3A_169] : memref<16384x128xf32, #tpu.memory_space<hbm>> -> memref<16384x128xf32, #tpu.memory_space<hbm>>
      tpu.wait_indirect_dma semaphore(%arg11 : memref<!tpu.dma_semaphore, #tpu.memory_space<semaphore_mem>>) src(%dma_wait3A_170 : memref<16384x128xf32, #tpu.memory_space<hbm>>) dst(%dma_wait3A_166 : memref<128x128xf32, #tpu.memory_space<vmem>>)
      %scan3A_171 = arith.constant 0 : i32
      %scan3A_172 = arith.constant 0 : i32
      %scan3A_173 = arith.constant 64 : i32
      %scan3A_174 = arith.addi %scan3A_172, %scan3A_173 : i32
      %scan3A_175 = arith.constant 1 : i32
      scf.for %scan3A_205 = %scan3A_172 to %scan3A_174 step %scan3A_175  : i32 {
        %mul3A_206 = arith.constant 2 : i32
        %mul3A_207 = arith.muli %mul3A_206, %scan3A_205 : i32
        %add3A_208 = arith.constant 384 : i32
        %add3A_209 = arith.addi %add3A_208, %mul3A_207 : i32
        %get3A = arith.index_cast %add3A_209 : i32 to index
        %get3A_210 = arith.constant 0 : index
        %get3A_211 = tpu.vector_load %arg6[%get3A, %get3A_210] {strides = array<i32>} : memref<512x128xf32, #tpu.memory_space<vmem>>, vector<1x16xf32>,
        %get3A_212 = vector.shape_cast %get3A_211 : vector<1x16xf32> to vector<16xf32>
        %swap3A = arith.index_cast %scan3A_205 : i32 to index
        %swap3A_213 = arith.constant 0 : index
        %swap3A_214 = tpu.vector_load %arg7[%swap3A, %swap3A_213] {strides = array<i32>} : memref<64x128xf32, #tpu.memory_space<vmem>>, vector<1x16xf32>,
        %swap3A_215 = vector.shape_cast %swap3A_214 : vector<1x16xf32> to vector<16xf32>
        %swap3A_216 = vector.shape_cast %get3A_212 : vector<16xf32> to vector<1x16xf32>
        tpu.vector_store %arg7[%swap3A, %swap3A_213], %swap3A_216 {strides = array<i32>} : memref<64x128xf32, #tpu.memory_space<vmem>>, vector<1x16xf32>,
        %add3A_217 = arith.constant 1 : i32
        %add3A_218 = arith.addi %add3A_209, %add3A_217 : i32
        %get3A_219 = arith.index_cast %add3A_218 : i32 to index
        %get3A_220 = arith.constant 64 : index
        %get3A_221 = tpu.vector_load %arg6[%get3A_219, %get3A_220] {strides = array<i32>} : memref<512x128xf32, #tpu.memory_space<vmem>>, vector<1x16xf32>,
        %get3A_222 = vector.shape_cast %get3A_221 : vector<1x16xf32> to vector<16xf32>
        %swap3A_223 = arith.index_cast %scan3A_205 : i32 to index
        %swap3A_224 = arith.constant 64 : index
        %swap3A_225 = tpu.vector_load %arg7[%swap3A_223, %swap3A_224] {strides = array<i32>} : memref<64x128xf32, #tpu.memory_space<vmem>>, vector<1x16xf32>,
        %swap3A_226 = vector.shape_cast %swap3A_225 : vector<1x16xf32> to vector<16xf32>
        %swap3A_227 = vector.shape_cast %get3A_222 : vector<16xf32> to vector<1x16xf32>
        tpu.vector_store %arg7[%swap3A_223, %swap3A_224], %swap3A_227 {strides = array<i32>} : memref<64x128xf32, #tpu.memory_space<vmem>>, vector<1x16xf32>,
        %get3A_228 = arith.index_cast %add3A_209 : i32 to index
        %get3A_229 = arith.constant 16 : index
        %get3A_230 = tpu.vector_load %arg6[%get3A_228, %get3A_229] {strides = array<i32>} : memref<512x128xf32, #tpu.memory_space<vmem>>, vector<1x16xf32>,
        %get3A_231 = vector.shape_cast %get3A_230 : vector<1x16xf32> to vector<16xf32>
        %swap3A_232 = arith.index_cast %scan3A_205 : i32 to index
        %swap3A_233 = arith.constant 16 : index
        %swap3A_234 = tpu.vector_load %arg7[%swap3A_232, %swap3A_233] {strides = array<i32>} : memref<64x128xf32, #tpu.memory_space<vmem>>, vector<1x16xf32>,
        %swap3A_235 = vector.shape_cast %swap3A_234 : vector<1x16xf32> to vector<16xf32>
        %swap3A_236 = vector.shape_cast %get3A_231 : vector<16xf32> to vector<1x16xf32>
        tpu.vector_store %arg7[%swap3A_232, %swap3A_233], %swap3A_236 {strides = array<i32>} : memref<64x128xf32, #tpu.memory_space<vmem>>, vector<1x16xf32>,
        %add3A_237 = arith.constant 1 : i32
        %add3A_238 = arith.addi %add3A_209, %add3A_237 : i32
        %get3A_239 = arith.index_cast %add3A_238 : i32 to index
        %get3A_240 = arith.constant 80 : index
        %get3A_241 = tpu.vector_load %arg6[%get3A_239, %get3A_240] {strides = array<i32>} : memref<512x128xf32, #tpu.memory_space<vmem>>, vector<1x16xf32>,
        %get3A_242 = vector.shape_cast %get3A_241 : vector<1x16xf32> to vector<16xf32>
        %swap3A_243 = arith.index_cast %scan3A_205 : i32 to index
        %swap3A_244 = arith.constant 80 : index
        %swap3A_245 = tpu.vector_load %arg7[%swap3A_243, %swap3A_244] {strides = array<i32>} : memref<64x128xf32, #tpu.memory_space<vmem>>, vector<1x16xf32>,
        %swap3A_246 = vector.shape_cast %swap3A_245 : vector<1x16xf32> to vector<16xf32>
        %swap3A_247 = vector.shape_cast %get3A_242 : vector<16xf32> to vector<1x16xf32>
        tpu.vector_store %arg7[%swap3A_243, %swap3A_244], %swap3A_247 {strides = array<i32>} : memref<64x128xf32, #tpu.memory_space<vmem>>, vector<1x16xf32>,
        %get3A_248 = arith.index_cast %add3A_209 : i32 to index
        %get3A_249 = arith.constant 32 : index
        %get3A_250 = tpu.vector_load %arg6[%get3A_248, %get3A_249] {strides = array<i32>} : memref<512x128xf32, #tpu.memory_space<vmem>>, vector<1x16xf32>,
        %get3A_251 = vector.shape_cast %get3A_250 : vector<1x16xf32> to vector<16xf32>
        %swap3A_252 = arith.index_cast %scan3A_205 : i32 to index
        %swap3A_253 = arith.constant 32 : index
        %swap3A_254 = tpu.vector_load %arg7[%swap3A_252, %swap3A_253] {strides = array<i32>} : memref<64x128xf32, #tpu.memory_space<vmem>>, vector<1x16xf32>,
        %swap3A_255 = vector.shape_cast %swap3A_254 : vector<1x16xf32> to vector<16xf32>
        %swap3A_256 = vector.shape_cast %get3A_251 : vector<16xf32> to vector<1x16xf32>
        tpu.vector_store %arg7[%swap3A_252, %swap3A_253], %swap3A_256 {strides = array<i32>} : memref<64x128xf32, #tpu.memory_space<vmem>>, vector<1x16xf32>,
        %add3A_257 = arith.constant 1 : i32
        %add3A_258 = arith.addi %add3A_209, %add3A_257 : i32
        %get3A_259 = arith.index_cast %add3A_258 : i32 to index
        %get3A_260 = arith.constant 96 : index
        %get3A_261 = tpu.vector_load %arg6[%get3A_259, %get3A_260] {strides = array<i32>} : memref<512x128xf32, #tpu.memory_space<vmem>>, vector<1x16xf32>,
        %get3A_262 = vector.shape_cast %get3A_261 : vector<1x16xf32> to vector<16xf32>
        %swap3A_263 = arith.index_cast %scan3A_205 : i32 to index
        %swap3A_264 = arith.constant 96 : index
        %swap3A_265 = tpu.vector_load %arg7[%swap3A_263, %swap3A_264] {strides = array<i32>} : memref<64x128xf32, #tpu.memory_space<vmem>>, vector<1x16xf32>,
        %swap3A_266 = vector.shape_cast %swap3A_265 : vector<1x16xf32> to vector<16xf32>
        %swap3A_267 = vector.shape_cast %get3A_262 : vector<16xf32> to vector<1x16xf32>
        tpu.vector_store %arg7[%swap3A_263, %swap3A_264], %swap3A_267 {strides = array<i32>} : memref<64x128xf32, #tpu.memory_space<vmem>>, vector<1x16xf32>,
        %get3A_268 = arith.index_cast %add3A_209 : i32 to index
        %get3A_269 = arith.constant 48 : index
        %get3A_270 = tpu.vector_load %arg6[%get3A_268, %get3A_269] {strides = array<i32>} : memref<512x128xf32, #tpu.memory_space<vmem>>, vector<1x16xf32>,
        %get3A_271 = vector.shape_cast %get3A_270 : vector<1x16xf32> to vector<16xf32>
        %swap3A_272 = arith.index_cast %scan3A_205 : i32 to index
        %swap3A_273 = arith.constant 48 : index
        %swap3A_274 = tpu.vector_load %arg7[%swap3A_272, %swap3A_273] {strides = array<i32>} : memref<64x128xf32, #tpu.memory_space<vmem>>, vector<1x16xf32>,
        %swap3A_275 = vector.shape_cast %swap3A_274 : vector<1x16xf32> to vector<16xf32>
        %swap3A_276 = vector.shape_cast %get3A_271 : vector<16xf32> to vector<1x16xf32>
        tpu.vector_store %arg7[%swap3A_272, %swap3A_273], %swap3A_276 {strides = array<i32>} : memref<64x128xf32, #tpu.memory_space<vmem>>, vector<1x16xf32>,
        %add3A_277 = arith.constant 1 : i32
        %add3A_278 = arith.addi %add3A_209, %add3A_277 : i32
        %get3A_279 = arith.index_cast %add3A_278 : i32 to index
        %get3A_280 = arith.constant 112 : index
        %get3A_281 = tpu.vector_load %arg6[%get3A_279, %get3A_280] {strides = array<i32>} : memref<512x128xf32, #tpu.memory_space<vmem>>, vector<1x16xf32>,
        %get3A_282 = vector.shape_cast %get3A_281 : vector<1x16xf32> to vector<16xf32>
        %swap3A_283 = arith.index_cast %scan3A_205 : i32 to index
        %swap3A_284 = arith.constant 112 : index
        %swap3A_285 = tpu.vector_load %arg7[%swap3A_283, %swap3A_284] {strides = array<i32>} : memref<64x128xf32, #tpu.memory_space<vmem>>, vector<1x16xf32>,
        %swap3A_286 = vector.shape_cast %swap3A_285 : vector<1x16xf32> to vector<16xf32>
        %swap3A_287 = vector.shape_cast %get3A_282 : vector<16xf32> to vector<1x16xf32>
        tpu.vector_store %arg7[%swap3A_283, %swap3A_284], %swap3A_287 {strides = array<i32>} : memref<64x128xf32, #tpu.memory_space<vmem>>, vector<1x16xf32>,
      }
      %scan3A_176 = arith.constant 64 : i32
      %mul3A_177 = arith.constant 128 : i32
      %mul3A_178 = arith.muli %add3A_161, %mul3A_177 : i32
      %add3A_179 = arith.addi %mul3A_2, %mul3A_178 : i32
      %jit3A_180 = arith.constant 2 : i32
      %div3A_181 = arith.divsi %add3A_179, %jit3A_180 : i32
      %sign3A_182 = arith.constant 0 : i32
      %sign3A_183 = arith.cmpi sgt, %add3A_179, %sign3A_182 : i32
      %sign3A_184 = arith.extui %sign3A_183 : i1 to i32
      %sign3A_185 = arith.constant 0 : i32
      %sign3A_186 = arith.cmpi slt, %add3A_179, %sign3A_185 : i32
      %sign3A_187 = arith.extui %sign3A_186 : i1 to i32
      %sign3A_188 = arith.subi %sign3A_184, %sign3A_187 : i32
      %sign3A_189 = arith.constant 0 : i32
      %sign3A_190 = arith.cmpi sgt, %jit3A_180, %sign3A_189 : i32
      %sign3A_191 = arith.extui %sign3A_190 : i1 to i32
      %sign3A_192 = arith.constant 0 : i32
      %sign3A_193 = arith.cmpi slt, %jit3A_180, %sign3A_192 : i32
      %sign3A_194 = arith.extui %sign3A_193 : i1 to i32
      %sign3A_195 = arith.subi %sign3A_191, %sign3A_194 : i32
      %ne3A_196 = arith.cmpi ne, %sign3A_188, %sign3A_195 : i32
      %rem3A_197 = arith.remsi %add3A_179, %jit3A_180 : i32
      %ne3A_198 = arith.constant 0 : i32
      %ne3A_199 = arith.cmpi ne, %rem3A_197, %ne3A_198 : i32
      %and3A_200 = arith.andi %ne3A_196, %ne3A_199 : i1
      %sub3A_201 = arith.constant 1 : i32
      %sub3A_202 = arith.subi %div3A_181, %sub3A_201 : i32
      %select_n3A_203 = arith.select %and3A_200, %sub3A_202, %div3A_181 : i32
      %multiple_of3A_204 = tpu.assume_multiple %select_n3A_203, 64 : i32
      "tpu.region"() ({
        %run_scoped3A = tpu.sem_alloc : memref<!tpu.dma_semaphore, #tpu.memory_space<semaphore_mem>>
        %dma_start3A_205 = arith.constant 0 : i32
        %dma_start3A_206 = tpu.memref_slice %arg4[%multiple_of3A_204, %dma_start3A_205] : memref<131072x128xf32, #tpu.memory_space<hbm>> -> memref<64x128xf32, #tpu.memory_space<hbm>>
        %dma_start3A_207 = arith.constant 0 : i32
        %dma_start3A_208 = tpu.memref_slice %arg4[%multiple_of3A_204, %dma_start3A_207] : memref<131072x128xf32, #tpu.memory_space<hbm>> -> memref<64x128xf32, #tpu.memory_space<hbm>>
        tpu.enqueue_dma source(%arg7 : memref<64x128xf32, #tpu.memory_space<vmem>>) target(%dma_start3A_208 : memref<64x128xf32, #tpu.memory_space<hbm>>) target_semaphore(%run_scoped3A : memref<!tpu.dma_semaphore, #tpu.memory_space<semaphore_mem>>)
        %dma_wait3A_209 = arith.constant 0 : i32
        %dma_wait3A_210 = tpu.memref_slice %arg4[%multiple_of3A_204, %dma_wait3A_209] : memref<131072x128xf32, #tpu.memory_space<hbm>> -> memref<64x128xf32, #tpu.memory_space<hbm>>
        %dma_wait3A_211 = arith.constant 0 : i32
        %dma_wait3A_212 = tpu.memref_slice %arg4[%multiple_of3A_204, %dma_wait3A_211] : memref<131072x128xf32, #tpu.memory_space<hbm>> -> memref<64x128xf32, #tpu.memory_space<hbm>>
        tpu.wait_dma2 semaphore(%run_scoped3A : memref<!tpu.dma_semaphore, #tpu.memory_space<semaphore_mem>>) src(%arg7 : memref<64x128xf32, #tpu.memory_space<vmem>>) dst(%dma_wait3A_212 : memref<64x128xf32, #tpu.memory_space<hbm>>)
        tpu.yield
      }) : () -> ()
    }
    %scan3A_22 = arith.constant 16 : i32
    return
  }
}

#map = affine_map<(d0, d1) -> (0, 0)>
module attributes {stable_mosaic.version = 14 : i64} {
  func.func @gather_kernel(%arg0: i32, %arg1: i32, %arg2: memref<16384x128xf32, #tpu.memory_space<hbm>>, %arg3: memref<32x8192xi32, #tpu.memory_space<hbm>>, %arg4: memref<131072x128xf32, #tpu.memory_space<hbm>>, %arg5: memref<8192xi32, #tpu.memory_space<vmem>>, %arg6: memref<512x128xf32, #tpu.memory_space<vmem>>, %arg7: memref<64x128xf32, #tpu.memory_space<vmem>>, %arg8: memref<!tpu.dma_semaphore, #tpu.memory_space<semaphore_mem>>, %arg9: memref<!tpu.dma_semaphore, #tpu.memory_space<semaphore_mem>>, %arg10: memref<!tpu.dma_semaphore, #tpu.memory_space<semaphore_mem>>, %arg11: memref<!tpu.dma_semaphore, #tpu.memory_space<semaphore_mem>>) attributes {dimension_semantics = [#tpu.dimension_semantics<core_parallel>, #tpu.dimension_semantics<subcore_parallel>], iteration_bounds = array<i64: 2, 16>, scalar_prefetch = 0 : i64, scratch_operands = 7 : i64, tpu.core_type = #tpu.core_type<sc_vector_subcore>, window_params = [{transform_indices = #map}, {transform_indices = #map}, {transform_indices = #map}]} {
    %mul3A = arith.constant 2 : i32
    %mul3A_0 = arith.muli %arg1, %mul3A : i32
    %add3A = arith.addi %mul3A_0, %arg0 : i32
    %mul3A_1 = arith.constant 8192 : i32
    %mul3A_2 = arith.muli %add3A, %mul3A_1 : i32
    "tpu.region"() ({
      %run_scoped3A = tpu.sem_alloc : memref<!tpu.dma_semaphore, #tpu.memory_space<semaphore_mem>>
      %dma_start3A_23 = arith.constant 0 : i32
      %dma_start3A_24 = tpu.memref_slice %arg3[%add3A, %dma_start3A_23] : memref<32x8192xi32, #tpu.memory_space<hbm>> -> memref<1x8192xi32, #tpu.memory_space<hbm>>
      %dma_start3A_25 = tpu.memref_squeeze %dma_start3A_24 : memref<1x8192xi32, #tpu.memory_space<hbm>> -> memref<8192xi32, #tpu.memory_space<hbm>>
      %dma_start3A_26 = arith.constant 0 : i32
      %dma_start3A_27 = tpu.memref_slice %arg3[%add3A, %dma_start3A_26] : memref<32x8192xi32, #tpu.memory_space<hbm>> -> memref<1x8192xi32, #tpu.memory_space<hbm>>
      %dma_start3A_28 = tpu.memref_squeeze %dma_start3A_27 : memref<1x8192xi32, #tpu.memory_space<hbm>> -> memref<8192xi32, #tpu.memory_space<hbm>>
      tpu.enqueue_dma source(%dma_start3A_28 : memref<8192xi32, #tpu.memory_space<hbm>>) target(%arg5 : memref<8192xi32, #tpu.memory_space<vmem>>) target_semaphore(%run_scoped3A : memref<!tpu.dma_semaphore, #tpu.memory_space<semaphore_mem>>)
      %dma_wait3A = arith.constant 0 : i32
      %dma_wait3A_29 = tpu.memref_slice %arg3[%add3A, %dma_wait3A] : memref<32x8192xi32, #tpu.memory_space<hbm>> -> memref<1x8192xi32, #tpu.memory_space<hbm>>
      %dma_wait3A_30 = tpu.memref_squeeze %dma_wait3A_29 : memref<1x8192xi32, #tpu.memory_space<hbm>> -> memref<8192xi32, #tpu.memory_space<hbm>>
      %dma_wait3A_31 = arith.constant 0 : i32
      %dma_wait3A_32 = tpu.memref_slice %arg3[%add3A, %dma_wait3A_31] : memref<32x8192xi32, #tpu.memory_space<hbm>> -> memref<1x8192xi32, #tpu.memory_space<hbm>>
      %dma_wait3A_33 = tpu.memref_squeeze %dma_wait3A_32 : memref<1x8192xi32, #tpu.memory_space<hbm>> -> memref<8192xi32, #tpu.memory_space<hbm>>
      tpu.wait_dma2 semaphore(%run_scoped3A : memref<!tpu.dma_semaphore, #tpu.memory_space<semaphore_mem>>) src(%dma_wait3A_33 : memref<8192xi32, #tpu.memory_space<hbm>>) dst(%arg5 : memref<8192xi32, #tpu.memory_space<vmem>>)
      tpu.yield
    }) : () -> ()
    %dma_start3A = arith.constant 0 : i32
    %dma_start3A_3 = arith.constant 0 : i32
    %dma_start3A_4 = tpu.memref_slice %arg6[%dma_start3A, %dma_start3A_3] : memref<512x128xf32, #tpu.memory_space<vmem>> -> memref<128x128xf32, #tpu.memory_space<vmem>>
    %dma_start3A_5 = arith.constant 0 : i32
    %dma_start3A_6 = tpu.memref_slice %arg5[%dma_start3A_5] : memref<8192xi32, #tpu.memory_space<vmem>> -> memref<128xi32, #tpu.memory_space<vmem>>
    %dma_start3A_7 = arith.constant 0 : i32
    %dma_start3A_8 = arith.constant 0 : i32
    %dma_start3A_9 = tpu.memref_slice %arg2[%dma_start3A_7, %dma_start3A_8] : memref<16384x128xf32, #tpu.memory_space<hbm>> -> memref<16384x128xf32, #tpu.memory_space<hbm>>
    tpu.enqueue_indirect_dma source(%dma_start3A_9 : memref<16384x128xf32, #tpu.memory_space<hbm>>) target(%dma_start3A_4 : memref<128x128xf32, #tpu.memory_space<vmem>>) offsets(%dma_start3A_6 : memref<128xi32, #tpu.memory_space<vmem>>) semaphore(%arg8 : memref<!tpu.dma_semaphore, #tpu.memory_space<semaphore_mem>>)
    %dma_start3A_10 = arith.constant 128 : i32
    %dma_start3A_11 = arith.constant 0 : i32
    %dma_start3A_12 = tpu.memref_slice %arg6[%dma_start3A_10, %dma_start3A_11] : memref<512x128xf32, #tpu.memory_space<vmem>> -> memref<128x128xf32, #tpu.memory_space<vmem>>
    %dma_start3A_13 = arith.constant 128 : i32
    %dma_start3A_14 = tpu.memref_slice %arg5[%dma_start3A_13] : memref<8192xi32, #tpu.memory_space<vmem>> -> memref<128xi32, #tpu.memory_space<vmem>>
    %dma_start3A_15 = arith.constant 0 : i32
    %dma_start3A_16 = arith.constant 0 : i32
    %dma_start3A_17 = tpu.memref_slice %arg2[%dma_start3A_15, %dma_start3A_16] : memref<16384x128xf32, #tpu.memory_space<hbm>> -> memref<16384x128xf32, #tpu.memory_space<hbm>>
    tpu.enqueue_indirect_dma source(%dma_start3A_17 : memref<16384x128xf32, #tpu.memory_space<hbm>>) target(%dma_start3A_12 : memref<128x128xf32, #tpu.memory_space<vmem>>) offsets(%dma_start3A_14 : memref<128xi32, #tpu.memory_space<vmem>>) semaphore(%arg9 : memref<!tpu.dma_semaphore, #tpu.memory_space<semaphore_mem>>)
    %scan3A = arith.constant 0 : i32
    %scan3A_18 = arith.constant 0 : i32
    %scan3A_19 = arith.constant 16 : i32
    %scan3A_20 = arith.addi %scan3A_18, %scan3A_19 : i32
    %scan3A_21 = arith.constant 1 : i32
    scf.for %scan3A_23 = %scan3A_18 to %scan3A_20 step %scan3A_21  : i32 {
      %mul3A_24 = arith.constant 4 : i32
      %mul3A_25 = arith.muli %mul3A_24, %scan3A_23 : i32
      %add3A_26 = arith.constant 2 : i32
      %add3A_27 = arith.addi %mul3A_25, %add3A_26 : i32
      %lt3A = arith.constant 64 : i32
      %lt3A_28 = arith.cmpi slt, %add3A_27, %lt3A : i32
      %convert_element_type3A = arith.extui %lt3A_28 : i1 to i32
      %cond3A = arith.constant 0 : i32
      %cond3A_29 = arith.cmpi ne, %convert_element_type3A, %cond3A : i32
      scf.if %cond3A_29 {
        %add3A_205 = arith.constant 2 : i32
        %add3A_206 = arith.addi %mul3A_25, %add3A_205 : i32
        %mul3A_207 = arith.constant 128 : i32
        %mul3A_208 = arith.muli %add3A_206, %mul3A_207 : i32
        %dma_start3A_209 = arith.constant 256 : i32
        %dma_start3A_210 = arith.constant 0 : i32
        %dma_start3A_211 = tpu.memref_slice %arg6[%dma_start3A_209, %dma_start3A_210] : memref<512x128xf32, #tpu.memory_space<vmem>> -> memref<128x128xf32, #tpu.memory_space<vmem>>
        %dma_start3A_212 = tpu.memref_slice %arg5[%mul3A_208] : memref<8192xi32, #tpu.memory_space<vmem>> -> memref<128xi32, #tpu.memory_space<vmem>>
        %dma_start3A_213 = arith.constant 0 : i32
        %dma_start3A_214 = arith.constant 0 : i32
        %dma_start3A_215 = tpu.memref_slice %arg2[%dma_start3A_213, %dma_start3A_214] : memref<16384x128xf32, #tpu.memory_space<hbm>> -> memref<16384x128xf32, #tpu.memory_space<hbm>>
        tpu.enqueue_indirect_dma source(%dma_start3A_215 : memref<16384x128xf32, #tpu.memory_space<hbm>>) target(%dma_start3A_211 : memref<128x128xf32, #tpu.memory_space<vmem>>) offsets(%dma_start3A_212 : memref<128xi32, #tpu.memory_space<vmem>>) semaphore(%arg10 : memref<!tpu.dma_semaphore, #tpu.memory_space<semaphore_mem>>)
        %add3A_216 = arith.constant 3 : i32
        %add3A_217 = arith.addi %mul3A_25, %add3A_216 : i32
        %mul3A_218 = arith.constant 128 : i32
        %mul3A_219 = arith.muli %add3A_217, %mul3A_218 : i32
        %dma_start3A_220 = arith.constant 384 : i32
        %dma_start3A_221 = arith.constant 0 : i32
        %dma_start3A_222 = tpu.memref_slice %arg6[%dma_start3A_220, %dma_start3A_221] : memref<512x128xf32, #tpu.memory_space<vmem>> -> memref<128x128xf32, #tpu.memory_space<vmem>>
        %dma_start3A_223 = tpu.memref_slice %arg5[%mul3A_219] : memref<8192xi32, #tpu.memory_space<vmem>> -> memref<128xi32, #tpu.memory_space<vmem>>
        %dma_start3A_224 = arith.constant 0 : i32
        %dma_start3A_225 = arith.constant 0 : i32
        %dma_start3A_226 = tpu.memref_slice %arg2[%dma_start3A_224, %dma_start3A_225] : memref<16384x128xf32, #tpu.memory_space<hbm>> -> memref<16384x128xf32, #tpu.memory_space<hbm>>
        tpu.enqueue_indirect_dma source(%dma_start3A_226 : memref<16384x128xf32, #tpu.memory_space<hbm>>) target(%dma_start3A_222 : memref<128x128xf32, #tpu.memory_space<vmem>>) offsets(%dma_start3A_223 : memref<128xi32, #tpu.memory_space<vmem>>) semaphore(%arg11 : memref<!tpu.dma_semaphore, #tpu.memory_space<semaphore_mem>>)
      } else {
      }
      %mul3A_30 = arith.constant 128 : i32
      %mul3A_31 = arith.muli %mul3A_25, %mul3A_30 : i32
      %dma_wait3A = arith.constant 0 : i32
      %dma_wait3A_32 = arith.constant 0 : i32
      %dma_wait3A_33 = tpu.memref_slice %arg6[%dma_wait3A, %dma_wait3A_32] : memref<512x128xf32, #tpu.memory_space<vmem>> -> memref<128x128xf32, #tpu.memory_space<vmem>>
      %dma_wait3A_34 = tpu.memref_slice %arg5[%mul3A_31] : memref<8192xi32, #tpu.memory_space<vmem>> -> memref<128xi32, #tpu.memory_space<vmem>>
      %dma_wait3A_35 = arith.constant 0 : i32
      %dma_wait3A_36 = arith.constant 0 : i32
      %dma_wait3A_37 = tpu.memref_slice %arg2[%dma_wait3A_35, %dma_wait3A_36] : memref<16384x128xf32, #tpu.memory_space<hbm>> -> memref<16384x128xf32, #tpu.memory_space<hbm>>
      tpu.wait_indirect_dma semaphore(%arg8 : memref<!tpu.dma_semaphore, #tpu.memory_space<semaphore_mem>>) src(%dma_wait3A_37 : memref<16384x128xf32, #tpu.memory_space<hbm>>) dst(%dma_wait3A_33 : memref<128x128xf32, #tpu.memory_space<vmem>>)
      %scan3A_38 = arith.constant 0 : i32
      %scan3A_39 = arith.constant 0 : i32
      %scan3A_40 = arith.constant 64 : i32
      %scan3A_41 = arith.addi %scan3A_39, %scan3A_40 : i32
      %scan3A_42 = arith.constant 1 : i32
      scf.for %scan3A_205 = %scan3A_39 to %scan3A_41 step %scan3A_42  : i32 {
        %mul3A_206 = arith.constant 2 : i32
        %mul3A_207 = arith.muli %mul3A_206, %scan3A_205 : i32
        %add3A_208 = arith.constant 0 : i32
        %add3A_209 = arith.addi %add3A_208, %mul3A_207 : i32
        %get3A = arith.index_cast %add3A_209 : i32 to index
        %get3A_210 = arith.constant 0 : index
        %get3A_211 = tpu.vector_load %arg6[%get3A, %get3A_210] {strides = array<i32>} : memref<512x128xf32, #tpu.memory_space<vmem>>, vector<1x16xf32>,
        %get3A_212 = vector.shape_cast %get3A_211 : vector<1x16xf32> to vector<16xf32>
        %swap3A = arith.index_cast %scan3A_205 : i32 to index
        %swap3A_213 = arith.constant 0 : index
        %swap3A_214 = tpu.vector_load %arg7[%swap3A, %swap3A_213] {strides = array<i32>} : memref<64x128xf32, #tpu.memory_space<vmem>>, vector<1x16xf32>,
        %swap3A_215 = vector.shape_cast %swap3A_214 : vector<1x16xf32> to vector<16xf32>
        %swap3A_216 = vector.shape_cast %get3A_212 : vector<16xf32> to vector<1x16xf32>
        tpu.vector_store %arg7[%swap3A, %swap3A_213], %swap3A_216 {strides = array<i32>} : memref<64x128xf32, #tpu.memory_space<vmem>>, vector<1x16xf32>,
        %add3A_217 = arith.constant 1 : i32
        %add3A_218 = arith.addi %add3A_209, %add3A_217 : i32
        %get3A_219 = arith.index_cast %add3A_218 : i32 to index
        %get3A_220 = arith.constant 64 : index
        %get3A_221 = tpu.vector_load %arg6[%get3A_219, %get3A_220] {strides = array<i32>} : memref<512x128xf32, #tpu.memory_space<vmem>>, vector<1x16xf32>,
        %get3A_222 = vector.shape_cast %get3A_221 : vector<1x16xf32> to vector<16xf32>
        %swap3A_223 = arith.index_cast %scan3A_205 : i32 to index
        %swap3A_224 = arith.constant 64 : index
        %swap3A_225 = tpu.vector_load %arg7[%swap3A_223, %swap3A_224] {strides = array<i32>} : memref<64x128xf32, #tpu.memory_space<vmem>>, vector<1x16xf32>,
        %swap3A_226 = vector.shape_cast %swap3A_225 : vector<1x16xf32> to vector<16xf32>
        %swap3A_227 = vector.shape_cast %get3A_222 : vector<16xf32> to vector<1x16xf32>
        tpu.vector_store %arg7[%swap3A_223, %swap3A_224], %swap3A_227 {strides = array<i32>} : memref<64x128xf32, #tpu.memory_space<vmem>>, vector<1x16xf32>,
        %get3A_228 = arith.index_cast %add3A_209 : i32 to index
        %get3A_229 = arith.constant 16 : index
        %get3A_230 = tpu.vector_load %arg6[%get3A_228, %get3A_229] {strides = array<i32>} : memref<512x128xf32, #tpu.memory_space<vmem>>, vector<1x16xf32>,
        %get3A_231 = vector.shape_cast %get3A_230 : vector<1x16xf32> to vector<16xf32>
        %swap3A_232 = arith.index_cast %scan3A_205 : i32 to index
        %swap3A_233 = arith.constant 16 : index
        %swap3A_234 = tpu.vector_load %arg7[%swap3A_232, %swap3A_233] {strides = array<i32>} : memref<64x128xf32, #tpu.memory_space<vmem>>, vector<1x16xf32>,
        %swap3A_235 = vector.shape_cast %swap3A_234 : vector<1x16xf32> to vector<16xf32>
        %swap3A_236 = vector.shape_cast %get3A_231 : vector<16xf32> to vector<1x16xf32>
        tpu.vector_store %arg7[%swap3A_232, %swap3A_233], %swap3A_236 {strides = array<i32>} : memref<64x128xf32, #tpu.memory_space<vmem>>, vector<1x16xf32>,
        %add3A_237 = arith.constant 1 : i32
        %add3A_238 = arith.addi %add3A_209, %add3A_237 : i32
        %get3A_239 = arith.index_cast %add3A_238 : i32 to index
        %get3A_240 = arith.constant 80 : index
        %get3A_241 = tpu.vector_load %arg6[%get3A_239, %get3A_240] {strides = array<i32>} : memref<512x128xf32, #tpu.memory_space<vmem>>, vector<1x16xf32>,
        %get3A_242 = vector.shape_cast %get3A_241 : vector<1x16xf32> to vector<16xf32>
        %swap3A_243 = arith.index_cast %scan3A_205 : i32 to index
        %swap3A_244 = arith.constant 80 : index
        %swap3A_245 = tpu.vector_load %arg7[%swap3A_243, %swap3A_244] {strides = array<i32>} : memref<64x128xf32, #tpu.memory_space<vmem>>, vector<1x16xf32>,
        %swap3A_246 = vector.shape_cast %swap3A_245 : vector<1x16xf32> to vector<16xf32>
        %swap3A_247 = vector.shape_cast %get3A_242 : vector<16xf32> to vector<1x16xf32>
        tpu.vector_store %arg7[%swap3A_243, %swap3A_244], %swap3A_247 {strides = array<i32>} : memref<64x128xf32, #tpu.memory_space<vmem>>, vector<1x16xf32>,
        %get3A_248 = arith.index_cast %add3A_209 : i32 to index
        %get3A_249 = arith.constant 32 : index
        %get3A_250 = tpu.vector_load %arg6[%get3A_248, %get3A_249] {strides = array<i32>} : memref<512x128xf32, #tpu.memory_space<vmem>>, vector<1x16xf32>,
        %get3A_251 = vector.shape_cast %get3A_250 : vector<1x16xf32> to vector<16xf32>
        %swap3A_252 = arith.index_cast %scan3A_205 : i32 to index
        %swap3A_253 = arith.constant 32 : index
        %swap3A_254 = tpu.vector_load %arg7[%swap3A_252, %swap3A_253] {strides = array<i32>} : memref<64x128xf32, #tpu.memory_space<vmem>>, vector<1x16xf32>,
        %swap3A_255 = vector.shape_cast %swap3A_254 : vector<1x16xf32> to vector<16xf32>
        %swap3A_256 = vector.shape_cast %get3A_251 : vector<16xf32> to vector<1x16xf32>
        tpu.vector_store %arg7[%swap3A_252, %swap3A_253], %swap3A_256 {strides = array<i32>} : memref<64x128xf32, #tpu.memory_space<vmem>>, vector<1x16xf32>,
        %add3A_257 = arith.constant 1 : i32
        %add3A_258 = arith.addi %add3A_209, %add3A_257 : i32
        %get3A_259 = arith.index_cast %add3A_258 : i32 to index
        %get3A_260 = arith.constant 96 : index
        %get3A_261 = tpu.vector_load %arg6[%get3A_259, %get3A_260] {strides = array<i32>} : memref<512x128xf32, #tpu.memory_space<vmem>>, vector<1x16xf32>,
        %get3A_262 = vector.shape_cast %get3A_261 : vector<1x16xf32> to vector<16xf32>
        %swap3A_263 = arith.index_cast %scan3A_205 : i32 to index
        %swap3A_264 = arith.constant 96 : index
        %swap3A_265 = tpu.vector_load %arg7[%swap3A_263, %swap3A_264] {strides = array<i32>} : memref<64x128xf32, #tpu.memory_space<vmem>>, vector<1x16xf32>,
        %swap3A_266 = vector.shape_cast %swap3A_265 : vector<1x16xf32> to vector<16xf32>
        %swap3A_267 = vector.shape_cast %get3A_262 : vector<16xf32> to vector<1x16xf32>
        tpu.vector_store %arg7[%swap3A_263, %swap3A_264], %swap3A_267 {strides = array<i32>} : memref<64x128xf32, #tpu.memory_space<vmem>>, vector<1x16xf32>,
        %get3A_268 = arith.index_cast %add3A_209 : i32 to index
        %get3A_269 = arith.constant 48 : index
        %get3A_270 = tpu.vector_load %arg6[%get3A_268, %get3A_269] {strides = array<i32>} : memref<512x128xf32, #tpu.memory_space<vmem>>, vector<1x16xf32>,
        %get3A_271 = vector.shape_cast %get3A_270 : vector<1x16xf32> to vector<16xf32>
        %swap3A_272 = arith.index_cast %scan3A_205 : i32 to index
        %swap3A_273 = arith.constant 48 : index
        %swap3A_274 = tpu.vector_load %arg7[%swap3A_272, %swap3A_273] {strides = array<i32>} : memref<64x128xf32, #tpu.memory_space<vmem>>, vector<1x16xf32>,
        %swap3A_275 = vector.shape_cast %swap3A_274 : vector<1x16xf32> to vector<16xf32>
        %swap3A_276 = vector.shape_cast %get3A_271 : vector<16xf32> to vector<1x16xf32>
        tpu.vector_store %arg7[%swap3A_272, %swap3A_273], %swap3A_276 {strides = array<i32>} : memref<64x128xf32, #tpu.memory_space<vmem>>, vector<1x16xf32>,
        %add3A_277 = arith.constant 1 : i32
        %add3A_278 = arith.addi %add3A_209, %add3A_277 : i32
        %get3A_279 = arith.index_cast %add3A_278 : i32 to index
        %get3A_280 = arith.constant 112 : index
        %get3A_281 = tpu.vector_load %arg6[%get3A_279, %get3A_280] {strides = array<i32>} : memref<512x128xf32, #tpu.memory_space<vmem>>, vector<1x16xf32>,
        %get3A_282 = vector.shape_cast %get3A_281 : vector<1x16xf32> to vector<16xf32>
        %swap3A_283 = arith.index_cast %scan3A_205 : i32 to index
        %swap3A_284 = arith.constant 112 : index
        %swap3A_285 = tpu.vector_load %arg7[%swap3A_283, %swap3A_284] {strides = array<i32>} : memref<64x128xf32, #tpu.memory_space<vmem>>, vector<1x16xf32>,
        %swap3A_286 = vector.shape_cast %swap3A_285 : vector<1x16xf32> to vector<16xf32>
        %swap3A_287 = vector.shape_cast %get3A_282 : vector<16xf32> to vector<1x16xf32>
        tpu.vector_store %arg7[%swap3A_283, %swap3A_284], %swap3A_287 {strides = array<i32>} : memref<64x128xf32, #tpu.memory_space<vmem>>, vector<1x16xf32>,
      }
      %scan3A_43 = arith.constant 64 : i32
      %mul3A_44 = arith.constant 128 : i32
      %mul3A_45 = arith.muli %mul3A_25, %mul3A_44 : i32
      %add3A_46 = arith.addi %mul3A_2, %mul3A_45 : i32
      %jit3A = arith.constant 2 : i32
      %div3A = arith.divsi %add3A_46, %jit3A : i32
      %sign3A = arith.constant 0 : i32
      %sign3A_47 = arith.cmpi sgt, %add3A_46, %sign3A : i32
      %sign3A_48 = arith.extui %sign3A_47 : i1 to i32
      %sign3A_49 = arith.constant 0 : i32
      %sign3A_50 = arith.cmpi slt, %add3A_46, %sign3A_49 : i32
      %sign3A_51 = arith.extui %sign3A_50 : i1 to i32
      %sign3A_52 = arith.subi %sign3A_48, %sign3A_51 : i32
      %sign3A_53 = arith.constant 0 : i32
      %sign3A_54 = arith.cmpi sgt, %jit3A, %sign3A_53 : i32
      %sign3A_55 = arith.extui %sign3A_54 : i1 to i32
      %sign3A_56 = arith.constant 0 : i32
      %sign3A_57 = arith.cmpi slt, %jit3A, %sign3A_56 : i32
      %sign3A_58 = arith.extui %sign3A_57 : i1 to i32
      %sign3A_59 = arith.subi %sign3A_55, %sign3A_58 : i32
      %ne3A = arith.cmpi ne, %sign3A_52, %sign3A_59 : i32
      %rem3A = arith.remsi %add3A_46, %jit3A : i32
      %ne3A_60 = arith.constant 0 : i32
      %ne3A_61 = arith.cmpi ne, %rem3A, %ne3A_60 : i32
      %and3A = arith.andi %ne3A, %ne3A_61 : i1
      %sub3A = arith.constant 1 : i32
      %sub3A_62 = arith.subi %div3A, %sub3A : i32
      %select_n3A = arith.select %and3A, %sub3A_62, %div3A : i32
      %multiple_of3A = tpu.assume_multiple %select_n3A, 64 : i32
      "tpu.region"() ({
        %run_scoped3A = tpu.sem_alloc : memref<!tpu.dma_semaphore, #tpu.memory_space<semaphore_mem>>
        %dma_start3A_205 = arith.constant 0 : i32
        %dma_start3A_206 = tpu.memref_slice %arg4[%multiple_of3A, %dma_start3A_205] : memref<131072x128xf32, #tpu.memory_space<hbm>> -> memref<64x128xf32, #tpu.memory_space<hbm>>
        %dma_start3A_207 = arith.constant 0 : i32
        %dma_start3A_208 = tpu.memref_slice %arg4[%multiple_of3A, %dma_start3A_207] : memref<131072x128xf32, #tpu.memory_space<hbm>> -> memref<64x128xf32, #tpu.memory_space<hbm>>
        tpu.enqueue_dma source(%arg7 : memref<64x128xf32, #tpu.memory_space<vmem>>) target(%dma_start3A_208 : memref<64x128xf32, #tpu.memory_space<hbm>>) target_semaphore(%run_scoped3A : memref<!tpu.dma_semaphore, #tpu.memory_space<semaphore_mem>>)
        %dma_wait3A_209 = arith.constant 0 : i32
        %dma_wait3A_210 = tpu.memref_slice %arg4[%multiple_of3A, %dma_wait3A_209] : memref<131072x128xf32, #tpu.memory_space<hbm>> -> memref<64x128xf32, #tpu.memory_space<hbm>>
        %dma_wait3A_211 = arith.constant 0 : i32
        %dma_wait3A_212 = tpu.memref_slice %arg4[%multiple_of3A, %dma_wait3A_211] : memref<131072x128xf32, #tpu.memory_space<hbm>> -> memref<64x128xf32, #tpu.memory_space<hbm>>
        tpu.wait_dma2 semaphore(%run_scoped3A : memref<!tpu.dma_semaphore, #tpu.memory_space<semaphore_mem>>) src(%arg7 : memref<64x128xf32, #tpu.memory_space<vmem>>) dst(%dma_wait3A_212 : memref<64x128xf32, #tpu.memory_space<hbm>>)
        tpu.yield
      }) : () -> ()
      %add3A_63 = arith.constant 1 : i32
      %add3A_64 = arith.addi %mul3A_25, %add3A_63 : i32
      %mul3A_65 = arith.constant 128 : i32
      %mul3A_66 = arith.muli %add3A_64, %mul3A_65 : i32
      %dma_wait3A_67 = arith.constant 128 : i32
      %dma_wait3A_68 = arith.constant 0 : i32
      %dma_wait3A_69 = tpu.memref_slice %arg6[%dma_wait3A_67, %dma_wait3A_68] : memref<512x128xf32, #tpu.memory_space<vmem>> -> memref<128x128xf32, #tpu.memory_space<vmem>>
      %dma_wait3A_70 = tpu.memref_slice %arg5[%mul3A_66] : memref<8192xi32, #tpu.memory_space<vmem>> -> memref<128xi32, #tpu.memory_space<vmem>>
      %dma_wait3A_71 = arith.constant 0 : i32
      %dma_wait3A_72 = arith.constant 0 : i32
      %dma_wait3A_73 = tpu.memref_slice %arg2[%dma_wait3A_71, %dma_wait3A_72] : memref<16384x128xf32, #tpu.memory_space<hbm>> -> memref<16384x128xf32, #tpu.memory_space<hbm>>
      tpu.wait_indirect_dma semaphore(%arg9 : memref<!tpu.dma_semaphore, #tpu.memory_space<semaphore_mem>>) src(%dma_wait3A_73 : memref<16384x128xf32, #tpu.memory_space<hbm>>) dst(%dma_wait3A_69 : memref<128x128xf32, #tpu.memory_space<vmem>>)
      %scan3A_74 = arith.constant 0 : i32
      %scan3A_75 = arith.constant 0 : i32
      %scan3A_76 = arith.constant 64 : i32
      %scan3A_77 = arith.addi %scan3A_75, %scan3A_76 : i32
      %scan3A_78 = arith.constant 1 : i32
      scf.for %scan3A_205 = %scan3A_75 to %scan3A_77 step %scan3A_78  : i32 {
        %mul3A_206 = arith.constant 2 : i32
        %mul3A_207 = arith.muli %mul3A_206, %scan3A_205 : i32
        %add3A_208 = arith.constant 128 : i32
        %add3A_209 = arith.addi %add3A_208, %mul3A_207 : i32
        %get3A = arith.index_cast %add3A_209 : i32 to index
        %get3A_210 = arith.constant 0 : index
        %get3A_211 = tpu.vector_load %arg6[%get3A, %get3A_210] {strides = array<i32>} : memref<512x128xf32, #tpu.memory_space<vmem>>, vector<1x16xf32>,
        %get3A_212 = vector.shape_cast %get3A_211 : vector<1x16xf32> to vector<16xf32>
        %swap3A = arith.index_cast %scan3A_205 : i32 to index
        %swap3A_213 = arith.constant 0 : index
        %swap3A_214 = tpu.vector_load %arg7[%swap3A, %swap3A_213] {strides = array<i32>} : memref<64x128xf32, #tpu.memory_space<vmem>>, vector<1x16xf32>,
        %swap3A_215 = vector.shape_cast %swap3A_214 : vector<1x16xf32> to vector<16xf32>
        %swap3A_216 = vector.shape_cast %get3A_212 : vector<16xf32> to vector<1x16xf32>
        tpu.vector_store %arg7[%swap3A, %swap3A_213], %swap3A_216 {strides = array<i32>} : memref<64x128xf32, #tpu.memory_space<vmem>>, vector<1x16xf32>,
        %add3A_217 = arith.constant 1 : i32
        %add3A_218 = arith.addi %add3A_209, %add3A_217 : i32
        %get3A_219 = arith.index_cast %add3A_218 : i32 to index
        %get3A_220 = arith.constant 64 : index
        %get3A_221 = tpu.vector_load %arg6[%get3A_219, %get3A_220] {strides = array<i32>} : memref<512x128xf32, #tpu.memory_space<vmem>>, vector<1x16xf32>,
        %get3A_222 = vector.shape_cast %get3A_221 : vector<1x16xf32> to vector<16xf32>
        %swap3A_223 = arith.index_cast %scan3A_205 : i32 to index
        %swap3A_224 = arith.constant 64 : index
        %swap3A_225 = tpu.vector_load %arg7[%swap3A_223, %swap3A_224] {strides = array<i32>} : memref<64x128xf32, #tpu.memory_space<vmem>>, vector<1x16xf32>,
        %swap3A_226 = vector.shape_cast %swap3A_225 : vector<1x16xf32> to vector<16xf32>
        %swap3A_227 = vector.shape_cast %get3A_222 : vector<16xf32> to vector<1x16xf32>
        tpu.vector_store %arg7[%swap3A_223, %swap3A_224], %swap3A_227 {strides = array<i32>} : memref<64x128xf32, #tpu.memory_space<vmem>>, vector<1x16xf32>,
        %get3A_228 = arith.index_cast %add3A_209 : i32 to index
        %get3A_229 = arith.constant 16 : index
        %get3A_230 = tpu.vector_load %arg6[%get3A_228, %get3A_229] {strides = array<i32>} : memref<512x128xf32, #tpu.memory_space<vmem>>, vector<1x16xf32>,
        %get3A_231 = vector.shape_cast %get3A_230 : vector<1x16xf32> to vector<16xf32>
        %swap3A_232 = arith.index_cast %scan3A_205 : i32 to index
        %swap3A_233 = arith.constant 16 : index
        %swap3A_234 = tpu.vector_load %arg7[%swap3A_232, %swap3A_233] {strides = array<i32>} : memref<64x128xf32, #tpu.memory_space<vmem>>, vector<1x16xf32>,
        %swap3A_235 = vector.shape_cast %swap3A_234 : vector<1x16xf32> to vector<16xf32>
        %swap3A_236 = vector.shape_cast %get3A_231 : vector<16xf32> to vector<1x16xf32>
        tpu.vector_store %arg7[%swap3A_232, %swap3A_233], %swap3A_236 {strides = array<i32>} : memref<64x128xf32, #tpu.memory_space<vmem>>, vector<1x16xf32>,
        %add3A_237 = arith.constant 1 : i32
        %add3A_238 = arith.addi %add3A_209, %add3A_237 : i32
        %get3A_239 = arith.index_cast %add3A_238 : i32 to index
        %get3A_240 = arith.constant 80 : index
        %get3A_241 = tpu.vector_load %arg6[%get3A_239, %get3A_240] {strides = array<i32>} : memref<512x128xf32, #tpu.memory_space<vmem>>, vector<1x16xf32>,
        %get3A_242 = vector.shape_cast %get3A_241 : vector<1x16xf32> to vector<16xf32>
        %swap3A_243 = arith.index_cast %scan3A_205 : i32 to index
        %swap3A_244 = arith.constant 80 : index
        %swap3A_245 = tpu.vector_load %arg7[%swap3A_243, %swap3A_244] {strides = array<i32>} : memref<64x128xf32, #tpu.memory_space<vmem>>, vector<1x16xf32>,
        %swap3A_246 = vector.shape_cast %swap3A_245 : vector<1x16xf32> to vector<16xf32>
        %swap3A_247 = vector.shape_cast %get3A_242 : vector<16xf32> to vector<1x16xf32>
        tpu.vector_store %arg7[%swap3A_243, %swap3A_244], %swap3A_247 {strides = array<i32>} : memref<64x128xf32, #tpu.memory_space<vmem>>, vector<1x16xf32>,
        %get3A_248 = arith.index_cast %add3A_209 : i32 to index
        %get3A_249 = arith.constant 32 : index
        %get3A_250 = tpu.vector_load %arg6[%get3A_248, %get3A_249] {strides = array<i32>} : memref<512x128xf32, #tpu.memory_space<vmem>>, vector<1x16xf32>,
        %get3A_251 = vector.shape_cast %get3A_250 : vector<1x16xf32> to vector<16xf32>
        %swap3A_252 = arith.index_cast %scan3A_205 : i32 to index
        %swap3A_253 = arith.constant 32 : index
        %swap3A_254 = tpu.vector_load %arg7[%swap3A_252, %swap3A_253] {strides = array<i32>} : memref<64x128xf32, #tpu.memory_space<vmem>>, vector<1x16xf32>,
        %swap3A_255 = vector.shape_cast %swap3A_254 : vector<1x16xf32> to vector<16xf32>
        %swap3A_256 = vector.shape_cast %get3A_251 : vector<16xf32> to vector<1x16xf32>
        tpu.vector_store %arg7[%swap3A_252, %swap3A_253], %swap3A_256 {strides = array<i32>} : memref<64x128xf32, #tpu.memory_space<vmem>>, vector<1x16xf32>,
        %add3A_257 = arith.constant 1 : i32
        %add3A_258 = arith.addi %add3A_209, %add3A_257 : i32
        %get3A_259 = arith.index_cast %add3A_258 : i32 to index
        %get3A_260 = arith.constant 96 : index
        %get3A_261 = tpu.vector_load %arg6[%get3A_259, %get3A_260] {strides = array<i32>} : memref<512x128xf32, #tpu.memory_space<vmem>>, vector<1x16xf32>,
        %get3A_262 = vector.shape_cast %get3A_261 : vector<1x16xf32> to vector<16xf32>
        %swap3A_263 = arith.index_cast %scan3A_205 : i32 to index
        %swap3A_264 = arith.constant 96 : index
        %swap3A_265 = tpu.vector_load %arg7[%swap3A_263, %swap3A_264] {strides = array<i32>} : memref<64x128xf32, #tpu.memory_space<vmem>>, vector<1x16xf32>,
        %swap3A_266 = vector.shape_cast %swap3A_265 : vector<1x16xf32> to vector<16xf32>
        %swap3A_267 = vector.shape_cast %get3A_262 : vector<16xf32> to vector<1x16xf32>
        tpu.vector_store %arg7[%swap3A_263, %swap3A_264], %swap3A_267 {strides = array<i32>} : memref<64x128xf32, #tpu.memory_space<vmem>>, vector<1x16xf32>,
        %get3A_268 = arith.index_cast %add3A_209 : i32 to index
        %get3A_269 = arith.constant 48 : index
        %get3A_270 = tpu.vector_load %arg6[%get3A_268, %get3A_269] {strides = array<i32>} : memref<512x128xf32, #tpu.memory_space<vmem>>, vector<1x16xf32>,
        %get3A_271 = vector.shape_cast %get3A_270 : vector<1x16xf32> to vector<16xf32>
        %swap3A_272 = arith.index_cast %scan3A_205 : i32 to index
        %swap3A_273 = arith.constant 48 : index
        %swap3A_274 = tpu.vector_load %arg7[%swap3A_272, %swap3A_273] {strides = array<i32>} : memref<64x128xf32, #tpu.memory_space<vmem>>, vector<1x16xf32>,
        %swap3A_275 = vector.shape_cast %swap3A_274 : vector<1x16xf32> to vector<16xf32>
        %swap3A_276 = vector.shape_cast %get3A_271 : vector<16xf32> to vector<1x16xf32>
        tpu.vector_store %arg7[%swap3A_272, %swap3A_273], %swap3A_276 {strides = array<i32>} : memref<64x128xf32, #tpu.memory_space<vmem>>, vector<1x16xf32>,
        %add3A_277 = arith.constant 1 : i32
        %add3A_278 = arith.addi %add3A_209, %add3A_277 : i32
        %get3A_279 = arith.index_cast %add3A_278 : i32 to index
        %get3A_280 = arith.constant 112 : index
        %get3A_281 = tpu.vector_load %arg6[%get3A_279, %get3A_280] {strides = array<i32>} : memref<512x128xf32, #tpu.memory_space<vmem>>, vector<1x16xf32>,
        %get3A_282 = vector.shape_cast %get3A_281 : vector<1x16xf32> to vector<16xf32>
        %swap3A_283 = arith.index_cast %scan3A_205 : i32 to index
        %swap3A_284 = arith.constant 112 : index
        %swap3A_285 = tpu.vector_load %arg7[%swap3A_283, %swap3A_284] {strides = array<i32>} : memref<64x128xf32, #tpu.memory_space<vmem>>, vector<1x16xf32>,
        %swap3A_286 = vector.shape_cast %swap3A_285 : vector<1x16xf32> to vector<16xf32>
        %swap3A_287 = vector.shape_cast %get3A_282 : vector<16xf32> to vector<1x16xf32>
        tpu.vector_store %arg7[%swap3A_283, %swap3A_284], %swap3A_287 {strides = array<i32>} : memref<64x128xf32, #tpu.memory_space<vmem>>, vector<1x16xf32>,
      }
      %scan3A_79 = arith.constant 64 : i32
      %mul3A_80 = arith.constant 128 : i32
      %mul3A_81 = arith.muli %add3A_64, %mul3A_80 : i32
      %add3A_82 = arith.addi %mul3A_2, %mul3A_81 : i32
      %jit3A_83 = arith.constant 2 : i32
      %div3A_84 = arith.divsi %add3A_82, %jit3A_83 : i32
      %sign3A_85 = arith.constant 0 : i32
      %sign3A_86 = arith.cmpi sgt, %add3A_82, %sign3A_85 : i32
      %sign3A_87 = arith.extui %sign3A_86 : i1 to i32
      %sign3A_88 = arith.constant 0 : i32
      %sign3A_89 = arith.cmpi slt, %add3A_82, %sign3A_88 : i32
      %sign3A_90 = arith.extui %sign3A_89 : i1 to i32
      %sign3A_91 = arith.subi %sign3A_87, %sign3A_90 : i32
      %sign3A_92 = arith.constant 0 : i32
      %sign3A_93 = arith.cmpi sgt, %jit3A_83, %sign3A_92 : i32
      %sign3A_94 = arith.extui %sign3A_93 : i1 to i32
      %sign3A_95 = arith.constant 0 : i32
      %sign3A_96 = arith.cmpi slt, %jit3A_83, %sign3A_95 : i32
      %sign3A_97 = arith.extui %sign3A_96 : i1 to i32
      %sign3A_98 = arith.subi %sign3A_94, %sign3A_97 : i32
      %ne3A_99 = arith.cmpi ne, %sign3A_91, %sign3A_98 : i32
      %rem3A_100 = arith.remsi %add3A_82, %jit3A_83 : i32
      %ne3A_101 = arith.constant 0 : i32
      %ne3A_102 = arith.cmpi ne, %rem3A_100, %ne3A_101 : i32
      %and3A_103 = arith.andi %ne3A_99, %ne3A_102 : i1
      %sub3A_104 = arith.constant 1 : i32
      %sub3A_105 = arith.subi %div3A_84, %sub3A_104 : i32
      %select_n3A_106 = arith.select %and3A_103, %sub3A_105, %div3A_84 : i32
      %multiple_of3A_107 = tpu.assume_multiple %select_n3A_106, 64 : i32
      "tpu.region"() ({
        %run_scoped3A = tpu.sem_alloc : memref<!tpu.dma_semaphore, #tpu.memory_space<semaphore_mem>>
        %dma_start3A_205 = arith.constant 0 : i32
        %dma_start3A_206 = tpu.memref_slice %arg4[%multiple_of3A_107, %dma_start3A_205] : memref<131072x128xf32, #tpu.memory_space<hbm>> -> memref<64x128xf32, #tpu.memory_space<hbm>>
        %dma_start3A_207 = arith.constant 0 : i32
        %dma_start3A_208 = tpu.memref_slice %arg4[%multiple_of3A_107, %dma_start3A_207] : memref<131072x128xf32, #tpu.memory_space<hbm>> -> memref<64x128xf32, #tpu.memory_space<hbm>>
        tpu.enqueue_dma source(%arg7 : memref<64x128xf32, #tpu.memory_space<vmem>>) target(%dma_start3A_208 : memref<64x128xf32, #tpu.memory_space<hbm>>) target_semaphore(%run_scoped3A : memref<!tpu.dma_semaphore, #tpu.memory_space<semaphore_mem>>)
        %dma_wait3A_209 = arith.constant 0 : i32
        %dma_wait3A_210 = tpu.memref_slice %arg4[%multiple_of3A_107, %dma_wait3A_209] : memref<131072x128xf32, #tpu.memory_space<hbm>> -> memref<64x128xf32, #tpu.memory_space<hbm>>
        %dma_wait3A_211 = arith.constant 0 : i32
        %dma_wait3A_212 = tpu.memref_slice %arg4[%multiple_of3A_107, %dma_wait3A_211] : memref<131072x128xf32, #tpu.memory_space<hbm>> -> memref<64x128xf32, #tpu.memory_space<hbm>>
        tpu.wait_dma2 semaphore(%run_scoped3A : memref<!tpu.dma_semaphore, #tpu.memory_space<semaphore_mem>>) src(%arg7 : memref<64x128xf32, #tpu.memory_space<vmem>>) dst(%dma_wait3A_212 : memref<64x128xf32, #tpu.memory_space<hbm>>)
        tpu.yield
      }) : () -> ()
      %add3A_108 = arith.constant 4 : i32
      %add3A_109 = arith.addi %mul3A_25, %add3A_108 : i32
      %lt3A_110 = arith.constant 64 : i32
      %lt3A_111 = arith.cmpi slt, %add3A_109, %lt3A_110 : i32
      %convert_element_type3A_112 = arith.extui %lt3A_111 : i1 to i32
      %cond3A_113 = arith.constant 0 : i32
      %cond3A_114 = arith.cmpi ne, %convert_element_type3A_112, %cond3A_113 : i32
      scf.if %cond3A_114 {
        %add3A_205 = arith.constant 4 : i32
        %add3A_206 = arith.addi %mul3A_25, %add3A_205 : i32
        %mul3A_207 = arith.constant 128 : i32
        %mul3A_208 = arith.muli %add3A_206, %mul3A_207 : i32
        %dma_start3A_209 = arith.constant 0 : i32
        %dma_start3A_210 = arith.constant 0 : i32
        %dma_start3A_211 = tpu.memref_slice %arg6[%dma_start3A_209, %dma_start3A_210] : memref<512x128xf32, #tpu.memory_space<vmem>> -> memref<128x128xf32, #tpu.memory_space<vmem>>
        %dma_start3A_212 = tpu.memref_slice %arg5[%mul3A_208] : memref<8192xi32, #tpu.memory_space<vmem>> -> memref<128xi32, #tpu.memory_space<vmem>>
        %dma_start3A_213 = arith.constant 0 : i32
        %dma_start3A_214 = arith.constant 0 : i32
        %dma_start3A_215 = tpu.memref_slice %arg2[%dma_start3A_213, %dma_start3A_214] : memref<16384x128xf32, #tpu.memory_space<hbm>> -> memref<16384x128xf32, #tpu.memory_space<hbm>>
        tpu.enqueue_indirect_dma source(%dma_start3A_215 : memref<16384x128xf32, #tpu.memory_space<hbm>>) target(%dma_start3A_211 : memref<128x128xf32, #tpu.memory_space<vmem>>) offsets(%dma_start3A_212 : memref<128xi32, #tpu.memory_space<vmem>>) semaphore(%arg8 : memref<!tpu.dma_semaphore, #tpu.memory_space<semaphore_mem>>)
        %add3A_216 = arith.constant 5 : i32
        %add3A_217 = arith.addi %mul3A_25, %add3A_216 : i32
        %mul3A_218 = arith.constant 128 : i32
        %mul3A_219 = arith.muli %add3A_217, %mul3A_218 : i32
        %dma_start3A_220 = arith.constant 128 : i32
        %dma_start3A_221 = arith.constant 0 : i32
        %dma_start3A_222 = tpu.memref_slice %arg6[%dma_start3A_220, %dma_start3A_221] : memref<512x128xf32, #tpu.memory_space<vmem>> -> memref<128x128xf32, #tpu.memory_space<vmem>>
        %dma_start3A_223 = tpu.memref_slice %arg5[%mul3A_219] : memref<8192xi32, #tpu.memory_space<vmem>> -> memref<128xi32, #tpu.memory_space<vmem>>
        %dma_start3A_224 = arith.constant 0 : i32
        %dma_start3A_225 = arith.constant 0 : i32
        %dma_start3A_226 = tpu.memref_slice %arg2[%dma_start3A_224, %dma_start3A_225] : memref<16384x128xf32, #tpu.memory_space<hbm>> -> memref<16384x128xf32, #tpu.memory_space<hbm>>
        tpu.enqueue_indirect_dma source(%dma_start3A_226 : memref<16384x128xf32, #tpu.memory_space<hbm>>) target(%dma_start3A_222 : memref<128x128xf32, #tpu.memory_space<vmem>>) offsets(%dma_start3A_223 : memref<128xi32, #tpu.memory_space<vmem>>) semaphore(%arg9 : memref<!tpu.dma_semaphore, #tpu.memory_space<semaphore_mem>>)
      } else {
      }
      %add3A_115 = arith.constant 2 : i32
      %add3A_116 = arith.addi %mul3A_25, %add3A_115 : i32
      %mul3A_117 = arith.constant 128 : i32
      %mul3A_118 = arith.muli %add3A_116, %mul3A_117 : i32
      %dma_wait3A_119 = arith.constant 256 : i32
      %dma_wait3A_120 = arith.constant 0 : i32
      %dma_wait3A_121 = tpu.memref_slice %arg6[%dma_wait3A_119, %dma_wait3A_120] : memref<512x128xf32, #tpu.memory_space<vmem>> -> memref<128x128xf32, #tpu.memory_space<vmem>>
      %dma_wait3A_122 = tpu.memref_slice %arg5[%mul3A_118] : memref<8192xi32, #tpu.memory_space<vmem>> -> memref<128xi32, #tpu.memory_space<vmem>>
      %dma_wait3A_123 = arith.constant 0 : i32
      %dma_wait3A_124 = arith.constant 0 : i32
      %dma_wait3A_125 = tpu.memref_slice %arg2[%dma_wait3A_123, %dma_wait3A_124] : memref<16384x128xf32, #tpu.memory_space<hbm>> -> memref<16384x128xf32, #tpu.memory_space<hbm>>
      tpu.wait_indirect_dma semaphore(%arg10 : memref<!tpu.dma_semaphore, #tpu.memory_space<semaphore_mem>>) src(%dma_wait3A_125 : memref<16384x128xf32, #tpu.memory_space<hbm>>) dst(%dma_wait3A_121 : memref<128x128xf32, #tpu.memory_space<vmem>>)
      %scan3A_126 = arith.constant 0 : i32
      %scan3A_127 = arith.constant 0 : i32
      %scan3A_128 = arith.constant 64 : i32
      %scan3A_129 = arith.addi %scan3A_127, %scan3A_128 : i32
      %scan3A_130 = arith.constant 1 : i32
      scf.for %scan3A_205 = %scan3A_127 to %scan3A_129 step %scan3A_130  : i32 {
        %mul3A_206 = arith.constant 2 : i32
        %mul3A_207 = arith.muli %mul3A_206, %scan3A_205 : i32
        %add3A_208 = arith.constant 256 : i32
        %add3A_209 = arith.addi %add3A_208, %mul3A_207 : i32
        %get3A = arith.index_cast %add3A_209 : i32 to index
        %get3A_210 = arith.constant 0 : index
        %get3A_211 = tpu.vector_load %arg6[%get3A, %get3A_210] {strides = array<i32>} : memref<512x128xf32, #tpu.memory_space<vmem>>, vector<1x16xf32>,
        %get3A_212 = vector.shape_cast %get3A_211 : vector<1x16xf32> to vector<16xf32>
        %swap3A = arith.index_cast %scan3A_205 : i32 to index
        %swap3A_213 = arith.constant 0 : index
        %swap3A_214 = tpu.vector_load %arg7[%swap3A, %swap3A_213] {strides = array<i32>} : memref<64x128xf32, #tpu.memory_space<vmem>>, vector<1x16xf32>,
        %swap3A_215 = vector.shape_cast %swap3A_214 : vector<1x16xf32> to vector<16xf32>
        %swap3A_216 = vector.shape_cast %get3A_212 : vector<16xf32> to vector<1x16xf32>
        tpu.vector_store %arg7[%swap3A, %swap3A_213], %swap3A_216 {strides = array<i32>} : memref<64x128xf32, #tpu.memory_space<vmem>>, vector<1x16xf32>,
        %add3A_217 = arith.constant 1 : i32
        %add3A_218 = arith.addi %add3A_209, %add3A_217 : i32
        %get3A_219 = arith.index_cast %add3A_218 : i32 to index
        %get3A_220 = arith.constant 64 : index
        %get3A_221 = tpu.vector_load %arg6[%get3A_219, %get3A_220] {strides = array<i32>} : memref<512x128xf32, #tpu.memory_space<vmem>>, vector<1x16xf32>,
        %get3A_222 = vector.shape_cast %get3A_221 : vector<1x16xf32> to vector<16xf32>
        %swap3A_223 = arith.index_cast %scan3A_205 : i32 to index
        %swap3A_224 = arith.constant 64 : index
        %swap3A_225 = tpu.vector_load %arg7[%swap3A_223, %swap3A_224] {strides = array<i32>} : memref<64x128xf32, #tpu.memory_space<vmem>>, vector<1x16xf32>,
        %swap3A_226 = vector.shape_cast %swap3A_225 : vector<1x16xf32> to vector<16xf32>
        %swap3A_227 = vector.shape_cast %get3A_222 : vector<16xf32> to vector<1x16xf32>
        tpu.vector_store %arg7[%swap3A_223, %swap3A_224], %swap3A_227 {strides = array<i32>} : memref<64x128xf32, #tpu.memory_space<vmem>>, vector<1x16xf32>,
        %get3A_228 = arith.index_cast %add3A_209 : i32 to index
        %get3A_229 = arith.constant 16 : index
        %get3A_230 = tpu.vector_load %arg6[%get3A_228, %get3A_229] {strides = array<i32>} : memref<512x128xf32, #tpu.memory_space<vmem>>, vector<1x16xf32>,
        %get3A_231 = vector.shape_cast %get3A_230 : vector<1x16xf32> to vector<16xf32>
        %swap3A_232 = arith.index_cast %scan3A_205 : i32 to index
        %swap3A_233 = arith.constant 16 : index
        %swap3A_234 = tpu.vector_load %arg7[%swap3A_232, %swap3A_233] {strides = array<i32>} : memref<64x128xf32, #tpu.memory_space<vmem>>, vector<1x16xf32>,
        %swap3A_235 = vector.shape_cast %swap3A_234 : vector<1x16xf32> to vector<16xf32>
        %swap3A_236 = vector.shape_cast %get3A_231 : vector<16xf32> to vector<1x16xf32>
        tpu.vector_store %arg7[%swap3A_232, %swap3A_233], %swap3A_236 {strides = array<i32>} : memref<64x128xf32, #tpu.memory_space<vmem>>, vector<1x16xf32>,
        %add3A_237 = arith.constant 1 : i32
        %add3A_238 = arith.addi %add3A_209, %add3A_237 : i32
        %get3A_239 = arith.index_cast %add3A_238 : i32 to index
        %get3A_240 = arith.constant 80 : index
        %get3A_241 = tpu.vector_load %arg6[%get3A_239, %get3A_240] {strides = array<i32>} : memref<512x128xf32, #tpu.memory_space<vmem>>, vector<1x16xf32>,
        %get3A_242 = vector.shape_cast %get3A_241 : vector<1x16xf32> to vector<16xf32>
        %swap3A_243 = arith.index_cast %scan3A_205 : i32 to index
        %swap3A_244 = arith.constant 80 : index
        %swap3A_245 = tpu.vector_load %arg7[%swap3A_243, %swap3A_244] {strides = array<i32>} : memref<64x128xf32, #tpu.memory_space<vmem>>, vector<1x16xf32>,
        %swap3A_246 = vector.shape_cast %swap3A_245 : vector<1x16xf32> to vector<16xf32>
        %swap3A_247 = vector.shape_cast %get3A_242 : vector<16xf32> to vector<1x16xf32>
        tpu.vector_store %arg7[%swap3A_243, %swap3A_244], %swap3A_247 {strides = array<i32>} : memref<64x128xf32, #tpu.memory_space<vmem>>, vector<1x16xf32>,
        %get3A_248 = arith.index_cast %add3A_209 : i32 to index
        %get3A_249 = arith.constant 32 : index
        %get3A_250 = tpu.vector_load %arg6[%get3A_248, %get3A_249] {strides = array<i32>} : memref<512x128xf32, #tpu.memory_space<vmem>>, vector<1x16xf32>,
        %get3A_251 = vector.shape_cast %get3A_250 : vector<1x16xf32> to vector<16xf32>
        %swap3A_252 = arith.index_cast %scan3A_205 : i32 to index
        %swap3A_253 = arith.constant 32 : index
        %swap3A_254 = tpu.vector_load %arg7[%swap3A_252, %swap3A_253] {strides = array<i32>} : memref<64x128xf32, #tpu.memory_space<vmem>>, vector<1x16xf32>,
        %swap3A_255 = vector.shape_cast %swap3A_254 : vector<1x16xf32> to vector<16xf32>
        %swap3A_256 = vector.shape_cast %get3A_251 : vector<16xf32> to vector<1x16xf32>
        tpu.vector_store %arg7[%swap3A_252, %swap3A_253], %swap3A_256 {strides = array<i32>} : memref<64x128xf32, #tpu.memory_space<vmem>>, vector<1x16xf32>,
        %add3A_257 = arith.constant 1 : i32
        %add3A_258 = arith.addi %add3A_209, %add3A_257 : i32
        %get3A_259 = arith.index_cast %add3A_258 : i32 to index
        %get3A_260 = arith.constant 96 : index
        %get3A_261 = tpu.vector_load %arg6[%get3A_259, %get3A_260] {strides = array<i32>} : memref<512x128xf32, #tpu.memory_space<vmem>>, vector<1x16xf32>,
        %get3A_262 = vector.shape_cast %get3A_261 : vector<1x16xf32> to vector<16xf32>
        %swap3A_263 = arith.index_cast %scan3A_205 : i32 to index
        %swap3A_264 = arith.constant 96 : index
        %swap3A_265 = tpu.vector_load %arg7[%swap3A_263, %swap3A_264] {strides = array<i32>} : memref<64x128xf32, #tpu.memory_space<vmem>>, vector<1x16xf32>,
        %swap3A_266 = vector.shape_cast %swap3A_265 : vector<1x16xf32> to vector<16xf32>
        %swap3A_267 = vector.shape_cast %get3A_262 : vector<16xf32> to vector<1x16xf32>
        tpu.vector_store %arg7[%swap3A_263, %swap3A_264], %swap3A_267 {strides = array<i32>} : memref<64x128xf32, #tpu.memory_space<vmem>>, vector<1x16xf32>,
        %get3A_268 = arith.index_cast %add3A_209 : i32 to index
        %get3A_269 = arith.constant 48 : index
        %get3A_270 = tpu.vector_load %arg6[%get3A_268, %get3A_269] {strides = array<i32>} : memref<512x128xf32, #tpu.memory_space<vmem>>, vector<1x16xf32>,
        %get3A_271 = vector.shape_cast %get3A_270 : vector<1x16xf32> to vector<16xf32>
        %swap3A_272 = arith.index_cast %scan3A_205 : i32 to index
        %swap3A_273 = arith.constant 48 : index
        %swap3A_274 = tpu.vector_load %arg7[%swap3A_272, %swap3A_273] {strides = array<i32>} : memref<64x128xf32, #tpu.memory_space<vmem>>, vector<1x16xf32>,
        %swap3A_275 = vector.shape_cast %swap3A_274 : vector<1x16xf32> to vector<16xf32>
        %swap3A_276 = vector.shape_cast %get3A_271 : vector<16xf32> to vector<1x16xf32>
        tpu.vector_store %arg7[%swap3A_272, %swap3A_273], %swap3A_276 {strides = array<i32>} : memref<64x128xf32, #tpu.memory_space<vmem>>, vector<1x16xf32>,
        %add3A_277 = arith.constant 1 : i32
        %add3A_278 = arith.addi %add3A_209, %add3A_277 : i32
        %get3A_279 = arith.index_cast %add3A_278 : i32 to index
        %get3A_280 = arith.constant 112 : index
        %get3A_281 = tpu.vector_load %arg6[%get3A_279, %get3A_280] {strides = array<i32>} : memref<512x128xf32, #tpu.memory_space<vmem>>, vector<1x16xf32>,
        %get3A_282 = vector.shape_cast %get3A_281 : vector<1x16xf32> to vector<16xf32>
        %swap3A_283 = arith.index_cast %scan3A_205 : i32 to index
        %swap3A_284 = arith.constant 112 : index
        %swap3A_285 = tpu.vector_load %arg7[%swap3A_283, %swap3A_284] {strides = array<i32>} : memref<64x128xf32, #tpu.memory_space<vmem>>, vector<1x16xf32>,
        %swap3A_286 = vector.shape_cast %swap3A_285 : vector<1x16xf32> to vector<16xf32>
        %swap3A_287 = vector.shape_cast %get3A_282 : vector<16xf32> to vector<1x16xf32>
        tpu.vector_store %arg7[%swap3A_283, %swap3A_284], %swap3A_287 {strides = array<i32>} : memref<64x128xf32, #tpu.memory_space<vmem>>, vector<1x16xf32>,
      }
      %scan3A_131 = arith.constant 64 : i32
      %mul3A_132 = arith.constant 128 : i32
      %mul3A_133 = arith.muli %add3A_116, %mul3A_132 : i32
      %add3A_134 = arith.addi %mul3A_2, %mul3A_133 : i32
      %jit3A_135 = arith.constant 2 : i32
      %div3A_136 = arith.divsi %add3A_134, %jit3A_135 : i32
      %sign3A_137 = arith.constant 0 : i32
      %sign3A_138 = arith.cmpi sgt, %add3A_134, %sign3A_137 : i32
      %sign3A_139 = arith.extui %sign3A_138 : i1 to i32
      %sign3A_140 = arith.constant 0 : i32
      %sign3A_141 = arith.cmpi slt, %add3A_134, %sign3A_140 : i32
      %sign3A_142 = arith.extui %sign3A_141 : i1 to i32
      %sign3A_143 = arith.subi %sign3A_139, %sign3A_142 : i32
      %sign3A_144 = arith.constant 0 : i32
      %sign3A_145 = arith.cmpi sgt, %jit3A_135, %sign3A_144 : i32
      %sign3A_146 = arith.extui %sign3A_145 : i1 to i32
      %sign3A_147 = arith.constant 0 : i32
      %sign3A_148 = arith.cmpi slt, %jit3A_135, %sign3A_147 : i32
      %sign3A_149 = arith.extui %sign3A_148 : i1 to i32
      %sign3A_150 = arith.subi %sign3A_146, %sign3A_149 : i32
      %ne3A_151 = arith.cmpi ne, %sign3A_143, %sign3A_150 : i32
      %rem3A_152 = arith.remsi %add3A_134, %jit3A_135 : i32
      %ne3A_153 = arith.constant 0 : i32
      %ne3A_154 = arith.cmpi ne, %rem3A_152, %ne3A_153 : i32
      %and3A_155 = arith.andi %ne3A_151, %ne3A_154 : i1
      %sub3A_156 = arith.constant 1 : i32
      %sub3A_157 = arith.subi %div3A_136, %sub3A_156 : i32
      %select_n3A_158 = arith.select %and3A_155, %sub3A_157, %div3A_136 : i32
      %multiple_of3A_159 = tpu.assume_multiple %select_n3A_158, 64 : i32
      "tpu.region"() ({
        %run_scoped3A = tpu.sem_alloc : memref<!tpu.dma_semaphore, #tpu.memory_space<semaphore_mem>>
        %dma_start3A_205 = arith.constant 0 : i32
        %dma_start3A_206 = tpu.memref_slice %arg4[%multiple_of3A_159, %dma_start3A_205] : memref<131072x128xf32, #tpu.memory_space<hbm>> -> memref<64x128xf32, #tpu.memory_space<hbm>>
        %dma_start3A_207 = arith.constant 0 : i32
        %dma_start3A_208 = tpu.memref_slice %arg4[%multiple_of3A_159, %dma_start3A_207] : memref<131072x128xf32, #tpu.memory_space<hbm>> -> memref<64x128xf32, #tpu.memory_space<hbm>>
        tpu.enqueue_dma source(%arg7 : memref<64x128xf32, #tpu.memory_space<vmem>>) target(%dma_start3A_208 : memref<64x128xf32, #tpu.memory_space<hbm>>) target_semaphore(%run_scoped3A : memref<!tpu.dma_semaphore, #tpu.memory_space<semaphore_mem>>)
        %dma_wait3A_209 = arith.constant 0 : i32
        %dma_wait3A_210 = tpu.memref_slice %arg4[%multiple_of3A_159, %dma_wait3A_209] : memref<131072x128xf32, #tpu.memory_space<hbm>> -> memref<64x128xf32, #tpu.memory_space<hbm>>
        %dma_wait3A_211 = arith.constant 0 : i32
        %dma_wait3A_212 = tpu.memref_slice %arg4[%multiple_of3A_159, %dma_wait3A_211] : memref<131072x128xf32, #tpu.memory_space<hbm>> -> memref<64x128xf32, #tpu.memory_space<hbm>>
        tpu.wait_dma2 semaphore(%run_scoped3A : memref<!tpu.dma_semaphore, #tpu.memory_space<semaphore_mem>>) src(%arg7 : memref<64x128xf32, #tpu.memory_space<vmem>>) dst(%dma_wait3A_212 : memref<64x128xf32, #tpu.memory_space<hbm>>)
        tpu.yield
      }) : () -> ()
      %add3A_160 = arith.constant 3 : i32
      %add3A_161 = arith.addi %mul3A_25, %add3A_160 : i32
      %mul3A_162 = arith.constant 128 : i32
      %mul3A_163 = arith.muli %add3A_161, %mul3A_162 : i32
      %dma_wait3A_164 = arith.constant 384 : i32
      %dma_wait3A_165 = arith.constant 0 : i32
      %dma_wait3A_166 = tpu.memref_slice %arg6[%dma_wait3A_164, %dma_wait3A_165] : memref<512x128xf32, #tpu.memory_space<vmem>> -> memref<128x128xf32, #tpu.memory_space<vmem>>
      %dma_wait3A_167 = tpu.memref_slice %arg5[%mul3A_163] : memref<8192xi32, #tpu.memory_space<vmem>> -> memref<128xi32, #tpu.memory_space<vmem>>
      %dma_wait3A_168 = arith.constant 0 : i32
      %dma_wait3A_169 = arith.constant 0 : i32
      %dma_wait3A_170 = tpu.memref_slice %arg2[%dma_wait3A_168, %dma_wait3A_169] : memref<16384x128xf32, #tpu.memory_space<hbm>> -> memref<16384x128xf32, #tpu.memory_space<hbm>>
      tpu.wait_indirect_dma semaphore(%arg11 : memref<!tpu.dma_semaphore, #tpu.memory_space<semaphore_mem>>) src(%dma_wait3A_170 : memref<16384x128xf32, #tpu.memory_space<hbm>>) dst(%dma_wait3A_166 : memref<128x128xf32, #tpu.memory_space<vmem>>)
      %scan3A_171 = arith.constant 0 : i32
      %scan3A_172 = arith.constant 0 : i32
      %scan3A_173 = arith.constant 64 : i32
      %scan3A_174 = arith.addi %scan3A_172, %scan3A_173 : i32
      %scan3A_175 = arith.constant 1 : i32
      scf.for %scan3A_205 = %scan3A_172 to %scan3A_174 step %scan3A_175  : i32 {
        %mul3A_206 = arith.constant 2 : i32
        %mul3A_207 = arith.muli %mul3A_206, %scan3A_205 : i32
        %add3A_208 = arith.constant 384 : i32
        %add3A_209 = arith.addi %add3A_208, %mul3A_207 : i32
        %get3A = arith.index_cast %add3A_209 : i32 to index
        %get3A_210 = arith.constant 0 : index
        %get3A_211 = tpu.vector_load %arg6[%get3A, %get3A_210] {strides = array<i32>} : memref<512x128xf32, #tpu.memory_space<vmem>>, vector<1x16xf32>,
        %get3A_212 = vector.shape_cast %get3A_211 : vector<1x16xf32> to vector<16xf32>
        %swap3A = arith.index_cast %scan3A_205 : i32 to index
        %swap3A_213 = arith.constant 0 : index
        %swap3A_214 = tpu.vector_load %arg7[%swap3A, %swap3A_213] {strides = array<i32>} : memref<64x128xf32, #tpu.memory_space<vmem>>, vector<1x16xf32>,
        %swap3A_215 = vector.shape_cast %swap3A_214 : vector<1x16xf32> to vector<16xf32>
        %swap3A_216 = vector.shape_cast %get3A_212 : vector<16xf32> to vector<1x16xf32>
        tpu.vector_store %arg7[%swap3A, %swap3A_213], %swap3A_216 {strides = array<i32>} : memref<64x128xf32, #tpu.memory_space<vmem>>, vector<1x16xf32>,
        %add3A_217 = arith.constant 1 : i32
        %add3A_218 = arith.addi %add3A_209, %add3A_217 : i32
        %get3A_219 = arith.index_cast %add3A_218 : i32 to index
        %get3A_220 = arith.constant 64 : index
        %get3A_221 = tpu.vector_load %arg6[%get3A_219, %get3A_220] {strides = array<i32>} : memref<512x128xf32, #tpu.memory_space<vmem>>, vector<1x16xf32>,
        %get3A_222 = vector.shape_cast %get3A_221 : vector<1x16xf32> to vector<16xf32>
        %swap3A_223 = arith.index_cast %scan3A_205 : i32 to index
        %swap3A_224 = arith.constant 64 : index
        %swap3A_225 = tpu.vector_load %arg7[%swap3A_223, %swap3A_224] {strides = array<i32>} : memref<64x128xf32, #tpu.memory_space<vmem>>, vector<1x16xf32>,
        %swap3A_226 = vector.shape_cast %swap3A_225 : vector<1x16xf32> to vector<16xf32>
        %swap3A_227 = vector.shape_cast %get3A_222 : vector<16xf32> to vector<1x16xf32>
        tpu.vector_store %arg7[%swap3A_223, %swap3A_224], %swap3A_227 {strides = array<i32>} : memref<64x128xf32, #tpu.memory_space<vmem>>, vector<1x16xf32>,
        %get3A_228 = arith.index_cast %add3A_209 : i32 to index
        %get3A_229 = arith.constant 16 : index
        %get3A_230 = tpu.vector_load %arg6[%get3A_228, %get3A_229] {strides = array<i32>} : memref<512x128xf32, #tpu.memory_space<vmem>>, vector<1x16xf32>,
        %get3A_231 = vector.shape_cast %get3A_230 : vector<1x16xf32> to vector<16xf32>
        %swap3A_232 = arith.index_cast %scan3A_205 : i32 to index
        %swap3A_233 = arith.constant 16 : index
        %swap3A_234 = tpu.vector_load %arg7[%swap3A_232, %swap3A_233] {strides = array<i32>} : memref<64x128xf32, #tpu.memory_space<vmem>>, vector<1x16xf32>,
        %swap3A_235 = vector.shape_cast %swap3A_234 : vector<1x16xf32> to vector<16xf32>
        %swap3A_236 = vector.shape_cast %get3A_231 : vector<16xf32> to vector<1x16xf32>
        tpu.vector_store %arg7[%swap3A_232, %swap3A_233], %swap3A_236 {strides = array<i32>} : memref<64x128xf32, #tpu.memory_space<vmem>>, vector<1x16xf32>,
        %add3A_237 = arith.constant 1 : i32
        %add3A_238 = arith.addi %add3A_209, %add3A_237 : i32
        %get3A_239 = arith.index_cast %add3A_238 : i32 to index
        %get3A_240 = arith.constant 80 : index
        %get3A_241 = tpu.vector_load %arg6[%get3A_239, %get3A_240] {strides = array<i32>} : memref<512x128xf32, #tpu.memory_space<vmem>>, vector<1x16xf32>,
        %get3A_242 = vector.shape_cast %get3A_241 : vector<1x16xf32> to vector<16xf32>
        %swap3A_243 = arith.index_cast %scan3A_205 : i32 to index
        %swap3A_244 = arith.constant 80 : index
        %swap3A_245 = tpu.vector_load %arg7[%swap3A_243, %swap3A_244] {strides = array<i32>} : memref<64x128xf32, #tpu.memory_space<vmem>>, vector<1x16xf32>,
        %swap3A_246 = vector.shape_cast %swap3A_245 : vector<1x16xf32> to vector<16xf32>
        %swap3A_247 = vector.shape_cast %get3A_242 : vector<16xf32> to vector<1x16xf32>
        tpu.vector_store %arg7[%swap3A_243, %swap3A_244], %swap3A_247 {strides = array<i32>} : memref<64x128xf32, #tpu.memory_space<vmem>>, vector<1x16xf32>,
        %get3A_248 = arith.index_cast %add3A_209 : i32 to index
        %get3A_249 = arith.constant 32 : index
        %get3A_250 = tpu.vector_load %arg6[%get3A_248, %get3A_249] {strides = array<i32>} : memref<512x128xf32, #tpu.memory_space<vmem>>, vector<1x16xf32>,
        %get3A_251 = vector.shape_cast %get3A_250 : vector<1x16xf32> to vector<16xf32>
        %swap3A_252 = arith.index_cast %scan3A_205 : i32 to index
        %swap3A_253 = arith.constant 32 : index
        %swap3A_254 = tpu.vector_load %arg7[%swap3A_252, %swap3A_253] {strides = array<i32>} : memref<64x128xf32, #tpu.memory_space<vmem>>, vector<1x16xf32>,
        %swap3A_255 = vector.shape_cast %swap3A_254 : vector<1x16xf32> to vector<16xf32>
        %swap3A_256 = vector.shape_cast %get3A_251 : vector<16xf32> to vector<1x16xf32>
        tpu.vector_store %arg7[%swap3A_252, %swap3A_253], %swap3A_256 {strides = array<i32>} : memref<64x128xf32, #tpu.memory_space<vmem>>, vector<1x16xf32>,
        %add3A_257 = arith.constant 1 : i32
        %add3A_258 = arith.addi %add3A_209, %add3A_257 : i32
        %get3A_259 = arith.index_cast %add3A_258 : i32 to index
        %get3A_260 = arith.constant 96 : index
        %get3A_261 = tpu.vector_load %arg6[%get3A_259, %get3A_260] {strides = array<i32>} : memref<512x128xf32, #tpu.memory_space<vmem>>, vector<1x16xf32>,
        %get3A_262 = vector.shape_cast %get3A_261 : vector<1x16xf32> to vector<16xf32>
        %swap3A_263 = arith.index_cast %scan3A_205 : i32 to index
        %swap3A_264 = arith.constant 96 : index
        %swap3A_265 = tpu.vector_load %arg7[%swap3A_263, %swap3A_264] {strides = array<i32>} : memref<64x128xf32, #tpu.memory_space<vmem>>, vector<1x16xf32>,
        %swap3A_266 = vector.shape_cast %swap3A_265 : vector<1x16xf32> to vector<16xf32>
        %swap3A_267 = vector.shape_cast %get3A_262 : vector<16xf32> to vector<1x16xf32>
        tpu.vector_store %arg7[%swap3A_263, %swap3A_264], %swap3A_267 {strides = array<i32>} : memref<64x128xf32, #tpu.memory_space<vmem>>, vector<1x16xf32>,
        %get3A_268 = arith.index_cast %add3A_209 : i32 to index
        %get3A_269 = arith.constant 48 : index
        %get3A_270 = tpu.vector_load %arg6[%get3A_268, %get3A_269] {strides = array<i32>} : memref<512x128xf32, #tpu.memory_space<vmem>>, vector<1x16xf32>,
        %get3A_271 = vector.shape_cast %get3A_270 : vector<1x16xf32> to vector<16xf32>
        %swap3A_272 = arith.index_cast %scan3A_205 : i32 to index
        %swap3A_273 = arith.constant 48 : index
        %swap3A_274 = tpu.vector_load %arg7[%swap3A_272, %swap3A_273] {strides = array<i32>} : memref<64x128xf32, #tpu.memory_space<vmem>>, vector<1x16xf32>,
        %swap3A_275 = vector.shape_cast %swap3A_274 : vector<1x16xf32> to vector<16xf32>
        %swap3A_276 = vector.shape_cast %get3A_271 : vector<16xf32> to vector<1x16xf32>
        tpu.vector_store %arg7[%swap3A_272, %swap3A_273], %swap3A_276 {strides = array<i32>} : memref<64x128xf32, #tpu.memory_space<vmem>>, vector<1x16xf32>,
        %add3A_277 = arith.constant 1 : i32
        %add3A_278 = arith.addi %add3A_209, %add3A_277 : i32
        %get3A_279 = arith.index_cast %add3A_278 : i32 to index
        %get3A_280 = arith.constant 112 : index
        %get3A_281 = tpu.vector_load %arg6[%get3A_279, %get3A_280] {strides = array<i32>} : memref<512x128xf32, #tpu.memory_space<vmem>>, vector<1x16xf32>,
        %get3A_282 = vector.shape_cast %get3A_281 : vector<1x16xf32> to vector<16xf32>
        %swap3A_283 = arith.index_cast %scan3A_205 : i32 to index
        %swap3A_284 = arith.constant 112 : index
        %swap3A_285 = tpu.vector_load %arg7[%swap3A_283, %swap3A_284] {strides = array<i32>} : memref<64x128xf32, #tpu.memory_space<vmem>>, vector<1x16xf32>,
        %swap3A_286 = vector.shape_cast %swap3A_285 : vector<1x16xf32> to vector<16xf32>
        %swap3A_287 = vector.shape_cast %get3A_282 : vector<16xf32> to vector<1x16xf32>
        tpu.vector_store %arg7[%swap3A_283, %swap3A_284], %swap3A_287 {strides = array<i32>} : memref<64x128xf32, #tpu.memory_space<vmem>>, vector<1x16xf32>,
      }
      %scan3A_176 = arith.constant 64 : i32
      %mul3A_177 = arith.constant 128 : i32
      %mul3A_178 = arith.muli %add3A_161, %mul3A_177 : i32
      %add3A_179 = arith.addi %mul3A_2, %mul3A_178 : i32
      %jit3A_180 = arith.constant 2 : i32
      %div3A_181 = arith.divsi %add3A_179, %jit3A_180 : i32
      %sign3A_182 = arith.constant 0 : i32
      %sign3A_183 = arith.cmpi sgt, %add3A_179, %sign3A_182 : i32
      %sign3A_184 = arith.extui %sign3A_183 : i1 to i32
      %sign3A_185 = arith.constant 0 : i32
      %sign3A_186 = arith.cmpi slt, %add3A_179, %sign3A_185 : i32
      %sign3A_187 = arith.extui %sign3A_186 : i1 to i32
      %sign3A_188 = arith.subi %sign3A_184, %sign3A_187 : i32
      %sign3A_189 = arith.constant 0 : i32
      %sign3A_190 = arith.cmpi sgt, %jit3A_180, %sign3A_189 : i32
      %sign3A_191 = arith.extui %sign3A_190 : i1 to i32
      %sign3A_192 = arith.constant 0 : i32
      %sign3A_193 = arith.cmpi slt, %jit3A_180, %sign3A_192 : i32
      %sign3A_194 = arith.extui %sign3A_193 : i1 to i32
      %sign3A_195 = arith.subi %sign3A_191, %sign3A_194 : i32
      %ne3A_196 = arith.cmpi ne, %sign3A_188, %sign3A_195 : i32
      %rem3A_197 = arith.remsi %add3A_179, %jit3A_180 : i32
      %ne3A_198 = arith.constant 0 : i32
      %ne3A_199 = arith.cmpi ne, %rem3A_197, %ne3A_198 : i32
      %and3A_200 = arith.andi %ne3A_196, %ne3A_199 : i1
      %sub3A_201 = arith.constant 1 : i32
      %sub3A_202 = arith.subi %div3A_181, %sub3A_201 : i32
      %select_n3A_203 = arith.select %and3A_200, %sub3A_202, %div3A_181 : i32
      %multiple_of3A_204 = tpu.assume_multiple %select_n3A_203, 64 : i32
      "tpu.region"() ({
        %run_scoped3A = tpu.sem_alloc : memref<!tpu.dma_semaphore, #tpu.memory_space<semaphore_mem>>
        %dma_start3A_205 = arith.constant 0 : i32
        %dma_start3A_206 = tpu.memref_slice %arg4[%multiple_of3A_204, %dma_start3A_205] : memref<131072x128xf32, #tpu.memory_space<hbm>> -> memref<64x128xf32, #tpu.memory_space<hbm>>
        %dma_start3A_207 = arith.constant 0 : i32
        %dma_start3A_208 = tpu.memref_slice %arg4[%multiple_of3A_204, %dma_start3A_207] : memref<131072x128xf32, #tpu.memory_space<hbm>> -> memref<64x128xf32, #tpu.memory_space<hbm>>
        tpu.enqueue_dma source(%arg7 : memref<64x128xf32, #tpu.memory_space<vmem>>) target(%dma_start3A_208 : memref<64x128xf32, #tpu.memory_space<hbm>>) target_semaphore(%run_scoped3A : memref<!tpu.dma_semaphore, #tpu.memory_space<semaphore_mem>>)
        %dma_wait3A_209 = arith.constant 0 : i32
        %dma_wait3A_210 = tpu.memref_slice %arg4[%multiple_of3A_204, %dma_wait3A_209] : memref<131072x128xf32, #tpu.memory_space<hbm>> -> memref<64x128xf32, #tpu.memory_space<hbm>>
        %dma_wait3A_211 = arith.constant 0 : i32
        %dma_wait3A_212 = tpu.memref_slice %arg4[%multiple_of3A_204, %dma_wait3A_211] : memref<131072x128xf32, #tpu.memory_space<hbm>> -> memref<64x128xf32, #tpu.memory_space<hbm>>
        tpu.wait_dma2 semaphore(%run_scoped3A : memref<!tpu.dma_semaphore, #tpu.memory_space<semaphore_mem>>) src(%arg7 : memref<64x128xf32, #tpu.memory_space<vmem>>) dst(%dma_wait3A_212 : memref<64x128xf32, #tpu.memory_space<hbm>>)
        tpu.yield
      }) : () -> ()
    }
    %scan3A_22 = arith.constant 16 : i32
    return
  }
}

module attributes {stable_mosaic.version = 14 : i64} {
  func.func @_tc_in_kernel(%arg0: i32, %arg1: memref<512x64xf32, #tpu.memory_space<vmem>>, %arg2: memref<64x64xf32, #tpu.memory_space<vmem>>, %arg3: memref<1x64xf32, #tpu.memory_space<vmem>>, %arg4: memref<1x64xf32, #tpu.memory_space<vmem>>, %arg5: memref<1x64xf32, #tpu.memory_space<vmem>>, %arg6: memref<64x128xf32, #tpu.memory_space<vmem>>, %arg7: memref<1x64xf32, #tpu.memory_space<vmem>>, %arg8: memref<512x64xf32, #tpu.memory_space<vmem>>, %arg9: memref<512x64xf32, #tpu.memory_space<vmem>>, %arg10: memref<512x128xf32, #tpu.memory_space<vmem>>, %arg11: memref<512x128xf32, #tpu.memory_space<vmem>>) attributes {dimension_semantics = [#tpu.dimension_semantics<arbitrary>], iteration_bounds = array<i64: 32>, scalar_prefetch = 0 : i64, scratch_operands = 0 : i64, tpu.core_type = #tpu.core_type<tc>, window_params = [{transform_indices = @transform_0, window_bounds = array<i64: 512, 64>}, {pipeline_mode = #tpu.pipeline_mode<synchronous>, transform_indices = @transform_1, window_bounds = array<i64: 64, 64>}, {pipeline_mode = #tpu.pipeline_mode<synchronous>, transform_indices = @transform_2, window_bounds = array<i64: 1, 64>}, {pipeline_mode = #tpu.pipeline_mode<synchronous>, transform_indices = @transform_3, window_bounds = array<i64: 1, 64>}, {pipeline_mode = #tpu.pipeline_mode<synchronous>, transform_indices = @transform_4, window_bounds = array<i64: 1, 64>}, {pipeline_mode = #tpu.pipeline_mode<synchronous>, transform_indices = @transform_5, window_bounds = array<i64: 64, 128>}, {pipeline_mode = #tpu.pipeline_mode<synchronous>, transform_indices = @transform_6, window_bounds = array<i64: 1, 64>}, {transform_indices = @transform_7, window_bounds = array<i64: 512, 64>}, {transform_indices = @transform_8, window_bounds = array<i64: 512, 64>}, {transform_indices = @transform_9, window_bounds = array<i64: 512, 128>}, {transform_indices = @transform_10, window_bounds = array<i64: 512, 128>}]} {
    %get3A = arith.constant 0 : index
    %get3A_0 = arith.constant 0 : index
    %get3A_1 = vector.load %arg1[%get3A, %get3A_0] : memref<512x64xf32, #tpu.memory_space<vmem>>, vector<512x64xf32>
    %get3A_2 = arith.constant 0 : index
    %get3A_3 = arith.constant 0 : index
    %get3A_4 = vector.load %arg2[%get3A_2, %get3A_3] : memref<64x64xf32, #tpu.memory_space<vmem>>, vector<64x64xf32>
    %dot_general3A = arith.constant dense<0.000000e+00> : vector<512x64xf32>
    %dot_general3A_5 = tpu.matmul %get3A_1, %get3A_4, %dot_general3A {dimension_numbers = #tpu.dot_dimension_numbers<[1], [0], [0], [1], [0, 0, 1, 1], [], []>, transpose_lhs_hint = false} : vector<512x64xf32>, vector<64x64xf32>, vector<512x64xf32> -> vector<512x64xf32>
    %get3A_6 = arith.constant 0 : index
    %get3A_7 = arith.constant 0 : index
    %get3A_8 = vector.load %arg3[%get3A_6, %get3A_7] : memref<1x64xf32, #tpu.memory_space<vmem>>, vector<1x64xf32>
    %add3A = vector.broadcast %get3A_8 : vector<1x64xf32> to vector<512x64xf32>
    %add3A_9 = arith.addf %dot_general3A_5, %add3A : vector<512x64xf32>
    %get3A_10 = arith.constant 0 : index
    %get3A_11 = arith.constant 0 : index
    %get3A_12 = vector.load %arg4[%get3A_10, %get3A_11] : memref<1x64xf32, #tpu.memory_space<vmem>>, vector<1x64xf32>
    %get3A_13 = arith.constant 0 : index
    %get3A_14 = arith.constant 0 : index
    %get3A_15 = vector.load %arg5[%get3A_13, %get3A_14] : memref<1x64xf32, #tpu.memory_space<vmem>>, vector<1x64xf32>
    %reduce_sum3A = arith.constant dense<0.000000e+00> : vector<512xf32>
    %reduce_sum3A_16 = vector.multi_reduction <add>, %add3A_9, %reduce_sum3A [1] : vector<512x64xf32> to vector<512xf32>
    %broadcast_in_dim3A = vector.shape_cast %reduce_sum3A_16 : vector<512xf32> to vector<512x1xf32>
    %div3A = arith.constant 6.400000e+01 : f32
    %div3A_17 = vector.broadcast %div3A : f32 to vector<512x1xf32>
    %div3A_18 = arith.divf %broadcast_in_dim3A, %div3A_17 : vector<512x1xf32>
    %jit3A = arith.constant 0 : i32
    %reduce_sum3A_19 = arith.constant dense<0.000000e+00> : vector<512xf32>
    %reduce_sum3A_20 = vector.multi_reduction <add>, %add3A_9, %reduce_sum3A_19 [1] : vector<512x64xf32> to vector<512xf32>
    %broadcast_in_dim3A_21 = vector.shape_cast %reduce_sum3A_20 : vector<512xf32> to vector<512x1xf32>
    %div3A_22 = arith.constant 6.400000e+01 : f32
    %div3A_23 = vector.broadcast %div3A_22 : f32 to vector<512x1xf32>
    %div3A_24 = arith.divf %broadcast_in_dim3A_21, %div3A_23 : vector<512x1xf32>
    %sub3A = vector.broadcast %div3A_24 : vector<512x1xf32> to vector<512x64xf32>
    %sub3A_25 = arith.subf %add3A_9, %sub3A : vector<512x64xf32>
    %square3A = arith.mulf %sub3A_25, %sub3A_25 : vector<512x64xf32>
    %convert_element_type3A = arith.sitofp %jit3A : i32 to f32
    %sub3A_26 = arith.constant 6.400000e+01 : f32
    %sub3A_27 = arith.subf %sub3A_26, %convert_element_type3A : f32
    %reduce_sum3A_28 = arith.constant dense<0.000000e+00> : vector<512xf32>
    %reduce_sum3A_29 = vector.multi_reduction <add>, %square3A, %reduce_sum3A_28 [1] : vector<512x64xf32> to vector<512xf32>
    %broadcast_in_dim3A_30 = vector.shape_cast %reduce_sum3A_29 : vector<512xf32> to vector<512x1xf32>
    %div3A_31 = vector.broadcast %sub3A_27 : f32 to vector<512x1xf32>
    %div3A_32 = arith.divf %broadcast_in_dim3A_30, %div3A_31 : vector<512x1xf32>
    %gt3A = arith.constant 0.000000e+00 : f32
    %gt3A_33 = arith.cmpf ogt, %sub3A_27, %gt3A : f32
    %jit3A_34 = arith.constant 0x7FC00000 : f32
    %broadcast_in_dim3A_35 = vector.broadcast %jit3A_34 : f32 to vector<512x1xf32>
    %select_n3A = arith.select %gt3A_33, %div3A_32, %broadcast_in_dim3A_35 : vector<512x1xf32>
    %sub3A_36 = vector.broadcast %div3A_18 : vector<512x1xf32> to vector<512x64xf32>
    %sub3A_37 = arith.subf %add3A_9, %sub3A_36 : vector<512x64xf32>
    %add3A_38 = arith.constant 9.99999974E-6 : f32
    %add3A_39 = vector.broadcast %add3A_38 : f32 to vector<512x1xf32>
    %add3A_40 = arith.addf %select_n3A, %add3A_39 : vector<512x1xf32>
    %sqrt3A = math.sqrt %add3A_40 : vector<512x1xf32>
    %div3A_41 = vector.broadcast %sqrt3A : vector<512x1xf32> to vector<512x64xf32>
    %div3A_42 = arith.divf %sub3A_37, %div3A_41 : vector<512x64xf32>
    %mul3A = vector.broadcast %get3A_12 : vector<1x64xf32> to vector<512x64xf32>
    %mul3A_43 = arith.mulf %div3A_42, %mul3A : vector<512x64xf32>
    %add3A_44 = vector.broadcast %get3A_15 : vector<1x64xf32> to vector<512x64xf32>
    %add3A_45 = arith.addf %mul3A_43, %add3A_44 : vector<512x64xf32>
    %get3A_46 = arith.constant 0 : index
    %get3A_47 = arith.constant 0 : index
    %get3A_48 = vector.load %arg6[%get3A_46, %get3A_47] : memref<64x128xf32, #tpu.memory_space<vmem>>, vector<64x128xf32>
    %dot_general3A_49 = arith.constant dense<0.000000e+00> : vector<512x128xf32>
    %dot_general3A_50 = tpu.matmul %add3A_45, %get3A_48, %dot_general3A_49 {dimension_numbers = #tpu.dot_dimension_numbers<[1], [0], [0], [1], [0, 0, 1, 1], [], []>, transpose_lhs_hint = false} : vector<512x64xf32>, vector<64x128xf32>, vector<512x128xf32> -> vector<512x128xf32>
    %swap3A = arith.constant 0 : index
    %swap3A_51 = arith.constant 0 : index
    %swap3A_52 = vector.load %arg8[%swap3A, %swap3A_51] : memref<512x64xf32, #tpu.memory_space<vmem>>, vector<512x64xf32>
    tpu.vector_store %arg8[%swap3A, %swap3A_51], %add3A_9 {strides = array<i32>} : memref<512x64xf32, #tpu.memory_space<vmem>>, vector<512x64xf32>,
    %swap3A_53 = arith.constant 0 : index
    %swap3A_54 = arith.constant 0 : index
    %swap3A_55 = vector.load %arg9[%swap3A_53, %swap3A_54] : memref<512x64xf32, #tpu.memory_space<vmem>>, vector<512x64xf32>
    tpu.vector_store %arg9[%swap3A_53, %swap3A_54], %add3A_45 {strides = array<i32>} : memref<512x64xf32, #tpu.memory_space<vmem>>, vector<512x64xf32>,
    %slice3A = vector.extract_strided_slice %dot_general3A_50 {offsets = [0, 0], sizes = [512, 64], strides = [1, 1]} : vector<512x128xf32> to vector<512x64xf32>
    %slice3A_56 = vector.extract_strided_slice %dot_general3A_50 {offsets = [0, 0], sizes = [512, 64], strides = [1, 1]} : vector<512x128xf32> to vector<512x64xf32>
    %concatenate3A = tpu.concatenate %slice3A, %slice3A_56 in 1 : vector<512x64xf32>, vector<512x64xf32> -> vector<512x128xf32>
    %swap3A_57 = arith.constant 0 : index
    %swap3A_58 = arith.constant 0 : index
    %swap3A_59 = vector.load %arg10[%swap3A_57, %swap3A_58] : memref<512x128xf32, #tpu.memory_space<vmem>>, vector<512x128xf32>
    tpu.vector_store %arg10[%swap3A_57, %swap3A_58], %concatenate3A {strides = array<i32>} : memref<512x128xf32, #tpu.memory_space<vmem>>, vector<512x128xf32>,
    %slice3A_60 = vector.extract_strided_slice %dot_general3A_50 {offsets = [0, 64], sizes = [512, 64], strides = [1, 1]} : vector<512x128xf32> to vector<512x64xf32>
    %get3A_61 = arith.constant 0 : index
    %get3A_62 = arith.constant 0 : index
    %get3A_63 = vector.load %arg7[%get3A_61, %get3A_62] : memref<1x64xf32, #tpu.memory_space<vmem>>, vector<1x64xf32>
    %add3A_64 = vector.broadcast %get3A_63 : vector<1x64xf32> to vector<512x64xf32>
    %add3A_65 = arith.addf %slice3A_60, %add3A_64 : vector<512x64xf32>
    %concatenate3A_66 = tpu.concatenate %add3A_65, %add3A_65 in 1 : vector<512x64xf32>, vector<512x64xf32> -> vector<512x128xf32>
    %swap3A_67 = arith.constant 0 : index
    %swap3A_68 = arith.constant 0 : index
    %swap3A_69 = vector.load %arg11[%swap3A_67, %swap3A_68] : memref<512x128xf32, #tpu.memory_space<vmem>>, vector<512x128xf32>
    tpu.vector_store %arg11[%swap3A_67, %swap3A_68], %concatenate3A_66 {strides = array<i32>} : memref<512x128xf32, #tpu.memory_space<vmem>>, vector<512x128xf32>,
    return
  }
  func.func @transform_0(%arg0: i32) -> (i32, i32) {
    %c0_i32 = arith.constant 0 : i32
    %c0_i32_0 = arith.constant 0 : i32
    return %arg0, %c0_i32 : i32, i32
  }
  func.func @transform_1(%arg0: i32) -> (i32, i32) {
    %c0_i32 = arith.constant 0 : i32
    %c0_i32_0 = arith.constant 0 : i32
    %c0_i32_1 = arith.constant 0 : i32
    return %c0_i32, %c0_i32_0 : i32, i32
  }
  func.func @transform_2(%arg0: i32) -> (i32, i32) {
    %c0_i32 = arith.constant 0 : i32
    %c0_i32_0 = arith.constant 0 : i32
    %c0_i32_1 = arith.constant 0 : i32
    return %c0_i32, %c0_i32_0 : i32, i32
  }
  func.func @transform_3(%arg0: i32) -> (i32, i32) {
    %c0_i32 = arith.constant 0 : i32
    %c0_i32_0 = arith.constant 0 : i32
    %c0_i32_1 = arith.constant 0 : i32
    return %c0_i32, %c0_i32_0 : i32, i32
  }
  func.func @transform_4(%arg0: i32) -> (i32, i32) {
    %c0_i32 = arith.constant 0 : i32
    %c0_i32_0 = arith.constant 0 : i32
    %c0_i32_1 = arith.constant 0 : i32
    return %c0_i32, %c0_i32_0 : i32, i32
  }
  func.func @transform_5(%arg0: i32) -> (i32, i32) {
    %c0_i32 = arith.constant 0 : i32
    %c0_i32_0 = arith.constant 0 : i32
    %c0_i32_1 = arith.constant 0 : i32
    return %c0_i32, %c0_i32_0 : i32, i32
  }
  func.func @transform_6(%arg0: i32) -> (i32, i32) {
    %c0_i32 = arith.constant 0 : i32
    %c0_i32_0 = arith.constant 0 : i32
    %c0_i32_1 = arith.constant 0 : i32
    return %c0_i32, %c0_i32_0 : i32, i32
  }
  func.func @transform_7(%arg0: i32) -> (i32, i32) {
    %c0_i32 = arith.constant 0 : i32
    %c0_i32_0 = arith.constant 0 : i32
    return %arg0, %c0_i32 : i32, i32
  }
  func.func @transform_8(%arg0: i32) -> (i32, i32) {
    %c0_i32 = arith.constant 0 : i32
    %c0_i32_0 = arith.constant 0 : i32
    return %arg0, %c0_i32 : i32, i32
  }
  func.func @transform_9(%arg0: i32) -> (i32, i32) {
    %c0_i32 = arith.constant 0 : i32
    %c0_i32_0 = arith.constant 0 : i32
    return %arg0, %c0_i32 : i32, i32
  }
  func.func @transform_10(%arg0: i32) -> (i32, i32) {
    %c0_i32 = arith.constant 0 : i32
    %c0_i32_0 = arith.constant 0 : i32
    return %arg0, %c0_i32 : i32, i32
  }
}

module attributes {stable_mosaic.version = 14 : i64} {
  func.func @_tc_mid_kernel(%arg0: i32, %arg1: memref<8x512x128xf32, #tpu.memory_space<vmem>>, %arg2: memref<512x64xf32, #tpu.memory_space<vmem>>, %arg3: memref<512x64xf32, #tpu.memory_space<vmem>>, %arg4: memref<512x128xf32, #tpu.memory_space<vmem>>, %arg5: memref<512x16xf32, #tpu.memory_space<vmem>>, %arg6: memref<1x128xf32, #tpu.memory_space<vmem>>, %arg7: memref<256x256xf32, #tpu.memory_space<vmem>>, %arg8: memref<1x256xf32, #tpu.memory_space<vmem>>, %arg9: memref<128x64xf32, #tpu.memory_space<vmem>>, %arg10: memref<1x64xf32, #tpu.memory_space<vmem>>, %arg11: memref<64x64xf32, #tpu.memory_space<vmem>>, %arg12: memref<1x64xf32, #tpu.memory_space<vmem>>, %arg13: memref<1x64xf32, #tpu.memory_space<vmem>>, %arg14: memref<1x64xf32, #tpu.memory_space<vmem>>, %arg15: memref<64x64xf32, #tpu.memory_space<vmem>>, %arg16: memref<1x64xf32, #tpu.memory_space<vmem>>, %arg17: memref<64x64xf32, #tpu.memory_space<vmem>>, %arg18: memref<1x64xf32, #tpu.memory_space<vmem>>, %arg19: memref<1x64xf32, #tpu.memory_space<vmem>>, %arg20: memref<1x64xf32, #tpu.memory_space<vmem>>, %arg21: memref<64x128xf32, #tpu.memory_space<vmem>>, %arg22: memref<1x64xf32, #tpu.memory_space<vmem>>, %arg23: memref<512x64xf32, #tpu.memory_space<vmem>>, %arg24: memref<512x64xf32, #tpu.memory_space<vmem>>, %arg25: memref<512x128xf32, #tpu.memory_space<vmem>>, %arg26: memref<512x128xf32, #tpu.memory_space<vmem>>) attributes {dimension_semantics = [#tpu.dimension_semantics<arbitrary>], iteration_bounds = array<i64: 32>, scalar_prefetch = 0 : i64, scratch_operands = 0 : i64, tpu.core_type = #tpu.core_type<tc>, window_params = [{transform_indices = @transform_0, window_bounds = array<i64: 8, 512, 128>}, {transform_indices = @transform_1, window_bounds = array<i64: 512, 64>}, {transform_indices = @transform_2, window_bounds = array<i64: 512, 64>}, {transform_indices = @transform_3, window_bounds = array<i64: 512, 128>}, {transform_indices = @transform_4, window_bounds = array<i64: 512, 16>}, {pipeline_mode = #tpu.pipeline_mode<synchronous>, transform_indices = @transform_5, window_bounds = array<i64: 1, 128>}, {pipeline_mode = #tpu.pipeline_mode<synchronous>, transform_indices = @transform_6, window_bounds = array<i64: 256, 256>}, {pipeline_mode = #tpu.pipeline_mode<synchronous>, transform_indices = @transform_7, window_bounds = array<i64: 1, 256>}, {pipeline_mode = #tpu.pipeline_mode<synchronous>, transform_indices = @transform_8, window_bounds = array<i64: 128, 64>}, {pipeline_mode = #tpu.pipeline_mode<synchronous>, transform_indices = @transform_9, window_bounds = array<i64: 1, 64>}, {pipeline_mode = #tpu.pipeline_mode<synchronous>, transform_indices = @transform_10, window_bounds = array<i64: 64, 64>}, {pipeline_mode = #tpu.pipeline_mode<synchronous>, transform_indices = @transform_11, window_bounds = array<i64: 1, 64>}, {pipeline_mode = #tpu.pipeline_mode<synchronous>, transform_indices = @transform_12, window_bounds = array<i64: 1, 64>}, {pipeline_mode = #tpu.pipeline_mode<synchronous>, transform_indices = @transform_13, window_bounds = array<i64: 1, 64>}, {pipeline_mode = #tpu.pipeline_mode<synchronous>, transform_indices = @transform_14, window_bounds = array<i64: 64, 64>}, {pipeline_mode = #tpu.pipeline_mode<synchronous>, transform_indices = @transform_15, window_bounds = array<i64: 1, 64>}, {pipeline_mode = #tpu.pipeline_mode<synchronous>, transform_indices = @transform_16, window_bounds = array<i64: 64, 64>}, {pipeline_mode = #tpu.pipeline_mode<synchronous>, transform_indices = @transform_17, window_bounds = array<i64: 1, 64>}, {pipeline_mode = #tpu.pipeline_mode<synchronous>, transform_indices = @transform_18, window_bounds = array<i64: 1, 64>}, {pipeline_mode = #tpu.pipeline_mode<synchronous>, transform_indices = @transform_19, window_bounds = array<i64: 1, 64>}, {pipeline_mode = #tpu.pipeline_mode<synchronous>, transform_indices = @transform_20, window_bounds = array<i64: 64, 128>}, {pipeline_mode = #tpu.pipeline_mode<synchronous>, transform_indices = @transform_21, window_bounds = array<i64: 1, 64>}, {transform_indices = @transform_22, window_bounds = array<i64: 512, 64>}, {transform_indices = @transform_23, window_bounds = array<i64: 512, 64>}, {transform_indices = @transform_24, window_bounds = array<i64: 512, 128>}, {transform_indices = @transform_25, window_bounds = array<i64: 512, 128>}]} {
    %get3A = arith.constant 0 : index
    %get3A_0 = arith.constant 0 : index
    %get3A_1 = vector.load %arg2[%get3A, %get3A_0] : memref<512x64xf32, #tpu.memory_space<vmem>>, vector<512x64xf32>
    %get3A_2 = arith.constant 0 : index
    %get3A_3 = arith.constant 0 : index
    %get3A_4 = vector.load %arg3[%get3A_2, %get3A_3] : memref<512x64xf32, #tpu.memory_space<vmem>>, vector<512x64xf32>
    %get3A_5 = arith.constant 0 : index
    %get3A_6 = arith.constant 0 : index
    %get3A_7 = vector.load %arg4[%get3A_5, %get3A_6] : memref<512x128xf32, #tpu.memory_space<vmem>>, vector<512x128xf32>
    %get3A_8 = arith.constant 0 : index
    %get3A_9 = arith.constant 0 : index
    %get3A_10 = vector.load %arg6[%get3A_8, %get3A_9] : memref<1x128xf32, #tpu.memory_space<vmem>>, vector<1x128xf32>
    %get3A_11 = arith.constant 0 : index
    %get3A_12 = arith.constant 0 : index
    %get3A_13 = vector.load %arg7[%get3A_11, %get3A_12] : memref<256x256xf32, #tpu.memory_space<vmem>>, vector<256x256xf32>
    %get3A_14 = arith.constant 0 : index
    %get3A_15 = arith.constant 0 : index
    %get3A_16 = vector.load %arg8[%get3A_14, %get3A_15] : memref<1x256xf32, #tpu.memory_space<vmem>>, vector<1x256xf32>
    %iota3A = tpu.iota {dimensions = array<i32: 1>} : vector<512x128xi32>
    %lt3A = arith.constant 64 : i32
    %lt3A_17 = vector.broadcast %lt3A : i32 to vector<512x128xi32>
    %lt3A_18 = arith.cmpi slt, %iota3A, %lt3A_17 : vector<512x128xi32>
    %broadcast_in_dim3A = arith.constant 0.000000e+00 : f32
    %broadcast_in_dim3A_19 = vector.broadcast %broadcast_in_dim3A : f32 to vector<512x128xf32>
    %get3A_20 = arith.constant 0 : index
    %get3A_21 = arith.constant 0 : index
    %get3A_22 = vector.load %arg5[%get3A_20, %get3A_21] : memref<512x16xf32, #tpu.memory_space<vmem>>, vector<512x1xf32>
    %get3A_23 = arith.constant 0 : index
    %get3A_24 = arith.constant 1 : index
    %get3A_25 = vector.load %arg5[%get3A_23, %get3A_24] : memref<512x16xf32, #tpu.memory_space<vmem>>, vector<512x1xf32>
    %broadcast_in_dim3A_26 = vector.shape_cast %get3A_22 : vector<512x1xf32> to vector<512x1xf32>
    %broadcast_in_dim3A_27 = vector.broadcast %broadcast_in_dim3A_26 : vector<512x1xf32> to vector<512x128xf32>
    %broadcast_in_dim3A_28 = vector.shape_cast %get3A_25 : vector<512x1xf32> to vector<512x1xf32>
    %broadcast_in_dim3A_29 = vector.broadcast %broadcast_in_dim3A_28 : vector<512x1xf32> to vector<512x128xf32>
    %select_n3A = arith.select %lt3A_18, %broadcast_in_dim3A_27, %broadcast_in_dim3A_29 : vector<512x128xi1>, vector<512x128xf32>
    %get3A_30 = arith.constant 0 : index
    %get3A_31 = arith.constant 0 : index
    %get3A_32 = arith.constant 0 : index
    %get3A_33 = vector.load %arg1[%get3A_30, %get3A_31, %get3A_32] : memref<8x512x128xf32, #tpu.memory_space<vmem>>, vector<1x512x128xf32>
    %get3A_34 = vector.shape_cast %get3A_33 : vector<1x512x128xf32> to vector<512x128xf32>
    %add3A = arith.addf %get3A_34, %get3A_7 : vector<512x128xf32>
    %mul3A = vector.broadcast %get3A_10 : vector<1x128xf32> to vector<512x128xf32>
    %mul3A_35 = arith.mulf %select_n3A, %mul3A : vector<512x128xf32>
    %add3A_36 = arith.addf %add3A, %mul3A_35 : vector<512x128xf32>
    %logistic3A = arith.negf %add3A_36 : vector<512x128xf32>
    %logistic3A_37 = math.exp %logistic3A : vector<512x128xf32>
    %logistic3A_38 = arith.constant 1.000000e+00 : f32
    %logistic3A_39 = vector.broadcast %logistic3A_38 : f32 to vector<512x128xf32>
    %logistic3A_40 = arith.addf %logistic3A_39, %logistic3A_37 : vector<512x128xf32>
    %logistic3A_41 = arith.divf %logistic3A_39, %logistic3A_40 : vector<512x128xf32>
    %mul3A_42 = arith.mulf %add3A_36, %logistic3A_41 : vector<512x128xf32>
    %get3A_43 = arith.constant 0 : index
    %get3A_44 = arith.constant 2 : index
    %get3A_45 = vector.load %arg5[%get3A_43, %get3A_44] : memref<512x16xf32, #tpu.memory_space<vmem>>, vector<512x1xf32>
    %get3A_46 = arith.constant 0 : index
    %get3A_47 = arith.constant 3 : index
    %get3A_48 = vector.load %arg5[%get3A_46, %get3A_47] : memref<512x16xf32, #tpu.memory_space<vmem>>, vector<512x1xf32>
    %broadcast_in_dim3A_49 = vector.shape_cast %get3A_45 : vector<512x1xf32> to vector<512x1xf32>
    %broadcast_in_dim3A_50 = vector.broadcast %broadcast_in_dim3A_49 : vector<512x1xf32> to vector<512x128xf32>
    %broadcast_in_dim3A_51 = vector.shape_cast %get3A_48 : vector<512x1xf32> to vector<512x1xf32>
    %broadcast_in_dim3A_52 = vector.broadcast %broadcast_in_dim3A_51 : vector<512x1xf32> to vector<512x128xf32>
    %select_n3A_53 = arith.select %lt3A_18, %broadcast_in_dim3A_50, %broadcast_in_dim3A_52 : vector<512x128xi1>, vector<512x128xf32>
    %get3A_54 = arith.constant 1 : index
    %get3A_55 = arith.constant 0 : index
    %get3A_56 = arith.constant 0 : index
    %get3A_57 = vector.load %arg1[%get3A_54, %get3A_55, %get3A_56] : memref<8x512x128xf32, #tpu.memory_space<vmem>>, vector<1x512x128xf32>
    %get3A_58 = vector.shape_cast %get3A_57 : vector<1x512x128xf32> to vector<512x128xf32>
    %add3A_59 = arith.addf %get3A_58, %get3A_7 : vector<512x128xf32>
    %mul3A_60 = vector.broadcast %get3A_10 : vector<1x128xf32> to vector<512x128xf32>
    %mul3A_61 = arith.mulf %select_n3A_53, %mul3A_60 : vector<512x128xf32>
    %add3A_62 = arith.addf %add3A_59, %mul3A_61 : vector<512x128xf32>
    %logistic3A_63 = arith.negf %add3A_62 : vector<512x128xf32>
    %logistic3A_64 = math.exp %logistic3A_63 : vector<512x128xf32>
    %logistic3A_65 = arith.constant 1.000000e+00 : f32
    %logistic3A_66 = vector.broadcast %logistic3A_65 : f32 to vector<512x128xf32>
    %logistic3A_67 = arith.addf %logistic3A_66, %logistic3A_64 : vector<512x128xf32>
    %logistic3A_68 = arith.divf %logistic3A_66, %logistic3A_67 : vector<512x128xf32>
    %mul3A_69 = arith.mulf %add3A_62, %logistic3A_68 : vector<512x128xf32>
    %concatenate3A = tpu.concatenate %mul3A_42, %mul3A_69 in 1 : vector<512x128xf32>, vector<512x128xf32> -> vector<512x256xf32>
    %dot_general3A = arith.constant dense<0.000000e+00> : vector<512x256xf32>
    %dot_general3A_70 = tpu.matmul %concatenate3A, %get3A_13, %dot_general3A {dimension_numbers = #tpu.dot_dimension_numbers<[1], [0], [0], [1], [0, 0, 1, 1], [], []>, transpose_lhs_hint = false} : vector<512x256xf32>, vector<256x256xf32>, vector<512x256xf32> -> vector<512x256xf32>
    %add3A_71 = vector.broadcast %get3A_16 : vector<1x256xf32> to vector<512x256xf32>
    %add3A_72 = arith.addf %dot_general3A_70, %add3A_71 : vector<512x256xf32>
    %logistic3A_73 = arith.negf %add3A_72 : vector<512x256xf32>
    %logistic3A_74 = math.exp %logistic3A_73 : vector<512x256xf32>
    %logistic3A_75 = arith.constant 1.000000e+00 : f32
    %logistic3A_76 = vector.broadcast %logistic3A_75 : f32 to vector<512x256xf32>
    %logistic3A_77 = arith.addf %logistic3A_76, %logistic3A_74 : vector<512x256xf32>
    %logistic3A_78 = arith.divf %logistic3A_76, %logistic3A_77 : vector<512x256xf32>
    %mul3A_79 = arith.mulf %add3A_72, %logistic3A_78 : vector<512x256xf32>
    %slice3A = vector.extract_strided_slice %mul3A_79 {offsets = [0, 0], sizes = [512, 128], strides = [1, 1]} : vector<512x256xf32> to vector<512x128xf32>
    %add3A_80 = arith.addf %broadcast_in_dim3A_19, %slice3A : vector<512x128xf32>
    %slice3A_81 = vector.extract_strided_slice %mul3A_79 {offsets = [0, 128], sizes = [512, 128], strides = [1, 1]} : vector<512x256xf32> to vector<512x128xf32>
    %add3A_82 = arith.addf %add3A_80, %slice3A_81 : vector<512x128xf32>
    %get3A_83 = arith.constant 0 : index
    %get3A_84 = arith.constant 4 : index
    %get3A_85 = vector.load %arg5[%get3A_83, %get3A_84] : memref<512x16xf32, #tpu.memory_space<vmem>>, vector<512x1xf32>
    %get3A_86 = arith.constant 0 : index
    %get3A_87 = arith.constant 5 : index
    %get3A_88 = vector.load %arg5[%get3A_86, %get3A_87] : memref<512x16xf32, #tpu.memory_space<vmem>>, vector<512x1xf32>
    %broadcast_in_dim3A_89 = vector.shape_cast %get3A_85 : vector<512x1xf32> to vector<512x1xf32>
    %broadcast_in_dim3A_90 = vector.broadcast %broadcast_in_dim3A_89 : vector<512x1xf32> to vector<512x128xf32>
    %broadcast_in_dim3A_91 = vector.shape_cast %get3A_88 : vector<512x1xf32> to vector<512x1xf32>
    %broadcast_in_dim3A_92 = vector.broadcast %broadcast_in_dim3A_91 : vector<512x1xf32> to vector<512x128xf32>
    %select_n3A_93 = arith.select %lt3A_18, %broadcast_in_dim3A_90, %broadcast_in_dim3A_92 : vector<512x128xi1>, vector<512x128xf32>
    %get3A_94 = arith.constant 2 : index
    %get3A_95 = arith.constant 0 : index
    %get3A_96 = arith.constant 0 : index
    %get3A_97 = vector.load %arg1[%get3A_94, %get3A_95, %get3A_96] : memref<8x512x128xf32, #tpu.memory_space<vmem>>, vector<1x512x128xf32>
    %get3A_98 = vector.shape_cast %get3A_97 : vector<1x512x128xf32> to vector<512x128xf32>
    %add3A_99 = arith.addf %get3A_98, %get3A_7 : vector<512x128xf32>
    %mul3A_100 = vector.broadcast %get3A_10 : vector<1x128xf32> to vector<512x128xf32>
    %mul3A_101 = arith.mulf %select_n3A_93, %mul3A_100 : vector<512x128xf32>
    %add3A_102 = arith.addf %add3A_99, %mul3A_101 : vector<512x128xf32>
    %logistic3A_103 = arith.negf %add3A_102 : vector<512x128xf32>
    %logistic3A_104 = math.exp %logistic3A_103 : vector<512x128xf32>
    %logistic3A_105 = arith.constant 1.000000e+00 : f32
    %logistic3A_106 = vector.broadcast %logistic3A_105 : f32 to vector<512x128xf32>
    %logistic3A_107 = arith.addf %logistic3A_106, %logistic3A_104 : vector<512x128xf32>
    %logistic3A_108 = arith.divf %logistic3A_106, %logistic3A_107 : vector<512x128xf32>
    %mul3A_109 = arith.mulf %add3A_102, %logistic3A_108 : vector<512x128xf32>
    %get3A_110 = arith.constant 0 : index
    %get3A_111 = arith.constant 6 : index
    %get3A_112 = vector.load %arg5[%get3A_110, %get3A_111] : memref<512x16xf32, #tpu.memory_space<vmem>>, vector<512x1xf32>
    %get3A_113 = arith.constant 0 : index
    %get3A_114 = arith.constant 7 : index
    %get3A_115 = vector.load %arg5[%get3A_113, %get3A_114] : memref<512x16xf32, #tpu.memory_space<vmem>>, vector<512x1xf32>
    %broadcast_in_dim3A_116 = vector.shape_cast %get3A_112 : vector<512x1xf32> to vector<512x1xf32>
    %broadcast_in_dim3A_117 = vector.broadcast %broadcast_in_dim3A_116 : vector<512x1xf32> to vector<512x128xf32>
    %broadcast_in_dim3A_118 = vector.shape_cast %get3A_115 : vector<512x1xf32> to vector<512x1xf32>
    %broadcast_in_dim3A_119 = vector.broadcast %broadcast_in_dim3A_118 : vector<512x1xf32> to vector<512x128xf32>
    %select_n3A_120 = arith.select %lt3A_18, %broadcast_in_dim3A_117, %broadcast_in_dim3A_119 : vector<512x128xi1>, vector<512x128xf32>
    %get3A_121 = arith.constant 3 : index
    %get3A_122 = arith.constant 0 : index
    %get3A_123 = arith.constant 0 : index
    %get3A_124 = vector.load %arg1[%get3A_121, %get3A_122, %get3A_123] : memref<8x512x128xf32, #tpu.memory_space<vmem>>, vector<1x512x128xf32>
    %get3A_125 = vector.shape_cast %get3A_124 : vector<1x512x128xf32> to vector<512x128xf32>
    %add3A_126 = arith.addf %get3A_125, %get3A_7 : vector<512x128xf32>
    %mul3A_127 = vector.broadcast %get3A_10 : vector<1x128xf32> to vector<512x128xf32>
    %mul3A_128 = arith.mulf %select_n3A_120, %mul3A_127 : vector<512x128xf32>
    %add3A_129 = arith.addf %add3A_126, %mul3A_128 : vector<512x128xf32>
    %logistic3A_130 = arith.negf %add3A_129 : vector<512x128xf32>
    %logistic3A_131 = math.exp %logistic3A_130 : vector<512x128xf32>
    %logistic3A_132 = arith.constant 1.000000e+00 : f32
    %logistic3A_133 = vector.broadcast %logistic3A_132 : f32 to vector<512x128xf32>
    %logistic3A_134 = arith.addf %logistic3A_133, %logistic3A_131 : vector<512x128xf32>
    %logistic3A_135 = arith.divf %logistic3A_133, %logistic3A_134 : vector<512x128xf32>
    %mul3A_136 = arith.mulf %add3A_129, %logistic3A_135 : vector<512x128xf32>
    %concatenate3A_137 = tpu.concatenate %mul3A_109, %mul3A_136 in 1 : vector<512x128xf32>, vector<512x128xf32> -> vector<512x256xf32>
    %dot_general3A_138 = arith.constant dense<0.000000e+00> : vector<512x256xf32>
    %dot_general3A_139 = tpu.matmul %concatenate3A_137, %get3A_13, %dot_general3A_138 {dimension_numbers = #tpu.dot_dimension_numbers<[1], [0], [0], [1], [0, 0, 1, 1], [], []>, transpose_lhs_hint = false} : vector<512x256xf32>, vector<256x256xf32>, vector<512x256xf32> -> vector<512x256xf32>
    %add3A_140 = vector.broadcast %get3A_16 : vector<1x256xf32> to vector<512x256xf32>
    %add3A_141 = arith.addf %dot_general3A_139, %add3A_140 : vector<512x256xf32>
    %logistic3A_142 = arith.negf %add3A_141 : vector<512x256xf32>
    %logistic3A_143 = math.exp %logistic3A_142 : vector<512x256xf32>
    %logistic3A_144 = arith.constant 1.000000e+00 : f32
    %logistic3A_145 = vector.broadcast %logistic3A_144 : f32 to vector<512x256xf32>
    %logistic3A_146 = arith.addf %logistic3A_145, %logistic3A_143 : vector<512x256xf32>
    %logistic3A_147 = arith.divf %logistic3A_145, %logistic3A_146 : vector<512x256xf32>
    %mul3A_148 = arith.mulf %add3A_141, %logistic3A_147 : vector<512x256xf32>
    %slice3A_149 = vector.extract_strided_slice %mul3A_148 {offsets = [0, 0], sizes = [512, 128], strides = [1, 1]} : vector<512x256xf32> to vector<512x128xf32>
    %add3A_150 = arith.addf %add3A_82, %slice3A_149 : vector<512x128xf32>
    %slice3A_151 = vector.extract_strided_slice %mul3A_148 {offsets = [0, 128], sizes = [512, 128], strides = [1, 1]} : vector<512x256xf32> to vector<512x128xf32>
    %add3A_152 = arith.addf %add3A_150, %slice3A_151 : vector<512x128xf32>
    %get3A_153 = arith.constant 0 : index
    %get3A_154 = arith.constant 8 : index
    %get3A_155 = vector.load %arg5[%get3A_153, %get3A_154] : memref<512x16xf32, #tpu.memory_space<vmem>>, vector<512x1xf32>
    %get3A_156 = arith.constant 0 : index
    %get3A_157 = arith.constant 9 : index
    %get3A_158 = vector.load %arg5[%get3A_156, %get3A_157] : memref<512x16xf32, #tpu.memory_space<vmem>>, vector<512x1xf32>
    %broadcast_in_dim3A_159 = vector.shape_cast %get3A_155 : vector<512x1xf32> to vector<512x1xf32>
    %broadcast_in_dim3A_160 = vector.broadcast %broadcast_in_dim3A_159 : vector<512x1xf32> to vector<512x128xf32>
    %broadcast_in_dim3A_161 = vector.shape_cast %get3A_158 : vector<512x1xf32> to vector<512x1xf32>
    %broadcast_in_dim3A_162 = vector.broadcast %broadcast_in_dim3A_161 : vector<512x1xf32> to vector<512x128xf32>
    %select_n3A_163 = arith.select %lt3A_18, %broadcast_in_dim3A_160, %broadcast_in_dim3A_162 : vector<512x128xi1>, vector<512x128xf32>
    %get3A_164 = arith.constant 4 : index
    %get3A_165 = arith.constant 0 : index
    %get3A_166 = arith.constant 0 : index
    %get3A_167 = vector.load %arg1[%get3A_164, %get3A_165, %get3A_166] : memref<8x512x128xf32, #tpu.memory_space<vmem>>, vector<1x512x128xf32>
    %get3A_168 = vector.shape_cast %get3A_167 : vector<1x512x128xf32> to vector<512x128xf32>
    %add3A_169 = arith.addf %get3A_168, %get3A_7 : vector<512x128xf32>
    %mul3A_170 = vector.broadcast %get3A_10 : vector<1x128xf32> to vector<512x128xf32>
    %mul3A_171 = arith.mulf %select_n3A_163, %mul3A_170 : vector<512x128xf32>
    %add3A_172 = arith.addf %add3A_169, %mul3A_171 : vector<512x128xf32>
    %logistic3A_173 = arith.negf %add3A_172 : vector<512x128xf32>
    %logistic3A_174 = math.exp %logistic3A_173 : vector<512x128xf32>
    %logistic3A_175 = arith.constant 1.000000e+00 : f32
    %logistic3A_176 = vector.broadcast %logistic3A_175 : f32 to vector<512x128xf32>
    %logistic3A_177 = arith.addf %logistic3A_176, %logistic3A_174 : vector<512x128xf32>
    %logistic3A_178 = arith.divf %logistic3A_176, %logistic3A_177 : vector<512x128xf32>
    %mul3A_179 = arith.mulf %add3A_172, %logistic3A_178 : vector<512x128xf32>
    %get3A_180 = arith.constant 0 : index
    %get3A_181 = arith.constant 10 : index
    %get3A_182 = vector.load %arg5[%get3A_180, %get3A_181] : memref<512x16xf32, #tpu.memory_space<vmem>>, vector<512x1xf32>
    %get3A_183 = arith.constant 0 : index
    %get3A_184 = arith.constant 11 : index
    %get3A_185 = vector.load %arg5[%get3A_183, %get3A_184] : memref<512x16xf32, #tpu.memory_space<vmem>>, vector<512x1xf32>
    %broadcast_in_dim3A_186 = vector.shape_cast %get3A_182 : vector<512x1xf32> to vector<512x1xf32>
    %broadcast_in_dim3A_187 = vector.broadcast %broadcast_in_dim3A_186 : vector<512x1xf32> to vector<512x128xf32>
    %broadcast_in_dim3A_188 = vector.shape_cast %get3A_185 : vector<512x1xf32> to vector<512x1xf32>
    %broadcast_in_dim3A_189 = vector.broadcast %broadcast_in_dim3A_188 : vector<512x1xf32> to vector<512x128xf32>
    %select_n3A_190 = arith.select %lt3A_18, %broadcast_in_dim3A_187, %broadcast_in_dim3A_189 : vector<512x128xi1>, vector<512x128xf32>
    %get3A_191 = arith.constant 5 : index
    %get3A_192 = arith.constant 0 : index
    %get3A_193 = arith.constant 0 : index
    %get3A_194 = vector.load %arg1[%get3A_191, %get3A_192, %get3A_193] : memref<8x512x128xf32, #tpu.memory_space<vmem>>, vector<1x512x128xf32>
    %get3A_195 = vector.shape_cast %get3A_194 : vector<1x512x128xf32> to vector<512x128xf32>
    %add3A_196 = arith.addf %get3A_195, %get3A_7 : vector<512x128xf32>
    %mul3A_197 = vector.broadcast %get3A_10 : vector<1x128xf32> to vector<512x128xf32>
    %mul3A_198 = arith.mulf %select_n3A_190, %mul3A_197 : vector<512x128xf32>
    %add3A_199 = arith.addf %add3A_196, %mul3A_198 : vector<512x128xf32>
    %logistic3A_200 = arith.negf %add3A_199 : vector<512x128xf32>
    %logistic3A_201 = math.exp %logistic3A_200 : vector<512x128xf32>
    %logistic3A_202 = arith.constant 1.000000e+00 : f32
    %logistic3A_203 = vector.broadcast %logistic3A_202 : f32 to vector<512x128xf32>
    %logistic3A_204 = arith.addf %logistic3A_203, %logistic3A_201 : vector<512x128xf32>
    %logistic3A_205 = arith.divf %logistic3A_203, %logistic3A_204 : vector<512x128xf32>
    %mul3A_206 = arith.mulf %add3A_199, %logistic3A_205 : vector<512x128xf32>
    %concatenate3A_207 = tpu.concatenate %mul3A_179, %mul3A_206 in 1 : vector<512x128xf32>, vector<512x128xf32> -> vector<512x256xf32>
    %dot_general3A_208 = arith.constant dense<0.000000e+00> : vector<512x256xf32>
    %dot_general3A_209 = tpu.matmul %concatenate3A_207, %get3A_13, %dot_general3A_208 {dimension_numbers = #tpu.dot_dimension_numbers<[1], [0], [0], [1], [0, 0, 1, 1], [], []>, transpose_lhs_hint = false} : vector<512x256xf32>, vector<256x256xf32>, vector<512x256xf32> -> vector<512x256xf32>
    %add3A_210 = vector.broadcast %get3A_16 : vector<1x256xf32> to vector<512x256xf32>
    %add3A_211 = arith.addf %dot_general3A_209, %add3A_210 : vector<512x256xf32>
    %logistic3A_212 = arith.negf %add3A_211 : vector<512x256xf32>
    %logistic3A_213 = math.exp %logistic3A_212 : vector<512x256xf32>
    %logistic3A_214 = arith.constant 1.000000e+00 : f32
    %logistic3A_215 = vector.broadcast %logistic3A_214 : f32 to vector<512x256xf32>
    %logistic3A_216 = arith.addf %logistic3A_215, %logistic3A_213 : vector<512x256xf32>
    %logistic3A_217 = arith.divf %logistic3A_215, %logistic3A_216 : vector<512x256xf32>
    %mul3A_218 = arith.mulf %add3A_211, %logistic3A_217 : vector<512x256xf32>
    %slice3A_219 = vector.extract_strided_slice %mul3A_218 {offsets = [0, 0], sizes = [512, 128], strides = [1, 1]} : vector<512x256xf32> to vector<512x128xf32>
    %add3A_220 = arith.addf %add3A_152, %slice3A_219 : vector<512x128xf32>
    %slice3A_221 = vector.extract_strided_slice %mul3A_218 {offsets = [0, 128], sizes = [512, 128], strides = [1, 1]} : vector<512x256xf32> to vector<512x128xf32>
    %add3A_222 = arith.addf %add3A_220, %slice3A_221 : vector<512x128xf32>
    %get3A_223 = arith.constant 0 : index
    %get3A_224 = arith.constant 12 : index
    %get3A_225 = vector.load %arg5[%get3A_223, %get3A_224] : memref<512x16xf32, #tpu.memory_space<vmem>>, vector<512x1xf32>
    %get3A_226 = arith.constant 0 : index
    %get3A_227 = arith.constant 13 : index
    %get3A_228 = vector.load %arg5[%get3A_226, %get3A_227] : memref<512x16xf32, #tpu.memory_space<vmem>>, vector<512x1xf32>
    %broadcast_in_dim3A_229 = vector.shape_cast %get3A_225 : vector<512x1xf32> to vector<512x1xf32>
    %broadcast_in_dim3A_230 = vector.broadcast %broadcast_in_dim3A_229 : vector<512x1xf32> to vector<512x128xf32>
    %broadcast_in_dim3A_231 = vector.shape_cast %get3A_228 : vector<512x1xf32> to vector<512x1xf32>
    %broadcast_in_dim3A_232 = vector.broadcast %broadcast_in_dim3A_231 : vector<512x1xf32> to vector<512x128xf32>
    %select_n3A_233 = arith.select %lt3A_18, %broadcast_in_dim3A_230, %broadcast_in_dim3A_232 : vector<512x128xi1>, vector<512x128xf32>
    %get3A_234 = arith.constant 6 : index
    %get3A_235 = arith.constant 0 : index
    %get3A_236 = arith.constant 0 : index
    %get3A_237 = vector.load %arg1[%get3A_234, %get3A_235, %get3A_236] : memref<8x512x128xf32, #tpu.memory_space<vmem>>, vector<1x512x128xf32>
    %get3A_238 = vector.shape_cast %get3A_237 : vector<1x512x128xf32> to vector<512x128xf32>
    %add3A_239 = arith.addf %get3A_238, %get3A_7 : vector<512x128xf32>
    %mul3A_240 = vector.broadcast %get3A_10 : vector<1x128xf32> to vector<512x128xf32>
    %mul3A_241 = arith.mulf %select_n3A_233, %mul3A_240 : vector<512x128xf32>
    %add3A_242 = arith.addf %add3A_239, %mul3A_241 : vector<512x128xf32>
    %logistic3A_243 = arith.negf %add3A_242 : vector<512x128xf32>
    %logistic3A_244 = math.exp %logistic3A_243 : vector<512x128xf32>
    %logistic3A_245 = arith.constant 1.000000e+00 : f32
    %logistic3A_246 = vector.broadcast %logistic3A_245 : f32 to vector<512x128xf32>
    %logistic3A_247 = arith.addf %logistic3A_246, %logistic3A_244 : vector<512x128xf32>
    %logistic3A_248 = arith.divf %logistic3A_246, %logistic3A_247 : vector<512x128xf32>
    %mul3A_249 = arith.mulf %add3A_242, %logistic3A_248 : vector<512x128xf32>
    %get3A_250 = arith.constant 0 : index
    %get3A_251 = arith.constant 14 : index
    %get3A_252 = vector.load %arg5[%get3A_250, %get3A_251] : memref<512x16xf32, #tpu.memory_space<vmem>>, vector<512x1xf32>
    %get3A_253 = arith.constant 0 : index
    %get3A_254 = arith.constant 15 : index
    %get3A_255 = vector.load %arg5[%get3A_253, %get3A_254] : memref<512x16xf32, #tpu.memory_space<vmem>>, vector<512x1xf32>
    %broadcast_in_dim3A_256 = vector.shape_cast %get3A_252 : vector<512x1xf32> to vector<512x1xf32>
    %broadcast_in_dim3A_257 = vector.broadcast %broadcast_in_dim3A_256 : vector<512x1xf32> to vector<512x128xf32>
    %broadcast_in_dim3A_258 = vector.shape_cast %get3A_255 : vector<512x1xf32> to vector<512x1xf32>
    %broadcast_in_dim3A_259 = vector.broadcast %broadcast_in_dim3A_258 : vector<512x1xf32> to vector<512x128xf32>
    %select_n3A_260 = arith.select %lt3A_18, %broadcast_in_dim3A_257, %broadcast_in_dim3A_259 : vector<512x128xi1>, vector<512x128xf32>
    %get3A_261 = arith.constant 7 : index
    %get3A_262 = arith.constant 0 : index
    %get3A_263 = arith.constant 0 : index
    %get3A_264 = vector.load %arg1[%get3A_261, %get3A_262, %get3A_263] : memref<8x512x128xf32, #tpu.memory_space<vmem>>, vector<1x512x128xf32>
    %get3A_265 = vector.shape_cast %get3A_264 : vector<1x512x128xf32> to vector<512x128xf32>
    %add3A_266 = arith.addf %get3A_265, %get3A_7 : vector<512x128xf32>
    %mul3A_267 = vector.broadcast %get3A_10 : vector<1x128xf32> to vector<512x128xf32>
    %mul3A_268 = arith.mulf %select_n3A_260, %mul3A_267 : vector<512x128xf32>
    %add3A_269 = arith.addf %add3A_266, %mul3A_268 : vector<512x128xf32>
    %logistic3A_270 = arith.negf %add3A_269 : vector<512x128xf32>
    %logistic3A_271 = math.exp %logistic3A_270 : vector<512x128xf32>
    %logistic3A_272 = arith.constant 1.000000e+00 : f32
    %logistic3A_273 = vector.broadcast %logistic3A_272 : f32 to vector<512x128xf32>
    %logistic3A_274 = arith.addf %logistic3A_273, %logistic3A_271 : vector<512x128xf32>
    %logistic3A_275 = arith.divf %logistic3A_273, %logistic3A_274 : vector<512x128xf32>
    %mul3A_276 = arith.mulf %add3A_269, %logistic3A_275 : vector<512x128xf32>
    %concatenate3A_277 = tpu.concatenate %mul3A_249, %mul3A_276 in 1 : vector<512x128xf32>, vector<512x128xf32> -> vector<512x256xf32>
    %dot_general3A_278 = arith.constant dense<0.000000e+00> : vector<512x256xf32>
    %dot_general3A_279 = tpu.matmul %concatenate3A_277, %get3A_13, %dot_general3A_278 {dimension_numbers = #tpu.dot_dimension_numbers<[1], [0], [0], [1], [0, 0, 1, 1], [], []>, transpose_lhs_hint = false} : vector<512x256xf32>, vector<256x256xf32>, vector<512x256xf32> -> vector<512x256xf32>
    %add3A_280 = vector.broadcast %get3A_16 : vector<1x256xf32> to vector<512x256xf32>
    %add3A_281 = arith.addf %dot_general3A_279, %add3A_280 : vector<512x256xf32>
    %logistic3A_282 = arith.negf %add3A_281 : vector<512x256xf32>
    %logistic3A_283 = math.exp %logistic3A_282 : vector<512x256xf32>
    %logistic3A_284 = arith.constant 1.000000e+00 : f32
    %logistic3A_285 = vector.broadcast %logistic3A_284 : f32 to vector<512x256xf32>
    %logistic3A_286 = arith.addf %logistic3A_285, %logistic3A_283 : vector<512x256xf32>
    %logistic3A_287 = arith.divf %logistic3A_285, %logistic3A_286 : vector<512x256xf32>
    %mul3A_288 = arith.mulf %add3A_281, %logistic3A_287 : vector<512x256xf32>
    %slice3A_289 = vector.extract_strided_slice %mul3A_288 {offsets = [0, 0], sizes = [512, 128], strides = [1, 1]} : vector<512x256xf32> to vector<512x128xf32>
    %add3A_290 = arith.addf %add3A_222, %slice3A_289 : vector<512x128xf32>
    %slice3A_291 = vector.extract_strided_slice %mul3A_288 {offsets = [0, 128], sizes = [512, 128], strides = [1, 1]} : vector<512x256xf32> to vector<512x128xf32>
    %add3A_292 = arith.addf %add3A_290, %slice3A_291 : vector<512x128xf32>
    %slice3A_293 = vector.extract_strided_slice %add3A_292 {offsets = [0, 0], sizes = [512, 64], strides = [1, 1]} : vector<512x128xf32> to vector<512x64xf32>
    %slice3A_294 = vector.extract_strided_slice %add3A_292 {offsets = [0, 64], sizes = [512, 64], strides = [1, 1]} : vector<512x128xf32> to vector<512x64xf32>
    %add3A_295 = arith.addf %slice3A_293, %slice3A_294 : vector<512x64xf32>
    %mul3A_296 = arith.constant 6.250000e-02 : f32
    %mul3A_297 = vector.broadcast %mul3A_296 : f32 to vector<512x64xf32>
    %mul3A_298 = arith.mulf %add3A_295, %mul3A_297 : vector<512x64xf32>
    %concatenate3A_299 = tpu.concatenate %get3A_4, %mul3A_298 in 1 : vector<512x64xf32>, vector<512x64xf32> -> vector<512x128xf32>
    %get3A_300 = arith.constant 0 : index
    %get3A_301 = arith.constant 0 : index
    %get3A_302 = vector.load %arg9[%get3A_300, %get3A_301] : memref<128x64xf32, #tpu.memory_space<vmem>>, vector<128x64xf32>
    %dot_general3A_303 = arith.constant dense<0.000000e+00> : vector<512x64xf32>
    %dot_general3A_304 = tpu.matmul %concatenate3A_299, %get3A_302, %dot_general3A_303 {dimension_numbers = #tpu.dot_dimension_numbers<[1], [0], [0], [1], [0, 0, 1, 1], [], []>, transpose_lhs_hint = false} : vector<512x128xf32>, vector<128x64xf32>, vector<512x64xf32> -> vector<512x64xf32>
    %get3A_305 = arith.constant 0 : index
    %get3A_306 = arith.constant 0 : index
    %get3A_307 = vector.load %arg10[%get3A_305, %get3A_306] : memref<1x64xf32, #tpu.memory_space<vmem>>, vector<1x64xf32>
    %add3A_308 = vector.broadcast %get3A_307 : vector<1x64xf32> to vector<512x64xf32>
    %add3A_309 = arith.addf %dot_general3A_304, %add3A_308 : vector<512x64xf32>
    %logistic3A_310 = arith.negf %add3A_309 : vector<512x64xf32>
    %logistic3A_311 = math.exp %logistic3A_310 : vector<512x64xf32>
    %logistic3A_312 = arith.constant 1.000000e+00 : f32
    %logistic3A_313 = vector.broadcast %logistic3A_312 : f32 to vector<512x64xf32>
    %logistic3A_314 = arith.addf %logistic3A_313, %logistic3A_311 : vector<512x64xf32>
    %logistic3A_315 = arith.divf %logistic3A_313, %logistic3A_314 : vector<512x64xf32>
    %mul3A_316 = arith.mulf %add3A_309, %logistic3A_315 : vector<512x64xf32>
    %add3A_317 = arith.addf %get3A_1, %get3A_4 : vector<512x64xf32>
    %get3A_318 = arith.constant 0 : index
    %get3A_319 = arith.constant 0 : index
    %get3A_320 = vector.load %arg11[%get3A_318, %get3A_319] : memref<64x64xf32, #tpu.memory_space<vmem>>, vector<64x64xf32>
    %dot_general3A_321 = arith.constant dense<0.000000e+00> : vector<512x64xf32>
    %dot_general3A_322 = tpu.matmul %mul3A_316, %get3A_320, %dot_general3A_321 {dimension_numbers = #tpu.dot_dimension_numbers<[1], [0], [0], [1], [0, 0, 1, 1], [], []>, transpose_lhs_hint = false} : vector<512x64xf32>, vector<64x64xf32>, vector<512x64xf32> -> vector<512x64xf32>
    %add3A_323 = arith.addf %add3A_317, %dot_general3A_322 : vector<512x64xf32>
    %get3A_324 = arith.constant 0 : index
    %get3A_325 = arith.constant 0 : index
    %get3A_326 = vector.load %arg12[%get3A_324, %get3A_325] : memref<1x64xf32, #tpu.memory_space<vmem>>, vector<1x64xf32>
    %add3A_327 = vector.broadcast %get3A_326 : vector<1x64xf32> to vector<512x64xf32>
    %add3A_328 = arith.addf %add3A_323, %add3A_327 : vector<512x64xf32>
    %get3A_329 = arith.constant 0 : index
    %get3A_330 = arith.constant 0 : index
    %get3A_331 = vector.load %arg13[%get3A_329, %get3A_330] : memref<1x64xf32, #tpu.memory_space<vmem>>, vector<1x64xf32>
    %get3A_332 = arith.constant 0 : index
    %get3A_333 = arith.constant 0 : index
    %get3A_334 = vector.load %arg14[%get3A_332, %get3A_333] : memref<1x64xf32, #tpu.memory_space<vmem>>, vector<1x64xf32>
    %reduce_sum3A = arith.constant dense<0.000000e+00> : vector<512xf32>
    %reduce_sum3A_335 = vector.multi_reduction <add>, %add3A_328, %reduce_sum3A [1] : vector<512x64xf32> to vector<512xf32>
    %broadcast_in_dim3A_336 = vector.shape_cast %reduce_sum3A_335 : vector<512xf32> to vector<512x1xf32>
    %div3A = arith.constant 6.400000e+01 : f32
    %div3A_337 = vector.broadcast %div3A : f32 to vector<512x1xf32>
    %div3A_338 = arith.divf %broadcast_in_dim3A_336, %div3A_337 : vector<512x1xf32>
    %jit3A = arith.constant 0 : i32
    %reduce_sum3A_339 = arith.constant dense<0.000000e+00> : vector<512xf32>
    %reduce_sum3A_340 = vector.multi_reduction <add>, %add3A_328, %reduce_sum3A_339 [1] : vector<512x64xf32> to vector<512xf32>
    %broadcast_in_dim3A_341 = vector.shape_cast %reduce_sum3A_340 : vector<512xf32> to vector<512x1xf32>
    %div3A_342 = arith.constant 6.400000e+01 : f32
    %div3A_343 = vector.broadcast %div3A_342 : f32 to vector<512x1xf32>
    %div3A_344 = arith.divf %broadcast_in_dim3A_341, %div3A_343 : vector<512x1xf32>
    %sub3A = vector.broadcast %div3A_344 : vector<512x1xf32> to vector<512x64xf32>
    %sub3A_345 = arith.subf %add3A_328, %sub3A : vector<512x64xf32>
    %square3A = arith.mulf %sub3A_345, %sub3A_345 : vector<512x64xf32>
    %convert_element_type3A = arith.sitofp %jit3A : i32 to f32
    %sub3A_346 = arith.constant 6.400000e+01 : f32
    %sub3A_347 = arith.subf %sub3A_346, %convert_element_type3A : f32
    %reduce_sum3A_348 = arith.constant dense<0.000000e+00> : vector<512xf32>
    %reduce_sum3A_349 = vector.multi_reduction <add>, %square3A, %reduce_sum3A_348 [1] : vector<512x64xf32> to vector<512xf32>
    %broadcast_in_dim3A_350 = vector.shape_cast %reduce_sum3A_349 : vector<512xf32> to vector<512x1xf32>
    %div3A_351 = vector.broadcast %sub3A_347 : f32 to vector<512x1xf32>
    %div3A_352 = arith.divf %broadcast_in_dim3A_350, %div3A_351 : vector<512x1xf32>
    %gt3A = arith.constant 0.000000e+00 : f32
    %gt3A_353 = arith.cmpf ogt, %sub3A_347, %gt3A : f32
    %jit3A_354 = arith.constant 0x7FC00000 : f32
    %broadcast_in_dim3A_355 = vector.broadcast %jit3A_354 : f32 to vector<512x1xf32>
    %select_n3A_356 = arith.select %gt3A_353, %div3A_352, %broadcast_in_dim3A_355 : vector<512x1xf32>
    %sub3A_357 = vector.broadcast %div3A_338 : vector<512x1xf32> to vector<512x64xf32>
    %sub3A_358 = arith.subf %add3A_328, %sub3A_357 : vector<512x64xf32>
    %add3A_359 = arith.constant 9.99999974E-6 : f32
    %add3A_360 = vector.broadcast %add3A_359 : f32 to vector<512x1xf32>
    %add3A_361 = arith.addf %select_n3A_356, %add3A_360 : vector<512x1xf32>
    %sqrt3A = math.sqrt %add3A_361 : vector<512x1xf32>
    %div3A_362 = vector.broadcast %sqrt3A : vector<512x1xf32> to vector<512x64xf32>
    %div3A_363 = arith.divf %sub3A_358, %div3A_362 : vector<512x64xf32>
    %mul3A_364 = vector.broadcast %get3A_331 : vector<1x64xf32> to vector<512x64xf32>
    %mul3A_365 = arith.mulf %div3A_363, %mul3A_364 : vector<512x64xf32>
    %add3A_366 = vector.broadcast %get3A_334 : vector<1x64xf32> to vector<512x64xf32>
    %add3A_367 = arith.addf %mul3A_365, %add3A_366 : vector<512x64xf32>
    %get3A_368 = arith.constant 0 : index
    %get3A_369 = arith.constant 0 : index
    %get3A_370 = vector.load %arg15[%get3A_368, %get3A_369] : memref<64x64xf32, #tpu.memory_space<vmem>>, vector<64x64xf32>
    %dot_general3A_371 = arith.constant dense<0.000000e+00> : vector<512x64xf32>
    %dot_general3A_372 = tpu.matmul %add3A_367, %get3A_370, %dot_general3A_371 {dimension_numbers = #tpu.dot_dimension_numbers<[1], [0], [0], [1], [0, 0, 1, 1], [], []>, transpose_lhs_hint = false} : vector<512x64xf32>, vector<64x64xf32>, vector<512x64xf32> -> vector<512x64xf32>
    %get3A_373 = arith.constant 0 : index
    %get3A_374 = arith.constant 0 : index
    %get3A_375 = vector.load %arg16[%get3A_373, %get3A_374] : memref<1x64xf32, #tpu.memory_space<vmem>>, vector<1x64xf32>
    %add3A_376 = vector.broadcast %get3A_375 : vector<1x64xf32> to vector<512x64xf32>
    %add3A_377 = arith.addf %dot_general3A_372, %add3A_376 : vector<512x64xf32>
    %logistic3A_378 = arith.negf %add3A_377 : vector<512x64xf32>
    %logistic3A_379 = math.exp %logistic3A_378 : vector<512x64xf32>
    %logistic3A_380 = arith.constant 1.000000e+00 : f32
    %logistic3A_381 = vector.broadcast %logistic3A_380 : f32 to vector<512x64xf32>
    %logistic3A_382 = arith.addf %logistic3A_381, %logistic3A_379 : vector<512x64xf32>
    %logistic3A_383 = arith.divf %logistic3A_381, %logistic3A_382 : vector<512x64xf32>
    %mul3A_384 = arith.mulf %add3A_377, %logistic3A_383 : vector<512x64xf32>
    %get3A_385 = arith.constant 0 : index
    %get3A_386 = arith.constant 0 : index
    %get3A_387 = vector.load %arg17[%get3A_385, %get3A_386] : memref<64x64xf32, #tpu.memory_space<vmem>>, vector<64x64xf32>
    %dot_general3A_388 = arith.constant dense<0.000000e+00> : vector<512x64xf32>
    %dot_general3A_389 = tpu.matmul %mul3A_384, %get3A_387, %dot_general3A_388 {dimension_numbers = #tpu.dot_dimension_numbers<[1], [0], [0], [1], [0, 0, 1, 1], [], []>, transpose_lhs_hint = false} : vector<512x64xf32>, vector<64x64xf32>, vector<512x64xf32> -> vector<512x64xf32>
    %get3A_390 = arith.constant 0 : index
    %get3A_391 = arith.constant 0 : index
    %get3A_392 = vector.load %arg18[%get3A_390, %get3A_391] : memref<1x64xf32, #tpu.memory_space<vmem>>, vector<1x64xf32>
    %add3A_393 = vector.broadcast %get3A_392 : vector<1x64xf32> to vector<512x64xf32>
    %add3A_394 = arith.addf %dot_general3A_389, %add3A_393 : vector<512x64xf32>
    %add3A_395 = arith.addf %add3A_328, %add3A_394 : vector<512x64xf32>
    %get3A_396 = arith.constant 0 : index
    %get3A_397 = arith.constant 0 : index
    %get3A_398 = vector.load %arg19[%get3A_396, %get3A_397] : memref<1x64xf32, #tpu.memory_space<vmem>>, vector<1x64xf32>
    %get3A_399 = arith.constant 0 : index
    %get3A_400 = arith.constant 0 : index
    %get3A_401 = vector.load %arg20[%get3A_399, %get3A_400] : memref<1x64xf32, #tpu.memory_space<vmem>>, vector<1x64xf32>
    %reduce_sum3A_402 = arith.constant dense<0.000000e+00> : vector<512xf32>
    %reduce_sum3A_403 = vector.multi_reduction <add>, %add3A_395, %reduce_sum3A_402 [1] : vector<512x64xf32> to vector<512xf32>
    %broadcast_in_dim3A_404 = vector.shape_cast %reduce_sum3A_403 : vector<512xf32> to vector<512x1xf32>
    %div3A_405 = arith.constant 6.400000e+01 : f32
    %div3A_406 = vector.broadcast %div3A_405 : f32 to vector<512x1xf32>
    %div3A_407 = arith.divf %broadcast_in_dim3A_404, %div3A_406 : vector<512x1xf32>
    %jit3A_408 = arith.constant 0 : i32
    %reduce_sum3A_409 = arith.constant dense<0.000000e+00> : vector<512xf32>
    %reduce_sum3A_410 = vector.multi_reduction <add>, %add3A_395, %reduce_sum3A_409 [1] : vector<512x64xf32> to vector<512xf32>
    %broadcast_in_dim3A_411 = vector.shape_cast %reduce_sum3A_410 : vector<512xf32> to vector<512x1xf32>
    %div3A_412 = arith.constant 6.400000e+01 : f32
    %div3A_413 = vector.broadcast %div3A_412 : f32 to vector<512x1xf32>
    %div3A_414 = arith.divf %broadcast_in_dim3A_411, %div3A_413 : vector<512x1xf32>
    %sub3A_415 = vector.broadcast %div3A_414 : vector<512x1xf32> to vector<512x64xf32>
    %sub3A_416 = arith.subf %add3A_395, %sub3A_415 : vector<512x64xf32>
    %square3A_417 = arith.mulf %sub3A_416, %sub3A_416 : vector<512x64xf32>
    %convert_element_type3A_418 = arith.sitofp %jit3A_408 : i32 to f32
    %sub3A_419 = arith.constant 6.400000e+01 : f32
    %sub3A_420 = arith.subf %sub3A_419, %convert_element_type3A_418 : f32
    %reduce_sum3A_421 = arith.constant dense<0.000000e+00> : vector<512xf32>
    %reduce_sum3A_422 = vector.multi_reduction <add>, %square3A_417, %reduce_sum3A_421 [1] : vector<512x64xf32> to vector<512xf32>
    %broadcast_in_dim3A_423 = vector.shape_cast %reduce_sum3A_422 : vector<512xf32> to vector<512x1xf32>
    %div3A_424 = vector.broadcast %sub3A_420 : f32 to vector<512x1xf32>
    %div3A_425 = arith.divf %broadcast_in_dim3A_423, %div3A_424 : vector<512x1xf32>
    %gt3A_426 = arith.constant 0.000000e+00 : f32
    %gt3A_427 = arith.cmpf ogt, %sub3A_420, %gt3A_426 : f32
    %jit3A_428 = arith.constant 0x7FC00000 : f32
    %broadcast_in_dim3A_429 = vector.broadcast %jit3A_428 : f32 to vector<512x1xf32>
    %select_n3A_430 = arith.select %gt3A_427, %div3A_425, %broadcast_in_dim3A_429 : vector<512x1xf32>
    %sub3A_431 = vector.broadcast %div3A_407 : vector<512x1xf32> to vector<512x64xf32>
    %sub3A_432 = arith.subf %add3A_395, %sub3A_431 : vector<512x64xf32>
    %add3A_433 = arith.constant 9.99999974E-6 : f32
    %add3A_434 = vector.broadcast %add3A_433 : f32 to vector<512x1xf32>
    %add3A_435 = arith.addf %select_n3A_430, %add3A_434 : vector<512x1xf32>
    %sqrt3A_436 = math.sqrt %add3A_435 : vector<512x1xf32>
    %div3A_437 = vector.broadcast %sqrt3A_436 : vector<512x1xf32> to vector<512x64xf32>
    %div3A_438 = arith.divf %sub3A_432, %div3A_437 : vector<512x64xf32>
    %mul3A_439 = vector.broadcast %get3A_398 : vector<1x64xf32> to vector<512x64xf32>
    %mul3A_440 = arith.mulf %div3A_438, %mul3A_439 : vector<512x64xf32>
    %add3A_441 = vector.broadcast %get3A_401 : vector<1x64xf32> to vector<512x64xf32>
    %add3A_442 = arith.addf %mul3A_440, %add3A_441 : vector<512x64xf32>
    %get3A_443 = arith.constant 0 : index
    %get3A_444 = arith.constant 0 : index
    %get3A_445 = vector.load %arg21[%get3A_443, %get3A_444] : memref<64x128xf32, #tpu.memory_space<vmem>>, vector<64x128xf32>
    %dot_general3A_446 = arith.constant dense<0.000000e+00> : vector<512x128xf32>
    %dot_general3A_447 = tpu.matmul %add3A_442, %get3A_445, %dot_general3A_446 {dimension_numbers = #tpu.dot_dimension_numbers<[1], [0], [0], [1], [0, 0, 1, 1], [], []>, transpose_lhs_hint = false} : vector<512x64xf32>, vector<64x128xf32>, vector<512x128xf32> -> vector<512x128xf32>
    %swap3A = arith.constant 0 : index
    %swap3A_448 = arith.constant 0 : index
    %swap3A_449 = vector.load %arg23[%swap3A, %swap3A_448] : memref<512x64xf32, #tpu.memory_space<vmem>>, vector<512x64xf32>
    tpu.vector_store %arg23[%swap3A, %swap3A_448], %add3A_395 {strides = array<i32>} : memref<512x64xf32, #tpu.memory_space<vmem>>, vector<512x64xf32>,
    %swap3A_450 = arith.constant 0 : index
    %swap3A_451 = arith.constant 0 : index
    %swap3A_452 = vector.load %arg24[%swap3A_450, %swap3A_451] : memref<512x64xf32, #tpu.memory_space<vmem>>, vector<512x64xf32>
    tpu.vector_store %arg24[%swap3A_450, %swap3A_451], %add3A_442 {strides = array<i32>} : memref<512x64xf32, #tpu.memory_space<vmem>>, vector<512x64xf32>,
    %slice3A_453 = vector.extract_strided_slice %dot_general3A_447 {offsets = [0, 0], sizes = [512, 64], strides = [1, 1]} : vector<512x128xf32> to vector<512x64xf32>
    %slice3A_454 = vector.extract_strided_slice %dot_general3A_447 {offsets = [0, 0], sizes = [512, 64], strides = [1, 1]} : vector<512x128xf32> to vector<512x64xf32>
    %concatenate3A_455 = tpu.concatenate %slice3A_453, %slice3A_454 in 1 : vector<512x64xf32>, vector<512x64xf32> -> vector<512x128xf32>
    %swap3A_456 = arith.constant 0 : index
    %swap3A_457 = arith.constant 0 : index
    %swap3A_458 = vector.load %arg25[%swap3A_456, %swap3A_457] : memref<512x128xf32, #tpu.memory_space<vmem>>, vector<512x128xf32>
    tpu.vector_store %arg25[%swap3A_456, %swap3A_457], %concatenate3A_455 {strides = array<i32>} : memref<512x128xf32, #tpu.memory_space<vmem>>, vector<512x128xf32>,
    %slice3A_459 = vector.extract_strided_slice %dot_general3A_447 {offsets = [0, 64], sizes = [512, 64], strides = [1, 1]} : vector<512x128xf32> to vector<512x64xf32>
    %get3A_460 = arith.constant 0 : index
    %get3A_461 = arith.constant 0 : index
    %get3A_462 = vector.load %arg22[%get3A_460, %get3A_461] : memref<1x64xf32, #tpu.memory_space<vmem>>, vector<1x64xf32>
    %add3A_463 = vector.broadcast %get3A_462 : vector<1x64xf32> to vector<512x64xf32>
    %add3A_464 = arith.addf %slice3A_459, %add3A_463 : vector<512x64xf32>
    %concatenate3A_465 = tpu.concatenate %add3A_464, %add3A_464 in 1 : vector<512x64xf32>, vector<512x64xf32> -> vector<512x128xf32>
    %swap3A_466 = arith.constant 0 : index
    %swap3A_467 = arith.constant 0 : index
    %swap3A_468 = vector.load %arg26[%swap3A_466, %swap3A_467] : memref<512x128xf32, #tpu.memory_space<vmem>>, vector<512x128xf32>
    tpu.vector_store %arg26[%swap3A_466, %swap3A_467], %concatenate3A_465 {strides = array<i32>} : memref<512x128xf32, #tpu.memory_space<vmem>>, vector<512x128xf32>,
    return
  }
  func.func @transform_0(%arg0: i32) -> (i32, i32, i32) {
    %c0_i32 = arith.constant 0 : i32
    %c0_i32_0 = arith.constant 0 : i32
    %c0_i32_1 = arith.constant 0 : i32
    return %c0_i32, %arg0, %c0_i32_0 : i32, i32, i32
  }
  func.func @transform_1(%arg0: i32) -> (i32, i32) {
    %c0_i32 = arith.constant 0 : i32
    %c0_i32_0 = arith.constant 0 : i32
    return %arg0, %c0_i32 : i32, i32
  }
  func.func @transform_2(%arg0: i32) -> (i32, i32) {
    %c0_i32 = arith.constant 0 : i32
    %c0_i32_0 = arith.constant 0 : i32
    return %arg0, %c0_i32 : i32, i32
  }
  func.func @transform_3(%arg0: i32) -> (i32, i32) {
    %c0_i32 = arith.constant 0 : i32
    %c0_i32_0 = arith.constant 0 : i32
    return %arg0, %c0_i32 : i32, i32
  }
  func.func @transform_4(%arg0: i32) -> (i32, i32) {
    %jit3A = arith.constant 8 : i32
    %eq3A = arith.constant 0 : i32
    %eq3A_0 = arith.cmpi eq, %jit3A, %eq3A : i32
    %jit3A_1 = arith.constant 1 : i32
    %select_n3A = arith.select %eq3A_0, %jit3A_1, %jit3A : i32
    %rem3A = arith.remsi %arg0, %select_n3A : i32
    %ne3A = arith.constant 0 : i32
    %ne3A_2 = arith.cmpi ne, %rem3A, %ne3A : i32
    %lt3A = arith.constant 0 : i32
    %lt3A_3 = arith.cmpi slt, %rem3A, %lt3A : i32
    %lt3A_4 = arith.constant 0 : i32
    %lt3A_5 = arith.cmpi slt, %select_n3A, %lt3A_4 : i32
    %ne3A_6 = arith.xori %lt3A_3, %lt3A_5 : i1
    %and3A = arith.andi %ne3A_6, %ne3A_2 : i1
    %add3A = arith.addi %rem3A, %select_n3A : i32
    %select_n3A_7 = arith.select %and3A, %add3A, %rem3A : i32
    %c0_i32 = arith.constant 0 : i32
    %c0_i32_8 = arith.constant 0 : i32
    return %select_n3A_7, %c0_i32 : i32, i32
  }
  func.func @transform_5(%arg0: i32) -> (i32, i32) {
    %c0_i32 = arith.constant 0 : i32
    %c0_i32_0 = arith.constant 0 : i32
    %c0_i32_1 = arith.constant 0 : i32
    return %c0_i32, %c0_i32_0 : i32, i32
  }
  func.func @transform_6(%arg0: i32) -> (i32, i32) {
    %c0_i32 = arith.constant 0 : i32
    %c0_i32_0 = arith.constant 0 : i32
    %c0_i32_1 = arith.constant 0 : i32
    return %c0_i32, %c0_i32_0 : i32, i32
  }
  func.func @transform_7(%arg0: i32) -> (i32, i32) {
    %c0_i32 = arith.constant 0 : i32
    %c0_i32_0 = arith.constant 0 : i32
    %c0_i32_1 = arith.constant 0 : i32
    return %c0_i32, %c0_i32_0 : i32, i32
  }
  func.func @transform_8(%arg0: i32) -> (i32, i32) {
    %c0_i32 = arith.constant 0 : i32
    %c0_i32_0 = arith.constant 0 : i32
    %c0_i32_1 = arith.constant 0 : i32
    return %c0_i32, %c0_i32_0 : i32, i32
  }
  func.func @transform_9(%arg0: i32) -> (i32, i32) {
    %c0_i32 = arith.constant 0 : i32
    %c0_i32_0 = arith.constant 0 : i32
    %c0_i32_1 = arith.constant 0 : i32
    return %c0_i32, %c0_i32_0 : i32, i32
  }
  func.func @transform_10(%arg0: i32) -> (i32, i32) {
    %c0_i32 = arith.constant 0 : i32
    %c0_i32_0 = arith.constant 0 : i32
    %c0_i32_1 = arith.constant 0 : i32
    return %c0_i32, %c0_i32_0 : i32, i32
  }
  func.func @transform_11(%arg0: i32) -> (i32, i32) {
    %c0_i32 = arith.constant 0 : i32
    %c0_i32_0 = arith.constant 0 : i32
    %c0_i32_1 = arith.constant 0 : i32
    return %c0_i32, %c0_i32_0 : i32, i32
  }
  func.func @transform_12(%arg0: i32) -> (i32, i32) {
    %c0_i32 = arith.constant 0 : i32
    %c0_i32_0 = arith.constant 0 : i32
    %c0_i32_1 = arith.constant 0 : i32
    return %c0_i32, %c0_i32_0 : i32, i32
  }
  func.func @transform_13(%arg0: i32) -> (i32, i32) {
    %c0_i32 = arith.constant 0 : i32
    %c0_i32_0 = arith.constant 0 : i32
    %c0_i32_1 = arith.constant 0 : i32
    return %c0_i32, %c0_i32_0 : i32, i32
  }
  func.func @transform_14(%arg0: i32) -> (i32, i32) {
    %c0_i32 = arith.constant 0 : i32
    %c0_i32_0 = arith.constant 0 : i32
    %c0_i32_1 = arith.constant 0 : i32
    return %c0_i32, %c0_i32_0 : i32, i32
  }
  func.func @transform_15(%arg0: i32) -> (i32, i32) {
    %c0_i32 = arith.constant 0 : i32
    %c0_i32_0 = arith.constant 0 : i32
    %c0_i32_1 = arith.constant 0 : i32
    return %c0_i32, %c0_i32_0 : i32, i32
  }
  func.func @transform_16(%arg0: i32) -> (i32, i32) {
    %c0_i32 = arith.constant 0 : i32
    %c0_i32_0 = arith.constant 0 : i32
    %c0_i32_1 = arith.constant 0 : i32
    return %c0_i32, %c0_i32_0 : i32, i32
  }
  func.func @transform_17(%arg0: i32) -> (i32, i32) {
    %c0_i32 = arith.constant 0 : i32
    %c0_i32_0 = arith.constant 0 : i32
    %c0_i32_1 = arith.constant 0 : i32
    return %c0_i32, %c0_i32_0 : i32, i32
  }
  func.func @transform_18(%arg0: i32) -> (i32, i32) {
    %c0_i32 = arith.constant 0 : i32
    %c0_i32_0 = arith.constant 0 : i32
    %c0_i32_1 = arith.constant 0 : i32
    return %c0_i32, %c0_i32_0 : i32, i32
  }
  func.func @transform_19(%arg0: i32) -> (i32, i32) {
    %c0_i32 = arith.constant 0 : i32
    %c0_i32_0 = arith.constant 0 : i32
    %c0_i32_1 = arith.constant 0 : i32
    return %c0_i32, %c0_i32_0 : i32, i32
  }
  func.func @transform_20(%arg0: i32) -> (i32, i32) {
    %c0_i32 = arith.constant 0 : i32
    %c0_i32_0 = arith.constant 0 : i32
    %c0_i32_1 = arith.constant 0 : i32
    return %c0_i32, %c0_i32_0 : i32, i32
  }
  func.func @transform_21(%arg0: i32) -> (i32, i32) {
    %c0_i32 = arith.constant 0 : i32
    %c0_i32_0 = arith.constant 0 : i32
    %c0_i32_1 = arith.constant 0 : i32
    return %c0_i32, %c0_i32_0 : i32, i32
  }
  func.func @transform_22(%arg0: i32) -> (i32, i32) {
    %c0_i32 = arith.constant 0 : i32
    %c0_i32_0 = arith.constant 0 : i32
    return %arg0, %c0_i32 : i32, i32
  }
  func.func @transform_23(%arg0: i32) -> (i32, i32) {
    %c0_i32 = arith.constant 0 : i32
    %c0_i32_0 = arith.constant 0 : i32
    return %arg0, %c0_i32 : i32, i32
  }
  func.func @transform_24(%arg0: i32) -> (i32, i32) {
    %c0_i32 = arith.constant 0 : i32
    %c0_i32_0 = arith.constant 0 : i32
    return %arg0, %c0_i32 : i32, i32
  }
  func.func @transform_25(%arg0: i32) -> (i32, i32) {
    %c0_i32 = arith.constant 0 : i32
    %c0_i32_0 = arith.constant 0 : i32
    return %arg0, %c0_i32 : i32, i32
  }
}

module attributes {stable_mosaic.version = 14 : i64} {
  func.func @_tc_last_kernel(%arg0: i32, %arg1: memref<8x512x128xf32, #tpu.memory_space<vmem>>, %arg2: memref<512x64xf32, #tpu.memory_space<vmem>>, %arg3: memref<512x64xf32, #tpu.memory_space<vmem>>, %arg4: memref<512x128xf32, #tpu.memory_space<vmem>>, %arg5: memref<512x16xf32, #tpu.memory_space<vmem>>, %arg6: memref<1x128xf32, #tpu.memory_space<vmem>>, %arg7: memref<256x256xf32, #tpu.memory_space<vmem>>, %arg8: memref<1x256xf32, #tpu.memory_space<vmem>>, %arg9: memref<128x64xf32, #tpu.memory_space<vmem>>, %arg10: memref<1x64xf32, #tpu.memory_space<vmem>>, %arg11: memref<64x64xf32, #tpu.memory_space<vmem>>, %arg12: memref<1x64xf32, #tpu.memory_space<vmem>>, %arg13: memref<1x64xf32, #tpu.memory_space<vmem>>, %arg14: memref<1x64xf32, #tpu.memory_space<vmem>>, %arg15: memref<64x64xf32, #tpu.memory_space<vmem>>, %arg16: memref<1x64xf32, #tpu.memory_space<vmem>>, %arg17: memref<64x64xf32, #tpu.memory_space<vmem>>, %arg18: memref<1x64xf32, #tpu.memory_space<vmem>>, %arg19: memref<64x64xf32, #tpu.memory_space<vmem>>, %arg20: memref<1x64xf32, #tpu.memory_space<vmem>>, %arg21: memref<512x64xf32, #tpu.memory_space<vmem>>) attributes {dimension_semantics = [#tpu.dimension_semantics<arbitrary>], iteration_bounds = array<i64: 32>, scalar_prefetch = 0 : i64, scratch_operands = 0 : i64, tpu.core_type = #tpu.core_type<tc>, window_params = [{transform_indices = @transform_0, window_bounds = array<i64: 8, 512, 128>}, {transform_indices = @transform_1, window_bounds = array<i64: 512, 64>}, {transform_indices = @transform_2, window_bounds = array<i64: 512, 64>}, {transform_indices = @transform_3, window_bounds = array<i64: 512, 128>}, {transform_indices = @transform_4, window_bounds = array<i64: 512, 16>}, {pipeline_mode = #tpu.pipeline_mode<synchronous>, transform_indices = @transform_5, window_bounds = array<i64: 1, 128>}, {pipeline_mode = #tpu.pipeline_mode<synchronous>, transform_indices = @transform_6, window_bounds = array<i64: 256, 256>}, {pipeline_mode = #tpu.pipeline_mode<synchronous>, transform_indices = @transform_7, window_bounds = array<i64: 1, 256>}, {pipeline_mode = #tpu.pipeline_mode<synchronous>, transform_indices = @transform_8, window_bounds = array<i64: 128, 64>}, {pipeline_mode = #tpu.pipeline_mode<synchronous>, transform_indices = @transform_9, window_bounds = array<i64: 1, 64>}, {pipeline_mode = #tpu.pipeline_mode<synchronous>, transform_indices = @transform_10, window_bounds = array<i64: 64, 64>}, {pipeline_mode = #tpu.pipeline_mode<synchronous>, transform_indices = @transform_11, window_bounds = array<i64: 1, 64>}, {pipeline_mode = #tpu.pipeline_mode<synchronous>, transform_indices = @transform_12, window_bounds = array<i64: 1, 64>}, {pipeline_mode = #tpu.pipeline_mode<synchronous>, transform_indices = @transform_13, window_bounds = array<i64: 1, 64>}, {pipeline_mode = #tpu.pipeline_mode<synchronous>, transform_indices = @transform_14, window_bounds = array<i64: 64, 64>}, {pipeline_mode = #tpu.pipeline_mode<synchronous>, transform_indices = @transform_15, window_bounds = array<i64: 1, 64>}, {pipeline_mode = #tpu.pipeline_mode<synchronous>, transform_indices = @transform_16, window_bounds = array<i64: 64, 64>}, {pipeline_mode = #tpu.pipeline_mode<synchronous>, transform_indices = @transform_17, window_bounds = array<i64: 1, 64>}, {pipeline_mode = #tpu.pipeline_mode<synchronous>, transform_indices = @transform_18, window_bounds = array<i64: 64, 64>}, {pipeline_mode = #tpu.pipeline_mode<synchronous>, transform_indices = @transform_19, window_bounds = array<i64: 1, 64>}, {transform_indices = @transform_20, window_bounds = array<i64: 512, 64>}]} {
    %get3A = arith.constant 0 : index
    %get3A_0 = arith.constant 0 : index
    %get3A_1 = vector.load %arg2[%get3A, %get3A_0] : memref<512x64xf32, #tpu.memory_space<vmem>>, vector<512x64xf32>
    %get3A_2 = arith.constant 0 : index
    %get3A_3 = arith.constant 0 : index
    %get3A_4 = vector.load %arg3[%get3A_2, %get3A_3] : memref<512x64xf32, #tpu.memory_space<vmem>>, vector<512x64xf32>
    %get3A_5 = arith.constant 0 : index
    %get3A_6 = arith.constant 0 : index
    %get3A_7 = vector.load %arg4[%get3A_5, %get3A_6] : memref<512x128xf32, #tpu.memory_space<vmem>>, vector<512x128xf32>
    %get3A_8 = arith.constant 0 : index
    %get3A_9 = arith.constant 0 : index
    %get3A_10 = vector.load %arg6[%get3A_8, %get3A_9] : memref<1x128xf32, #tpu.memory_space<vmem>>, vector<1x128xf32>
    %get3A_11 = arith.constant 0 : index
    %get3A_12 = arith.constant 0 : index
    %get3A_13 = vector.load %arg7[%get3A_11, %get3A_12] : memref<256x256xf32, #tpu.memory_space<vmem>>, vector<256x256xf32>
    %get3A_14 = arith.constant 0 : index
    %get3A_15 = arith.constant 0 : index
    %get3A_16 = vector.load %arg8[%get3A_14, %get3A_15] : memref<1x256xf32, #tpu.memory_space<vmem>>, vector<1x256xf32>
    %iota3A = tpu.iota {dimensions = array<i32: 1>} : vector<512x128xi32>
    %lt3A = arith.constant 64 : i32
    %lt3A_17 = vector.broadcast %lt3A : i32 to vector<512x128xi32>
    %lt3A_18 = arith.cmpi slt, %iota3A, %lt3A_17 : vector<512x128xi32>
    %broadcast_in_dim3A = arith.constant 0.000000e+00 : f32
    %broadcast_in_dim3A_19 = vector.broadcast %broadcast_in_dim3A : f32 to vector<512x128xf32>
    %get3A_20 = arith.constant 0 : index
    %get3A_21 = arith.constant 0 : index
    %get3A_22 = vector.load %arg5[%get3A_20, %get3A_21] : memref<512x16xf32, #tpu.memory_space<vmem>>, vector<512x1xf32>
    %get3A_23 = arith.constant 0 : index
    %get3A_24 = arith.constant 1 : index
    %get3A_25 = vector.load %arg5[%get3A_23, %get3A_24] : memref<512x16xf32, #tpu.memory_space<vmem>>, vector<512x1xf32>
    %broadcast_in_dim3A_26 = vector.shape_cast %get3A_22 : vector<512x1xf32> to vector<512x1xf32>
    %broadcast_in_dim3A_27 = vector.broadcast %broadcast_in_dim3A_26 : vector<512x1xf32> to vector<512x128xf32>
    %broadcast_in_dim3A_28 = vector.shape_cast %get3A_25 : vector<512x1xf32> to vector<512x1xf32>
    %broadcast_in_dim3A_29 = vector.broadcast %broadcast_in_dim3A_28 : vector<512x1xf32> to vector<512x128xf32>
    %select_n3A = arith.select %lt3A_18, %broadcast_in_dim3A_27, %broadcast_in_dim3A_29 : vector<512x128xi1>, vector<512x128xf32>
    %get3A_30 = arith.constant 0 : index
    %get3A_31 = arith.constant 0 : index
    %get3A_32 = arith.constant 0 : index
    %get3A_33 = vector.load %arg1[%get3A_30, %get3A_31, %get3A_32] : memref<8x512x128xf32, #tpu.memory_space<vmem>>, vector<1x512x128xf32>
    %get3A_34 = vector.shape_cast %get3A_33 : vector<1x512x128xf32> to vector<512x128xf32>
    %add3A = arith.addf %get3A_34, %get3A_7 : vector<512x128xf32>
    %mul3A = vector.broadcast %get3A_10 : vector<1x128xf32> to vector<512x128xf32>
    %mul3A_35 = arith.mulf %select_n3A, %mul3A : vector<512x128xf32>
    %add3A_36 = arith.addf %add3A, %mul3A_35 : vector<512x128xf32>
    %logistic3A = arith.negf %add3A_36 : vector<512x128xf32>
    %logistic3A_37 = math.exp %logistic3A : vector<512x128xf32>
    %logistic3A_38 = arith.constant 1.000000e+00 : f32
    %logistic3A_39 = vector.broadcast %logistic3A_38 : f32 to vector<512x128xf32>
    %logistic3A_40 = arith.addf %logistic3A_39, %logistic3A_37 : vector<512x128xf32>
    %logistic3A_41 = arith.divf %logistic3A_39, %logistic3A_40 : vector<512x128xf32>
    %mul3A_42 = arith.mulf %add3A_36, %logistic3A_41 : vector<512x128xf32>
    %get3A_43 = arith.constant 0 : index
    %get3A_44 = arith.constant 2 : index
    %get3A_45 = vector.load %arg5[%get3A_43, %get3A_44] : memref<512x16xf32, #tpu.memory_space<vmem>>, vector<512x1xf32>
    %get3A_46 = arith.constant 0 : index
    %get3A_47 = arith.constant 3 : index
    %get3A_48 = vector.load %arg5[%get3A_46, %get3A_47] : memref<512x16xf32, #tpu.memory_space<vmem>>, vector<512x1xf32>
    %broadcast_in_dim3A_49 = vector.shape_cast %get3A_45 : vector<512x1xf32> to vector<512x1xf32>
    %broadcast_in_dim3A_50 = vector.broadcast %broadcast_in_dim3A_49 : vector<512x1xf32> to vector<512x128xf32>
    %broadcast_in_dim3A_51 = vector.shape_cast %get3A_48 : vector<512x1xf32> to vector<512x1xf32>
    %broadcast_in_dim3A_52 = vector.broadcast %broadcast_in_dim3A_51 : vector<512x1xf32> to vector<512x128xf32>
    %select_n3A_53 = arith.select %lt3A_18, %broadcast_in_dim3A_50, %broadcast_in_dim3A_52 : vector<512x128xi1>, vector<512x128xf32>
    %get3A_54 = arith.constant 1 : index
    %get3A_55 = arith.constant 0 : index
    %get3A_56 = arith.constant 0 : index
    %get3A_57 = vector.load %arg1[%get3A_54, %get3A_55, %get3A_56] : memref<8x512x128xf32, #tpu.memory_space<vmem>>, vector<1x512x128xf32>
    %get3A_58 = vector.shape_cast %get3A_57 : vector<1x512x128xf32> to vector<512x128xf32>
    %add3A_59 = arith.addf %get3A_58, %get3A_7 : vector<512x128xf32>
    %mul3A_60 = vector.broadcast %get3A_10 : vector<1x128xf32> to vector<512x128xf32>
    %mul3A_61 = arith.mulf %select_n3A_53, %mul3A_60 : vector<512x128xf32>
    %add3A_62 = arith.addf %add3A_59, %mul3A_61 : vector<512x128xf32>
    %logistic3A_63 = arith.negf %add3A_62 : vector<512x128xf32>
    %logistic3A_64 = math.exp %logistic3A_63 : vector<512x128xf32>
    %logistic3A_65 = arith.constant 1.000000e+00 : f32
    %logistic3A_66 = vector.broadcast %logistic3A_65 : f32 to vector<512x128xf32>
    %logistic3A_67 = arith.addf %logistic3A_66, %logistic3A_64 : vector<512x128xf32>
    %logistic3A_68 = arith.divf %logistic3A_66, %logistic3A_67 : vector<512x128xf32>
    %mul3A_69 = arith.mulf %add3A_62, %logistic3A_68 : vector<512x128xf32>
    %concatenate3A = tpu.concatenate %mul3A_42, %mul3A_69 in 1 : vector<512x128xf32>, vector<512x128xf32> -> vector<512x256xf32>
    %dot_general3A = arith.constant dense<0.000000e+00> : vector<512x256xf32>
    %dot_general3A_70 = tpu.matmul %concatenate3A, %get3A_13, %dot_general3A {dimension_numbers = #tpu.dot_dimension_numbers<[1], [0], [0], [1], [0, 0, 1, 1], [], []>, transpose_lhs_hint = false} : vector<512x256xf32>, vector<256x256xf32>, vector<512x256xf32> -> vector<512x256xf32>
    %add3A_71 = vector.broadcast %get3A_16 : vector<1x256xf32> to vector<512x256xf32>
    %add3A_72 = arith.addf %dot_general3A_70, %add3A_71 : vector<512x256xf32>
    %logistic3A_73 = arith.negf %add3A_72 : vector<512x256xf32>
    %logistic3A_74 = math.exp %logistic3A_73 : vector<512x256xf32>
    %logistic3A_75 = arith.constant 1.000000e+00 : f32
    %logistic3A_76 = vector.broadcast %logistic3A_75 : f32 to vector<512x256xf32>
    %logistic3A_77 = arith.addf %logistic3A_76, %logistic3A_74 : vector<512x256xf32>
    %logistic3A_78 = arith.divf %logistic3A_76, %logistic3A_77 : vector<512x256xf32>
    %mul3A_79 = arith.mulf %add3A_72, %logistic3A_78 : vector<512x256xf32>
    %slice3A = vector.extract_strided_slice %mul3A_79 {offsets = [0, 0], sizes = [512, 128], strides = [1, 1]} : vector<512x256xf32> to vector<512x128xf32>
    %add3A_80 = arith.addf %broadcast_in_dim3A_19, %slice3A : vector<512x128xf32>
    %slice3A_81 = vector.extract_strided_slice %mul3A_79 {offsets = [0, 128], sizes = [512, 128], strides = [1, 1]} : vector<512x256xf32> to vector<512x128xf32>
    %add3A_82 = arith.addf %add3A_80, %slice3A_81 : vector<512x128xf32>
    %get3A_83 = arith.constant 0 : index
    %get3A_84 = arith.constant 4 : index
    %get3A_85 = vector.load %arg5[%get3A_83, %get3A_84] : memref<512x16xf32, #tpu.memory_space<vmem>>, vector<512x1xf32>
    %get3A_86 = arith.constant 0 : index
    %get3A_87 = arith.constant 5 : index
    %get3A_88 = vector.load %arg5[%get3A_86, %get3A_87] : memref<512x16xf32, #tpu.memory_space<vmem>>, vector<512x1xf32>
    %broadcast_in_dim3A_89 = vector.shape_cast %get3A_85 : vector<512x1xf32> to vector<512x1xf32>
    %broadcast_in_dim3A_90 = vector.broadcast %broadcast_in_dim3A_89 : vector<512x1xf32> to vector<512x128xf32>
    %broadcast_in_dim3A_91 = vector.shape_cast %get3A_88 : vector<512x1xf32> to vector<512x1xf32>
    %broadcast_in_dim3A_92 = vector.broadcast %broadcast_in_dim3A_91 : vector<512x1xf32> to vector<512x128xf32>
    %select_n3A_93 = arith.select %lt3A_18, %broadcast_in_dim3A_90, %broadcast_in_dim3A_92 : vector<512x128xi1>, vector<512x128xf32>
    %get3A_94 = arith.constant 2 : index
    %get3A_95 = arith.constant 0 : index
    %get3A_96 = arith.constant 0 : index
    %get3A_97 = vector.load %arg1[%get3A_94, %get3A_95, %get3A_96] : memref<8x512x128xf32, #tpu.memory_space<vmem>>, vector<1x512x128xf32>
    %get3A_98 = vector.shape_cast %get3A_97 : vector<1x512x128xf32> to vector<512x128xf32>
    %add3A_99 = arith.addf %get3A_98, %get3A_7 : vector<512x128xf32>
    %mul3A_100 = vector.broadcast %get3A_10 : vector<1x128xf32> to vector<512x128xf32>
    %mul3A_101 = arith.mulf %select_n3A_93, %mul3A_100 : vector<512x128xf32>
    %add3A_102 = arith.addf %add3A_99, %mul3A_101 : vector<512x128xf32>
    %logistic3A_103 = arith.negf %add3A_102 : vector<512x128xf32>
    %logistic3A_104 = math.exp %logistic3A_103 : vector<512x128xf32>
    %logistic3A_105 = arith.constant 1.000000e+00 : f32
    %logistic3A_106 = vector.broadcast %logistic3A_105 : f32 to vector<512x128xf32>
    %logistic3A_107 = arith.addf %logistic3A_106, %logistic3A_104 : vector<512x128xf32>
    %logistic3A_108 = arith.divf %logistic3A_106, %logistic3A_107 : vector<512x128xf32>
    %mul3A_109 = arith.mulf %add3A_102, %logistic3A_108 : vector<512x128xf32>
    %get3A_110 = arith.constant 0 : index
    %get3A_111 = arith.constant 6 : index
    %get3A_112 = vector.load %arg5[%get3A_110, %get3A_111] : memref<512x16xf32, #tpu.memory_space<vmem>>, vector<512x1xf32>
    %get3A_113 = arith.constant 0 : index
    %get3A_114 = arith.constant 7 : index
    %get3A_115 = vector.load %arg5[%get3A_113, %get3A_114] : memref<512x16xf32, #tpu.memory_space<vmem>>, vector<512x1xf32>
    %broadcast_in_dim3A_116 = vector.shape_cast %get3A_112 : vector<512x1xf32> to vector<512x1xf32>
    %broadcast_in_dim3A_117 = vector.broadcast %broadcast_in_dim3A_116 : vector<512x1xf32> to vector<512x128xf32>
    %broadcast_in_dim3A_118 = vector.shape_cast %get3A_115 : vector<512x1xf32> to vector<512x1xf32>
    %broadcast_in_dim3A_119 = vector.broadcast %broadcast_in_dim3A_118 : vector<512x1xf32> to vector<512x128xf32>
    %select_n3A_120 = arith.select %lt3A_18, %broadcast_in_dim3A_117, %broadcast_in_dim3A_119 : vector<512x128xi1>, vector<512x128xf32>
    %get3A_121 = arith.constant 3 : index
    %get3A_122 = arith.constant 0 : index
    %get3A_123 = arith.constant 0 : index
    %get3A_124 = vector.load %arg1[%get3A_121, %get3A_122, %get3A_123] : memref<8x512x128xf32, #tpu.memory_space<vmem>>, vector<1x512x128xf32>
    %get3A_125 = vector.shape_cast %get3A_124 : vector<1x512x128xf32> to vector<512x128xf32>
    %add3A_126 = arith.addf %get3A_125, %get3A_7 : vector<512x128xf32>
    %mul3A_127 = vector.broadcast %get3A_10 : vector<1x128xf32> to vector<512x128xf32>
    %mul3A_128 = arith.mulf %select_n3A_120, %mul3A_127 : vector<512x128xf32>
    %add3A_129 = arith.addf %add3A_126, %mul3A_128 : vector<512x128xf32>
    %logistic3A_130 = arith.negf %add3A_129 : vector<512x128xf32>
    %logistic3A_131 = math.exp %logistic3A_130 : vector<512x128xf32>
    %logistic3A_132 = arith.constant 1.000000e+00 : f32
    %logistic3A_133 = vector.broadcast %logistic3A_132 : f32 to vector<512x128xf32>
    %logistic3A_134 = arith.addf %logistic3A_133, %logistic3A_131 : vector<512x128xf32>
    %logistic3A_135 = arith.divf %logistic3A_133, %logistic3A_134 : vector<512x128xf32>
    %mul3A_136 = arith.mulf %add3A_129, %logistic3A_135 : vector<512x128xf32>
    %concatenate3A_137 = tpu.concatenate %mul3A_109, %mul3A_136 in 1 : vector<512x128xf32>, vector<512x128xf32> -> vector<512x256xf32>
    %dot_general3A_138 = arith.constant dense<0.000000e+00> : vector<512x256xf32>
    %dot_general3A_139 = tpu.matmul %concatenate3A_137, %get3A_13, %dot_general3A_138 {dimension_numbers = #tpu.dot_dimension_numbers<[1], [0], [0], [1], [0, 0, 1, 1], [], []>, transpose_lhs_hint = false} : vector<512x256xf32>, vector<256x256xf32>, vector<512x256xf32> -> vector<512x256xf32>
    %add3A_140 = vector.broadcast %get3A_16 : vector<1x256xf32> to vector<512x256xf32>
    %add3A_141 = arith.addf %dot_general3A_139, %add3A_140 : vector<512x256xf32>
    %logistic3A_142 = arith.negf %add3A_141 : vector<512x256xf32>
    %logistic3A_143 = math.exp %logistic3A_142 : vector<512x256xf32>
    %logistic3A_144 = arith.constant 1.000000e+00 : f32
    %logistic3A_145 = vector.broadcast %logistic3A_144 : f32 to vector<512x256xf32>
    %logistic3A_146 = arith.addf %logistic3A_145, %logistic3A_143 : vector<512x256xf32>
    %logistic3A_147 = arith.divf %logistic3A_145, %logistic3A_146 : vector<512x256xf32>
    %mul3A_148 = arith.mulf %add3A_141, %logistic3A_147 : vector<512x256xf32>
    %slice3A_149 = vector.extract_strided_slice %mul3A_148 {offsets = [0, 0], sizes = [512, 128], strides = [1, 1]} : vector<512x256xf32> to vector<512x128xf32>
    %add3A_150 = arith.addf %add3A_82, %slice3A_149 : vector<512x128xf32>
    %slice3A_151 = vector.extract_strided_slice %mul3A_148 {offsets = [0, 128], sizes = [512, 128], strides = [1, 1]} : vector<512x256xf32> to vector<512x128xf32>
    %add3A_152 = arith.addf %add3A_150, %slice3A_151 : vector<512x128xf32>
    %get3A_153 = arith.constant 0 : index
    %get3A_154 = arith.constant 8 : index
    %get3A_155 = vector.load %arg5[%get3A_153, %get3A_154] : memref<512x16xf32, #tpu.memory_space<vmem>>, vector<512x1xf32>
    %get3A_156 = arith.constant 0 : index
    %get3A_157 = arith.constant 9 : index
    %get3A_158 = vector.load %arg5[%get3A_156, %get3A_157] : memref<512x16xf32, #tpu.memory_space<vmem>>, vector<512x1xf32>
    %broadcast_in_dim3A_159 = vector.shape_cast %get3A_155 : vector<512x1xf32> to vector<512x1xf32>
    %broadcast_in_dim3A_160 = vector.broadcast %broadcast_in_dim3A_159 : vector<512x1xf32> to vector<512x128xf32>
    %broadcast_in_dim3A_161 = vector.shape_cast %get3A_158 : vector<512x1xf32> to vector<512x1xf32>
    %broadcast_in_dim3A_162 = vector.broadcast %broadcast_in_dim3A_161 : vector<512x1xf32> to vector<512x128xf32>
    %select_n3A_163 = arith.select %lt3A_18, %broadcast_in_dim3A_160, %broadcast_in_dim3A_162 : vector<512x128xi1>, vector<512x128xf32>
    %get3A_164 = arith.constant 4 : index
    %get3A_165 = arith.constant 0 : index
    %get3A_166 = arith.constant 0 : index
    %get3A_167 = vector.load %arg1[%get3A_164, %get3A_165, %get3A_166] : memref<8x512x128xf32, #tpu.memory_space<vmem>>, vector<1x512x128xf32>
    %get3A_168 = vector.shape_cast %get3A_167 : vector<1x512x128xf32> to vector<512x128xf32>
    %add3A_169 = arith.addf %get3A_168, %get3A_7 : vector<512x128xf32>
    %mul3A_170 = vector.broadcast %get3A_10 : vector<1x128xf32> to vector<512x128xf32>
    %mul3A_171 = arith.mulf %select_n3A_163, %mul3A_170 : vector<512x128xf32>
    %add3A_172 = arith.addf %add3A_169, %mul3A_171 : vector<512x128xf32>
    %logistic3A_173 = arith.negf %add3A_172 : vector<512x128xf32>
    %logistic3A_174 = math.exp %logistic3A_173 : vector<512x128xf32>
    %logistic3A_175 = arith.constant 1.000000e+00 : f32
    %logistic3A_176 = vector.broadcast %logistic3A_175 : f32 to vector<512x128xf32>
    %logistic3A_177 = arith.addf %logistic3A_176, %logistic3A_174 : vector<512x128xf32>
    %logistic3A_178 = arith.divf %logistic3A_176, %logistic3A_177 : vector<512x128xf32>
    %mul3A_179 = arith.mulf %add3A_172, %logistic3A_178 : vector<512x128xf32>
    %get3A_180 = arith.constant 0 : index
    %get3A_181 = arith.constant 10 : index
    %get3A_182 = vector.load %arg5[%get3A_180, %get3A_181] : memref<512x16xf32, #tpu.memory_space<vmem>>, vector<512x1xf32>
    %get3A_183 = arith.constant 0 : index
    %get3A_184 = arith.constant 11 : index
    %get3A_185 = vector.load %arg5[%get3A_183, %get3A_184] : memref<512x16xf32, #tpu.memory_space<vmem>>, vector<512x1xf32>
    %broadcast_in_dim3A_186 = vector.shape_cast %get3A_182 : vector<512x1xf32> to vector<512x1xf32>
    %broadcast_in_dim3A_187 = vector.broadcast %broadcast_in_dim3A_186 : vector<512x1xf32> to vector<512x128xf32>
    %broadcast_in_dim3A_188 = vector.shape_cast %get3A_185 : vector<512x1xf32> to vector<512x1xf32>
    %broadcast_in_dim3A_189 = vector.broadcast %broadcast_in_dim3A_188 : vector<512x1xf32> to vector<512x128xf32>
    %select_n3A_190 = arith.select %lt3A_18, %broadcast_in_dim3A_187, %broadcast_in_dim3A_189 : vector<512x128xi1>, vector<512x128xf32>
    %get3A_191 = arith.constant 5 : index
    %get3A_192 = arith.constant 0 : index
    %get3A_193 = arith.constant 0 : index
    %get3A_194 = vector.load %arg1[%get3A_191, %get3A_192, %get3A_193] : memref<8x512x128xf32, #tpu.memory_space<vmem>>, vector<1x512x128xf32>
    %get3A_195 = vector.shape_cast %get3A_194 : vector<1x512x128xf32> to vector<512x128xf32>
    %add3A_196 = arith.addf %get3A_195, %get3A_7 : vector<512x128xf32>
    %mul3A_197 = vector.broadcast %get3A_10 : vector<1x128xf32> to vector<512x128xf32>
    %mul3A_198 = arith.mulf %select_n3A_190, %mul3A_197 : vector<512x128xf32>
    %add3A_199 = arith.addf %add3A_196, %mul3A_198 : vector<512x128xf32>
    %logistic3A_200 = arith.negf %add3A_199 : vector<512x128xf32>
    %logistic3A_201 = math.exp %logistic3A_200 : vector<512x128xf32>
    %logistic3A_202 = arith.constant 1.000000e+00 : f32
    %logistic3A_203 = vector.broadcast %logistic3A_202 : f32 to vector<512x128xf32>
    %logistic3A_204 = arith.addf %logistic3A_203, %logistic3A_201 : vector<512x128xf32>
    %logistic3A_205 = arith.divf %logistic3A_203, %logistic3A_204 : vector<512x128xf32>
    %mul3A_206 = arith.mulf %add3A_199, %logistic3A_205 : vector<512x128xf32>
    %concatenate3A_207 = tpu.concatenate %mul3A_179, %mul3A_206 in 1 : vector<512x128xf32>, vector<512x128xf32> -> vector<512x256xf32>
    %dot_general3A_208 = arith.constant dense<0.000000e+00> : vector<512x256xf32>
    %dot_general3A_209 = tpu.matmul %concatenate3A_207, %get3A_13, %dot_general3A_208 {dimension_numbers = #tpu.dot_dimension_numbers<[1], [0], [0], [1], [0, 0, 1, 1], [], []>, transpose_lhs_hint = false} : vector<512x256xf32>, vector<256x256xf32>, vector<512x256xf32> -> vector<512x256xf32>
    %add3A_210 = vector.broadcast %get3A_16 : vector<1x256xf32> to vector<512x256xf32>
    %add3A_211 = arith.addf %dot_general3A_209, %add3A_210 : vector<512x256xf32>
    %logistic3A_212 = arith.negf %add3A_211 : vector<512x256xf32>
    %logistic3A_213 = math.exp %logistic3A_212 : vector<512x256xf32>
    %logistic3A_214 = arith.constant 1.000000e+00 : f32
    %logistic3A_215 = vector.broadcast %logistic3A_214 : f32 to vector<512x256xf32>
    %logistic3A_216 = arith.addf %logistic3A_215, %logistic3A_213 : vector<512x256xf32>
    %logistic3A_217 = arith.divf %logistic3A_215, %logistic3A_216 : vector<512x256xf32>
    %mul3A_218 = arith.mulf %add3A_211, %logistic3A_217 : vector<512x256xf32>
    %slice3A_219 = vector.extract_strided_slice %mul3A_218 {offsets = [0, 0], sizes = [512, 128], strides = [1, 1]} : vector<512x256xf32> to vector<512x128xf32>
    %add3A_220 = arith.addf %add3A_152, %slice3A_219 : vector<512x128xf32>
    %slice3A_221 = vector.extract_strided_slice %mul3A_218 {offsets = [0, 128], sizes = [512, 128], strides = [1, 1]} : vector<512x256xf32> to vector<512x128xf32>
    %add3A_222 = arith.addf %add3A_220, %slice3A_221 : vector<512x128xf32>
    %get3A_223 = arith.constant 0 : index
    %get3A_224 = arith.constant 12 : index
    %get3A_225 = vector.load %arg5[%get3A_223, %get3A_224] : memref<512x16xf32, #tpu.memory_space<vmem>>, vector<512x1xf32>
    %get3A_226 = arith.constant 0 : index
    %get3A_227 = arith.constant 13 : index
    %get3A_228 = vector.load %arg5[%get3A_226, %get3A_227] : memref<512x16xf32, #tpu.memory_space<vmem>>, vector<512x1xf32>
    %broadcast_in_dim3A_229 = vector.shape_cast %get3A_225 : vector<512x1xf32> to vector<512x1xf32>
    %broadcast_in_dim3A_230 = vector.broadcast %broadcast_in_dim3A_229 : vector<512x1xf32> to vector<512x128xf32>
    %broadcast_in_dim3A_231 = vector.shape_cast %get3A_228 : vector<512x1xf32> to vector<512x1xf32>
    %broadcast_in_dim3A_232 = vector.broadcast %broadcast_in_dim3A_231 : vector<512x1xf32> to vector<512x128xf32>
    %select_n3A_233 = arith.select %lt3A_18, %broadcast_in_dim3A_230, %broadcast_in_dim3A_232 : vector<512x128xi1>, vector<512x128xf32>
    %get3A_234 = arith.constant 6 : index
    %get3A_235 = arith.constant 0 : index
    %get3A_236 = arith.constant 0 : index
    %get3A_237 = vector.load %arg1[%get3A_234, %get3A_235, %get3A_236] : memref<8x512x128xf32, #tpu.memory_space<vmem>>, vector<1x512x128xf32>
    %get3A_238 = vector.shape_cast %get3A_237 : vector<1x512x128xf32> to vector<512x128xf32>
    %add3A_239 = arith.addf %get3A_238, %get3A_7 : vector<512x128xf32>
    %mul3A_240 = vector.broadcast %get3A_10 : vector<1x128xf32> to vector<512x128xf32>
    %mul3A_241 = arith.mulf %select_n3A_233, %mul3A_240 : vector<512x128xf32>
    %add3A_242 = arith.addf %add3A_239, %mul3A_241 : vector<512x128xf32>
    %logistic3A_243 = arith.negf %add3A_242 : vector<512x128xf32>
    %logistic3A_244 = math.exp %logistic3A_243 : vector<512x128xf32>
    %logistic3A_245 = arith.constant 1.000000e+00 : f32
    %logistic3A_246 = vector.broadcast %logistic3A_245 : f32 to vector<512x128xf32>
    %logistic3A_247 = arith.addf %logistic3A_246, %logistic3A_244 : vector<512x128xf32>
    %logistic3A_248 = arith.divf %logistic3A_246, %logistic3A_247 : vector<512x128xf32>
    %mul3A_249 = arith.mulf %add3A_242, %logistic3A_248 : vector<512x128xf32>
    %get3A_250 = arith.constant 0 : index
    %get3A_251 = arith.constant 14 : index
    %get3A_252 = vector.load %arg5[%get3A_250, %get3A_251] : memref<512x16xf32, #tpu.memory_space<vmem>>, vector<512x1xf32>
    %get3A_253 = arith.constant 0 : index
    %get3A_254 = arith.constant 15 : index
    %get3A_255 = vector.load %arg5[%get3A_253, %get3A_254] : memref<512x16xf32, #tpu.memory_space<vmem>>, vector<512x1xf32>
    %broadcast_in_dim3A_256 = vector.shape_cast %get3A_252 : vector<512x1xf32> to vector<512x1xf32>
    %broadcast_in_dim3A_257 = vector.broadcast %broadcast_in_dim3A_256 : vector<512x1xf32> to vector<512x128xf32>
    %broadcast_in_dim3A_258 = vector.shape_cast %get3A_255 : vector<512x1xf32> to vector<512x1xf32>
    %broadcast_in_dim3A_259 = vector.broadcast %broadcast_in_dim3A_258 : vector<512x1xf32> to vector<512x128xf32>
    %select_n3A_260 = arith.select %lt3A_18, %broadcast_in_dim3A_257, %broadcast_in_dim3A_259 : vector<512x128xi1>, vector<512x128xf32>
    %get3A_261 = arith.constant 7 : index
    %get3A_262 = arith.constant 0 : index
    %get3A_263 = arith.constant 0 : index
    %get3A_264 = vector.load %arg1[%get3A_261, %get3A_262, %get3A_263] : memref<8x512x128xf32, #tpu.memory_space<vmem>>, vector<1x512x128xf32>
    %get3A_265 = vector.shape_cast %get3A_264 : vector<1x512x128xf32> to vector<512x128xf32>
    %add3A_266 = arith.addf %get3A_265, %get3A_7 : vector<512x128xf32>
    %mul3A_267 = vector.broadcast %get3A_10 : vector<1x128xf32> to vector<512x128xf32>
    %mul3A_268 = arith.mulf %select_n3A_260, %mul3A_267 : vector<512x128xf32>
    %add3A_269 = arith.addf %add3A_266, %mul3A_268 : vector<512x128xf32>
    %logistic3A_270 = arith.negf %add3A_269 : vector<512x128xf32>
    %logistic3A_271 = math.exp %logistic3A_270 : vector<512x128xf32>
    %logistic3A_272 = arith.constant 1.000000e+00 : f32
    %logistic3A_273 = vector.broadcast %logistic3A_272 : f32 to vector<512x128xf32>
    %logistic3A_274 = arith.addf %logistic3A_273, %logistic3A_271 : vector<512x128xf32>
    %logistic3A_275 = arith.divf %logistic3A_273, %logistic3A_274 : vector<512x128xf32>
    %mul3A_276 = arith.mulf %add3A_269, %logistic3A_275 : vector<512x128xf32>
    %concatenate3A_277 = tpu.concatenate %mul3A_249, %mul3A_276 in 1 : vector<512x128xf32>, vector<512x128xf32> -> vector<512x256xf32>
    %dot_general3A_278 = arith.constant dense<0.000000e+00> : vector<512x256xf32>
    %dot_general3A_279 = tpu.matmul %concatenate3A_277, %get3A_13, %dot_general3A_278 {dimension_numbers = #tpu.dot_dimension_numbers<[1], [0], [0], [1], [0, 0, 1, 1], [], []>, transpose_lhs_hint = false} : vector<512x256xf32>, vector<256x256xf32>, vector<512x256xf32> -> vector<512x256xf32>
    %add3A_280 = vector.broadcast %get3A_16 : vector<1x256xf32> to vector<512x256xf32>
    %add3A_281 = arith.addf %dot_general3A_279, %add3A_280 : vector<512x256xf32>
    %logistic3A_282 = arith.negf %add3A_281 : vector<512x256xf32>
    %logistic3A_283 = math.exp %logistic3A_282 : vector<512x256xf32>
    %logistic3A_284 = arith.constant 1.000000e+00 : f32
    %logistic3A_285 = vector.broadcast %logistic3A_284 : f32 to vector<512x256xf32>
    %logistic3A_286 = arith.addf %logistic3A_285, %logistic3A_283 : vector<512x256xf32>
    %logistic3A_287 = arith.divf %logistic3A_285, %logistic3A_286 : vector<512x256xf32>
    %mul3A_288 = arith.mulf %add3A_281, %logistic3A_287 : vector<512x256xf32>
    %slice3A_289 = vector.extract_strided_slice %mul3A_288 {offsets = [0, 0], sizes = [512, 128], strides = [1, 1]} : vector<512x256xf32> to vector<512x128xf32>
    %add3A_290 = arith.addf %add3A_222, %slice3A_289 : vector<512x128xf32>
    %slice3A_291 = vector.extract_strided_slice %mul3A_288 {offsets = [0, 128], sizes = [512, 128], strides = [1, 1]} : vector<512x256xf32> to vector<512x128xf32>
    %add3A_292 = arith.addf %add3A_290, %slice3A_291 : vector<512x128xf32>
    %slice3A_293 = vector.extract_strided_slice %add3A_292 {offsets = [0, 0], sizes = [512, 64], strides = [1, 1]} : vector<512x128xf32> to vector<512x64xf32>
    %slice3A_294 = vector.extract_strided_slice %add3A_292 {offsets = [0, 64], sizes = [512, 64], strides = [1, 1]} : vector<512x128xf32> to vector<512x64xf32>
    %add3A_295 = arith.addf %slice3A_293, %slice3A_294 : vector<512x64xf32>
    %mul3A_296 = arith.constant 6.250000e-02 : f32
    %mul3A_297 = vector.broadcast %mul3A_296 : f32 to vector<512x64xf32>
    %mul3A_298 = arith.mulf %add3A_295, %mul3A_297 : vector<512x64xf32>
    %concatenate3A_299 = tpu.concatenate %get3A_4, %mul3A_298 in 1 : vector<512x64xf32>, vector<512x64xf32> -> vector<512x128xf32>
    %get3A_300 = arith.constant 0 : index
    %get3A_301 = arith.constant 0 : index
    %get3A_302 = vector.load %arg9[%get3A_300, %get3A_301] : memref<128x64xf32, #tpu.memory_space<vmem>>, vector<128x64xf32>
    %dot_general3A_303 = arith.constant dense<0.000000e+00> : vector<512x64xf32>
    %dot_general3A_304 = tpu.matmul %concatenate3A_299, %get3A_302, %dot_general3A_303 {dimension_numbers = #tpu.dot_dimension_numbers<[1], [0], [0], [1], [0, 0, 1, 1], [], []>, transpose_lhs_hint = false} : vector<512x128xf32>, vector<128x64xf32>, vector<512x64xf32> -> vector<512x64xf32>
    %get3A_305 = arith.constant 0 : index
    %get3A_306 = arith.constant 0 : index
    %get3A_307 = vector.load %arg10[%get3A_305, %get3A_306] : memref<1x64xf32, #tpu.memory_space<vmem>>, vector<1x64xf32>
    %add3A_308 = vector.broadcast %get3A_307 : vector<1x64xf32> to vector<512x64xf32>
    %add3A_309 = arith.addf %dot_general3A_304, %add3A_308 : vector<512x64xf32>
    %logistic3A_310 = arith.negf %add3A_309 : vector<512x64xf32>
    %logistic3A_311 = math.exp %logistic3A_310 : vector<512x64xf32>
    %logistic3A_312 = arith.constant 1.000000e+00 : f32
    %logistic3A_313 = vector.broadcast %logistic3A_312 : f32 to vector<512x64xf32>
    %logistic3A_314 = arith.addf %logistic3A_313, %logistic3A_311 : vector<512x64xf32>
    %logistic3A_315 = arith.divf %logistic3A_313, %logistic3A_314 : vector<512x64xf32>
    %mul3A_316 = arith.mulf %add3A_309, %logistic3A_315 : vector<512x64xf32>
    %add3A_317 = arith.addf %get3A_1, %get3A_4 : vector<512x64xf32>
    %get3A_318 = arith.constant 0 : index
    %get3A_319 = arith.constant 0 : index
    %get3A_320 = vector.load %arg11[%get3A_318, %get3A_319] : memref<64x64xf32, #tpu.memory_space<vmem>>, vector<64x64xf32>
    %dot_general3A_321 = arith.constant dense<0.000000e+00> : vector<512x64xf32>
    %dot_general3A_322 = tpu.matmul %mul3A_316, %get3A_320, %dot_general3A_321 {dimension_numbers = #tpu.dot_dimension_numbers<[1], [0], [0], [1], [0, 0, 1, 1], [], []>, transpose_lhs_hint = false} : vector<512x64xf32>, vector<64x64xf32>, vector<512x64xf32> -> vector<512x64xf32>
    %add3A_323 = arith.addf %add3A_317, %dot_general3A_322 : vector<512x64xf32>
    %get3A_324 = arith.constant 0 : index
    %get3A_325 = arith.constant 0 : index
    %get3A_326 = vector.load %arg12[%get3A_324, %get3A_325] : memref<1x64xf32, #tpu.memory_space<vmem>>, vector<1x64xf32>
    %add3A_327 = vector.broadcast %get3A_326 : vector<1x64xf32> to vector<512x64xf32>
    %add3A_328 = arith.addf %add3A_323, %add3A_327 : vector<512x64xf32>
    %get3A_329 = arith.constant 0 : index
    %get3A_330 = arith.constant 0 : index
    %get3A_331 = vector.load %arg13[%get3A_329, %get3A_330] : memref<1x64xf32, #tpu.memory_space<vmem>>, vector<1x64xf32>
    %get3A_332 = arith.constant 0 : index
    %get3A_333 = arith.constant 0 : index
    %get3A_334 = vector.load %arg14[%get3A_332, %get3A_333] : memref<1x64xf32, #tpu.memory_space<vmem>>, vector<1x64xf32>
    %reduce_sum3A = arith.constant dense<0.000000e+00> : vector<512xf32>
    %reduce_sum3A_335 = vector.multi_reduction <add>, %add3A_328, %reduce_sum3A [1] : vector<512x64xf32> to vector<512xf32>
    %broadcast_in_dim3A_336 = vector.shape_cast %reduce_sum3A_335 : vector<512xf32> to vector<512x1xf32>
    %div3A = arith.constant 6.400000e+01 : f32
    %div3A_337 = vector.broadcast %div3A : f32 to vector<512x1xf32>
    %div3A_338 = arith.divf %broadcast_in_dim3A_336, %div3A_337 : vector<512x1xf32>
    %jit3A = arith.constant 0 : i32
    %reduce_sum3A_339 = arith.constant dense<0.000000e+00> : vector<512xf32>
    %reduce_sum3A_340 = vector.multi_reduction <add>, %add3A_328, %reduce_sum3A_339 [1] : vector<512x64xf32> to vector<512xf32>
    %broadcast_in_dim3A_341 = vector.shape_cast %reduce_sum3A_340 : vector<512xf32> to vector<512x1xf32>
    %div3A_342 = arith.constant 6.400000e+01 : f32
    %div3A_343 = vector.broadcast %div3A_342 : f32 to vector<512x1xf32>
    %div3A_344 = arith.divf %broadcast_in_dim3A_341, %div3A_343 : vector<512x1xf32>
    %sub3A = vector.broadcast %div3A_344 : vector<512x1xf32> to vector<512x64xf32>
    %sub3A_345 = arith.subf %add3A_328, %sub3A : vector<512x64xf32>
    %square3A = arith.mulf %sub3A_345, %sub3A_345 : vector<512x64xf32>
    %convert_element_type3A = arith.sitofp %jit3A : i32 to f32
    %sub3A_346 = arith.constant 6.400000e+01 : f32
    %sub3A_347 = arith.subf %sub3A_346, %convert_element_type3A : f32
    %reduce_sum3A_348 = arith.constant dense<0.000000e+00> : vector<512xf32>
    %reduce_sum3A_349 = vector.multi_reduction <add>, %square3A, %reduce_sum3A_348 [1] : vector<512x64xf32> to vector<512xf32>
    %broadcast_in_dim3A_350 = vector.shape_cast %reduce_sum3A_349 : vector<512xf32> to vector<512x1xf32>
    %div3A_351 = vector.broadcast %sub3A_347 : f32 to vector<512x1xf32>
    %div3A_352 = arith.divf %broadcast_in_dim3A_350, %div3A_351 : vector<512x1xf32>
    %gt3A = arith.constant 0.000000e+00 : f32
    %gt3A_353 = arith.cmpf ogt, %sub3A_347, %gt3A : f32
    %jit3A_354 = arith.constant 0x7FC00000 : f32
    %broadcast_in_dim3A_355 = vector.broadcast %jit3A_354 : f32 to vector<512x1xf32>
    %select_n3A_356 = arith.select %gt3A_353, %div3A_352, %broadcast_in_dim3A_355 : vector<512x1xf32>
    %sub3A_357 = vector.broadcast %div3A_338 : vector<512x1xf32> to vector<512x64xf32>
    %sub3A_358 = arith.subf %add3A_328, %sub3A_357 : vector<512x64xf32>
    %add3A_359 = arith.constant 9.99999974E-6 : f32
    %add3A_360 = vector.broadcast %add3A_359 : f32 to vector<512x1xf32>
    %add3A_361 = arith.addf %select_n3A_356, %add3A_360 : vector<512x1xf32>
    %sqrt3A = math.sqrt %add3A_361 : vector<512x1xf32>
    %div3A_362 = vector.broadcast %sqrt3A : vector<512x1xf32> to vector<512x64xf32>
    %div3A_363 = arith.divf %sub3A_358, %div3A_362 : vector<512x64xf32>
    %mul3A_364 = vector.broadcast %get3A_331 : vector<1x64xf32> to vector<512x64xf32>
    %mul3A_365 = arith.mulf %div3A_363, %mul3A_364 : vector<512x64xf32>
    %add3A_366 = vector.broadcast %get3A_334 : vector<1x64xf32> to vector<512x64xf32>
    %add3A_367 = arith.addf %mul3A_365, %add3A_366 : vector<512x64xf32>
    %get3A_368 = arith.constant 0 : index
    %get3A_369 = arith.constant 0 : index
    %get3A_370 = vector.load %arg15[%get3A_368, %get3A_369] : memref<64x64xf32, #tpu.memory_space<vmem>>, vector<64x64xf32>
    %dot_general3A_371 = arith.constant dense<0.000000e+00> : vector<512x64xf32>
    %dot_general3A_372 = tpu.matmul %add3A_367, %get3A_370, %dot_general3A_371 {dimension_numbers = #tpu.dot_dimension_numbers<[1], [0], [0], [1], [0, 0, 1, 1], [], []>, transpose_lhs_hint = false} : vector<512x64xf32>, vector<64x64xf32>, vector<512x64xf32> -> vector<512x64xf32>
    %get3A_373 = arith.constant 0 : index
    %get3A_374 = arith.constant 0 : index
    %get3A_375 = vector.load %arg16[%get3A_373, %get3A_374] : memref<1x64xf32, #tpu.memory_space<vmem>>, vector<1x64xf32>
    %add3A_376 = vector.broadcast %get3A_375 : vector<1x64xf32> to vector<512x64xf32>
    %add3A_377 = arith.addf %dot_general3A_372, %add3A_376 : vector<512x64xf32>
    %logistic3A_378 = arith.negf %add3A_377 : vector<512x64xf32>
    %logistic3A_379 = math.exp %logistic3A_378 : vector<512x64xf32>
    %logistic3A_380 = arith.constant 1.000000e+00 : f32
    %logistic3A_381 = vector.broadcast %logistic3A_380 : f32 to vector<512x64xf32>
    %logistic3A_382 = arith.addf %logistic3A_381, %logistic3A_379 : vector<512x64xf32>
    %logistic3A_383 = arith.divf %logistic3A_381, %logistic3A_382 : vector<512x64xf32>
    %mul3A_384 = arith.mulf %add3A_377, %logistic3A_383 : vector<512x64xf32>
    %get3A_385 = arith.constant 0 : index
    %get3A_386 = arith.constant 0 : index
    %get3A_387 = vector.load %arg17[%get3A_385, %get3A_386] : memref<64x64xf32, #tpu.memory_space<vmem>>, vector<64x64xf32>
    %dot_general3A_388 = arith.constant dense<0.000000e+00> : vector<512x64xf32>
    %dot_general3A_389 = tpu.matmul %mul3A_384, %get3A_387, %dot_general3A_388 {dimension_numbers = #tpu.dot_dimension_numbers<[1], [0], [0], [1], [0, 0, 1, 1], [], []>, transpose_lhs_hint = false} : vector<512x64xf32>, vector<64x64xf32>, vector<512x64xf32> -> vector<512x64xf32>
    %get3A_390 = arith.constant 0 : index
    %get3A_391 = arith.constant 0 : index
    %get3A_392 = vector.load %arg18[%get3A_390, %get3A_391] : memref<1x64xf32, #tpu.memory_space<vmem>>, vector<1x64xf32>
    %add3A_393 = vector.broadcast %get3A_392 : vector<1x64xf32> to vector<512x64xf32>
    %add3A_394 = arith.addf %dot_general3A_389, %add3A_393 : vector<512x64xf32>
    %add3A_395 = arith.addf %add3A_328, %add3A_394 : vector<512x64xf32>
    %get3A_396 = arith.constant 0 : index
    %get3A_397 = arith.constant 0 : index
    %get3A_398 = vector.load %arg19[%get3A_396, %get3A_397] : memref<64x64xf32, #tpu.memory_space<vmem>>, vector<64x64xf32>
    %dot_general3A_399 = arith.constant dense<0.000000e+00> : vector<512x64xf32>
    %dot_general3A_400 = tpu.matmul %add3A_395, %get3A_398, %dot_general3A_399 {dimension_numbers = #tpu.dot_dimension_numbers<[1], [0], [0], [1], [0, 0, 1, 1], [], []>, transpose_lhs_hint = false} : vector<512x64xf32>, vector<64x64xf32>, vector<512x64xf32> -> vector<512x64xf32>
    %get3A_401 = arith.constant 0 : index
    %get3A_402 = arith.constant 0 : index
    %get3A_403 = vector.load %arg20[%get3A_401, %get3A_402] : memref<1x64xf32, #tpu.memory_space<vmem>>, vector<1x64xf32>
    %add3A_404 = vector.broadcast %get3A_403 : vector<1x64xf32> to vector<512x64xf32>
    %add3A_405 = arith.addf %dot_general3A_400, %add3A_404 : vector<512x64xf32>
    %swap3A = arith.constant 0 : index
    %swap3A_406 = arith.constant 0 : index
    %swap3A_407 = vector.load %arg21[%swap3A, %swap3A_406] : memref<512x64xf32, #tpu.memory_space<vmem>>, vector<512x64xf32>
    tpu.vector_store %arg21[%swap3A, %swap3A_406], %add3A_405 {strides = array<i32>} : memref<512x64xf32, #tpu.memory_space<vmem>>, vector<512x64xf32>,
    return
  }
  func.func @transform_0(%arg0: i32) -> (i32, i32, i32) {
    %c0_i32 = arith.constant 0 : i32
    %c0_i32_0 = arith.constant 0 : i32
    %c0_i32_1 = arith.constant 0 : i32
    return %c0_i32, %arg0, %c0_i32_0 : i32, i32, i32
  }
  func.func @transform_1(%arg0: i32) -> (i32, i32) {
    %c0_i32 = arith.constant 0 : i32
    %c0_i32_0 = arith.constant 0 : i32
    return %arg0, %c0_i32 : i32, i32
  }
  func.func @transform_2(%arg0: i32) -> (i32, i32) {
    %c0_i32 = arith.constant 0 : i32
    %c0_i32_0 = arith.constant 0 : i32
    return %arg0, %c0_i32 : i32, i32
  }
  func.func @transform_3(%arg0: i32) -> (i32, i32) {
    %c0_i32 = arith.constant 0 : i32
    %c0_i32_0 = arith.constant 0 : i32
    return %arg0, %c0_i32 : i32, i32
  }
  func.func @transform_4(%arg0: i32) -> (i32, i32) {
    %jit3A = arith.constant 8 : i32
    %eq3A = arith.constant 0 : i32
    %eq3A_0 = arith.cmpi eq, %jit3A, %eq3A : i32
    %jit3A_1 = arith.constant 1 : i32
    %select_n3A = arith.select %eq3A_0, %jit3A_1, %jit3A : i32
    %rem3A = arith.remsi %arg0, %select_n3A : i32
    %ne3A = arith.constant 0 : i32
    %ne3A_2 = arith.cmpi ne, %rem3A, %ne3A : i32
    %lt3A = arith.constant 0 : i32
    %lt3A_3 = arith.cmpi slt, %rem3A, %lt3A : i32
    %lt3A_4 = arith.constant 0 : i32
    %lt3A_5 = arith.cmpi slt, %select_n3A, %lt3A_4 : i32
    %ne3A_6 = arith.xori %lt3A_3, %lt3A_5 : i1
    %and3A = arith.andi %ne3A_6, %ne3A_2 : i1
    %add3A = arith.addi %rem3A, %select_n3A : i32
    %select_n3A_7 = arith.select %and3A, %add3A, %rem3A : i32
    %c0_i32 = arith.constant 0 : i32
    %c0_i32_8 = arith.constant 0 : i32
    return %select_n3A_7, %c0_i32 : i32, i32
  }
  func.func @transform_5(%arg0: i32) -> (i32, i32) {
    %c0_i32 = arith.constant 0 : i32
    %c0_i32_0 = arith.constant 0 : i32
    %c0_i32_1 = arith.constant 0 : i32
    return %c0_i32, %c0_i32_0 : i32, i32
  }
  func.func @transform_6(%arg0: i32) -> (i32, i32) {
    %c0_i32 = arith.constant 0 : i32
    %c0_i32_0 = arith.constant 0 : i32
    %c0_i32_1 = arith.constant 0 : i32
    return %c0_i32, %c0_i32_0 : i32, i32
  }
  func.func @transform_7(%arg0: i32) -> (i32, i32) {
    %c0_i32 = arith.constant 0 : i32
    %c0_i32_0 = arith.constant 0 : i32
    %c0_i32_1 = arith.constant 0 : i32
    return %c0_i32, %c0_i32_0 : i32, i32
  }
  func.func @transform_8(%arg0: i32) -> (i32, i32) {
    %c0_i32 = arith.constant 0 : i32
    %c0_i32_0 = arith.constant 0 : i32
    %c0_i32_1 = arith.constant 0 : i32
    return %c0_i32, %c0_i32_0 : i32, i32
  }
  func.func @transform_9(%arg0: i32) -> (i32, i32) {
    %c0_i32 = arith.constant 0 : i32
    %c0_i32_0 = arith.constant 0 : i32
    %c0_i32_1 = arith.constant 0 : i32
    return %c0_i32, %c0_i32_0 : i32, i32
  }
  func.func @transform_10(%arg0: i32) -> (i32, i32) {
    %c0_i32 = arith.constant 0 : i32
    %c0_i32_0 = arith.constant 0 : i32
    %c0_i32_1 = arith.constant 0 : i32
    return %c0_i32, %c0_i32_0 : i32, i32
  }
  func.func @transform_11(%arg0: i32) -> (i32, i32) {
    %c0_i32 = arith.constant 0 : i32
    %c0_i32_0 = arith.constant 0 : i32
    %c0_i32_1 = arith.constant 0 : i32
    return %c0_i32, %c0_i32_0 : i32, i32
  }
  func.func @transform_12(%arg0: i32) -> (i32, i32) {
    %c0_i32 = arith.constant 0 : i32
    %c0_i32_0 = arith.constant 0 : i32
    %c0_i32_1 = arith.constant 0 : i32
    return %c0_i32, %c0_i32_0 : i32, i32
  }
  func.func @transform_13(%arg0: i32) -> (i32, i32) {
    %c0_i32 = arith.constant 0 : i32
    %c0_i32_0 = arith.constant 0 : i32
    %c0_i32_1 = arith.constant 0 : i32
    return %c0_i32, %c0_i32_0 : i32, i32
  }
  func.func @transform_14(%arg0: i32) -> (i32, i32) {
    %c0_i32 = arith.constant 0 : i32
    %c0_i32_0 = arith.constant 0 : i32
    %c0_i32_1 = arith.constant 0 : i32
    return %c0_i32, %c0_i32_0 : i32, i32
  }
  func.func @transform_15(%arg0: i32) -> (i32, i32) {
    %c0_i32 = arith.constant 0 : i32
    %c0_i32_0 = arith.constant 0 : i32
    %c0_i32_1 = arith.constant 0 : i32
    return %c0_i32, %c0_i32_0 : i32, i32
  }
  func.func @transform_16(%arg0: i32) -> (i32, i32) {
    %c0_i32 = arith.constant 0 : i32
    %c0_i32_0 = arith.constant 0 : i32
    %c0_i32_1 = arith.constant 0 : i32
    return %c0_i32, %c0_i32_0 : i32, i32
  }
  func.func @transform_17(%arg0: i32) -> (i32, i32) {
    %c0_i32 = arith.constant 0 : i32
    %c0_i32_0 = arith.constant 0 : i32
    %c0_i32_1 = arith.constant 0 : i32
    return %c0_i32, %c0_i32_0 : i32, i32
  }
  func.func @transform_18(%arg0: i32) -> (i32, i32) {
    %c0_i32 = arith.constant 0 : i32
    %c0_i32_0 = arith.constant 0 : i32
    %c0_i32_1 = arith.constant 0 : i32
    return %c0_i32, %c0_i32_0 : i32, i32
  }
  func.func @transform_19(%arg0: i32) -> (i32, i32) {
    %c0_i32 = arith.constant 0 : i32
    %c0_i32_0 = arith.constant 0 : i32
    %c0_i32_1 = arith.constant 0 : i32
    return %c0_i32, %c0_i32_0 : i32, i32
  }
  func.func @transform_20(%arg0: i32) -> (i32, i32) {
    %c0_i32 = arith.constant 0 : i32
    %c0_i32_0 = arith.constant 0 : i32
    return %arg0, %c0_i32 : i32, i32
  }
}

</mosaic_0001>

<sc_bundles>
// kernel: kernel.12.cloned.1.call-start
scs
__scs_entry_jumppad:
0x0: {  	(pc) =	sbr.rel $0x88, $3  }
0x1: {  	(tag) =	ssettag $0x0;
	lr =	simm.s32 $0x1  }
0x2: {  	[smem:$0x3F8C] =	sst lr;
	_ =	strace $0xD0000000  }
0x3: {  	_ = 	snop  }
0x4: {  	_ = 	snop  }
0x5: {  	_ = 	snop  }
0x6: {  	_ = 	snop  }
0x7: {  	_ = 	snop  }
__scs_overlays_trampoline_lowered:
0x8: {  	[smem:$0x3F9B] =	sst s0  }
0x9: {  	[smem:$0x3F9C] =	sst s1  }
0xa: {  	[smem:$0x3F9D] =	sst s2  }
0xb: {  	[smem:$0x3F9E] =	sst s3  }
0xc: {  	[smem:$0x3F9F] =	sst s4  }
0xd: {  	[smem:$0x3FA0] =	sst s5  }
0xe: {  	[smem:$0x3FA1] =	sst s6  }
0xf: {  	[smem:$0x3FA2] =	sst s7  }
0x10: {  	[smem:$0x3FA3] =	sst s8  }
0x11: {  	[smem:$0x3FA4] =	sst s9;
	s0 =	simm.s32 @!p0 $0x0  }
0x12: {  	s1 =	sld [smem:$0x3F8A];
	s0 =	simm.s32 @p0 $0x1  }
0x13: {  	[smem:$0x3FA5] =	sst s0;
	s0 =	simm.s32 @!p1 $0x0  }
0x14: {  	s2 =	sld [smem:$0x3F89];
	s0 =	simm.s32 @p1 $0x1  }
0x15: {  	[smem:$0x3FA6] =	sst s0;
	s0 =	simm.s32 @!p2 $0x0  }
0x16: {  	s3 =	sld [smem:$0x3FDB];
	s0 =	simm.s32 @p2 $0x1  }
0x17: {  	s4 =	simm.s32 $0x1BF5;
	[smem:$0x3FA8] =	sst s0  }
0x18: {  	s0 =	sld [smem:$0x3F8B];
	_ =	swait.ge [sflag:s4], $0x0  }
0x19: {  	s7 =	sld [smem:$0x3F8C]  }
0x1a: {  	s8 =	sadd.s32 $0xFFFFE003, lr  }
0x1b: {  	s9 =	sadd.s32 $0xFFFFFEF7, lr;
	s5 =	simm.s32 $0xFFFFFFFF;
	p2 =	slt.u32 s8, $0xFFFFF086  }
0x1c: {  	p1 =	slt.u32 s9, $0xF7A;
	s5 =	simm.s32 @!p2 $0x0  }
0x1d: {  	s5 =	simm.s32 @p1 $0x1;
	p0 =	seq.s32 s7, s2  }
0x1e: {  	s7 =	smul.u32 @!p0 $0xF7A, s2;
	p2 =	seq.s32 @!p0 s5, $0x0  }
0x1f: {  	s9 =	smul.u32 $0xF7A, s1;
	s8 =	simm.s32 @!p0 $0x1BF5;
	p2 =	por !p2, p0  }
0x20: {  	[sflag:s8] =	ssyncset.s32 @!p0 $0xFFFFF086;
	s6 =	sadd.s32 @!p0 s3, s7;
	s7 =	simm.s32 @!p0 $0x108  }
0x21: {  	s3 =	sadd.s32 s3, s9;
	s6 =	sadd.s32 @!p0 $0x88, s6;
	s7 =	simm.s32 @p2 $0x1082  }
0x22: {  	[simem:s7], [sflag:s8] =	dma.local @!p0 [hbm:s6], $0xF7A  }
0x23: {  	s9 =	sor.u32 $0xD0000000, s2;
	s6 =	simm.s32 $0x108;
	_ =	swait.ge @!p0 [sflag:s8], $0x0  }
0x24: {  	s3 =	sadd.s32 $0x88, s3;
	s6 =	simm.s32 @!p1 $0x1082;
	[sflag:s4] =	ssyncset.s32 $0xFFFFF086  }
0x25: {  	[simem:s6], [sflag:s4] =	dma.local [hbm:s3], $0xF7A  }
0x26: {  	[smem:$0x3F8C] =	sst s1;
	(tag) =	ssettag s2;
	_ =	strace s9  }
0x27: {  	s1 =	sld [smem:$0x3F9C]  }
0x28: {  	s2 =	sld [smem:$0x3F9D]  }
0x29: {  	s4 =	sld [smem:$0x3F9F]  }
0x2a: {  	p0 =	seq.s32 s5, $0x0;
	s5 =	sld [smem:$0x3FA0]  }
0x2b: {  	s6 =	sld [smem:$0x3FA1]  }
0x2c: {  	s7 =	sld [smem:$0x3FA2]  }
0x2d: {  	s3 =	simm.s32 $0x108;
	s8 =	sld [smem:$0x3FA3]  }
0x2e: {  	s3 =	simm.s32 @!p0 $0x1082;
	s9 =	sld [smem:$0x3FA4]  }
0x2f: {  	lr =	sadd.s32 s0, s3;
	s0 =	sld [smem:$0x3F9B]  }
0x30: {  	s3 =	sld [smem:$0x3F9E]  }
0x31: {  	[smem:$0x3FA7] =	sst s10  }
0x32: {  	s10 =	sld [smem:$0x3FA5];
	_ =	sdelay $0x3  }
0x33: {  	p0 =	seq.s32 s10, $0x1;
	s10 =	sld [smem:$0x3FA7];
	_ =	sdelay $0x3  }
0x34: {  	[smem:$0x3FA7] =	sst s10  }
0x35: {  	s10 =	sld [smem:$0x3FA6];
	_ =	sdelay $0x3  }
0x36: {  	p1 =	seq.s32 s10, $0x1;
	s10 =	sld [smem:$0x3FA7];
	_ =	sdelay $0x3  }
0x37: {  	[smem:$0x3FA7] =	sst s10  }
0x38: {  	s10 =	sld [smem:$0x3FA8]  }
0x39: {  	_ = 	snop;
	(pc) =	sbr.ind lr, $3  }
0x3a: {  	_ = 	snop  }
0x3b: {  	_ = 	snop  }
0x3c: {  	p2 =	seq.s32 s10, $0x1;
	s10 =	sld [smem:$0x3FA7]  }
0x3d: {  	_ =	shalt  }
0x3e: {  	_ =	shalt  }
0x3f: {  	_ =	shalt  }
0x40: {  	_ =	shalt  }
0x41: {  	_ =	shalt  }
0x42: {  	_ =	shalt  }
0x43: {  	_ =	shalt  }
0x44: {  	_ =	shalt  }
0x45: {  	_ =	shalt  }
0x46: {  	_ =	shalt  }
0x47: {  	_ =	shalt  }
0x48: {  	_ =	shalt  }
0x49: {  	_ =	shalt  }
0x4a: {  	_ =	shalt  }
0x4b: {  	_ =	shalt  }
0x4c: {  	_ =	shalt  }
0x4d: {  	_ =	shalt  }
0x4e: {  	_ =	shalt  }
0x4f: {  	_ =	shalt  }
0x50: {  	_ =	shalt  }
0x51: {  	_ =	shalt  }
0x52: {  	_ =	shalt  }
0x53: {  	_ =	shalt  }
0x54: {  	_ =	shalt  }
0x55: {  	_ =	shalt  }
0x56: {  	_ =	shalt  }
0x57: {  	_ =	shalt  }
0x58: {  	_ =	shalt  }
0x59: {  	_ =	shalt  }
0x5a: {  	_ =	shalt  }
0x5b: {  	_ =	shalt  }
0x5c: {  	_ =	shalt  }
0x5d: {  	_ =	shalt  }
0x5e: {  	_ =	shalt  }
0x5f: {  	_ =	shalt  }
0x60: {  	_ =	shalt  }
0x61: {  	_ =	shalt  }
0x62: {  	_ =	shalt  }
0x63: {  	_ =	shalt  }
0x64: {  	_ =	shalt  }
0x65: {  	_ =	shalt  }
0x66: {  	_ =	shalt  }
0x67: {  	_ =	shalt  }
0x68: {  	_ =	shalt  }
0x69: {  	_ =	shalt  }
0x6a: {  	_ =	shalt  }
0x6b: {  	_ =	shalt  }
0x6c: {  	_ =	shalt  }
0x6d: {  	_ =	shalt  }
0x6e: {  	_ =	shalt  }
0x6f: {  	_ =	shalt  }
0x70: {  	_ =	shalt  }
0x71: {  	_ =	shalt  }
0x72: {  	_ =	shalt  }
0x73: {  	_ =	shalt  }
0x74: {  	_ =	shalt  }
0x75: {  	_ =	shalt  }
0x76: {  	_ =	shalt  }
0x77: {  	_ =	shalt  }
0x78: {  	_ =	shalt  }
0x79: {  	_ =	shalt  }
0x7a: {  	_ =	shalt  }
0x7b: {  	_ =	shalt  }
0x7c: {  	_ =	shalt  }
0x7d: {  	_ =	shalt  }
0x7e: {  	_ =	shalt  }
0x7f: {  	_ =	shalt  }
0x80: {  	_ =	shalt  }
0x81: {  	_ =	shalt  }
0x82: {  	_ =	shalt  }
0x83: {  	_ =	shalt  }
0x84: {  	_ =	shalt  }
0x85: {  	_ =	shalt  }
0x86: {  	_ =	shalt  }
0x87: {  	_ =	shalt  }
.Lfunc_end0:
.L_simem_size_0:
called_computation_lowered:
.L_overlay_start_0:
0x88: {  	s2 =	sld [smem:$0x3FD9]  }
0x89: {  	s3 =	sld [smem:$0x3FFE];
	_ =	sdelay $0x1  }
0x8a: {  	s1 =	srdreg.scid  }
0x8b: {  	s0 =	sand.u32 $0x1, s1  }
0x8c: {  	s16 =	sshll.u32 s0, $0xA;
	s2 =	sadd.s32 s3, s2  }
0x8d: {  	s2 =	sadd.s32 s2, s16  }
0x8e: {  	[smem:$0x3FB3] =	sst s2  }
0x8f: {  	_ = 	snop  }
0x90: {  	(tm) =	ssettm $0x1  }
0x91: {  	s17 =	sld [smem:$0x3FFB];
	_ =	sdelay $0x3  }
0x92: {  	_ =	strace s17  }
0x93: {  	s2 =	sld [smem:$0x3FFC];
	_ =	sdelay $0x3  }
0x94: {  	_ =	strace s2  }
0x95: {  	s2 =	sld [smem:$0x3FFD];
	_ =	sdelay $0x3  }
0x96: {  	_ =	strace s2  }
0x97: {  	_ =	strace $0x8FFFFFFF  }
0x98: {  	s18 =	sld [smem:$0x3FDB];
	_ =	sdelay $0x1  }
0x99: {  	s19 =	simm.s32 $_scs_section_size  }
0x9a: {  	s4 =	simm.s32 $_size__tile_overlayer_lowered;
	s5 =	simm.s32 $_tile_overlayer_lowered  }
0x9b: {  	s22 =	simm.s32 $0x1BFF;
	s21 =	sshll.u32 s5, $0x1;
	s2 =	sadd.s32 s19, s18  }
0x9c: {  	s6 =	simm.s32 $0x0;
	s20 =	sshll.u32 s4, $0x1;
	s4 =	sadd.s32 s21, s2  }
0x9d: {  	[timem:s6], [sflag:s22] =	dma.local [hbm:s4], s20  }
0x9e: {  	_ =	swait.ge [sflag:s22], s20  }
0x9f: {  	s3 =	ssub.s32 $0x0, s20;
	[sflag:s22] =	ssyncset.done $0x0  }
0xa0: {  	[sflag:s22] =	ssyncadd.s32 s3;
	_ =	sdelay $0x1  }
0xa1: {  	s23 =	simm.s32 $0x1B8B  }
0xa2: {  	_ =	swait.ge [sflag:s23], $0x1  }
0xa3: {  	[sflag:s23] =	ssyncset.done $0x0  }
0xa4: {  	s25 =	simm.s32 $0x1B8E;
	s24 =	sld [smem:$0x3FFE];
	[sflag:s23] =	ssyncadd.s32 $0xFFFFFFFF  }
0xa5: {  	s26 =	simm.s32 $execute0_lowered;
	[smem:$0x3FD2] =	sst s25  }
0xa6: {  	s4 =	sshll.u32 s26, $0x1;
	_ =	strace $0x80000046;
	[dreg:$0x1] =	wrdreg $0xFFFFFFFF  }
0xa7: {  	s28 =	simm.s32 $_size_execute0_lowered;
	s2 =	sadd.s32 s2, s4;
	[dreg:$0x0] =	wrdreg $0x0  }
0xa8: {  	s4 =	sshll.u32 s28, $0x1;
	[dreg:$0x2] =	wrdreg s2  }
0xa9: {  	[dreg:$0x3] =	wrdreg s4  }
0xaa: {  	[dreg:$0x4] =	wrdreg $0xC0  }
0xab: {  	_ =	task [dreg:s6], $0x5FFFF  }
0xac: {  	[dreg:$0x1] =	wrdreg $0xFFFFFFFF  }
0xad: {  	[dreg:$0x0] =	wrdreg $0x60  }
0xae: {  	[dreg:$0x2] =	wrdreg s24  }
0xaf: {  	[dreg:$0x3] =	wrdreg $0x9  }
0xb0: {  	_ =	task.clear_ibuf [dreg:s6], $0x4FFFF;
	_ =	strace $0x90000046  }
0xb1: {  	s29 =	simm.s32 $0x9;
	_ =	strace $0x80000048  }
0xb2: {  	_ =	swait.ge [sflag:s29], $0x1  }
0xb3: {  	[sflag:s29] =	ssyncadd.s32 $0xFFFFFFFF  }
0xb4: {  	_ =	strace $0x90000048  }
0xb5: {  	_ =	sfence  }
0xb6: {  	s30 =	sld [smem:$0x0];
	_ =	sdelay $0x2  }
0xb7: {  	s31 =	sshll.u32 s1, $0xD;
	s1 =	sshrl.u32 s1, $0x2  }
0xb8: {  	s3 =	sand.u32 $0x4000, s31;
	s1 =	sadd.s32 s1, s30  }
0xb9: {  	s0 =	sor.u32 s3, s0;
	s1 =	sshll.u32 s1, $0x11  }
0xba: {  	s0 =	sor.u32 s1, s0  }
0xbb: {  	s0 =	sadd.s32 $0x8F2B, s0  }
0xbc: {  	[sflag:s0] =	ssyncadd.remote.s32 $0x1  }
0xbd: {  	_ =	sfence.sel $0xFFFF  }
0xbe: {  	[dreg:$0x0] =	wrdreg $0xFFFFFFFF;
	(pc) =	sbr.abs _section_cstart, $3  }
0xbf: {  	[dreg:$0x1] =	wrdreg $0xFFFFFFFF  }
0xc0: {  	_ =	task.clear_ibuf [dreg:s6], $0x2FFFF;
	_ =	strace $0x9FFFFFFF  }
0xc1: {  	(tm) =	ssettm $0x7FFFFFFF  }
tec
execute0_lowered:
.L_overlay_start_1:
0x0: {  	(tag) =	ssettag $0x1  }
0x1: {  	s1 =	srdreg.scid;
	s0 =	stileid.u32  }
0x2: {  	s5 =	rddreg [dreg:$0x0];
	s10 =	simm.s32 $0x400;
	s11 =	simm.s32 $0x5  }
0x3: {  	s12 =	simm.s32 $0x2000;
	s13 =	simm.s32 $0x6000;
	s14 =	simm.s32 $0xA000  }
0x4: {  	s15 =	simm.s32 $0xE000;
	s16 =	simm.s32 $0x1;
	s17 =	simm.s32 $0x12000  }
0x5: {  	s18 =	simm.s32 $0x2;
	s6 =	sand.u32 $0x1, s1;
	s2 =	sshll.u32 s0, $0x1  }
0x6: {  	s19 =	simm.s32 $0x3;
	s20 =	simm.s32 $0x4;
	s7 =	sor.u32 s6, s2  }
0x7: {  	s21 =	simm.s32 $0x0;
	s3 =	sshll.u32 s7, $0xD;
	s4 =	sshll.u32 s7, $0x7  }
0x8: {  	s1 =	rddreg [dreg:$0x1];
	s2 =	simm.s32 $0x0;
	s4 =	sor.u32 s4, s3  }
0x9: {  	s6 =	ssub.s32 $0x2, s6;
	[smem:$0x7FF] =	sst s2;
	s8 =	sand.u32 $0x30380, s4  }
0xa: {  	s9 =	sshrl.u32 s6, $0x1;
	s7 =	sshll.u32 s7, $0x10;
	s8 =	sshrl.u32 s8, $0x3  }
0xb: {  	_ =	strace $0x80000047;
	s9 =	ssub.s32 s6, s9;
	s8 =	sadd.s32 s8, s5  }
0xc: {  	s4 =	sadd.s32 $0xBC00, s5;
	s5 =	sadd.s32 $0x12BC00, s5;
	s6 =	sadd.s32 $0x10BC00, s8  }
0xd: {  	s7 =	sadd.s32 s5, s7;
	s8 =	smax.u32 s9, $0x1;
	s9 =	simm.s32 $0x80  }
.LBB2_1:
0xe: {  	[tilespmem:s2], [sflag:$0x5] =	stream.strided.gather [hbm4b:s6+s9], $0x2000, s10, s9, $0x38;
	[tilespmem:$0x14000] =	vst v63  }
0xf: {  	_ =	swait.ge [sflag:s11], $0x2000  }
0x10: {  	[sflag:s11] =	ssyncset.done $0x0  }
0x11: {  	[sflag:s11] =	ssyncadd.s32 $0xFFFFE000  }
0x12: {  	[tilespmem:s12], [sflag:$0x1] =	stream.indirect.gather [hbm4b:s4+s9], $0x80, s2, s9, $0xb8;
	[tilespmem:$0x14000] =	vst v63  }
0x13: {  	s22 =	simm.s32 $0x0  }
0x14: {  	[tilespmem:s13], [sflag:$0x2] =	stream.indirect.gather [hbm4b:s4+s9], $0x80, s9, s9, $0xb8;
	[tilespmem:$0x14000] =	vst v63  }
.LBB2_2:
0x15: {  	s23 =	sshll.u32 s22, $0x2  }
0x16: {  	s23 =	sor.u32 $0x2, s23  }
0x17: {  	s24 =	sshll.u32 s23, $0x7  }
0x18: {  	s25 =	sshll.u32 s22, $0x9;
	s24 =	sand.u32 $0x3FFFFF00, s24  }
0x19: {  	[tilespmem:s14], [sflag:$0x3] =	stream.indirect.gather [hbm4b:s4+s9], $0x80, s24, s9, $0xb8;
	[tilespmem:$0x14000] =	vst v63  }
0x1a: {  	s24 =	sand.u32 $0x3FFFFE00, s25  }
0x1b: {  	s26 =	sor.u32 $0x180, s24  }
0x1c: {  	[tilespmem:s15], [sflag:$0x4] =	stream.indirect.gather [hbm4b:s4+s9], $0x80, s26, s9, $0xb8;
	[tilespmem:$0x14000] =	vst v63  }
0x1d: {  	_ =	swait.ge [sflag:s16], $0x4000  }
0x1e: {  	[sflag:s16] =	ssyncset.done $0x0  }
0x1f: {  	s28 =	simm.s32 $0x0;
	[sflag:s16] =	ssyncadd.s32 $0xFFFFC000  }
0x20: {  	v0 =	vld [tilespmem:s28+$0x2000];
	_ =	sdelay $0x3  }
0x21: {  	s26 =	simm.s32 $0x12040  }
0x22: {  	[tilespmem:s26+$0xFFFFFFC0] =	vst v0  }
0x23: {  	v0 =	vld [tilespmem:s28+$0x20C0];
	_ =	sdelay $0x4  }
0x24: {  	[tilespmem:s26+$0x0] =	vst v0  }
0x25: {  	v0 =	vld [tilespmem:s28+$0x2010];
	_ =	sdelay $0x4  }
0x26: {  	[tilespmem:s26+$0xFFFFFFD0] =	vst v0  }
0x27: {  	v0 =	vld [tilespmem:s28+$0x20D0];
	_ =	sdelay $0x4  }
0x28: {  	[tilespmem:s26+$0x10] =	vst v0  }
0x29: {  	v0 =	vld [tilespmem:s28+$0x2020];
	_ =	sdelay $0x4  }
0x2a: {  	[tilespmem:s26+$0xFFFFFFE0] =	vst v0  }
0x2b: {  	v0 =	vld [tilespmem:s28+$0x20E0];
	_ =	sdelay $0x4  }
0x2c: {  	[tilespmem:s26+$0x20] =	vst v0  }
0x2d: {  	v0 =	vld [tilespmem:s28+$0x2030];
	_ =	sdelay $0x4  }
0x2e: {  	[tilespmem:s26+$0xFFFFFFF0] =	vst v0  }
0x2f: {  	v0 =	vld [tilespmem:s28+$0x20F0];
	_ =	sdelay $0x4  }
0x30: {  	s29 =	simm.s32 $0x800;
	s28 =	simm.s32 $0x100;
	[tilespmem:s26+$0x30] =	vst v0  }
.LBB2_3:
0x31: {  	p0 =	sne.s32 s29, $0xFC00;
	v0 =	vld [tilespmem:s28+$0x2000];
	_ =	sdelay $0x3  }
0x32: {  	s26 =	sadd.s32 $0x80, s26  }
0x33: {  	[tilespmem:s26+$0xFFFFFFC0] =	vst v0  }
0x34: {  	v0 =	vld [tilespmem:s28+$0x20C0];
	_ =	sdelay $0x4  }
0x35: {  	[tilespmem:s26+$0x0] =	vst v0  }
0x36: {  	v0 =	vld [tilespmem:s28+$0x2010];
	_ =	sdelay $0x4  }
0x37: {  	[tilespmem:s26+$0xFFFFFFD0] =	vst v0  }
0x38: {  	v0 =	vld [tilespmem:s28+$0x20D0];
	_ =	sdelay $0x4  }
0x39: {  	[tilespmem:s26+$0x10] =	vst v0  }
0x3a: {  	v0 =	vld [tilespmem:s28+$0x2020];
	_ =	sdelay $0x4  }
0x3b: {  	[tilespmem:s26+$0xFFFFFFE0] =	vst v0  }
0x3c: {  	v0 =	vld [tilespmem:s28+$0x20E0];
	_ =	sdelay $0x4  }
0x3d: {  	[tilespmem:s26+$0x20] =	vst v0  }
0x3e: {  	v0 =	vld [tilespmem:s28+$0x2030];
	_ =	sdelay $0x4  }
0x3f: {  	[tilespmem:s26+$0xFFFFFFF0] =	vst v0  }
0x40: {  	v0 =	vld [tilespmem:s28+$0x20F0]  }
.Ltmp0:
0x41: {  	(pc) =	sbr.rel @p0 .LBB2_3-.Ltmp0, $2  }
0x42: {  	_ =	sdelay $0x2  }
0x43: {  	s28 =	sshra.s32 s29, $0x2;
	s29 =	sadd.s32 $0x400, s29;
	[tilespmem:s26+$0x30] =	vst v0  }
0x44: {  	v0 =	vld [tilespmem:s28+$0x2000];
	_ =	sdelay $0x3  }
0x45: {  	s26 =	sadd.s32 $0x80, s26  }
0x46: {  	[tilespmem:s26+$0xFFFFFFC0] =	vst v0  }
0x47: {  	v0 =	vld [tilespmem:s28+$0x20C0];
	_ =	sdelay $0x4  }
0x48: {  	[tilespmem:s26+$0x0] =	vst v0  }
0x49: {  	v0 =	vld [tilespmem:s28+$0x2010];
	_ =	sdelay $0x4  }
0x4a: {  	[tilespmem:s26+$0xFFFFFFD0] =	vst v0  }
0x4b: {  	v0 =	vld [tilespmem:s28+$0x20D0];
	_ =	sdelay $0x4  }
0x4c: {  	[tilespmem:s26+$0x10] =	vst v0  }
0x4d: {  	v0 =	vld [tilespmem:s28+$0x2020];
	_ =	sdelay $0x4  }
0x4e: {  	[tilespmem:s26+$0xFFFFFFE0] =	vst v0  }
0x4f: {  	v0 =	vld [tilespmem:s28+$0x20E0];
	_ =	sdelay $0x4  }
0x50: {  	[tilespmem:s26+$0x20] =	vst v0  }
0x51: {  	v0 =	vld [tilespmem:s28+$0x2030];
	_ =	sdelay $0x4  }
0x52: {  	[tilespmem:s26+$0xFFFFFFF0] =	vst v0  }
0x53: {  	v0 =	vld [tilespmem:s28+$0x20F0];
	_ =	sdelay $0x3  }
0x54: {  	s28 =	sshll.u32 s22, $0xC  }
0x55: {  	s31 =	sadd.s32 s28, s7;
	s28 =	simm.s32 $0x0;
	[tilespmem:s26+$0x30] =	vst v0  }
0x56: {  	[hbm4b:s31+s28] =	stream.linear.scatter [tilespmem:s17], [sflag:$0x5], $0x2000, $0x38;
	[tilespmem:$0x14000] =	vst v63  }
0x57: {  	_ =	swait.ge [sflag:s11], $0x2000  }
0x58: {  	[sflag:s11] =	ssyncset.done $0x0  }
0x59: {  	[sflag:s11] =	ssyncadd.s32 $0xFFFFE000  }
0x5a: {  	_ =	swait.ge [sflag:s18], $0x4000  }
0x5b: {  	[sflag:s18] =	ssyncset.done $0x0  }
0x5c: {  	s28 =	simm.s32 $0x0;
	[sflag:s18] =	ssyncadd.s32 $0xFFFFC000  }
0x5d: {  	v63 =	vld [tilespmem:s28+$0x6000];
	_ =	sdelay $0x3  }
0x5e: {  	s26 =	simm.s32 $0x12040  }
0x5f: {  	[tilespmem:s26+$0xFFFFFFC0] =	vst v63  }
0x60: {  	v0 =	vld [tilespmem:s28+$0x60C0];
	_ =	sdelay $0x4  }
0x61: {  	[tilespmem:s26+$0x0] =	vst v0  }
0x62: {  	v0 =	vld [tilespmem:s28+$0x6010];
	_ =	sdelay $0x4  }
0x63: {  	[tilespmem:s26+$0xFFFFFFD0] =	vst v0  }
0x64: {  	v0 =	vld [tilespmem:s28+$0x60D0];
	_ =	sdelay $0x4  }
0x65: {  	[tilespmem:s26+$0x10] =	vst v0  }
0x66: {  	v0 =	vld [tilespmem:s28+$0x6020];
	_ =	sdelay $0x4  }
0x67: {  	[tilespmem:s26+$0xFFFFFFE0] =	vst v0  }
0x68: {  	v0 =	vld [tilespmem:s28+$0x60E0];
	_ =	sdelay $0x4  }
0x69: {  	[tilespmem:s26+$0x20] =	vst v0  }
0x6a: {  	v0 =	vld [tilespmem:s28+$0x6030];
	_ =	sdelay $0x4  }
0x6b: {  	[tilespmem:s26+$0xFFFFFFF0] =	vst v0  }
0x6c: {  	v0 =	vld [tilespmem:s28+$0x60F0];
	_ =	sdelay $0x4  }
0x6d: {  	s29 =	simm.s32 $0x800;
	s28 =	simm.s32 $0x100;
	[tilespmem:s26+$0x30] =	vst v0  }
.LBB2_5:
0x6e: {  	p0 =	sne.s32 s29, $0xFC00;
	v0 =	vld [tilespmem:s28+$0x6000];
	_ =	sdelay $0x3  }
0x6f: {  	s26 =	sadd.s32 $0x80, s26  }
0x70: {  	[tilespmem:s26+$0xFFFFFFC0] =	vst v0  }
0x71: {  	v0 =	vld [tilespmem:s28+$0x60C0];
	_ =	sdelay $0x4  }
0x72: {  	[tilespmem:s26+$0x0] =	vst v0  }
0x73: {  	v0 =	vld [tilespmem:s28+$0x6010];
	_ =	sdelay $0x4  }
0x74: {  	[tilespmem:s26+$0xFFFFFFD0] =	vst v0  }
0x75: {  	v0 =	vld [tilespmem:s28+$0x60D0];
	_ =	sdelay $0x4  }
0x76: {  	[tilespmem:s26+$0x10] =	vst v0  }
0x77: {  	v0 =	vld [tilespmem:s28+$0x6020];
	_ =	sdelay $0x4  }
0x78: {  	[tilespmem:s26+$0xFFFFFFE0] =	vst v0  }
0x79: {  	v0 =	vld [tilespmem:s28+$0x60E0];
	_ =	sdelay $0x4  }
0x7a: {  	[tilespmem:s26+$0x20] =	vst v0  }
0x7b: {  	v0 =	vld [tilespmem:s28+$0x6030];
	_ =	sdelay $0x4  }
0x7c: {  	[tilespmem:s26+$0xFFFFFFF0] =	vst v0  }
0x7d: {  	v0 =	vld [tilespmem:s28+$0x60F0]  }
.Ltmp1:
0x7e: {  	(pc) =	sbr.rel @p0 .LBB2_5-.Ltmp1, $2  }
0x7f: {  	_ =	sdelay $0x2  }
0x80: {  	s28 =	sshra.s32 s29, $0x2;
	s29 =	sadd.s32 $0x400, s29;
	[tilespmem:s26+$0x30] =	vst v0  }
0x81: {  	v0 =	vld [tilespmem:s28+$0x6000];
	_ =	sdelay $0x3  }
0x82: {  	s26 =	sadd.s32 $0x80, s26  }
0x83: {  	[tilespmem:s26+$0xFFFFFFC0] =	vst v0  }
0x84: {  	v0 =	vld [tilespmem:s28+$0x60C0];
	_ =	sdelay $0x4  }
0x85: {  	[tilespmem:s26+$0x0] =	vst v0  }
0x86: {  	v0 =	vld [tilespmem:s28+$0x6010];
	_ =	sdelay $0x4  }
0x87: {  	[tilespmem:s26+$0xFFFFFFD0] =	vst v0  }
0x88: {  	v0 =	vld [tilespmem:s28+$0x60D0];
	_ =	sdelay $0x4  }
0x89: {  	[tilespmem:s26+$0x10] =	vst v0  }
0x8a: {  	v0 =	vld [tilespmem:s28+$0x6020];
	_ =	sdelay $0x4  }
0x8b: {  	[tilespmem:s26+$0xFFFFFFE0] =	vst v0  }
0x8c: {  	v0 =	vld [tilespmem:s28+$0x60E0];
	_ =	sdelay $0x4  }
0x8d: {  	[tilespmem:s26+$0x20] =	vst v0  }
0x8e: {  	v0 =	vld [tilespmem:s28+$0x6030];
	_ =	sdelay $0x4  }
0x8f: {  	[tilespmem:s26+$0xFFFFFFF0] =	vst v0  }
0x90: {  	v0 =	vld [tilespmem:s28+$0x60F0];
	_ =	sdelay $0x1  }
0x91: {  	s25 =	sadd.s32 s25, s3  }
0x92: {  	s25 =	sshll.u32 s25, $0x3  }
0x93: {  	s25 =	sadd.s32 s5, s25  }
0x94: {  	s30 =	sadd.s32 $0x400, s25;
	[tilespmem:s26+$0x30] =	vst v0  }
0x95: {  	[hbm4b:s30+s2] =	stream.linear.scatter [tilespmem:s17], [sflag:$0x5], $0x2000, $0x38;
	[tilespmem:$0x14000] =	vst v63  }
0x96: {  	p0 =	seq.s32 s22, $0xF;
	_ =	swait.ge [sflag:s11], $0x2000  }
0x97: {  	s29 =	simm.s32 @!p0 $0x2000;
	[sflag:s11] =	ssyncset.done $0x0  }
0x98: {  	s28 =	simm.s32 @!p0 $0x80;
	s26 =	sadd.s32 @!p0 $0x200, s24;
	[sflag:s11] =	ssyncadd.s32 $0xFFFFE000  }
0x99: {  	[tilespmem:s29], [sflag:$0x1] =	stream.indirect.gather @!p0 [hbm4b:s4+s28], $0x80, s26, s28, $0xb8;
	[tilespmem:$0x14000] =	vst v63  }
0x9a: {  	s24 =	sadd.s32 @!p0 $0x280, s24;
	s26 =	simm.s32 @!p0 $0x6000  }
0x9b: {  	[tilespmem:s26], [sflag:$0x2] =	stream.indirect.gather @!p0 [hbm4b:s4+s28], $0x80, s24, s28, $0xb8;
	[tilespmem:$0x14000] =	vst v63  }
0x9c: {  	_ =	swait.ge [sflag:s19], $0x4000  }
0x9d: {  	[sflag:s19] =	ssyncset.done $0x0  }
0x9e: {  	s31 =	simm.s32 $0x0;
	[sflag:s19] =	ssyncadd.s32 $0xFFFFC000  }
0x9f: {  	v63 =	vld [tilespmem:s31+$0xA000];
	_ =	sdelay $0x3  }
0xa0: {  	s24 =	simm.s32 $0x12040  }
0xa1: {  	[tilespmem:s24+$0xFFFFFFC0] =	vst v63  }
0xa2: {  	v0 =	vld [tilespmem:s31+$0xA0C0];
	_ =	sdelay $0x4  }
0xa3: {  	[tilespmem:s24+$0x0] =	vst v0  }
0xa4: {  	v0 =	vld [tilespmem:s31+$0xA010];
	_ =	sdelay $0x4  }
0xa5: {  	[tilespmem:s24+$0xFFFFFFD0] =	vst v0  }
0xa6: {  	v0 =	vld [tilespmem:s31+$0xA0D0];
	_ =	sdelay $0x4  }
0xa7: {  	[tilespmem:s24+$0x10] =	vst v0  }
0xa8: {  	v0 =	vld [tilespmem:s31+$0xA020];
	_ =	sdelay $0x4  }
0xa9: {  	[tilespmem:s24+$0xFFFFFFE0] =	vst v0  }
0xaa: {  	v0 =	vld [tilespmem:s31+$0xA0E0];
	_ =	sdelay $0x4  }
0xab: {  	[tilespmem:s24+$0x20] =	vst v0  }
0xac: {  	v0 =	vld [tilespmem:s31+$0xA030];
	_ =	sdelay $0x4  }
0xad: {  	[tilespmem:s24+$0xFFFFFFF0] =	vst v0  }
0xae: {  	v0 =	vld [tilespmem:s31+$0xA0F0];
	_ =	sdelay $0x4  }
0xaf: {  	s26 =	simm.s32 $0x100;
	s28 =	simm.s32 $0x800;
	[tilespmem:s24+$0x30] =	vst v0  }
.LBB2_7:
0xb0: {  	p0 =	sne.s32 s28, $0xFC00;
	v0 =	vld [tilespmem:s26+$0xA000];
	_ =	sdelay $0x3  }
0xb1: {  	s24 =	sadd.s32 $0x80, s24  }
0xb2: {  	[tilespmem:s24+$0xFFFFFFC0] =	vst v0  }
0xb3: {  	v0 =	vld [tilespmem:s26+$0xA0C0];
	_ =	sdelay $0x4  }
0xb4: {  	[tilespmem:s24+$0x0] =	vst v0  }
0xb5: {  	v0 =	vld [tilespmem:s26+$0xA010];
	_ =	sdelay $0x4  }
0xb6: {  	[tilespmem:s24+$0xFFFFFFD0] =	vst v0  }
0xb7: {  	v0 =	vld [tilespmem:s26+$0xA0D0];
	_ =	sdelay $0x4  }
0xb8: {  	[tilespmem:s24+$0x10] =	vst v0  }
0xb9: {  	v0 =	vld [tilespmem:s26+$0xA020];
	_ =	sdelay $0x4  }
0xba: {  	[tilespmem:s24+$0xFFFFFFE0] =	vst v0  }
0xbb: {  	v0 =	vld [tilespmem:s26+$0xA0E0];
	_ =	sdelay $0x4  }
0xbc: {  	[tilespmem:s24+$0x20] =	vst v0  }
0xbd: {  	v0 =	vld [tilespmem:s26+$0xA030];
	_ =	sdelay $0x4  }
0xbe: {  	[tilespmem:s24+$0xFFFFFFF0] =	vst v0  }
0xbf: {  	v0 =	vld [tilespmem:s26+$0xA0F0]  }
.Ltmp2:
0xc0: {  	(pc) =	sbr.rel @p0 .LBB2_7-.Ltmp2, $2  }
0xc1: {  	_ =	sdelay $0x2  }
0xc2: {  	s26 =	sshra.s32 s28, $0x2;
	s28 =	sadd.s32 $0x400, s28;
	[tilespmem:s24+$0x30] =	vst v0  }
0xc3: {  	v0 =	vld [tilespmem:s26+$0xA000];
	_ =	sdelay $0x3  }
0xc4: {  	s24 =	sadd.s32 $0x80, s24  }
0xc5: {  	[tilespmem:s24+$0xFFFFFFC0] =	vst v0  }
0xc6: {  	v0 =	vld [tilespmem:s26+$0xA0C0];
	_ =	sdelay $0x4  }
0xc7: {  	[tilespmem:s24+$0x0] =	vst v0  }
0xc8: {  	v0 =	vld [tilespmem:s26+$0xA010];
	_ =	sdelay $0x4  }
0xc9: {  	[tilespmem:s24+$0xFFFFFFD0] =	vst v0  }
0xca: {  	v0 =	vld [tilespmem:s26+$0xA0D0];
	_ =	sdelay $0x4  }
0xcb: {  	[tilespmem:s24+$0x10] =	vst v0  }
0xcc: {  	v0 =	vld [tilespmem:s26+$0xA020];
	_ =	sdelay $0x4  }
0xcd: {  	[tilespmem:s24+$0xFFFFFFE0] =	vst v0  }
0xce: {  	v0 =	vld [tilespmem:s26+$0xA0E0];
	_ =	sdelay $0x4  }
0xcf: {  	[tilespmem:s24+$0x20] =	vst v0  }
0xd0: {  	v0 =	vld [tilespmem:s26+$0xA030];
	_ =	sdelay $0x4  }
0xd1: {  	[tilespmem:s24+$0xFFFFFFF0] =	vst v0  }
0xd2: {  	v0 =	vld [tilespmem:s26+$0xA0F0];
	_ =	sdelay $0x3  }
0xd3: {  	s23 =	sshll.u32 s23, $0xA  }
0xd4: {  	s30 =	simm.s32 $0x0;
	s23 =	sadd.s32 s23, s7;
	[tilespmem:s24+$0x30] =	vst v0  }
0xd5: {  	[hbm4b:s23+s30] =	stream.linear.scatter [tilespmem:s17], [sflag:$0x5], $0x2000, $0x38;
	[tilespmem:$0x14000] =	vst v63  }
0xd6: {  	_ =	swait.ge [sflag:s11], $0x2000  }
0xd7: {  	[sflag:s11] =	ssyncset.done $0x0  }
0xd8: {  	[sflag:s11] =	ssyncadd.s32 $0xFFFFE000  }
0xd9: {  	_ =	swait.ge [sflag:s20], $0x4000  }
0xda: {  	[sflag:s20] =	ssyncset.done $0x0  }
0xdb: {  	s31 =	simm.s32 $0x0;
	[sflag:s20] =	ssyncadd.s32 $0xFFFFC000  }
0xdc: {  	v63 =	vld [tilespmem:s31+$0xE000];
	_ =	sdelay $0x3  }
0xdd: {  	s23 =	simm.s32 $0x12040  }
0xde: {  	[tilespmem:s23+$0xFFFFFFC0] =	vst v63  }
0xdf: {  	v0 =	vld [tilespmem:s31+$0xE0C0];
	_ =	sdelay $0x4  }
0xe0: {  	[tilespmem:s23+$0x0] =	vst v0  }
0xe1: {  	v0 =	vld [tilespmem:s31+$0xE010];
	_ =	sdelay $0x4  }
0xe2: {  	[tilespmem:s23+$0xFFFFFFD0] =	vst v0  }
0xe3: {  	v0 =	vld [tilespmem:s31+$0xE0D0];
	_ =	sdelay $0x4  }
0xe4: {  	[tilespmem:s23+$0x10] =	vst v0  }
0xe5: {  	v0 =	vld [tilespmem:s31+$0xE020];
	_ =	sdelay $0x4  }
0xe6: {  	[tilespmem:s23+$0xFFFFFFE0] =	vst v0  }
0xe7: {  	v0 =	vld [tilespmem:s31+$0xE0E0];
	_ =	sdelay $0x4  }
0xe8: {  	[tilespmem:s23+$0x20] =	vst v0  }
0xe9: {  	v0 =	vld [tilespmem:s31+$0xE030];
	_ =	sdelay $0x4  }
0xea: {  	[tilespmem:s23+$0xFFFFFFF0] =	vst v0  }
0xeb: {  	v0 =	vld [tilespmem:s31+$0xE0F0];
	_ =	sdelay $0x4  }
0xec: {  	s26 =	simm.s32 $0x800;
	s24 =	simm.s32 $0x100;
	[tilespmem:s23+$0x30] =	vst v0  }
.LBB2_9:
0xed: {  	p0 =	sne.s32 s26, $0xFC00;
	v0 =	vld [tilespmem:s24+$0xE000];
	_ =	sdelay $0x3  }
0xee: {  	s23 =	sadd.s32 $0x80, s23  }
0xef: {  	[tilespmem:s23+$0xFFFFFFC0] =	vst v0  }
0xf0: {  	v0 =	vld [tilespmem:s24+$0xE0C0];
	_ =	sdelay $0x4  }
0xf1: {  	[tilespmem:s23+$0x0] =	vst v0  }
0xf2: {  	v0 =	vld [tilespmem:s24+$0xE010];
	_ =	sdelay $0x4  }
0xf3: {  	[tilespmem:s23+$0xFFFFFFD0] =	vst v0  }
0xf4: {  	v0 =	vld [tilespmem:s24+$0xE0D0];
	_ =	sdelay $0x4  }
0xf5: {  	[tilespmem:s23+$0x10] =	vst v0  }
0xf6: {  	v0 =	vld [tilespmem:s24+$0xE020];
	_ =	sdelay $0x4  }
0xf7: {  	[tilespmem:s23+$0xFFFFFFE0] =	vst v0  }
0xf8: {  	v0 =	vld [tilespmem:s24+$0xE0E0];
	_ =	sdelay $0x4  }
0xf9: {  	[tilespmem:s23+$0x20] =	vst v0  }
0xfa: {  	v0 =	vld [tilespmem:s24+$0xE030];
	_ =	sdelay $0x4  }
0xfb: {  	[tilespmem:s23+$0xFFFFFFF0] =	vst v0  }
0xfc: {  	v0 =	vld [tilespmem:s24+$0xE0F0]  }
.Ltmp3:
0xfd: {  	(pc) =	sbr.rel @p0 .LBB2_9-.Ltmp3, $2  }
0xfe: {  	_ =	sdelay $0x2  }
0xff: {  	s24 =	sshra.s32 s26, $0x2;
	s26 =	sadd.s32 $0x400, s26;
	[tilespmem:s23+$0x30] =	vst v0  }
0x100: {  	v0 =	vld [tilespmem:s24+$0xE000];
	_ =	sdelay $0x3  }
0x101: {  	s23 =	sadd.s32 $0x80, s23  }
0x102: {  	[tilespmem:s23+$0xFFFFFFC0] =	vst v0  }
0x103: {  	v0 =	vld [tilespmem:s24+$0xE0C0];
	_ =	sdelay $0x4  }
0x104: {  	[tilespmem:s23+$0x0] =	vst v0  }
0x105: {  	v0 =	vld [tilespmem:s24+$0xE010];
	_ =	sdelay $0x4  }
0x106: {  	[tilespmem:s23+$0xFFFFFFD0] =	vst v0  }
0x107: {  	v0 =	vld [tilespmem:s24+$0xE0D0];
	_ =	sdelay $0x4  }
0x108: {  	[tilespmem:s23+$0x10] =	vst v0  }
0x109: {  	v0 =	vld [tilespmem:s24+$0xE020];
	_ =	sdelay $0x4  }
0x10a: {  	[tilespmem:s23+$0xFFFFFFE0] =	vst v0  }
0x10b: {  	v0 =	vld [tilespmem:s24+$0xE0E0];
	_ =	sdelay $0x4  }
0x10c: {  	[tilespmem:s23+$0x20] =	vst v0  }
0x10d: {  	v0 =	vld [tilespmem:s24+$0xE030];
	_ =	sdelay $0x4  }
0x10e: {  	[tilespmem:s23+$0xFFFFFFF0] =	vst v0  }
0x10f: {  	v0 =	vld [tilespmem:s24+$0xE0F0];
	_ =	sdelay $0x2  }
0x110: {  	s22 =	sadd.s32 $0x1, s22  }
0x111: {  	p0 =	sne.s32 s22, $0x10  }
.Ltmp4:
0x112: {  	s31 =	sadd.s32 $0xC00, s25;
	[tilespmem:s23+$0x30] =	vst v0;
	(pc) =	sbr.rel @p0 .LBB2_2-.Ltmp4, $4  }
0x113: {  	[hbm4b:s31+s2] =	stream.linear.scatter [tilespmem:s17], [sflag:$0x5], $0x2000, $0x38;
	[tilespmem:$0x14000] =	vst v63  }
0x114: {  	_ =	swait.ge [sflag:s11], $0x2000  }
0x115: {  	[sflag:s11] =	ssyncset.done $0x0  }
0x116: {  	[sflag:s11] =	ssyncadd.s32 $0xFFFFE000  }
0x117: {  	s21 =	sadd.s32 $0x1, s21  }
0x118: {  	p0 =	sne.s32 s21, s8  }
.Ltmp5:
0x119: {  	_ = 	snop;
	(pc) =	sbr.rel @p0 .LBB2_1-.Ltmp5, $1  }
0x11a: {  	_ =	sdelay $0x3  }
0x11b: {  	_ =	sfence.sel $0x180000  }
0x11c: {  	[bflag:$0x0] =	sbarrier.arrive $0xFFFF  }
0x11d: {  	p0 =	sne.s32 s0, $0x0;
	_ =	strace $0x90000047  }
0x11e: {  	s0 =	sadd.s32 @!p0 $0x100000, s1;
	[bflag:$0x2] =	sbarrier.arrive $0xFFFF  }
0x11f: {  	[sflag:s0] =	ssyncadd.tile.s32 @!p0 $0x1;
	_ =	shalt  }
.Lfunc_end2:
_tile_overlayer_lowered:
.L_overlay_start_2:
0x120: {  	(tag) =	ssettag $0x2  }
0x121: {  	s0 =	rddreg [dreg:$0x0];
	s2 =	stileid.u32  }
0x122: {  	s1 =	rddreg [dreg:$0x1];
	p0 =	sne.s32 s2, $0x0  }
0x123: {  	s3 =	rddreg [dreg:$0x2];
	[bflag:$0x3] =	sbarrier.arrive $0xFFFF;
	s2 =	simm.s32 @!p0 $0x1C05  }
0x124: {  	[timem:s3], [sflag:s2] =	dma.local @!p0 [hbm:s0], s1  }
0x125: {  	s0 =	simm.s32 @!p0 $0x5  }
0x126: {  	_ =	swait.ge @!p0 [sflag:s0], s1  }
0x127: {  	s1 =	ssub.s32 @!p0 $0x0, s1;
	[sflag:s0] =	ssyncset.done @!p0 $0x0  }
0x128: {  	[sflag:s0] =	ssyncadd.s32 @!p0 s1  }
0x129: {  	[bflag:$0x3] =	sbarrier.arrive $0xFFFF  }
0x12a: {  	_ =	shalt  }

// kernel: kernel.15.cloned.1.call-start
scs
__scs_entry_jumppad:
0x0: {  	(pc) =	sbr.rel $0x88, $3  }
0x1: {  	(tag) =	ssettag $0x0;
	lr =	simm.s32 $0x1  }
0x2: {  	[smem:$0x3F8C] =	sst lr;
	_ =	strace $0xD0000000  }
0x3: {  	_ = 	snop  }
0x4: {  	_ = 	snop  }
0x5: {  	_ = 	snop  }
0x6: {  	_ = 	snop  }
0x7: {  	_ = 	snop  }
__scs_overlays_trampoline_lowered:
0x8: {  	[smem:$0x3F9B] =	sst s0  }
0x9: {  	[smem:$0x3F9C] =	sst s1  }
0xa: {  	[smem:$0x3F9D] =	sst s2  }
0xb: {  	[smem:$0x3F9E] =	sst s3  }
0xc: {  	[smem:$0x3F9F] =	sst s4  }
0xd: {  	[smem:$0x3FA0] =	sst s5  }
0xe: {  	[smem:$0x3FA1] =	sst s6  }
0xf: {  	[smem:$0x3FA2] =	sst s7  }
0x10: {  	[smem:$0x3FA3] =	sst s8  }
0x11: {  	[smem:$0x3FA4] =	sst s9;
	s0 =	simm.s32 @!p0 $0x0  }
0x12: {  	s1 =	sld [smem:$0x3F8A];
	s0 =	simm.s32 @p0 $0x1  }
0x13: {  	[smem:$0x3FA5] =	sst s0;
	s0 =	simm.s32 @!p1 $0x0  }
0x14: {  	s2 =	sld [smem:$0x3F89];
	s0 =	simm.s32 @p1 $0x1  }
0x15: {  	[smem:$0x3FA6] =	sst s0;
	s0 =	simm.s32 @!p2 $0x0  }
0x16: {  	s3 =	sld [smem:$0x3FDB];
	s0 =	simm.s32 @p2 $0x1  }
0x17: {  	s4 =	simm.s32 $0x1BF5;
	[smem:$0x3FA8] =	sst s0  }
0x18: {  	s0 =	sld [smem:$0x3F8B];
	_ =	swait.ge [sflag:s4], $0x0  }
0x19: {  	s7 =	sld [smem:$0x3F8C]  }
0x1a: {  	s8 =	sadd.s32 $0xFFFFE003, lr  }
0x1b: {  	s9 =	sadd.s32 $0xFFFFFEF7, lr;
	s5 =	simm.s32 $0xFFFFFFFF;
	p2 =	slt.u32 s8, $0xFFFFF086  }
0x1c: {  	p1 =	slt.u32 s9, $0xF7A;
	s5 =	simm.s32 @!p2 $0x0  }
0x1d: {  	s5 =	simm.s32 @p1 $0x1;
	p0 =	seq.s32 s7, s2  }
0x1e: {  	s7 =	smul.u32 @!p0 $0xF7A, s2;
	p2 =	seq.s32 @!p0 s5, $0x0  }
0x1f: {  	s9 =	smul.u32 $0xF7A, s1;
	s8 =	simm.s32 @!p0 $0x1BF5;
	p2 =	por !p2, p0  }
0x20: {  	[sflag:s8] =	ssyncset.s32 @!p0 $0xFFFFF086;
	s6 =	sadd.s32 @!p0 s3, s7;
	s7 =	simm.s32 @!p0 $0x108  }
0x21: {  	s3 =	sadd.s32 s3, s9;
	s6 =	sadd.s32 @!p0 $0x88, s6;
	s7 =	simm.s32 @p2 $0x1082  }
0x22: {  	[simem:s7], [sflag:s8] =	dma.local @!p0 [hbm:s6], $0xF7A  }
0x23: {  	s9 =	sor.u32 $0xD0000000, s2;
	s6 =	simm.s32 $0x108;
	_ =	swait.ge @!p0 [sflag:s8], $0x0  }
0x24: {  	s3 =	sadd.s32 $0x88, s3;
	s6 =	simm.s32 @!p1 $0x1082;
	[sflag:s4] =	ssyncset.s32 $0xFFFFF086  }
0x25: {  	[simem:s6], [sflag:s4] =	dma.local [hbm:s3], $0xF7A  }
0x26: {  	[smem:$0x3F8C] =	sst s1;
	(tag) =	ssettag s2;
	_ =	strace s9  }
0x27: {  	s1 =	sld [smem:$0x3F9C]  }
0x28: {  	s2 =	sld [smem:$0x3F9D]  }
0x29: {  	s4 =	sld [smem:$0x3F9F]  }
0x2a: {  	p0 =	seq.s32 s5, $0x0;
	s5 =	sld [smem:$0x3FA0]  }
0x2b: {  	s6 =	sld [smem:$0x3FA1]  }
0x2c: {  	s7 =	sld [smem:$0x3FA2]  }
0x2d: {  	s3 =	simm.s32 $0x108;
	s8 =	sld [smem:$0x3FA3]  }
0x2e: {  	s3 =	simm.s32 @!p0 $0x1082;
	s9 =	sld [smem:$0x3FA4]  }
0x2f: {  	lr =	sadd.s32 s0, s3;
	s0 =	sld [smem:$0x3F9B]  }
0x30: {  	s3 =	sld [smem:$0x3F9E]  }
0x31: {  	[smem:$0x3FA7] =	sst s10  }
0x32: {  	s10 =	sld [smem:$0x3FA5];
	_ =	sdelay $0x3  }
0x33: {  	p0 =	seq.s32 s10, $0x1;
	s10 =	sld [smem:$0x3FA7];
	_ =	sdelay $0x3  }
0x34: {  	[smem:$0x3FA7] =	sst s10  }
0x35: {  	s10 =	sld [smem:$0x3FA6];
	_ =	sdelay $0x3  }
0x36: {  	p1 =	seq.s32 s10, $0x1;
	s10 =	sld [smem:$0x3FA7];
	_ =	sdelay $0x3  }
0x37: {  	[smem:$0x3FA7] =	sst s10  }
0x38: {  	s10 =	sld [smem:$0x3FA8]  }
0x39: {  	_ = 	snop;
	(pc) =	sbr.ind lr, $3  }
0x3a: {  	_ = 	snop  }
0x3b: {  	_ = 	snop  }
0x3c: {  	p2 =	seq.s32 s10, $0x1;
	s10 =	sld [smem:$0x3FA7]  }
0x3d: {  	_ =	shalt  }
0x3e: {  	_ =	shalt  }
0x3f: {  	_ =	shalt  }
0x40: {  	_ =	shalt  }
0x41: {  	_ =	shalt  }
0x42: {  	_ =	shalt  }
0x43: {  	_ =	shalt  }
0x44: {  	_ =	shalt  }
0x45: {  	_ =	shalt  }
0x46: {  	_ =	shalt  }
0x47: {  	_ =	shalt  }
0x48: {  	_ =	shalt  }
0x49: {  	_ =	shalt  }
0x4a: {  	_ =	shalt  }
0x4b: {  	_ =	shalt  }
0x4c: {  	_ =	shalt  }
0x4d: {  	_ =	shalt  }
0x4e: {  	_ =	shalt  }
0x4f: {  	_ =	shalt  }
0x50: {  	_ =	shalt  }
0x51: {  	_ =	shalt  }
0x52: {  	_ =	shalt  }
0x53: {  	_ =	shalt  }
0x54: {  	_ =	shalt  }
0x55: {  	_ =	shalt  }
0x56: {  	_ =	shalt  }
0x57: {  	_ =	shalt  }
0x58: {  	_ =	shalt  }
0x59: {  	_ =	shalt  }
0x5a: {  	_ =	shalt  }
0x5b: {  	_ =	shalt  }
0x5c: {  	_ =	shalt  }
0x5d: {  	_ =	shalt  }
0x5e: {  	_ =	shalt  }
0x5f: {  	_ =	shalt  }
0x60: {  	_ =	shalt  }
0x61: {  	_ =	shalt  }
0x62: {  	_ =	shalt  }
0x63: {  	_ =	shalt  }
0x64: {  	_ =	shalt  }
0x65: {  	_ =	shalt  }
0x66: {  	_ =	shalt  }
0x67: {  	_ =	shalt  }
0x68: {  	_ =	shalt  }
0x69: {  	_ =	shalt  }
0x6a: {  	_ =	shalt  }
0x6b: {  	_ =	shalt  }
0x6c: {  	_ =	shalt  }
0x6d: {  	_ =	shalt  }
0x6e: {  	_ =	shalt  }
0x6f: {  	_ =	shalt  }
0x70: {  	_ =	shalt  }
0x71: {  	_ =	shalt  }
0x72: {  	_ =	shalt  }
0x73: {  	_ =	shalt  }
0x74: {  	_ =	shalt  }
0x75: {  	_ =	shalt  }
0x76: {  	_ =	shalt  }
0x77: {  	_ =	shalt  }
0x78: {  	_ =	shalt  }
0x79: {  	_ =	shalt  }
0x7a: {  	_ =	shalt  }
0x7b: {  	_ =	shalt  }
0x7c: {  	_ =	shalt  }
0x7d: {  	_ =	shalt  }
0x7e: {  	_ =	shalt  }
0x7f: {  	_ =	shalt  }
0x80: {  	_ =	shalt  }
0x81: {  	_ =	shalt  }
0x82: {  	_ =	shalt  }
0x83: {  	_ =	shalt  }
0x84: {  	_ =	shalt  }
0x85: {  	_ =	shalt  }
0x86: {  	_ =	shalt  }
0x87: {  	_ =	shalt  }
.Lfunc_end0:
.L_simem_size_0:
called_computation.1_lowered:
.L_overlay_start_0:
0x88: {  	s2 =	sld [smem:$0x3FD9]  }
0x89: {  	s3 =	sld [smem:$0x3FFE];
	_ =	sdelay $0x1  }
0x8a: {  	s1 =	srdreg.scid  }
0x8b: {  	s0 =	sand.u32 $0x1, s1  }
0x8c: {  	s17 =	sshll.u32 s0, $0xA;
	s2 =	sadd.s32 s3, s2  }
0x8d: {  	s2 =	sadd.s32 s2, s17  }
0x8e: {  	[smem:$0x3FB3] =	sst s2  }
0x8f: {  	_ = 	snop  }
0x90: {  	(tm) =	ssettm $0x1  }
0x91: {  	s18 =	sld [smem:$0x3FFB];
	_ =	sdelay $0x3  }
0x92: {  	_ =	strace s18  }
0x93: {  	s2 =	sld [smem:$0x3FFC];
	_ =	sdelay $0x3  }
0x94: {  	_ =	strace s2  }
0x95: {  	s2 =	sld [smem:$0x3FFD];
	_ =	sdelay $0x3  }
0x96: {  	_ =	strace s2  }
0x97: {  	_ =	strace $0x8FFFFFFF  }
0x98: {  	s19 =	sld [smem:$0x3FDB];
	_ =	sdelay $0x1  }
0x99: {  	s20 =	simm.s32 $_scs_section_size  }
0x9a: {  	s4 =	simm.s32 $_size__tile_overlayer_lowered;
	s5 =	simm.s32 $_tile_overlayer_lowered  }
0x9b: {  	s6 =	simm.s32 $0x1BFF;
	s21 =	sshll.u32 s5, $0x1;
	s3 =	sadd.s32 s20, s19  }
0x9c: {  	s22 =	simm.s32 $0x0;
	s4 =	sshll.u32 s4, $0x1;
	s5 =	sadd.s32 s21, s3  }
0x9d: {  	[timem:s22], [sflag:s6] =	dma.local [hbm:s5], s4  }
0x9e: {  	_ =	swait.ge [sflag:s6], s4  }
0x9f: {  	s4 =	ssub.s32 $0x0, s4;
	[sflag:s6] =	ssyncset.done $0x0  }
0xa0: {  	[sflag:s6] =	ssyncadd.s32 s4;
	_ =	sdelay $0x1  }
0xa1: {  	s23 =	simm.s32 $0x1B8B  }
0xa2: {  	_ =	swait.ge [sflag:s23], $0x1  }
0xa3: {  	[sflag:s23] =	ssyncset.done $0x0  }
0xa4: {  	[sflag:s23] =	ssyncadd.s32 $0xFFFFFFFF  }
0xa5: {  	s4 =	sld [smem:$0x0]  }
0xa6: {  	s5 =	sand.u32 $0xFFFFFFFE, s1  }
0xa7: {  	p0 =	sne.s32 s1, s5  }
0xa8: {  	s5 =	sshll.u32 @p0 s5, $0xE  }
0xa9: {  	s5 =	sadd.s32 @p0 $0x11B8D, s5;
	s6 =	sshll.u32 @p0 s4, $0x11  }
0xaa: {  	s5 =	sor.u32 @p0 s6, s5  }
0xab: {  	[sflag:s5] =	ssyncadd.remote.s32 @p0 $0x1;
	_ =	sdelay $0x1  }
0xac: {  	s5 =	simm.s32 @p0 $0x1B8D  }
0xad: {  	_ =	swait.eq @p0 [sflag:s5], $0x1  }
0xae: {  	[sflag:s5] =	ssyncadd.s32 @p0 $0xFFFFFFFF  }
0xaf: {  	s6 =	sshll.u32 @!p0 s1, $0xE  }
0xb0: {  	s6 =	sor.u32 @!p0 $0x4000, s6;
	s5 =	simm.s32 @!p0 $0x1B8D  }
0xb1: {  	s4 =	sshll.u32 @!p0 s4, $0x11;
	s6 =	sadd.s32 @!p0 $0x11B8D, s6;
	_ =	swait.eq @!p0 [sflag:s5], $0x1  }
0xb2: {  	s4 =	sor.u32 @!p0 s4, s6;
	[sflag:s5] =	ssyncadd.s32 @!p0 $0xFFFFFFFF  }
0xb3: {  	s25 =	simm.s32 $0x1B8E;
	s24 =	sld [smem:$0x3FFE];
	[sflag:s4] =	ssyncadd.remote.s32 @!p0 $0x1  }
0xb4: {  	s26 =	simm.s32 $execute0_lowered;
	[smem:$0x3FD2] =	sst s25  }
0xb5: {  	s5 =	sshll.u32 s26, $0x1;
	_ =	strace $0x8000004C;
	[dreg:$0x1] =	wrdreg $0xFFFFFFFF  }
0xb6: {  	s28 =	simm.s32 $_size_execute0_lowered;
	s3 =	sadd.s32 s3, s5;
	[dreg:$0x0] =	wrdreg $0x0  }
0xb7: {  	s5 =	sshll.u32 s28, $0x1;
	[dreg:$0x2] =	wrdreg s3  }
0xb8: {  	[dreg:$0x3] =	wrdreg s5  }
0xb9: {  	[dreg:$0x4] =	wrdreg $0xC0  }
0xba: {  	_ =	task [dreg:s22], $0x5FFFF  }
0xbb: {  	[dreg:$0x1] =	wrdreg $0xFFFFFFFF  }
0xbc: {  	[dreg:$0x0] =	wrdreg $0x60  }
0xbd: {  	[dreg:$0x2] =	wrdreg s24  }
0xbe: {  	[dreg:$0x3] =	wrdreg $0x9  }
0xbf: {  	_ =	task.clear_ibuf [dreg:s22], $0x4FFFF;
	_ =	strace $0x9000004C  }
0xc0: {  	s29 =	simm.s32 $0x9;
	_ =	strace $0x8000004E  }
0xc1: {  	_ =	swait.ge [sflag:s29], $0x1  }
0xc2: {  	[sflag:s29] =	ssyncadd.s32 $0xFFFFFFFF  }
0xc3: {  	_ =	strace $0x9000004E  }
0xc4: {  	_ =	sfence  }
0xc5: {  	s30 =	sld [smem:$0x0];
	_ =	sdelay $0x2  }
0xc6: {  	s31 =	sshll.u32 s1, $0xD;
	s1 =	sshrl.u32 s1, $0x2  }
0xc7: {  	s4 =	sand.u32 $0x4000, s31;
	s1 =	sadd.s32 s1, s30  }
0xc8: {  	s0 =	sor.u32 s4, s0;
	s1 =	sshll.u32 s1, $0x11  }
0xc9: {  	s0 =	sor.u32 s1, s0  }
0xca: {  	s0 =	sadd.s32 $0x8F2B, s0  }
0xcb: {  	[sflag:s0] =	ssyncadd.remote.s32 $0x1  }
0xcc: {  	_ =	sfence.sel $0xFFFF  }
0xcd: {  	[dreg:$0x0] =	wrdreg $0xFFFFFFFF;
	(pc) =	sbr.abs _section_cstart, $3  }
0xce: {  	[dreg:$0x1] =	wrdreg $0xFFFFFFFF  }
0xcf: {  	_ =	task.clear_ibuf [dreg:s22], $0x2FFFF;
	_ =	strace $0x9FFFFFFF  }
0xd0: {  	(tm) =	ssettm $0x7FFFFFFF  }
0xd1: {  	_ =	shalt  }
tec
execute0_lowered:
.L_overlay_start_1:
0x0: {  	(tag) =	ssettag $0x1  }
0x1: {  	s1 =	srdreg.scid;
	s0 =	stileid.u32  }
0x2: {  	s5 =	rddreg [dreg:$0x0];
	s10 =	simm.s32 $0x400;
	s11 =	simm.s32 $0x5  }
0x3: {  	s12 =	simm.s32 $0x2000;
	s13 =	simm.s32 $0x6000;
	s14 =	simm.s32 $0xA000  }
0x4: {  	s15 =	simm.s32 $0xE000;
	s16 =	simm.s32 $0x1;
	s17 =	simm.s32 $0x12000  }
0x5: {  	s18 =	simm.s32 $0x2;
	s6 =	sand.u32 $0x1, s1;
	s2 =	sshll.u32 s0, $0x1  }
0x6: {  	s19 =	simm.s32 $0x3;
	s20 =	simm.s32 $0x4;
	s7 =	sor.u32 s6, s2  }
0x7: {  	s21 =	simm.s32 $0x0;
	s3 =	sshll.u32 s7, $0xD;
	s4 =	sshll.u32 s7, $0x7  }
0x8: {  	s1 =	rddreg [dreg:$0x1];
	s2 =	simm.s32 $0x0;
	s4 =	sor.u32 s4, s3  }
0x9: {  	s6 =	ssub.s32 $0x2, s6;
	[smem:$0x7FF] =	sst s2;
	s8 =	sand.u32 $0x30380, s4  }
0xa: {  	s9 =	sshrl.u32 s6, $0x1;
	s7 =	sshll.u32 s7, $0x10;
	s8 =	sshrl.u32 s8, $0x3  }
0xb: {  	_ =	strace $0x8000004D;
	s4 =	sadd.s32 $0xB200, s5;
	s8 =	sadd.s32 s8, s5  }
0xc: {  	s9 =	ssub.s32 s6, s9;
	s5 =	sadd.s32 $0x12BC00, s5;
	s6 =	sadd.s32 $0x113C00, s8  }
0xd: {  	s7 =	sadd.s32 s5, s7;
	s8 =	smax.u32 s9, $0x1;
	s9 =	simm.s32 $0x80  }
.LBB2_1:
0xe: {  	[tilespmem:s2], [sflag:$0x5] =	stream.strided.gather [hbm4b:s6+s9], $0x2000, s10, s9, $0x38;
	[tilespmem:$0x14000] =	vst v63  }
0xf: {  	_ =	swait.ge [sflag:s11], $0x2000  }
0x10: {  	[sflag:s11] =	ssyncset.done $0x0  }
0x11: {  	[sflag:s11] =	ssyncadd.s32 $0xFFFFE000  }
0x12: {  	[tilespmem:s12], [sflag:$0x1] =	stream.indirect.gather [hbm4b:s4+s9], $0x80, s2, s9, $0xb8;
	[tilespmem:$0x14000] =	vst v63  }
0x13: {  	s22 =	simm.s32 $0x0  }
0x14: {  	[tilespmem:s13], [sflag:$0x2] =	stream.indirect.gather [hbm4b:s4+s9], $0x80, s9, s9, $0xb8;
	[tilespmem:$0x14000] =	vst v63  }
.LBB2_2:
0x15: {  	s23 =	sshll.u32 s22, $0x2  }
0x16: {  	s23 =	sor.u32 $0x2, s23  }
0x17: {  	s24 =	sshll.u32 s23, $0x7  }
0x18: {  	s25 =	sshll.u32 s22, $0x9;
	s24 =	sand.u32 $0x3FFFFF00, s24  }
0x19: {  	[tilespmem:s14], [sflag:$0x3] =	stream.indirect.gather [hbm4b:s4+s9], $0x80, s24, s9, $0xb8;
	[tilespmem:$0x14000] =	vst v63  }
0x1a: {  	s24 =	sand.u32 $0x3FFFFE00, s25  }
0x1b: {  	s26 =	sor.u32 $0x180, s24  }
0x1c: {  	[tilespmem:s15], [sflag:$0x4] =	stream.indirect.gather [hbm4b:s4+s9], $0x80, s26, s9, $0xb8;
	[tilespmem:$0x14000] =	vst v63  }
0x1d: {  	_ =	swait.ge [sflag:s16], $0x4000  }
0x1e: {  	[sflag:s16] =	ssyncset.done $0x0  }
0x1f: {  	s28 =	simm.s32 $0x0;
	[sflag:s16] =	ssyncadd.s32 $0xFFFFC000  }
0x20: {  	v0 =	vld [tilespmem:s28+$0x2000];
	_ =	sdelay $0x3  }
0x21: {  	s26 =	simm.s32 $0x12040  }
0x22: {  	[tilespmem:s26+$0xFFFFFFC0] =	vst v0  }
0x23: {  	v0 =	vld [tilespmem:s28+$0x20C0];
	_ =	sdelay $0x4  }
0x24: {  	[tilespmem:s26+$0x0] =	vst v0  }
0x25: {  	v0 =	vld [tilespmem:s28+$0x2010];
	_ =	sdelay $0x4  }
0x26: {  	[tilespmem:s26+$0xFFFFFFD0] =	vst v0  }
0x27: {  	v0 =	vld [tilespmem:s28+$0x20D0];
	_ =	sdelay $0x4  }
0x28: {  	[tilespmem:s26+$0x10] =	vst v0  }
0x29: {  	v0 =	vld [tilespmem:s28+$0x2020];
	_ =	sdelay $0x4  }
0x2a: {  	[tilespmem:s26+$0xFFFFFFE0] =	vst v0  }
0x2b: {  	v0 =	vld [tilespmem:s28+$0x20E0];
	_ =	sdelay $0x4  }
0x2c: {  	[tilespmem:s26+$0x20] =	vst v0  }
0x2d: {  	v0 =	vld [tilespmem:s28+$0x2030];
	_ =	sdelay $0x4  }
0x2e: {  	[tilespmem:s26+$0xFFFFFFF0] =	vst v0  }
0x2f: {  	v0 =	vld [tilespmem:s28+$0x20F0];
	_ =	sdelay $0x4  }
0x30: {  	s29 =	simm.s32 $0x800;
	s28 =	simm.s32 $0x100;
	[tilespmem:s26+$0x30] =	vst v0  }
.LBB2_3:
0x31: {  	p0 =	sne.s32 s29, $0xFC00;
	v0 =	vld [tilespmem:s28+$0x2000];
	_ =	sdelay $0x3  }
0x32: {  	s26 =	sadd.s32 $0x80, s26  }
0x33: {  	[tilespmem:s26+$0xFFFFFFC0] =	vst v0  }
0x34: {  	v0 =	vld [tilespmem:s28+$0x20C0];
	_ =	sdelay $0x4  }
0x35: {  	[tilespmem:s26+$0x0] =	vst v0  }
0x36: {  	v0 =	vld [tilespmem:s28+$0x2010];
	_ =	sdelay $0x4  }
0x37: {  	[tilespmem:s26+$0xFFFFFFD0] =	vst v0  }
0x38: {  	v0 =	vld [tilespmem:s28+$0x20D0];
	_ =	sdelay $0x4  }
0x39: {  	[tilespmem:s26+$0x10] =	vst v0  }
0x3a: {  	v0 =	vld [tilespmem:s28+$0x2020];
	_ =	sdelay $0x4  }
0x3b: {  	[tilespmem:s26+$0xFFFFFFE0] =	vst v0  }
0x3c: {  	v0 =	vld [tilespmem:s28+$0x20E0];
	_ =	sdelay $0x4  }
0x3d: {  	[tilespmem:s26+$0x20] =	vst v0  }
0x3e: {  	v0 =	vld [tilespmem:s28+$0x2030];
	_ =	sdelay $0x4  }
0x3f: {  	[tilespmem:s26+$0xFFFFFFF0] =	vst v0  }
0x40: {  	v0 =	vld [tilespmem:s28+$0x20F0]  }
.Ltmp0:
0x41: {  	(pc) =	sbr.rel @p0 .LBB2_3-.Ltmp0, $2  }
0x42: {  	_ =	sdelay $0x2  }
0x43: {  	s28 =	sshra.s32 s29, $0x2;
	s29 =	sadd.s32 $0x400, s29;
	[tilespmem:s26+$0x30] =	vst v0  }
0x44: {  	v0 =	vld [tilespmem:s28+$0x2000];
	_ =	sdelay $0x3  }
0x45: {  	s26 =	sadd.s32 $0x80, s26  }
0x46: {  	[tilespmem:s26+$0xFFFFFFC0] =	vst v0  }
0x47: {  	v0 =	vld [tilespmem:s28+$0x20C0];
	_ =	sdelay $0x4  }
0x48: {  	[tilespmem:s26+$0x0] =	vst v0  }
0x49: {  	v0 =	vld [tilespmem:s28+$0x2010];
	_ =	sdelay $0x4  }
0x4a: {  	[tilespmem:s26+$0xFFFFFFD0] =	vst v0  }
0x4b: {  	v0 =	vld [tilespmem:s28+$0x20D0];
	_ =	sdelay $0x4  }
0x4c: {  	[tilespmem:s26+$0x10] =	vst v0  }
0x4d: {  	v0 =	vld [tilespmem:s28+$0x2020];
	_ =	sdelay $0x4  }
0x4e: {  	[tilespmem:s26+$0xFFFFFFE0] =	vst v0  }
0x4f: {  	v0 =	vld [tilespmem:s28+$0x20E0];
	_ =	sdelay $0x4  }
0x50: {  	[tilespmem:s26+$0x20] =	vst v0  }
0x51: {  	v0 =	vld [tilespmem:s28+$0x2030];
	_ =	sdelay $0x4  }
0x52: {  	[tilespmem:s26+$0xFFFFFFF0] =	vst v0  }
0x53: {  	v0 =	vld [tilespmem:s28+$0x20F0];
	_ =	sdelay $0x3  }
0x54: {  	s28 =	sshll.u32 s22, $0xC  }
0x55: {  	s31 =	sadd.s32 s28, s7;
	s28 =	simm.s32 $0x0;
	[tilespmem:s26+$0x30] =	vst v0  }
0x56: {  	[hbm4b:s31+s28] =	stream.linear.scatter [tilespmem:s17], [sflag:$0x5], $0x2000, $0x38;
	[tilespmem:$0x14000] =	vst v63  }
0x57: {  	_ =	swait.ge [sflag:s11], $0x2000  }
0x58: {  	[sflag:s11] =	ssyncset.done $0x0  }
0x59: {  	[sflag:s11] =	ssyncadd.s32 $0xFFFFE000  }
0x5a: {  	_ =	swait.ge [sflag:s18], $0x4000  }
0x5b: {  	[sflag:s18] =	ssyncset.done $0x0  }
0x5c: {  	s28 =	simm.s32 $0x0;
	[sflag:s18] =	ssyncadd.s32 $0xFFFFC000  }
0x5d: {  	v63 =	vld [tilespmem:s28+$0x6000];
	_ =	sdelay $0x3  }
0x5e: {  	s26 =	simm.s32 $0x12040  }
0x5f: {  	[tilespmem:s26+$0xFFFFFFC0] =	vst v63  }
0x60: {  	v0 =	vld [tilespmem:s28+$0x60C0];
	_ =	sdelay $0x4  }
0x61: {  	[tilespmem:s26+$0x0] =	vst v0  }
0x62: {  	v0 =	vld [tilespmem:s28+$0x6010];
	_ =	sdelay $0x4  }
0x63: {  	[tilespmem:s26+$0xFFFFFFD0] =	vst v0  }
0x64: {  	v0 =	vld [tilespmem:s28+$0x60D0];
	_ =	sdelay $0x4  }
0x65: {  	[tilespmem:s26+$0x10] =	vst v0  }
0x66: {  	v0 =	vld [tilespmem:s28+$0x6020];
	_ =	sdelay $0x4  }
0x67: {  	[tilespmem:s26+$0xFFFFFFE0] =	vst v0  }
0x68: {  	v0 =	vld [tilespmem:s28+$0x60E0];
	_ =	sdelay $0x4  }
0x69: {  	[tilespmem:s26+$0x20] =	vst v0  }
0x6a: {  	v0 =	vld [tilespmem:s28+$0x6030];
	_ =	sdelay $0x4  }
0x6b: {  	[tilespmem:s26+$0xFFFFFFF0] =	vst v0  }
0x6c: {  	v0 =	vld [tilespmem:s28+$0x60F0];
	_ =	sdelay $0x4  }
0x6d: {  	s29 =	simm.s32 $0x800;
	s28 =	simm.s32 $0x100;
	[tilespmem:s26+$0x30] =	vst v0  }
.LBB2_5:
0x6e: {  	p0 =	sne.s32 s29, $0xFC00;
	v0 =	vld [tilespmem:s28+$0x6000];
	_ =	sdelay $0x3  }
0x6f: {  	s26 =	sadd.s32 $0x80, s26  }
0x70: {  	[tilespmem:s26+$0xFFFFFFC0] =	vst v0  }
0x71: {  	v0 =	vld [tilespmem:s28+$0x60C0];
	_ =	sdelay $0x4  }
0x72: {  	[tilespmem:s26+$0x0] =	vst v0  }
0x73: {  	v0 =	vld [tilespmem:s28+$0x6010];
	_ =	sdelay $0x4  }
0x74: {  	[tilespmem:s26+$0xFFFFFFD0] =	vst v0  }
0x75: {  	v0 =	vld [tilespmem:s28+$0x60D0];
	_ =	sdelay $0x4  }
0x76: {  	[tilespmem:s26+$0x10] =	vst v0  }
0x77: {  	v0 =	vld [tilespmem:s28+$0x6020];
	_ =	sdelay $0x4  }
0x78: {  	[tilespmem:s26+$0xFFFFFFE0] =	vst v0  }
0x79: {  	v0 =	vld [tilespmem:s28+$0x60E0];
	_ =	sdelay $0x4  }
0x7a: {  	[tilespmem:s26+$0x20] =	vst v0  }
0x7b: {  	v0 =	vld [tilespmem:s28+$0x6030];
	_ =	sdelay $0x4  }
0x7c: {  	[tilespmem:s26+$0xFFFFFFF0] =	vst v0  }
0x7d: {  	v0 =	vld [tilespmem:s28+$0x60F0]  }
.Ltmp1:
0x7e: {  	(pc) =	sbr.rel @p0 .LBB2_5-.Ltmp1, $2  }
0x7f: {  	_ =	sdelay $0x2  }
0x80: {  	s28 =	sshra.s32 s29, $0x2;
	s29 =	sadd.s32 $0x400, s29;
	[tilespmem:s26+$0x30] =	vst v0  }
0x81: {  	v0 =	vld [tilespmem:s28+$0x6000];
	_ =	sdelay $0x3  }
0x82: {  	s26 =	sadd.s32 $0x80, s26  }
0x83: {  	[tilespmem:s26+$0xFFFFFFC0] =	vst v0  }
0x84: {  	v0 =	vld [tilespmem:s28+$0x60C0];
	_ =	sdelay $0x4  }
0x85: {  	[tilespmem:s26+$0x0] =	vst v0  }
0x86: {  	v0 =	vld [tilespmem:s28+$0x6010];
	_ =	sdelay $0x4  }
0x87: {  	[tilespmem:s26+$0xFFFFFFD0] =	vst v0  }
0x88: {  	v0 =	vld [tilespmem:s28+$0x60D0];
	_ =	sdelay $0x4  }
0x89: {  	[tilespmem:s26+$0x10] =	vst v0  }
0x8a: {  	v0 =	vld [tilespmem:s28+$0x6020];
	_ =	sdelay $0x4  }
0x8b: {  	[tilespmem:s26+$0xFFFFFFE0] =	vst v0  }
0x8c: {  	v0 =	vld [tilespmem:s28+$0x60E0];
	_ =	sdelay $0x4  }
0x8d: {  	[tilespmem:s26+$0x20] =	vst v0  }
0x8e: {  	v0 =	vld [tilespmem:s28+$0x6030];
	_ =	sdelay $0x4  }
0x8f: {  	[tilespmem:s26+$0xFFFFFFF0] =	vst v0  }
0x90: {  	v0 =	vld [tilespmem:s28+$0x60F0];
	_ =	sdelay $0x1  }
0x91: {  	s25 =	sadd.s32 s25, s3  }
0x92: {  	s25 =	sshll.u32 s25, $0x3  }
0x93: {  	s25 =	sadd.s32 s5, s25  }
0x94: {  	s30 =	sadd.s32 $0x400, s25;
	[tilespmem:s26+$0x30] =	vst v0  }
0x95: {  	[hbm4b:s30+s2] =	stream.linear.scatter [tilespmem:s17], [sflag:$0x5], $0x2000, $0x38;
	[tilespmem:$0x14000] =	vst v63  }
0x96: {  	p0 =	seq.s32 s22, $0xF;
	_ =	swait.ge [sflag:s11], $0x2000  }
0x97: {  	s29 =	simm.s32 @!p0 $0x2000;
	[sflag:s11] =	ssyncset.done $0x0  }
0x98: {  	s28 =	simm.s32 @!p0 $0x80;
	s26 =	sadd.s32 @!p0 $0x200, s24;
	[sflag:s11] =	ssyncadd.s32 $0xFFFFE000  }
0x99: {  	[tilespmem:s29], [sflag:$0x1] =	stream.indirect.gather @!p0 [hbm4b:s4+s28], $0x80, s26, s28, $0xb8;
	[tilespmem:$0x14000] =	vst v63  }
0x9a: {  	s24 =	sadd.s32 @!p0 $0x280, s24;
	s26 =	simm.s32 @!p0 $0x6000  }
0x9b: {  	[tilespmem:s26], [sflag:$0x2] =	stream.indirect.gather @!p0 [hbm4b:s4+s28], $0x80, s24, s28, $0xb8;
	[tilespmem:$0x14000] =	vst v63  }
0x9c: {  	_ =	swait.ge [sflag:s19], $0x4000  }
0x9d: {  	[sflag:s19] =	ssyncset.done $0x0  }
0x9e: {  	s31 =	simm.s32 $0x0;
	[sflag:s19] =	ssyncadd.s32 $0xFFFFC000  }
0x9f: {  	v63 =	vld [tilespmem:s31+$0xA000];
	_ =	sdelay $0x3  }
0xa0: {  	s24 =	simm.s32 $0x12040  }
0xa1: {  	[tilespmem:s24+$0xFFFFFFC0] =	vst v63  }
0xa2: {  	v0 =	vld [tilespmem:s31+$0xA0C0];
	_ =	sdelay $0x4  }
0xa3: {  	[tilespmem:s24+$0x0] =	vst v0  }
0xa4: {  	v0 =	vld [tilespmem:s31+$0xA010];
	_ =	sdelay $0x4  }
0xa5: {  	[tilespmem:s24+$0xFFFFFFD0] =	vst v0  }
0xa6: {  	v0 =	vld [tilespmem:s31+$0xA0D0];
	_ =	sdelay $0x4  }
0xa7: {  	[tilespmem:s24+$0x10] =	vst v0  }
0xa8: {  	v0 =	vld [tilespmem:s31+$0xA020];
	_ =	sdelay $0x4  }
0xa9: {  	[tilespmem:s24+$0xFFFFFFE0] =	vst v0  }
0xaa: {  	v0 =	vld [tilespmem:s31+$0xA0E0];
	_ =	sdelay $0x4  }
0xab: {  	[tilespmem:s24+$0x20] =	vst v0  }
0xac: {  	v0 =	vld [tilespmem:s31+$0xA030];
	_ =	sdelay $0x4  }
0xad: {  	[tilespmem:s24+$0xFFFFFFF0] =	vst v0  }
0xae: {  	v0 =	vld [tilespmem:s31+$0xA0F0];
	_ =	sdelay $0x4  }
0xaf: {  	s26 =	simm.s32 $0x100;
	s28 =	simm.s32 $0x800;
	[tilespmem:s24+$0x30] =	vst v0  }
.LBB2_7:
0xb0: {  	p0 =	sne.s32 s28, $0xFC00;
	v0 =	vld [tilespmem:s26+$0xA000];
	_ =	sdelay $0x3  }
0xb1: {  	s24 =	sadd.s32 $0x80, s24  }
0xb2: {  	[tilespmem:s24+$0xFFFFFFC0] =	vst v0  }
0xb3: {  	v0 =	vld [tilespmem:s26+$0xA0C0];
	_ =	sdelay $0x4  }
0xb4: {  	[tilespmem:s24+$0x0] =	vst v0  }
0xb5: {  	v0 =	vld [tilespmem:s26+$0xA010];
	_ =	sdelay $0x4  }
0xb6: {  	[tilespmem:s24+$0xFFFFFFD0] =	vst v0  }
0xb7: {  	v0 =	vld [tilespmem:s26+$0xA0D0];
	_ =	sdelay $0x4  }
0xb8: {  	[tilespmem:s24+$0x10] =	vst v0  }
0xb9: {  	v0 =	vld [tilespmem:s26+$0xA020];
	_ =	sdelay $0x4  }
0xba: {  	[tilespmem:s24+$0xFFFFFFE0] =	vst v0  }
0xbb: {  	v0 =	vld [tilespmem:s26+$0xA0E0];
	_ =	sdelay $0x4  }
0xbc: {  	[tilespmem:s24+$0x20] =	vst v0  }
0xbd: {  	v0 =	vld [tilespmem:s26+$0xA030];
	_ =	sdelay $0x4  }
0xbe: {  	[tilespmem:s24+$0xFFFFFFF0] =	vst v0  }
0xbf: {  	v0 =	vld [tilespmem:s26+$0xA0F0]  }
.Ltmp2:
0xc0: {  	(pc) =	sbr.rel @p0 .LBB2_7-.Ltmp2, $2  }
0xc1: {  	_ =	sdelay $0x2  }
0xc2: {  	s26 =	sshra.s32 s28, $0x2;
	s28 =	sadd.s32 $0x400, s28;
	[tilespmem:s24+$0x30] =	vst v0  }
0xc3: {  	v0 =	vld [tilespmem:s26+$0xA000];
	_ =	sdelay $0x3  }
0xc4: {  	s24 =	sadd.s32 $0x80, s24  }
0xc5: {  	[tilespmem:s24+$0xFFFFFFC0] =	vst v0  }
0xc6: {  	v0 =	vld [tilespmem:s26+$0xA0C0];
	_ =	sdelay $0x4  }
0xc7: {  	[tilespmem:s24+$0x0] =	vst v0  }
0xc8: {  	v0 =	vld [tilespmem:s26+$0xA010];
	_ =	sdelay $0x4  }
0xc9: {  	[tilespmem:s24+$0xFFFFFFD0] =	vst v0  }
0xca: {  	v0 =	vld [tilespmem:s26+$0xA0D0];
	_ =	sdelay $0x4  }
0xcb: {  	[tilespmem:s24+$0x10] =	vst v0  }
0xcc: {  	v0 =	vld [tilespmem:s26+$0xA020];
	_ =	sdelay $0x4  }
0xcd: {  	[tilespmem:s24+$0xFFFFFFE0] =	vst v0  }
0xce: {  	v0 =	vld [tilespmem:s26+$0xA0E0];
	_ =	sdelay $0x4  }
0xcf: {  	[tilespmem:s24+$0x20] =	vst v0  }
0xd0: {  	v0 =	vld [tilespmem:s26+$0xA030];
	_ =	sdelay $0x4  }
0xd1: {  	[tilespmem:s24+$0xFFFFFFF0] =	vst v0  }
0xd2: {  	v0 =	vld [tilespmem:s26+$0xA0F0];
	_ =	sdelay $0x3  }
0xd3: {  	s23 =	sshll.u32 s23, $0xA  }
0xd4: {  	s30 =	simm.s32 $0x0;
	s23 =	sadd.s32 s23, s7;
	[tilespmem:s24+$0x30] =	vst v0  }
0xd5: {  	[hbm4b:s23+s30] =	stream.linear.scatter [tilespmem:s17], [sflag:$0x5], $0x2000, $0x38;
	[tilespmem:$0x14000] =	vst v63  }
0xd6: {  	_ =	swait.ge [sflag:s11], $0x2000  }
0xd7: {  	[sflag:s11] =	ssyncset.done $0x0  }
0xd8: {  	[sflag:s11] =	ssyncadd.s32 $0xFFFFE000  }
0xd9: {  	_ =	swait.ge [sflag:s20], $0x4000  }
0xda: {  	[sflag:s20] =	ssyncset.done $0x0  }
0xdb: {  	s31 =	simm.s32 $0x0;
	[sflag:s20] =	ssyncadd.s32 $0xFFFFC000  }
0xdc: {  	v63 =	vld [tilespmem:s31+$0xE000];
	_ =	sdelay $0x3  }
0xdd: {  	s23 =	simm.s32 $0x12040  }
0xde: {  	[tilespmem:s23+$0xFFFFFFC0] =	vst v63  }
0xdf: {  	v0 =	vld [tilespmem:s31+$0xE0C0];
	_ =	sdelay $0x4  }
0xe0: {  	[tilespmem:s23+$0x0] =	vst v0  }
0xe1: {  	v0 =	vld [tilespmem:s31+$0xE010];
	_ =	sdelay $0x4  }
0xe2: {  	[tilespmem:s23+$0xFFFFFFD0] =	vst v0  }
0xe3: {  	v0 =	vld [tilespmem:s31+$0xE0D0];
	_ =	sdelay $0x4  }
0xe4: {  	[tilespmem:s23+$0x10] =	vst v0  }
0xe5: {  	v0 =	vld [tilespmem:s31+$0xE020];
	_ =	sdelay $0x4  }
0xe6: {  	[tilespmem:s23+$0xFFFFFFE0] =	vst v0  }
0xe7: {  	v0 =	vld [tilespmem:s31+$0xE0E0];
	_ =	sdelay $0x4  }
0xe8: {  	[tilespmem:s23+$0x20] =	vst v0  }
0xe9: {  	v0 =	vld [tilespmem:s31+$0xE030];
	_ =	sdelay $0x4  }
0xea: {  	[tilespmem:s23+$0xFFFFFFF0] =	vst v0  }
0xeb: {  	v0 =	vld [tilespmem:s31+$0xE0F0];
	_ =	sdelay $0x4  }
0xec: {  	s26 =	simm.s32 $0x800;
	s24 =	simm.s32 $0x100;
	[tilespmem:s23+$0x30] =	vst v0  }
.LBB2_9:
0xed: {  	p0 =	sne.s32 s26, $0xFC00;
	v0 =	vld [tilespmem:s24+$0xE000];
	_ =	sdelay $0x3  }
0xee: {  	s23 =	sadd.s32 $0x80, s23  }
0xef: {  	[tilespmem:s23+$0xFFFFFFC0] =	vst v0  }
0xf0: {  	v0 =	vld [tilespmem:s24+$0xE0C0];
	_ =	sdelay $0x4  }
0xf1: {  	[tilespmem:s23+$0x0] =	vst v0  }
0xf2: {  	v0 =	vld [tilespmem:s24+$0xE010];
	_ =	sdelay $0x4  }
0xf3: {  	[tilespmem:s23+$0xFFFFFFD0] =	vst v0  }
0xf4: {  	v0 =	vld [tilespmem:s24+$0xE0D0];
	_ =	sdelay $0x4  }
0xf5: {  	[tilespmem:s23+$0x10] =	vst v0  }
0xf6: {  	v0 =	vld [tilespmem:s24+$0xE020];
	_ =	sdelay $0x4  }
0xf7: {  	[tilespmem:s23+$0xFFFFFFE0] =	vst v0  }
0xf8: {  	v0 =	vld [tilespmem:s24+$0xE0E0];
	_ =	sdelay $0x4  }
0xf9: {  	[tilespmem:s23+$0x20] =	vst v0  }
0xfa: {  	v0 =	vld [tilespmem:s24+$0xE030];
	_ =	sdelay $0x4  }
0xfb: {  	[tilespmem:s23+$0xFFFFFFF0] =	vst v0  }
0xfc: {  	v0 =	vld [tilespmem:s24+$0xE0F0]  }
.Ltmp3:
0xfd: {  	(pc) =	sbr.rel @p0 .LBB2_9-.Ltmp3, $2  }
0xfe: {  	_ =	sdelay $0x2  }
0xff: {  	s24 =	sshra.s32 s26, $0x2;
	s26 =	sadd.s32 $0x400, s26;
	[tilespmem:s23+$0x30] =	vst v0  }
0x100: {  	v0 =	vld [tilespmem:s24+$0xE000];
	_ =	sdelay $0x3  }
0x101: {  	s23 =	sadd.s32 $0x80, s23  }
0x102: {  	[tilespmem:s23+$0xFFFFFFC0] =	vst v0  }
0x103: {  	v0 =	vld [tilespmem:s24+$0xE0C0];
	_ =	sdelay $0x4  }
0x104: {  	[tilespmem:s23+$0x0] =	vst v0  }
0x105: {  	v0 =	vld [tilespmem:s24+$0xE010];
	_ =	sdelay $0x4  }
0x106: {  	[tilespmem:s23+$0xFFFFFFD0] =	vst v0  }
0x107: {  	v0 =	vld [tilespmem:s24+$0xE0D0];
	_ =	sdelay $0x4  }
0x108: {  	[tilespmem:s23+$0x10] =	vst v0  }
0x109: {  	v0 =	vld [tilespmem:s24+$0xE020];
	_ =	sdelay $0x4  }
0x10a: {  	[tilespmem:s23+$0xFFFFFFE0] =	vst v0  }
0x10b: {  	v0 =	vld [tilespmem:s24+$0xE0E0];
	_ =	sdelay $0x4  }
0x10c: {  	[tilespmem:s23+$0x20] =	vst v0  }
0x10d: {  	v0 =	vld [tilespmem:s24+$0xE030];
	_ =	sdelay $0x4  }
0x10e: {  	[tilespmem:s23+$0xFFFFFFF0] =	vst v0  }
0x10f: {  	v0 =	vld [tilespmem:s24+$0xE0F0];
	_ =	sdelay $0x2  }
0x110: {  	s22 =	sadd.s32 $0x1, s22  }
0x111: {  	p0 =	sne.s32 s22, $0x10  }
.Ltmp4:
0x112: {  	s31 =	sadd.s32 $0xC00, s25;
	[tilespmem:s23+$0x30] =	vst v0;
	(pc) =	sbr.rel @p0 .LBB2_2-.Ltmp4, $4  }
0x113: {  	[hbm4b:s31+s2] =	stream.linear.scatter [tilespmem:s17], [sflag:$0x5], $0x2000, $0x38;
	[tilespmem:$0x14000] =	vst v63  }
0x114: {  	_ =	swait.ge [sflag:s11], $0x2000  }
0x115: {  	[sflag:s11] =	ssyncset.done $0x0  }
0x116: {  	[sflag:s11] =	ssyncadd.s32 $0xFFFFE000  }
0x117: {  	s21 =	sadd.s32 $0x1, s21  }
0x118: {  	p0 =	sne.s32 s21, s8  }
.Ltmp5:
0x119: {  	_ = 	snop;
	(pc) =	sbr.rel @p0 .LBB2_1-.Ltmp5, $1  }
0x11a: {  	_ =	sdelay $0x3  }
0x11b: {  	_ =	sfence.sel $0x180000  }
0x11c: {  	[bflag:$0x0] =	sbarrier.arrive $0xFFFF  }
0x11d: {  	p0 =	sne.s32 s0, $0x0;
	_ =	strace $0x9000004D  }
0x11e: {  	s0 =	sadd.s32 @!p0 $0x100000, s1;
	[bflag:$0x2] =	sbarrier.arrive $0xFFFF  }
0x11f: {  	[sflag:s0] =	ssyncadd.tile.s32 @!p0 $0x1;
	_ =	shalt  }
.Lfunc_end2:
_tile_overlayer_lowered:
.L_overlay_start_2:
0x120: {  	(tag) =	ssettag $0x2  }
0x121: {  	s0 =	rddreg [dreg:$0x0];
	s2 =	stileid.u32  }
0x122: {  	s1 =	rddreg [dreg:$0x1];
	p0 =	sne.s32 s2, $0x0  }
0x123: {  	s3 =	rddreg [dreg:$0x2];
	[bflag:$0x3] =	sbarrier.arrive $0xFFFF;
	s2 =	simm.s32 @!p0 $0x1C05  }
0x124: {  	[timem:s3], [sflag:s2] =	dma.local @!p0 [hbm:s0], s1  }
0x125: {  	s0 =	simm.s32 @!p0 $0x5  }
0x126: {  	_ =	swait.ge @!p0 [sflag:s0], s1  }
0x127: {  	s1 =	ssub.s32 @!p0 $0x0, s1;
	[sflag:s0] =	ssyncset.done @!p0 $0x0  }
0x128: {  	[sflag:s0] =	ssyncadd.s32 @!p0 s1  }
0x129: {  	[bflag:$0x3] =	sbarrier.arrive $0xFFFF  }
0x12a: {  	_ =	shalt  }

// kernel: kernel.18.cloned.1.call-start
scs
__scs_entry_jumppad:
0x0: {  	(pc) =	sbr.rel $0x88, $3  }
0x1: {  	(tag) =	ssettag $0x0;
	lr =	simm.s32 $0x1  }
0x2: {  	[smem:$0x3F8C] =	sst lr;
	_ =	strace $0xD0000000  }
0x3: {  	_ = 	snop  }
0x4: {  	_ = 	snop  }
0x5: {  	_ = 	snop  }
0x6: {  	_ = 	snop  }
0x7: {  	_ = 	snop  }
__scs_overlays_trampoline_lowered:
0x8: {  	[smem:$0x3F9B] =	sst s0  }
0x9: {  	[smem:$0x3F9C] =	sst s1  }
0xa: {  	[smem:$0x3F9D] =	sst s2  }
0xb: {  	[smem:$0x3F9E] =	sst s3  }
0xc: {  	[smem:$0x3F9F] =	sst s4  }
0xd: {  	[smem:$0x3FA0] =	sst s5  }
0xe: {  	[smem:$0x3FA1] =	sst s6  }
0xf: {  	[smem:$0x3FA2] =	sst s7  }
0x10: {  	[smem:$0x3FA3] =	sst s8  }
0x11: {  	[smem:$0x3FA4] =	sst s9;
	s0 =	simm.s32 @!p0 $0x0  }
0x12: {  	s1 =	sld [smem:$0x3F8A];
	s0 =	simm.s32 @p0 $0x1  }
0x13: {  	[smem:$0x3FA5] =	sst s0;
	s0 =	simm.s32 @!p1 $0x0  }
0x14: {  	s2 =	sld [smem:$0x3F89];
	s0 =	simm.s32 @p1 $0x1  }
0x15: {  	[smem:$0x3FA6] =	sst s0;
	s0 =	simm.s32 @!p2 $0x0  }
0x16: {  	s3 =	sld [smem:$0x3FDB];
	s0 =	simm.s32 @p2 $0x1  }
0x17: {  	s4 =	simm.s32 $0x1BF5;
	[smem:$0x3FA8] =	sst s0  }
0x18: {  	s0 =	sld [smem:$0x3F8B];
	_ =	swait.ge [sflag:s4], $0x0  }
0x19: {  	s7 =	sld [smem:$0x3F8C]  }
0x1a: {  	s8 =	sadd.s32 $0xFFFFE003, lr  }
0x1b: {  	s9 =	sadd.s32 $0xFFFFFEF7, lr;
	s5 =	simm.s32 $0xFFFFFFFF;
	p2 =	slt.u32 s8, $0xFFFFF086  }
0x1c: {  	p1 =	slt.u32 s9, $0xF7A;
	s5 =	simm.s32 @!p2 $0x0  }
0x1d: {  	s5 =	simm.s32 @p1 $0x1;
	p0 =	seq.s32 s7, s2  }
0x1e: {  	s7 =	smul.u32 @!p0 $0xF7A, s2;
	p2 =	seq.s32 @!p0 s5, $0x0  }
0x1f: {  	s9 =	smul.u32 $0xF7A, s1;
	s8 =	simm.s32 @!p0 $0x1BF5;
	p2 =	por !p2, p0  }
0x20: {  	[sflag:s8] =	ssyncset.s32 @!p0 $0xFFFFF086;
	s6 =	sadd.s32 @!p0 s3, s7;
	s7 =	simm.s32 @!p0 $0x108  }
0x21: {  	s3 =	sadd.s32 s3, s9;
	s6 =	sadd.s32 @!p0 $0x88, s6;
	s7 =	simm.s32 @p2 $0x1082  }
0x22: {  	[simem:s7], [sflag:s8] =	dma.local @!p0 [hbm:s6], $0xF7A  }
0x23: {  	s9 =	sor.u32 $0xD0000000, s2;
	s6 =	simm.s32 $0x108;
	_ =	swait.ge @!p0 [sflag:s8], $0x0  }
0x24: {  	s3 =	sadd.s32 $0x88, s3;
	s6 =	simm.s32 @!p1 $0x1082;
	[sflag:s4] =	ssyncset.s32 $0xFFFFF086  }
0x25: {  	[simem:s6], [sflag:s4] =	dma.local [hbm:s3], $0xF7A  }
0x26: {  	[smem:$0x3F8C] =	sst s1;
	(tag) =	ssettag s2;
	_ =	strace s9  }
0x27: {  	s1 =	sld [smem:$0x3F9C]  }
0x28: {  	s2 =	sld [smem:$0x3F9D]  }
0x29: {  	s4 =	sld [smem:$0x3F9F]  }
0x2a: {  	p0 =	seq.s32 s5, $0x0;
	s5 =	sld [smem:$0x3FA0]  }
0x2b: {  	s6 =	sld [smem:$0x3FA1]  }
0x2c: {  	s7 =	sld [smem:$0x3FA2]  }
0x2d: {  	s3 =	simm.s32 $0x108;
	s8 =	sld [smem:$0x3FA3]  }
0x2e: {  	s3 =	simm.s32 @!p0 $0x1082;
	s9 =	sld [smem:$0x3FA4]  }
0x2f: {  	lr =	sadd.s32 s0, s3;
	s0 =	sld [smem:$0x3F9B]  }
0x30: {  	s3 =	sld [smem:$0x3F9E]  }
0x31: {  	[smem:$0x3FA7] =	sst s10  }
0x32: {  	s10 =	sld [smem:$0x3FA5];
	_ =	sdelay $0x3  }
0x33: {  	p0 =	seq.s32 s10, $0x1;
	s10 =	sld [smem:$0x3FA7];
	_ =	sdelay $0x3  }
0x34: {  	[smem:$0x3FA7] =	sst s10  }
0x35: {  	s10 =	sld [smem:$0x3FA6];
	_ =	sdelay $0x3  }
0x36: {  	p1 =	seq.s32 s10, $0x1;
	s10 =	sld [smem:$0x3FA7];
	_ =	sdelay $0x3  }
0x37: {  	[smem:$0x3FA7] =	sst s10  }
0x38: {  	s10 =	sld [smem:$0x3FA8]  }
0x39: {  	_ = 	snop;
	(pc) =	sbr.ind lr, $3  }
0x3a: {  	_ = 	snop  }
0x3b: {  	_ = 	snop  }
0x3c: {  	p2 =	seq.s32 s10, $0x1;
	s10 =	sld [smem:$0x3FA7]  }
0x3d: {  	_ =	shalt  }
0x3e: {  	_ =	shalt  }
0x3f: {  	_ =	shalt  }
0x40: {  	_ =	shalt  }
0x41: {  	_ =	shalt  }
0x42: {  	_ =	shalt  }
0x43: {  	_ =	shalt  }
0x44: {  	_ =	shalt  }
0x45: {  	_ =	shalt  }
0x46: {  	_ =	shalt  }
0x47: {  	_ =	shalt  }
0x48: {  	_ =	shalt  }
0x49: {  	_ =	shalt  }
0x4a: {  	_ =	shalt  }
0x4b: {  	_ =	shalt  }
0x4c: {  	_ =	shalt  }
0x4d: {  	_ =	shalt  }
0x4e: {  	_ =	shalt  }
0x4f: {  	_ =	shalt  }
0x50: {  	_ =	shalt  }
0x51: {  	_ =	shalt  }
0x52: {  	_ =	shalt  }
0x53: {  	_ =	shalt  }
0x54: {  	_ =	shalt  }
0x55: {  	_ =	shalt  }
0x56: {  	_ =	shalt  }
0x57: {  	_ =	shalt  }
0x58: {  	_ =	shalt  }
0x59: {  	_ =	shalt  }
0x5a: {  	_ =	shalt  }
0x5b: {  	_ =	shalt  }
0x5c: {  	_ =	shalt  }
0x5d: {  	_ =	shalt  }
0x5e: {  	_ =	shalt  }
0x5f: {  	_ =	shalt  }
0x60: {  	_ =	shalt  }
0x61: {  	_ =	shalt  }
0x62: {  	_ =	shalt  }
0x63: {  	_ =	shalt  }
0x64: {  	_ =	shalt  }
0x65: {  	_ =	shalt  }
0x66: {  	_ =	shalt  }
0x67: {  	_ =	shalt  }
0x68: {  	_ =	shalt  }
0x69: {  	_ =	shalt  }
0x6a: {  	_ =	shalt  }
0x6b: {  	_ =	shalt  }
0x6c: {  	_ =	shalt  }
0x6d: {  	_ =	shalt  }
0x6e: {  	_ =	shalt  }
0x6f: {  	_ =	shalt  }
0x70: {  	_ =	shalt  }
0x71: {  	_ =	shalt  }
0x72: {  	_ =	shalt  }
0x73: {  	_ =	shalt  }
0x74: {  	_ =	shalt  }
0x75: {  	_ =	shalt  }
0x76: {  	_ =	shalt  }
0x77: {  	_ =	shalt  }
0x78: {  	_ =	shalt  }
0x79: {  	_ =	shalt  }
0x7a: {  	_ =	shalt  }
0x7b: {  	_ =	shalt  }
0x7c: {  	_ =	shalt  }
0x7d: {  	_ =	shalt  }
0x7e: {  	_ =	shalt  }
0x7f: {  	_ =	shalt  }
0x80: {  	_ =	shalt  }
0x81: {  	_ =	shalt  }
0x82: {  	_ =	shalt  }
0x83: {  	_ =	shalt  }
0x84: {  	_ =	shalt  }
0x85: {  	_ =	shalt  }
0x86: {  	_ =	shalt  }
0x87: {  	_ =	shalt  }
.Lfunc_end0:
.L_simem_size_0:
called_computation.2_lowered:
.L_overlay_start_0:
0x88: {  	s2 =	sld [smem:$0x3FD9]  }
0x89: {  	s3 =	sld [smem:$0x3FFE];
	_ =	sdelay $0x1  }
0x8a: {  	s1 =	srdreg.scid  }
0x8b: {  	s0 =	sand.u32 $0x1, s1  }
0x8c: {  	s17 =	sshll.u32 s0, $0xA;
	s2 =	sadd.s32 s3, s2  }
0x8d: {  	s2 =	sadd.s32 s2, s17  }
0x8e: {  	[smem:$0x3FB3] =	sst s2  }
0x8f: {  	_ = 	snop  }
0x90: {  	(tm) =	ssettm $0x1  }
0x91: {  	s18 =	sld [smem:$0x3FFB];
	_ =	sdelay $0x3  }
0x92: {  	_ =	strace s18  }
0x93: {  	s2 =	sld [smem:$0x3FFC];
	_ =	sdelay $0x3  }
0x94: {  	_ =	strace s2  }
0x95: {  	s2 =	sld [smem:$0x3FFD];
	_ =	sdelay $0x3  }
0x96: {  	_ =	strace s2  }
0x97: {  	_ =	strace $0x8FFFFFFF  }
0x98: {  	s19 =	sld [smem:$0x3FDB];
	_ =	sdelay $0x1  }
0x99: {  	s20 =	simm.s32 $_scs_section_size  }
0x9a: {  	s4 =	simm.s32 $_size__tile_overlayer_lowered;
	s5 =	simm.s32 $_tile_overlayer_lowered  }
0x9b: {  	s6 =	simm.s32 $0x1BFF;
	s21 =	sshll.u32 s5, $0x1;
	s3 =	sadd.s32 s20, s19  }
0x9c: {  	s22 =	simm.s32 $0x0;
	s4 =	sshll.u32 s4, $0x1;
	s5 =	sadd.s32 s21, s3  }
0x9d: {  	[timem:s22], [sflag:s6] =	dma.local [hbm:s5], s4  }
0x9e: {  	_ =	swait.ge [sflag:s6], s4  }
0x9f: {  	s4 =	ssub.s32 $0x0, s4;
	[sflag:s6] =	ssyncset.done $0x0  }
0xa0: {  	[sflag:s6] =	ssyncadd.s32 s4;
	_ =	sdelay $0x1  }
0xa1: {  	s23 =	simm.s32 $0x1B8B  }
0xa2: {  	_ =	swait.ge [sflag:s23], $0x1  }
0xa3: {  	[sflag:s23] =	ssyncset.done $0x0  }
0xa4: {  	[sflag:s23] =	ssyncadd.s32 $0xFFFFFFFF  }
0xa5: {  	s4 =	sld [smem:$0x0]  }
0xa6: {  	s5 =	sand.u32 $0xFFFFFFFE, s1  }
0xa7: {  	p0 =	sne.s32 s1, s5  }
0xa8: {  	s5 =	sshll.u32 @p0 s5, $0xE  }
0xa9: {  	s5 =	sadd.s32 @p0 $0x11B8D, s5;
	s6 =	sshll.u32 @p0 s4, $0x11  }
0xaa: {  	s5 =	sor.u32 @p0 s6, s5  }
0xab: {  	[sflag:s5] =	ssyncadd.remote.s32 @p0 $0x1;
	_ =	sdelay $0x1  }
0xac: {  	s5 =	simm.s32 @p0 $0x1B8D  }
0xad: {  	_ =	swait.eq @p0 [sflag:s5], $0x1  }
0xae: {  	[sflag:s5] =	ssyncadd.s32 @p0 $0xFFFFFFFF  }
0xaf: {  	s6 =	sshll.u32 @!p0 s1, $0xE  }
0xb0: {  	s6 =	sor.u32 @!p0 $0x4000, s6;
	s5 =	simm.s32 @!p0 $0x1B8D  }
0xb1: {  	s4 =	sshll.u32 @!p0 s4, $0x11;
	s6 =	sadd.s32 @!p0 $0x11B8D, s6;
	_ =	swait.eq @!p0 [sflag:s5], $0x1  }
0xb2: {  	s4 =	sor.u32 @!p0 s4, s6;
	[sflag:s5] =	ssyncadd.s32 @!p0 $0xFFFFFFFF  }
0xb3: {  	s25 =	simm.s32 $0x1B8E;
	s24 =	sld [smem:$0x3FFE];
	[sflag:s4] =	ssyncadd.remote.s32 @!p0 $0x1  }
0xb4: {  	s26 =	simm.s32 $execute0_lowered;
	[smem:$0x3FD2] =	sst s25  }
0xb5: {  	s5 =	sshll.u32 s26, $0x1;
	_ =	strace $0x80000049;
	[dreg:$0x1] =	wrdreg $0xFFFFFFFF  }
0xb6: {  	s28 =	simm.s32 $_size_execute0_lowered;
	s3 =	sadd.s32 s3, s5;
	[dreg:$0x0] =	wrdreg $0x0  }
0xb7: {  	s5 =	sshll.u32 s28, $0x1;
	[dreg:$0x2] =	wrdreg s3  }
0xb8: {  	[dreg:$0x3] =	wrdreg s5  }
0xb9: {  	[dreg:$0x4] =	wrdreg $0xC0  }
0xba: {  	_ =	task [dreg:s22], $0x5FFFF  }
0xbb: {  	[dreg:$0x1] =	wrdreg $0xFFFFFFFF  }
0xbc: {  	[dreg:$0x0] =	wrdreg $0x60  }
0xbd: {  	[dreg:$0x2] =	wrdreg s24  }
0xbe: {  	[dreg:$0x3] =	wrdreg $0xA  }
0xbf: {  	_ =	task.clear_ibuf [dreg:s22], $0x4FFFF;
	_ =	strace $0x90000049  }
0xc0: {  	s29 =	simm.s32 $0xA;
	_ =	strace $0x8000004B  }
0xc1: {  	_ =	swait.ge [sflag:s29], $0x1  }
0xc2: {  	[sflag:s29] =	ssyncadd.s32 $0xFFFFFFFF  }
0xc3: {  	_ =	strace $0x9000004B  }
0xc4: {  	_ =	sfence  }
0xc5: {  	s30 =	sld [smem:$0x0];
	_ =	sdelay $0x2  }
0xc6: {  	s31 =	sshll.u32 s1, $0xD;
	s1 =	sshrl.u32 s1, $0x2  }
0xc7: {  	s4 =	sand.u32 $0x4000, s31;
	s1 =	sadd.s32 s1, s30  }
0xc8: {  	s0 =	sor.u32 s4, s0;
	s1 =	sshll.u32 s1, $0x11  }
0xc9: {  	s0 =	sor.u32 s1, s0  }
0xca: {  	s0 =	sadd.s32 $0x8F2B, s0  }
0xcb: {  	[sflag:s0] =	ssyncadd.remote.s32 $0x1  }
0xcc: {  	_ =	sfence.sel $0xFFFF  }
0xcd: {  	[dreg:$0x0] =	wrdreg $0xFFFFFFFF;
	(pc) =	sbr.abs _section_cstart, $3  }
0xce: {  	[dreg:$0x1] =	wrdreg $0xFFFFFFFF  }
0xcf: {  	_ =	task.clear_ibuf [dreg:s22], $0x2FFFF;
	_ =	strace $0x9FFFFFFF  }
0xd0: {  	(tm) =	ssettm $0x7FFFFFFF  }
0xd1: {  	_ =	shalt  }
tec
execute0_lowered:
.L_overlay_start_1:
0x0: {  	(tag) =	ssettag $0x1  }
0x1: {  	s1 =	srdreg.scid;
	s0 =	stileid.u32  }
0x2: {  	s5 =	rddreg [dreg:$0x0];
	s10 =	simm.s32 $0x400;
	s11 =	simm.s32 $0x5  }
0x3: {  	s12 =	simm.s32 $0x2000;
	s13 =	simm.s32 $0x6000;
	s14 =	simm.s32 $0xA000  }
0x4: {  	s15 =	simm.s32 $0xE000;
	s16 =	simm.s32 $0x1;
	s17 =	simm.s32 $0x12000  }
0x5: {  	s18 =	simm.s32 $0x2;
	s6 =	sand.u32 $0x1, s1;
	s2 =	sshll.u32 s0, $0x1  }
0x6: {  	s19 =	simm.s32 $0x3;
	s20 =	simm.s32 $0x4;
	s7 =	sor.u32 s6, s2  }
0x7: {  	s21 =	simm.s32 $0x0;
	s3 =	sshll.u32 s7, $0xD;
	s4 =	sshll.u32 s7, $0x7  }
0x8: {  	s1 =	rddreg [dreg:$0x1];
	s2 =	simm.s32 $0x0;
	s4 =	sor.u32 s4, s3  }
0x9: {  	s6 =	ssub.s32 $0x2, s6;
	[smem:$0x7FF] =	sst s2;
	s8 =	sand.u32 $0x30380, s4  }
0xa: {  	s9 =	sshrl.u32 s6, $0x1;
	s7 =	sshll.u32 s7, $0x10;
	s8 =	sshrl.u32 s8, $0x3  }
0xb: {  	_ =	strace $0x8000004A;
	s4 =	sadd.s32 $0x32BC00, s5;
	s8 =	sadd.s32 s8, s5  }
0xc: {  	s9 =	ssub.s32 s6, s9;
	s5 =	sadd.s32 $0x3EBC00, s5;
	s6 =	sadd.s32 $0x11BC00, s8  }
0xd: {  	s7 =	sadd.s32 s5, s7;
	s8 =	smax.u32 s9, $0x1;
	s9 =	simm.s32 $0x80  }
.LBB2_1:
0xe: {  	[tilespmem:s2], [sflag:$0x5] =	stream.strided.gather [hbm4b:s6+s9], $0x2000, s10, s9, $0x38;
	[tilespmem:$0x14000] =	vst v63  }
0xf: {  	_ =	swait.ge [sflag:s11], $0x2000  }
0x10: {  	[sflag:s11] =	ssyncset.done $0x0  }
0x11: {  	[sflag:s11] =	ssyncadd.s32 $0xFFFFE000  }
0x12: {  	[tilespmem:s12], [sflag:$0x1] =	stream.indirect.gather [hbm4b:s4+s9], $0x80, s2, s9, $0xb8;
	[tilespmem:$0x14000] =	vst v63  }
0x13: {  	s22 =	simm.s32 $0x0  }
0x14: {  	[tilespmem:s13], [sflag:$0x2] =	stream.indirect.gather [hbm4b:s4+s9], $0x80, s9, s9, $0xb8;
	[tilespmem:$0x14000] =	vst v63  }
.LBB2_2:
0x15: {  	s23 =	sshll.u32 s22, $0x2  }
0x16: {  	s23 =	sor.u32 $0x2, s23  }
0x17: {  	s24 =	sshll.u32 s23, $0x7  }
0x18: {  	s25 =	sshll.u32 s22, $0x9;
	s24 =	sand.u32 $0x3FFFFF00, s24  }
0x19: {  	[tilespmem:s14], [sflag:$0x3] =	stream.indirect.gather [hbm4b:s4+s9], $0x80, s24, s9, $0xb8;
	[tilespmem:$0x14000] =	vst v63  }
0x1a: {  	s24 =	sand.u32 $0x3FFFFE00, s25  }
0x1b: {  	s26 =	sor.u32 $0x180, s24  }
0x1c: {  	[tilespmem:s15], [sflag:$0x4] =	stream.indirect.gather [hbm4b:s4+s9], $0x80, s26, s9, $0xb8;
	[tilespmem:$0x14000] =	vst v63  }
0x1d: {  	_ =	swait.ge [sflag:s16], $0x4000  }
0x1e: {  	[sflag:s16] =	ssyncset.done $0x0  }
0x1f: {  	s28 =	simm.s32 $0x0;
	[sflag:s16] =	ssyncadd.s32 $0xFFFFC000  }
0x20: {  	v0 =	vld [tilespmem:s28+$0x2000];
	_ =	sdelay $0x3  }
0x21: {  	s26 =	simm.s32 $0x12040  }
0x22: {  	[tilespmem:s26+$0xFFFFFFC0] =	vst v0  }
0x23: {  	v0 =	vld [tilespmem:s28+$0x20C0];
	_ =	sdelay $0x4  }
0x24: {  	[tilespmem:s26+$0x0] =	vst v0  }
0x25: {  	v0 =	vld [tilespmem:s28+$0x2010];
	_ =	sdelay $0x4  }
0x26: {  	[tilespmem:s26+$0xFFFFFFD0] =	vst v0  }
0x27: {  	v0 =	vld [tilespmem:s28+$0x20D0];
	_ =	sdelay $0x4  }
0x28: {  	[tilespmem:s26+$0x10] =	vst v0  }
0x29: {  	v0 =	vld [tilespmem:s28+$0x2020];
	_ =	sdelay $0x4  }
0x2a: {  	[tilespmem:s26+$0xFFFFFFE0] =	vst v0  }
0x2b: {  	v0 =	vld [tilespmem:s28+$0x20E0];
	_ =	sdelay $0x4  }
0x2c: {  	[tilespmem:s26+$0x20] =	vst v0  }
0x2d: {  	v0 =	vld [tilespmem:s28+$0x2030];
	_ =	sdelay $0x4  }
0x2e: {  	[tilespmem:s26+$0xFFFFFFF0] =	vst v0  }
0x2f: {  	v0 =	vld [tilespmem:s28+$0x20F0];
	_ =	sdelay $0x4  }
0x30: {  	s29 =	simm.s32 $0x800;
	s28 =	simm.s32 $0x100;
	[tilespmem:s26+$0x30] =	vst v0  }
.LBB2_3:
0x31: {  	p0 =	sne.s32 s29, $0xFC00;
	v0 =	vld [tilespmem:s28+$0x2000];
	_ =	sdelay $0x3  }
0x32: {  	s26 =	sadd.s32 $0x80, s26  }
0x33: {  	[tilespmem:s26+$0xFFFFFFC0] =	vst v0  }
0x34: {  	v0 =	vld [tilespmem:s28+$0x20C0];
	_ =	sdelay $0x4  }
0x35: {  	[tilespmem:s26+$0x0] =	vst v0  }
0x36: {  	v0 =	vld [tilespmem:s28+$0x2010];
	_ =	sdelay $0x4  }
0x37: {  	[tilespmem:s26+$0xFFFFFFD0] =	vst v0  }
0x38: {  	v0 =	vld [tilespmem:s28+$0x20D0];
	_ =	sdelay $0x4  }
0x39: {  	[tilespmem:s26+$0x10] =	vst v0  }
0x3a: {  	v0 =	vld [tilespmem:s28+$0x2020];
	_ =	sdelay $0x4  }
0x3b: {  	[tilespmem:s26+$0xFFFFFFE0] =	vst v0  }
0x3c: {  	v0 =	vld [tilespmem:s28+$0x20E0];
	_ =	sdelay $0x4  }
0x3d: {  	[tilespmem:s26+$0x20] =	vst v0  }
0x3e: {  	v0 =	vld [tilespmem:s28+$0x2030];
	_ =	sdelay $0x4  }
0x3f: {  	[tilespmem:s26+$0xFFFFFFF0] =	vst v0  }
0x40: {  	v0 =	vld [tilespmem:s28+$0x20F0]  }
.Ltmp0:
0x41: {  	(pc) =	sbr.rel @p0 .LBB2_3-.Ltmp0, $2  }
0x42: {  	_ =	sdelay $0x2  }
0x43: {  	s28 =	sshra.s32 s29, $0x2;
	s29 =	sadd.s32 $0x400, s29;
	[tilespmem:s26+$0x30] =	vst v0  }
0x44: {  	v0 =	vld [tilespmem:s28+$0x2000];
	_ =	sdelay $0x3  }
0x45: {  	s26 =	sadd.s32 $0x80, s26  }
0x46: {  	[tilespmem:s26+$0xFFFFFFC0] =	vst v0  }
0x47: {  	v0 =	vld [tilespmem:s28+$0x20C0];
	_ =	sdelay $0x4  }
0x48: {  	[tilespmem:s26+$0x0] =	vst v0  }
0x49: {  	v0 =	vld [tilespmem:s28+$0x2010];
	_ =	sdelay $0x4  }
0x4a: {  	[tilespmem:s26+$0xFFFFFFD0] =	vst v0  }
0x4b: {  	v0 =	vld [tilespmem:s28+$0x20D0];
	_ =	sdelay $0x4  }
0x4c: {  	[tilespmem:s26+$0x10] =	vst v0  }
0x4d: {  	v0 =	vld [tilespmem:s28+$0x2020];
	_ =	sdelay $0x4  }
0x4e: {  	[tilespmem:s26+$0xFFFFFFE0] =	vst v0  }
0x4f: {  	v0 =	vld [tilespmem:s28+$0x20E0];
	_ =	sdelay $0x4  }
0x50: {  	[tilespmem:s26+$0x20] =	vst v0  }
0x51: {  	v0 =	vld [tilespmem:s28+$0x2030];
	_ =	sdelay $0x4  }
0x52: {  	[tilespmem:s26+$0xFFFFFFF0] =	vst v0  }
0x53: {  	v0 =	vld [tilespmem:s28+$0x20F0];
	_ =	sdelay $0x3  }
0x54: {  	s28 =	sshll.u32 s22, $0xC  }
0x55: {  	s31 =	sadd.s32 s28, s7;
	s28 =	simm.s32 $0x0;
	[tilespmem:s26+$0x30] =	vst v0  }
0x56: {  	[hbm4b:s31+s28] =	stream.linear.scatter [tilespmem:s17], [sflag:$0x5], $0x2000, $0x38;
	[tilespmem:$0x14000] =	vst v63  }
0x57: {  	_ =	swait.ge [sflag:s11], $0x2000  }
0x58: {  	[sflag:s11] =	ssyncset.done $0x0  }
0x59: {  	[sflag:s11] =	ssyncadd.s32 $0xFFFFE000  }
0x5a: {  	_ =	swait.ge [sflag:s18], $0x4000  }
0x5b: {  	[sflag:s18] =	ssyncset.done $0x0  }
0x5c: {  	s28 =	simm.s32 $0x0;
	[sflag:s18] =	ssyncadd.s32 $0xFFFFC000  }
0x5d: {  	v63 =	vld [tilespmem:s28+$0x6000];
	_ =	sdelay $0x3  }
0x5e: {  	s26 =	simm.s32 $0x12040  }
0x5f: {  	[tilespmem:s26+$0xFFFFFFC0] =	vst v63  }
0x60: {  	v0 =	vld [tilespmem:s28+$0x60C0];
	_ =	sdelay $0x4  }
0x61: {  	[tilespmem:s26+$0x0] =	vst v0  }
0x62: {  	v0 =	vld [tilespmem:s28+$0x6010];
	_ =	sdelay $0x4  }
0x63: {  	[tilespmem:s26+$0xFFFFFFD0] =	vst v0  }
0x64: {  	v0 =	vld [tilespmem:s28+$0x60D0];
	_ =	sdelay $0x4  }
0x65: {  	[tilespmem:s26+$0x10] =	vst v0  }
0x66: {  	v0 =	vld [tilespmem:s28+$0x6020];
	_ =	sdelay $0x4  }
0x67: {  	[tilespmem:s26+$0xFFFFFFE0] =	vst v0  }
0x68: {  	v0 =	vld [tilespmem:s28+$0x60E0];
	_ =	sdelay $0x4  }
0x69: {  	[tilespmem:s26+$0x20] =	vst v0  }
0x6a: {  	v0 =	vld [tilespmem:s28+$0x6030];
	_ =	sdelay $0x4  }
0x6b: {  	[tilespmem:s26+$0xFFFFFFF0] =	vst v0  }
0x6c: {  	v0 =	vld [tilespmem:s28+$0x60F0];
	_ =	sdelay $0x4  }
0x6d: {  	s29 =	simm.s32 $0x800;
	s28 =	simm.s32 $0x100;
	[tilespmem:s26+$0x30] =	vst v0  }
.LBB2_5:
0x6e: {  	p0 =	sne.s32 s29, $0xFC00;
	v0 =	vld [tilespmem:s28+$0x6000];
	_ =	sdelay $0x3  }
0x6f: {  	s26 =	sadd.s32 $0x80, s26  }
0x70: {  	[tilespmem:s26+$0xFFFFFFC0] =	vst v0  }
0x71: {  	v0 =	vld [tilespmem:s28+$0x60C0];
	_ =	sdelay $0x4  }
0x72: {  	[tilespmem:s26+$0x0] =	vst v0  }
0x73: {  	v0 =	vld [tilespmem:s28+$0x6010];
	_ =	sdelay $0x4  }
0x74: {  	[tilespmem:s26+$0xFFFFFFD0] =	vst v0  }
0x75: {  	v0 =	vld [tilespmem:s28+$0x60D0];
	_ =	sdelay $0x4  }
0x76: {  	[tilespmem:s26+$0x10] =	vst v0  }
0x77: {  	v0 =	vld [tilespmem:s28+$0x6020];
	_ =	sdelay $0x4  }
0x78: {  	[tilespmem:s26+$0xFFFFFFE0] =	vst v0  }
0x79: {  	v0 =	vld [tilespmem:s28+$0x60E0];
	_ =	sdelay $0x4  }
0x7a: {  	[tilespmem:s26+$0x20] =	vst v0  }
0x7b: {  	v0 =	vld [tilespmem:s28+$0x6030];
	_ =	sdelay $0x4  }
0x7c: {  	[tilespmem:s26+$0xFFFFFFF0] =	vst v0  }
0x7d: {  	v0 =	vld [tilespmem:s28+$0x60F0]  }
.Ltmp1:
0x7e: {  	(pc) =	sbr.rel @p0 .LBB2_5-.Ltmp1, $2  }
0x7f: {  	_ =	sdelay $0x2  }
0x80: {  	s28 =	sshra.s32 s29, $0x2;
	s29 =	sadd.s32 $0x400, s29;
	[tilespmem:s26+$0x30] =	vst v0  }
0x81: {  	v0 =	vld [tilespmem:s28+$0x6000];
	_ =	sdelay $0x3  }
0x82: {  	s26 =	sadd.s32 $0x80, s26  }
0x83: {  	[tilespmem:s26+$0xFFFFFFC0] =	vst v0  }
0x84: {  	v0 =	vld [tilespmem:s28+$0x60C0];
	_ =	sdelay $0x4  }
0x85: {  	[tilespmem:s26+$0x0] =	vst v0  }
0x86: {  	v0 =	vld [tilespmem:s28+$0x6010];
	_ =	sdelay $0x4  }
0x87: {  	[tilespmem:s26+$0xFFFFFFD0] =	vst v0  }
0x88: {  	v0 =	vld [tilespmem:s28+$0x60D0];
	_ =	sdelay $0x4  }
0x89: {  	[tilespmem:s26+$0x10] =	vst v0  }
0x8a: {  	v0 =	vld [tilespmem:s28+$0x6020];
	_ =	sdelay $0x4  }
0x8b: {  	[tilespmem:s26+$0xFFFFFFE0] =	vst v0  }
0x8c: {  	v0 =	vld [tilespmem:s28+$0x60E0];
	_ =	sdelay $0x4  }
0x8d: {  	[tilespmem:s26+$0x20] =	vst v0  }
0x8e: {  	v0 =	vld [tilespmem:s28+$0x6030];
	_ =	sdelay $0x4  }
0x8f: {  	[tilespmem:s26+$0xFFFFFFF0] =	vst v0  }
0x90: {  	v0 =	vld [tilespmem:s28+$0x60F0];
	_ =	sdelay $0x1  }
0x91: {  	s25 =	sadd.s32 s25, s3  }
0x92: {  	s25 =	sshll.u32 s25, $0x3  }
0x93: {  	s25 =	sadd.s32 s5, s25  }
0x94: {  	s30 =	sadd.s32 $0x400, s25;
	[tilespmem:s26+$0x30] =	vst v0  }
0x95: {  	[hbm4b:s30+s2] =	stream.linear.scatter [tilespmem:s17], [sflag:$0x5], $0x2000, $0x38;
	[tilespmem:$0x14000] =	vst v63  }
0x96: {  	p0 =	seq.s32 s22, $0xF;
	_ =	swait.ge [sflag:s11], $0x2000  }
0x97: {  	s29 =	simm.s32 @!p0 $0x2000;
	[sflag:s11] =	ssyncset.done $0x0  }
0x98: {  	s28 =	simm.s32 @!p0 $0x80;
	s26 =	sadd.s32 @!p0 $0x200, s24;
	[sflag:s11] =	ssyncadd.s32 $0xFFFFE000  }
0x99: {  	[tilespmem:s29], [sflag:$0x1] =	stream.indirect.gather @!p0 [hbm4b:s4+s28], $0x80, s26, s28, $0xb8;
	[tilespmem:$0x14000] =	vst v63  }
0x9a: {  	s24 =	sadd.s32 @!p0 $0x280, s24;
	s26 =	simm.s32 @!p0 $0x6000  }
0x9b: {  	[tilespmem:s26], [sflag:$0x2] =	stream.indirect.gather @!p0 [hbm4b:s4+s28], $0x80, s24, s28, $0xb8;
	[tilespmem:$0x14000] =	vst v63  }
0x9c: {  	_ =	swait.ge [sflag:s19], $0x4000  }
0x9d: {  	[sflag:s19] =	ssyncset.done $0x0  }
0x9e: {  	s31 =	simm.s32 $0x0;
	[sflag:s19] =	ssyncadd.s32 $0xFFFFC000  }
0x9f: {  	v63 =	vld [tilespmem:s31+$0xA000];
	_ =	sdelay $0x3  }
0xa0: {  	s24 =	simm.s32 $0x12040  }
0xa1: {  	[tilespmem:s24+$0xFFFFFFC0] =	vst v63  }
0xa2: {  	v0 =	vld [tilespmem:s31+$0xA0C0];
	_ =	sdelay $0x4  }
0xa3: {  	[tilespmem:s24+$0x0] =	vst v0  }
0xa4: {  	v0 =	vld [tilespmem:s31+$0xA010];
	_ =	sdelay $0x4  }
0xa5: {  	[tilespmem:s24+$0xFFFFFFD0] =	vst v0  }
0xa6: {  	v0 =	vld [tilespmem:s31+$0xA0D0];
	_ =	sdelay $0x4  }
0xa7: {  	[tilespmem:s24+$0x10] =	vst v0  }
0xa8: {  	v0 =	vld [tilespmem:s31+$0xA020];
	_ =	sdelay $0x4  }
0xa9: {  	[tilespmem:s24+$0xFFFFFFE0] =	vst v0  }
0xaa: {  	v0 =	vld [tilespmem:s31+$0xA0E0];
	_ =	sdelay $0x4  }
0xab: {  	[tilespmem:s24+$0x20] =	vst v0  }
0xac: {  	v0 =	vld [tilespmem:s31+$0xA030];
	_ =	sdelay $0x4  }
0xad: {  	[tilespmem:s24+$0xFFFFFFF0] =	vst v0  }
0xae: {  	v0 =	vld [tilespmem:s31+$0xA0F0];
	_ =	sdelay $0x4  }
0xaf: {  	s26 =	simm.s32 $0x100;
	s28 =	simm.s32 $0x800;
	[tilespmem:s24+$0x30] =	vst v0  }
.LBB2_7:
0xb0: {  	p0 =	sne.s32 s28, $0xFC00;
	v0 =	vld [tilespmem:s26+$0xA000];
	_ =	sdelay $0x3  }
0xb1: {  	s24 =	sadd.s32 $0x80, s24  }
0xb2: {  	[tilespmem:s24+$0xFFFFFFC0] =	vst v0  }
0xb3: {  	v0 =	vld [tilespmem:s26+$0xA0C0];
	_ =	sdelay $0x4  }
0xb4: {  	[tilespmem:s24+$0x0] =	vst v0  }
0xb5: {  	v0 =	vld [tilespmem:s26+$0xA010];
	_ =	sdelay $0x4  }
0xb6: {  	[tilespmem:s24+$0xFFFFFFD0] =	vst v0  }
0xb7: {  	v0 =	vld [tilespmem:s26+$0xA0D0];
	_ =	sdelay $0x4  }
0xb8: {  	[tilespmem:s24+$0x10] =	vst v0  }
0xb9: {  	v0 =	vld [tilespmem:s26+$0xA020];
	_ =	sdelay $0x4  }
0xba: {  	[tilespmem:s24+$0xFFFFFFE0] =	vst v0  }
0xbb: {  	v0 =	vld [tilespmem:s26+$0xA0E0];
	_ =	sdelay $0x4  }
0xbc: {  	[tilespmem:s24+$0x20] =	vst v0  }
0xbd: {  	v0 =	vld [tilespmem:s26+$0xA030];
	_ =	sdelay $0x4  }
0xbe: {  	[tilespmem:s24+$0xFFFFFFF0] =	vst v0  }
0xbf: {  	v0 =	vld [tilespmem:s26+$0xA0F0]  }
.Ltmp2:
0xc0: {  	(pc) =	sbr.rel @p0 .LBB2_7-.Ltmp2, $2  }
0xc1: {  	_ =	sdelay $0x2  }
0xc2: {  	s26 =	sshra.s32 s28, $0x2;
	s28 =	sadd.s32 $0x400, s28;
	[tilespmem:s24+$0x30] =	vst v0  }
0xc3: {  	v0 =	vld [tilespmem:s26+$0xA000];
	_ =	sdelay $0x3  }
0xc4: {  	s24 =	sadd.s32 $0x80, s24  }
0xc5: {  	[tilespmem:s24+$0xFFFFFFC0] =	vst v0  }
0xc6: {  	v0 =	vld [tilespmem:s26+$0xA0C0];
	_ =	sdelay $0x4  }
0xc7: {  	[tilespmem:s24+$0x0] =	vst v0  }
0xc8: {  	v0 =	vld [tilespmem:s26+$0xA010];
	_ =	sdelay $0x4  }
0xc9: {  	[tilespmem:s24+$0xFFFFFFD0] =	vst v0  }
0xca: {  	v0 =	vld [tilespmem:s26+$0xA0D0];
	_ =	sdelay $0x4  }
0xcb: {  	[tilespmem:s24+$0x10] =	vst v0  }
0xcc: {  	v0 =	vld [tilespmem:s26+$0xA020];
	_ =	sdelay $0x4  }
0xcd: {  	[tilespmem:s24+$0xFFFFFFE0] =	vst v0  }
0xce: {  	v0 =	vld [tilespmem:s26+$0xA0E0];
	_ =	sdelay $0x4  }
0xcf: {  	[tilespmem:s24+$0x20] =	vst v0  }
0xd0: {  	v0 =	vld [tilespmem:s26+$0xA030];
	_ =	sdelay $0x4  }
0xd1: {  	[tilespmem:s24+$0xFFFFFFF0] =	vst v0  }
0xd2: {  	v0 =	vld [tilespmem:s26+$0xA0F0];
	_ =	sdelay $0x3  }
0xd3: {  	s23 =	sshll.u32 s23, $0xA  }
0xd4: {  	s30 =	simm.s32 $0x0;
	s23 =	sadd.s32 s23, s7;
	[tilespmem:s24+$0x30] =	vst v0  }
0xd5: {  	[hbm4b:s23+s30] =	stream.linear.scatter [tilespmem:s17], [sflag:$0x5], $0x2000, $0x38;
	[tilespmem:$0x14000] =	vst v63  }
0xd6: {  	_ =	swait.ge [sflag:s11], $0x2000  }
0xd7: {  	[sflag:s11] =	ssyncset.done $0x0  }
0xd8: {  	[sflag:s11] =	ssyncadd.s32 $0xFFFFE000  }
0xd9: {  	_ =	swait.ge [sflag:s20], $0x4000  }
0xda: {  	[sflag:s20] =	ssyncset.done $0x0  }
0xdb: {  	s31 =	simm.s32 $0x0;
	[sflag:s20] =	ssyncadd.s32 $0xFFFFC000  }
0xdc: {  	v63 =	vld [tilespmem:s31+$0xE000];
	_ =	sdelay $0x3  }
0xdd: {  	s23 =	simm.s32 $0x12040  }
0xde: {  	[tilespmem:s23+$0xFFFFFFC0] =	vst v63  }
0xdf: {  	v0 =	vld [tilespmem:s31+$0xE0C0];
	_ =	sdelay $0x4  }
0xe0: {  	[tilespmem:s23+$0x0] =	vst v0  }
0xe1: {  	v0 =	vld [tilespmem:s31+$0xE010];
	_ =	sdelay $0x4  }
0xe2: {  	[tilespmem:s23+$0xFFFFFFD0] =	vst v0  }
0xe3: {  	v0 =	vld [tilespmem:s31+$0xE0D0];
	_ =	sdelay $0x4  }
0xe4: {  	[tilespmem:s23+$0x10] =	vst v0  }
0xe5: {  	v0 =	vld [tilespmem:s31+$0xE020];
	_ =	sdelay $0x4  }
0xe6: {  	[tilespmem:s23+$0xFFFFFFE0] =	vst v0  }
0xe7: {  	v0 =	vld [tilespmem:s31+$0xE0E0];
	_ =	sdelay $0x4  }
0xe8: {  	[tilespmem:s23+$0x20] =	vst v0  }
0xe9: {  	v0 =	vld [tilespmem:s31+$0xE030];
	_ =	sdelay $0x4  }
0xea: {  	[tilespmem:s23+$0xFFFFFFF0] =	vst v0  }
0xeb: {  	v0 =	vld [tilespmem:s31+$0xE0F0];
	_ =	sdelay $0x4  }
0xec: {  	s26 =	simm.s32 $0x800;
	s24 =	simm.s32 $0x100;
	[tilespmem:s23+$0x30] =	vst v0  }
.LBB2_9:
0xed: {  	p0 =	sne.s32 s26, $0xFC00;
	v0 =	vld [tilespmem:s24+$0xE000];
	_ =	sdelay $0x3  }
0xee: {  	s23 =	sadd.s32 $0x80, s23  }
0xef: {  	[tilespmem:s23+$0xFFFFFFC0] =	vst v0  }
0xf0: {  	v0 =	vld [tilespmem:s24+$0xE0C0];
	_ =	sdelay $0x4  }
0xf1: {  	[tilespmem:s23+$0x0] =	vst v0  }
0xf2: {  	v0 =	vld [tilespmem:s24+$0xE010];
	_ =	sdelay $0x4  }
0xf3: {  	[tilespmem:s23+$0xFFFFFFD0] =	vst v0  }
0xf4: {  	v0 =	vld [tilespmem:s24+$0xE0D0];
	_ =	sdelay $0x4  }
0xf5: {  	[tilespmem:s23+$0x10] =	vst v0  }
0xf6: {  	v0 =	vld [tilespmem:s24+$0xE020];
	_ =	sdelay $0x4  }
0xf7: {  	[tilespmem:s23+$0xFFFFFFE0] =	vst v0  }
0xf8: {  	v0 =	vld [tilespmem:s24+$0xE0E0];
	_ =	sdelay $0x4  }
0xf9: {  	[tilespmem:s23+$0x20] =	vst v0  }
0xfa: {  	v0 =	vld [tilespmem:s24+$0xE030];
	_ =	sdelay $0x4  }
0xfb: {  	[tilespmem:s23+$0xFFFFFFF0] =	vst v0  }
0xfc: {  	v0 =	vld [tilespmem:s24+$0xE0F0]  }
.Ltmp3:
0xfd: {  	(pc) =	sbr.rel @p0 .LBB2_9-.Ltmp3, $2  }
0xfe: {  	_ =	sdelay $0x2  }
0xff: {  	s24 =	sshra.s32 s26, $0x2;
	s26 =	sadd.s32 $0x400, s26;
	[tilespmem:s23+$0x30] =	vst v0  }
0x100: {  	v0 =	vld [tilespmem:s24+$0xE000];
	_ =	sdelay $0x3  }
0x101: {  	s23 =	sadd.s32 $0x80, s23  }
0x102: {  	[tilespmem:s23+$0xFFFFFFC0] =	vst v0  }
0x103: {  	v0 =	vld [tilespmem:s24+$0xE0C0];
	_ =	sdelay $0x4  }
0x104: {  	[tilespmem:s23+$0x0] =	vst v0  }
0x105: {  	v0 =	vld [tilespmem:s24+$0xE010];
	_ =	sdelay $0x4  }
0x106: {  	[tilespmem:s23+$0xFFFFFFD0] =	vst v0  }
0x107: {  	v0 =	vld [tilespmem:s24+$0xE0D0];
	_ =	sdelay $0x4  }
0x108: {  	[tilespmem:s23+$0x10] =	vst v0  }
0x109: {  	v0 =	vld [tilespmem:s24+$0xE020];
	_ =	sdelay $0x4  }
0x10a: {  	[tilespmem:s23+$0xFFFFFFE0] =	vst v0  }
0x10b: {  	v0 =	vld [tilespmem:s24+$0xE0E0];
	_ =	sdelay $0x4  }
0x10c: {  	[tilespmem:s23+$0x20] =	vst v0  }
0x10d: {  	v0 =	vld [tilespmem:s24+$0xE030];
	_ =	sdelay $0x4  }
0x10e: {  	[tilespmem:s23+$0xFFFFFFF0] =	vst v0  }
0x10f: {  	v0 =	vld [tilespmem:s24+$0xE0F0];
	_ =	sdelay $0x2  }
0x110: {  	s22 =	sadd.s32 $0x1, s22  }
0x111: {  	p0 =	sne.s32 s22, $0x10  }
.Ltmp4:
0x112: {  	s31 =	sadd.s32 $0xC00, s25;
	[tilespmem:s23+$0x30] =	vst v0;
	(pc) =	sbr.rel @p0 .LBB2_2-.Ltmp4, $4  }
0x113: {  	[hbm4b:s31+s2] =	stream.linear.scatter [tilespmem:s17], [sflag:$0x5], $0x2000, $0x38;
	[tilespmem:$0x14000] =	vst v63  }
0x114: {  	_ =	swait.ge [sflag:s11], $0x2000  }
0x115: {  	[sflag:s11] =	ssyncset.done $0x0  }
0x116: {  	[sflag:s11] =	ssyncadd.s32 $0xFFFFE000  }
0x117: {  	s21 =	sadd.s32 $0x1, s21  }
0x118: {  	p0 =	sne.s32 s21, s8  }
.Ltmp5:
0x119: {  	_ = 	snop;
	(pc) =	sbr.rel @p0 .LBB2_1-.Ltmp5, $1  }
0x11a: {  	_ =	sdelay $0x3  }
0x11b: {  	_ =	sfence.sel $0x180000  }
0x11c: {  	[bflag:$0x0] =	sbarrier.arrive $0xFFFF  }
0x11d: {  	p0 =	sne.s32 s0, $0x0;
	_ =	strace $0x9000004A  }
0x11e: {  	s0 =	sadd.s32 @!p0 $0x100000, s1;
	[bflag:$0x2] =	sbarrier.arrive $0xFFFF  }
0x11f: {  	[sflag:s0] =	ssyncadd.tile.s32 @!p0 $0x1;
	_ =	shalt  }
.Lfunc_end2:
_tile_overlayer_lowered:
.L_overlay_start_2:
0x120: {  	(tag) =	ssettag $0x2  }
0x121: {  	s0 =	rddreg [dreg:$0x0];
	s2 =	stileid.u32  }
0x122: {  	s1 =	rddreg [dreg:$0x1];
	p0 =	sne.s32 s2, $0x0  }
0x123: {  	s3 =	rddreg [dreg:$0x2];
	[bflag:$0x3] =	sbarrier.arrive $0xFFFF;
	s2 =	simm.s32 @!p0 $0x1C05  }
0x124: {  	[timem:s3], [sflag:s2] =	dma.local @!p0 [hbm:s0], s1  }
0x125: {  	s0 =	simm.s32 @!p0 $0x5  }
0x126: {  	_ =	swait.ge @!p0 [sflag:s0], s1  }
0x127: {  	s1 =	ssub.s32 @!p0 $0x0, s1;
	[sflag:s0] =	ssyncset.done @!p0 $0x0  }
0x128: {  	[sflag:s0] =	ssyncadd.s32 @!p0 s1  }
0x129: {  	[bflag:$0x3] =	sbarrier.arrive $0xFFFF  }
0x12a: {  	_ =	shalt  }

// kernel: kernel.21.cloned.1.call-start
scs
__scs_entry_jumppad:
0x0: {  	(pc) =	sbr.rel $0x88, $3  }
0x1: {  	(tag) =	ssettag $0x0;
	lr =	simm.s32 $0x1  }
0x2: {  	[smem:$0x3F8C] =	sst lr;
	_ =	strace $0xD0000000  }
0x3: {  	_ = 	snop  }
0x4: {  	_ = 	snop  }
0x5: {  	_ = 	snop  }
0x6: {  	_ = 	snop  }
0x7: {  	_ = 	snop  }
__scs_overlays_trampoline_lowered:
0x8: {  	[smem:$0x3F9B] =	sst s0  }
0x9: {  	[smem:$0x3F9C] =	sst s1  }
0xa: {  	[smem:$0x3F9D] =	sst s2  }
0xb: {  	[smem:$0x3F9E] =	sst s3  }
0xc: {  	[smem:$0x3F9F] =	sst s4  }
0xd: {  	[smem:$0x3FA0] =	sst s5  }
0xe: {  	[smem:$0x3FA1] =	sst s6  }
0xf: {  	[smem:$0x3FA2] =	sst s7  }
0x10: {  	[smem:$0x3FA3] =	sst s8  }
0x11: {  	[smem:$0x3FA4] =	sst s9;
	s0 =	simm.s32 @!p0 $0x0  }
0x12: {  	s1 =	sld [smem:$0x3F8A];
	s0 =	simm.s32 @p0 $0x1  }
0x13: {  	[smem:$0x3FA5] =	sst s0;
	s0 =	simm.s32 @!p1 $0x0  }
0x14: {  	s2 =	sld [smem:$0x3F89];
	s0 =	simm.s32 @p1 $0x1  }
0x15: {  	[smem:$0x3FA6] =	sst s0;
	s0 =	simm.s32 @!p2 $0x0  }
0x16: {  	s3 =	sld [smem:$0x3FDB];
	s0 =	simm.s32 @p2 $0x1  }
0x17: {  	s4 =	simm.s32 $0x1BF5;
	[smem:$0x3FA8] =	sst s0  }
0x18: {  	s0 =	sld [smem:$0x3F8B];
	_ =	swait.ge [sflag:s4], $0x0  }
0x19: {  	s7 =	sld [smem:$0x3F8C]  }
0x1a: {  	s8 =	sadd.s32 $0xFFFFE003, lr  }
0x1b: {  	s9 =	sadd.s32 $0xFFFFFEF7, lr;
	s5 =	simm.s32 $0xFFFFFFFF;
	p2 =	slt.u32 s8, $0xFFFFF086  }
0x1c: {  	p1 =	slt.u32 s9, $0xF7A;
	s5 =	simm.s32 @!p2 $0x0  }
0x1d: {  	s5 =	simm.s32 @p1 $0x1;
	p0 =	seq.s32 s7, s2  }
0x1e: {  	s7 =	smul.u32 @!p0 $0xF7A, s2;
	p2 =	seq.s32 @!p0 s5, $0x0  }
0x1f: {  	s9 =	smul.u32 $0xF7A, s1;
	s8 =	simm.s32 @!p0 $0x1BF5;
	p2 =	por !p2, p0  }
0x20: {  	[sflag:s8] =	ssyncset.s32 @!p0 $0xFFFFF086;
	s6 =	sadd.s32 @!p0 s3, s7;
	s7 =	simm.s32 @!p0 $0x108  }
0x21: {  	s3 =	sadd.s32 s3, s9;
	s6 =	sadd.s32 @!p0 $0x88, s6;
	s7 =	simm.s32 @p2 $0x1082  }
0x22: {  	[simem:s7], [sflag:s8] =	dma.local @!p0 [hbm:s6], $0xF7A  }
0x23: {  	s9 =	sor.u32 $0xD0000000, s2;
	s6 =	simm.s32 $0x108;
	_ =	swait.ge @!p0 [sflag:s8], $0x0  }
0x24: {  	s3 =	sadd.s32 $0x88, s3;
	s6 =	simm.s32 @!p1 $0x1082;
	[sflag:s4] =	ssyncset.s32 $0xFFFFF086  }
0x25: {  	[simem:s6], [sflag:s4] =	dma.local [hbm:s3], $0xF7A  }
0x26: {  	[smem:$0x3F8C] =	sst s1;
	(tag) =	ssettag s2;
	_ =	strace s9  }
0x27: {  	s1 =	sld [smem:$0x3F9C]  }
0x28: {  	s2 =	sld [smem:$0x3F9D]  }
0x29: {  	s4 =	sld [smem:$0x3F9F]  }
0x2a: {  	p0 =	seq.s32 s5, $0x0;
	s5 =	sld [smem:$0x3FA0]  }
0x2b: {  	s6 =	sld [smem:$0x3FA1]  }
0x2c: {  	s7 =	sld [smem:$0x3FA2]  }
0x2d: {  	s3 =	simm.s32 $0x108;
	s8 =	sld [smem:$0x3FA3]  }
0x2e: {  	s3 =	simm.s32 @!p0 $0x1082;
	s9 =	sld [smem:$0x3FA4]  }
0x2f: {  	lr =	sadd.s32 s0, s3;
	s0 =	sld [smem:$0x3F9B]  }
0x30: {  	s3 =	sld [smem:$0x3F9E]  }
0x31: {  	[smem:$0x3FA7] =	sst s10  }
0x32: {  	s10 =	sld [smem:$0x3FA5];
	_ =	sdelay $0x3  }
0x33: {  	p0 =	seq.s32 s10, $0x1;
	s10 =	sld [smem:$0x3FA7];
	_ =	sdelay $0x3  }
0x34: {  	[smem:$0x3FA7] =	sst s10  }
0x35: {  	s10 =	sld [smem:$0x3FA6];
	_ =	sdelay $0x3  }
0x36: {  	p1 =	seq.s32 s10, $0x1;
	s10 =	sld [smem:$0x3FA7];
	_ =	sdelay $0x3  }
0x37: {  	[smem:$0x3FA7] =	sst s10  }
0x38: {  	s10 =	sld [smem:$0x3FA8]  }
0x39: {  	_ = 	snop;
	(pc) =	sbr.ind lr, $3  }
0x3a: {  	_ = 	snop  }
0x3b: {  	_ = 	snop  }
0x3c: {  	p2 =	seq.s32 s10, $0x1;
	s10 =	sld [smem:$0x3FA7]  }
0x3d: {  	_ =	shalt  }
0x3e: {  	_ =	shalt  }
0x3f: {  	_ =	shalt  }
0x40: {  	_ =	shalt  }
0x41: {  	_ =	shalt  }
0x42: {  	_ =	shalt  }
0x43: {  	_ =	shalt  }
0x44: {  	_ =	shalt  }
0x45: {  	_ =	shalt  }
0x46: {  	_ =	shalt  }
0x47: {  	_ =	shalt  }
0x48: {  	_ =	shalt  }
0x49: {  	_ =	shalt  }
0x4a: {  	_ =	shalt  }
0x4b: {  	_ =	shalt  }
0x4c: {  	_ =	shalt  }
0x4d: {  	_ =	shalt  }
0x4e: {  	_ =	shalt  }
0x4f: {  	_ =	shalt  }
0x50: {  	_ =	shalt  }
0x51: {  	_ =	shalt  }
0x52: {  	_ =	shalt  }
0x53: {  	_ =	shalt  }
0x54: {  	_ =	shalt  }
0x55: {  	_ =	shalt  }
0x56: {  	_ =	shalt  }
0x57: {  	_ =	shalt  }
0x58: {  	_ =	shalt  }
0x59: {  	_ =	shalt  }
0x5a: {  	_ =	shalt  }
0x5b: {  	_ =	shalt  }
0x5c: {  	_ =	shalt  }
0x5d: {  	_ =	shalt  }
0x5e: {  	_ =	shalt  }
0x5f: {  	_ =	shalt  }
0x60: {  	_ =	shalt  }
0x61: {  	_ =	shalt  }
0x62: {  	_ =	shalt  }
0x63: {  	_ =	shalt  }
0x64: {  	_ =	shalt  }
0x65: {  	_ =	shalt  }
0x66: {  	_ =	shalt  }
0x67: {  	_ =	shalt  }
0x68: {  	_ =	shalt  }
0x69: {  	_ =	shalt  }
0x6a: {  	_ =	shalt  }
0x6b: {  	_ =	shalt  }
0x6c: {  	_ =	shalt  }
0x6d: {  	_ =	shalt  }
0x6e: {  	_ =	shalt  }
0x6f: {  	_ =	shalt  }
0x70: {  	_ =	shalt  }
0x71: {  	_ =	shalt  }
0x72: {  	_ =	shalt  }
0x73: {  	_ =	shalt  }
0x74: {  	_ =	shalt  }
0x75: {  	_ =	shalt  }
0x76: {  	_ =	shalt  }
0x77: {  	_ =	shalt  }
0x78: {  	_ =	shalt  }
0x79: {  	_ =	shalt  }
0x7a: {  	_ =	shalt  }
0x7b: {  	_ =	shalt  }
0x7c: {  	_ =	shalt  }
0x7d: {  	_ =	shalt  }
0x7e: {  	_ =	shalt  }
0x7f: {  	_ =	shalt  }
0x80: {  	_ =	shalt  }
0x81: {  	_ =	shalt  }
0x82: {  	_ =	shalt  }
0x83: {  	_ =	shalt  }
0x84: {  	_ =	shalt  }
0x85: {  	_ =	shalt  }
0x86: {  	_ =	shalt  }
0x87: {  	_ =	shalt  }
.Lfunc_end0:
.L_simem_size_0:
called_computation.3_lowered:
.L_overlay_start_0:
0x88: {  	s2 =	sld [smem:$0x3FD9]  }
0x89: {  	s3 =	sld [smem:$0x3FFE];
	_ =	sdelay $0x1  }
0x8a: {  	s1 =	srdreg.scid  }
0x8b: {  	s0 =	sand.u32 $0x1, s1  }
0x8c: {  	s17 =	sshll.u32 s0, $0xA;
	s2 =	sadd.s32 s3, s2  }
0x8d: {  	s2 =	sadd.s32 s2, s17  }
0x8e: {  	[smem:$0x3FB3] =	sst s2  }
0x8f: {  	_ = 	snop  }
0x90: {  	(tm) =	ssettm $0x1  }
0x91: {  	s18 =	sld [smem:$0x3FFB];
	_ =	sdelay $0x3  }
0x92: {  	_ =	strace s18  }
0x93: {  	s2 =	sld [smem:$0x3FFC];
	_ =	sdelay $0x3  }
0x94: {  	_ =	strace s2  }
0x95: {  	s2 =	sld [smem:$0x3FFD];
	_ =	sdelay $0x3  }
0x96: {  	_ =	strace s2  }
0x97: {  	_ =	strace $0x8FFFFFFF  }
0x98: {  	s19 =	sld [smem:$0x3FDB];
	_ =	sdelay $0x1  }
0x99: {  	s20 =	simm.s32 $_scs_section_size  }
0x9a: {  	s4 =	simm.s32 $_size__tile_overlayer_lowered;
	s5 =	simm.s32 $_tile_overlayer_lowered  }
0x9b: {  	s6 =	simm.s32 $0x1BFF;
	s21 =	sshll.u32 s5, $0x1;
	s3 =	sadd.s32 s20, s19  }
0x9c: {  	s22 =	simm.s32 $0x0;
	s4 =	sshll.u32 s4, $0x1;
	s5 =	sadd.s32 s21, s3  }
0x9d: {  	[timem:s22], [sflag:s6] =	dma.local [hbm:s5], s4  }
0x9e: {  	_ =	swait.ge [sflag:s6], s4  }
0x9f: {  	s4 =	ssub.s32 $0x0, s4;
	[sflag:s6] =	ssyncset.done $0x0  }
0xa0: {  	[sflag:s6] =	ssyncadd.s32 s4;
	_ =	sdelay $0x1  }
0xa1: {  	s23 =	simm.s32 $0x1B8B  }
0xa2: {  	_ =	swait.ge [sflag:s23], $0x1  }
0xa3: {  	[sflag:s23] =	ssyncset.done $0x0  }
0xa4: {  	[sflag:s23] =	ssyncadd.s32 $0xFFFFFFFF  }
0xa5: {  	s4 =	sld [smem:$0x0]  }
0xa6: {  	s5 =	sand.u32 $0xFFFFFFFE, s1  }
0xa7: {  	p0 =	sne.s32 s1, s5  }
0xa8: {  	s5 =	sshll.u32 @p0 s5, $0xE  }
0xa9: {  	s5 =	sadd.s32 @p0 $0x11B8D, s5;
	s6 =	sshll.u32 @p0 s4, $0x11  }
0xaa: {  	s5 =	sor.u32 @p0 s6, s5  }
0xab: {  	[sflag:s5] =	ssyncadd.remote.s32 @p0 $0x1;
	_ =	sdelay $0x1  }
0xac: {  	s5 =	simm.s32 @p0 $0x1B8D  }
0xad: {  	_ =	swait.eq @p0 [sflag:s5], $0x1  }
0xae: {  	[sflag:s5] =	ssyncadd.s32 @p0 $0xFFFFFFFF  }
0xaf: {  	s6 =	sshll.u32 @!p0 s1, $0xE  }
0xb0: {  	s6 =	sor.u32 @!p0 $0x4000, s6;
	s5 =	simm.s32 @!p0 $0x1B8D  }
0xb1: {  	s4 =	sshll.u32 @!p0 s4, $0x11;
	s6 =	sadd.s32 @!p0 $0x11B8D, s6;
	_ =	swait.eq @!p0 [sflag:s5], $0x1  }
0xb2: {  	s4 =	sor.u32 @!p0 s4, s6;
	[sflag:s5] =	ssyncadd.s32 @!p0 $0xFFFFFFFF  }
0xb3: {  	s25 =	simm.s32 $0x1B8E;
	s24 =	sld [smem:$0x3FFE];
	[sflag:s4] =	ssyncadd.remote.s32 @!p0 $0x1  }
0xb4: {  	s26 =	simm.s32 $execute0_lowered;
	[smem:$0x3FD2] =	sst s25  }
0xb5: {  	s5 =	sshll.u32 s26, $0x1;
	_ =	strace $0x8000004F;
	[dreg:$0x1] =	wrdreg $0xFFFFFFFF  }
0xb6: {  	s28 =	simm.s32 $_size_execute0_lowered;
	s3 =	sadd.s32 s3, s5;
	[dreg:$0x0] =	wrdreg $0x0  }
0xb7: {  	s5 =	sshll.u32 s28, $0x1;
	[dreg:$0x2] =	wrdreg s3  }
0xb8: {  	[dreg:$0x3] =	wrdreg s5  }
0xb9: {  	[dreg:$0x4] =	wrdreg $0xC0  }
0xba: {  	_ =	task [dreg:s22], $0x5FFFF  }
0xbb: {  	[dreg:$0x1] =	wrdreg $0xFFFFFFFF  }
0xbc: {  	[dreg:$0x0] =	wrdreg $0x60  }
0xbd: {  	[dreg:$0x2] =	wrdreg s24  }
0xbe: {  	[dreg:$0x3] =	wrdreg $0xA  }
0xbf: {  	_ =	task.clear_ibuf [dreg:s22], $0x4FFFF;
	_ =	strace $0x9000004F  }
0xc0: {  	s29 =	simm.s32 $0xA;
	_ =	strace $0x80000051  }
0xc1: {  	_ =	swait.ge [sflag:s29], $0x1  }
0xc2: {  	[sflag:s29] =	ssyncadd.s32 $0xFFFFFFFF  }
0xc3: {  	_ =	strace $0x90000051  }
0xc4: {  	_ =	sfence  }
0xc5: {  	s30 =	sld [smem:$0x0];
	_ =	sdelay $0x2  }
0xc6: {  	s31 =	sshll.u32 s1, $0xD;
	s1 =	sshrl.u32 s1, $0x2  }
0xc7: {  	s4 =	sand.u32 $0x4000, s31;
	s1 =	sadd.s32 s1, s30  }
0xc8: {  	s0 =	sor.u32 s4, s0;
	s1 =	sshll.u32 s1, $0x11  }
0xc9: {  	s0 =	sor.u32 s1, s0  }
0xca: {  	s0 =	sadd.s32 $0x8F2B, s0  }
0xcb: {  	[sflag:s0] =	ssyncadd.remote.s32 $0x1  }
0xcc: {  	_ =	sfence.sel $0xFFFF  }
0xcd: {  	[dreg:$0x0] =	wrdreg $0xFFFFFFFF;
	(pc) =	sbr.abs _section_cstart, $3  }
0xce: {  	[dreg:$0x1] =	wrdreg $0xFFFFFFFF  }
0xcf: {  	_ =	task.clear_ibuf [dreg:s22], $0x2FFFF;
	_ =	strace $0x9FFFFFFF  }
0xd0: {  	(tm) =	ssettm $0x7FFFFFFF  }
0xd1: {  	_ =	shalt  }
tec
execute0_lowered:
.L_overlay_start_1:
0x0: {  	(tag) =	ssettag $0x1  }
0x1: {  	s1 =	srdreg.scid;
	s0 =	stileid.u32  }
0x2: {  	s5 =	rddreg [dreg:$0x0];
	s10 =	simm.s32 $0x400;
	s11 =	simm.s32 $0x5  }
0x3: {  	s12 =	simm.s32 $0x2000;
	s13 =	simm.s32 $0x6000;
	s14 =	simm.s32 $0xA000  }
0x4: {  	s15 =	simm.s32 $0xE000;
	s16 =	simm.s32 $0x1;
	s17 =	simm.s32 $0x12000  }
0x5: {  	s18 =	simm.s32 $0x2;
	s6 =	sand.u32 $0x1, s1;
	s2 =	sshll.u32 s0, $0x1  }
0x6: {  	s19 =	simm.s32 $0x3;
	s20 =	simm.s32 $0x4;
	s7 =	sor.u32 s6, s2  }
0x7: {  	s21 =	simm.s32 $0x0;
	s3 =	sshll.u32 s7, $0xD;
	s4 =	sshll.u32 s7, $0x7  }
0x8: {  	s1 =	rddreg [dreg:$0x1];
	s2 =	simm.s32 $0x0;
	s4 =	sor.u32 s4, s3  }
0x9: {  	s6 =	ssub.s32 $0x2, s6;
	[smem:$0x7FF] =	sst s2;
	s8 =	sand.u32 $0x30380, s4  }
0xa: {  	s9 =	sshrl.u32 s6, $0x1;
	s7 =	sshll.u32 s7, $0x10;
	s8 =	sshrl.u32 s8, $0x3  }
0xb: {  	_ =	strace $0x80000050;
	s4 =	sadd.s32 $0x32BC00, s5;
	s8 =	sadd.s32 s8, s5  }
0xc: {  	s9 =	ssub.s32 s6, s9;
	s5 =	sadd.s32 $0x3ABC00, s5;
	s6 =	sadd.s32 $0x123C00, s8  }
0xd: {  	s7 =	sadd.s32 s5, s7;
	s8 =	smax.u32 s9, $0x1;
	s9 =	simm.s32 $0x80  }
.LBB2_1:
0xe: {  	[tilespmem:s2], [sflag:$0x5] =	stream.strided.gather [hbm4b:s6+s9], $0x2000, s10, s9, $0x38;
	[tilespmem:$0x14000] =	vst v63  }
0xf: {  	_ =	swait.ge [sflag:s11], $0x2000  }
0x10: {  	[sflag:s11] =	ssyncset.done $0x0  }
0x11: {  	[sflag:s11] =	ssyncadd.s32 $0xFFFFE000  }
0x12: {  	[tilespmem:s12], [sflag:$0x1] =	stream.indirect.gather [hbm4b:s4+s9], $0x80, s2, s9, $0xb8;
	[tilespmem:$0x14000] =	vst v63  }
0x13: {  	s22 =	simm.s32 $0x0  }
0x14: {  	[tilespmem:s13], [sflag:$0x2] =	stream.indirect.gather [hbm4b:s4+s9], $0x80, s9, s9, $0xb8;
	[tilespmem:$0x14000] =	vst v63  }
.LBB2_2:
0x15: {  	s23 =	sshll.u32 s22, $0x2  }
0x16: {  	s23 =	sor.u32 $0x2, s23  }
0x17: {  	s24 =	sshll.u32 s23, $0x7  }
0x18: {  	s25 =	sshll.u32 s22, $0x9;
	s24 =	sand.u32 $0x3FFFFF00, s24  }
0x19: {  	[tilespmem:s14], [sflag:$0x3] =	stream.indirect.gather [hbm4b:s4+s9], $0x80, s24, s9, $0xb8;
	[tilespmem:$0x14000] =	vst v63  }
0x1a: {  	s24 =	sand.u32 $0x3FFFFE00, s25  }
0x1b: {  	s26 =	sor.u32 $0x180, s24  }
0x1c: {  	[tilespmem:s15], [sflag:$0x4] =	stream.indirect.gather [hbm4b:s4+s9], $0x80, s26, s9, $0xb8;
	[tilespmem:$0x14000] =	vst v63  }
0x1d: {  	_ =	swait.ge [sflag:s16], $0x4000  }
0x1e: {  	[sflag:s16] =	ssyncset.done $0x0  }
0x1f: {  	s28 =	simm.s32 $0x0;
	[sflag:s16] =	ssyncadd.s32 $0xFFFFC000  }
0x20: {  	v0 =	vld [tilespmem:s28+$0x2000];
	_ =	sdelay $0x3  }
0x21: {  	s26 =	simm.s32 $0x12040  }
0x22: {  	[tilespmem:s26+$0xFFFFFFC0] =	vst v0  }
0x23: {  	v0 =	vld [tilespmem:s28+$0x20C0];
	_ =	sdelay $0x4  }
0x24: {  	[tilespmem:s26+$0x0] =	vst v0  }
0x25: {  	v0 =	vld [tilespmem:s28+$0x2010];
	_ =	sdelay $0x4  }
0x26: {  	[tilespmem:s26+$0xFFFFFFD0] =	vst v0  }
0x27: {  	v0 =	vld [tilespmem:s28+$0x20D0];
	_ =	sdelay $0x4  }
0x28: {  	[tilespmem:s26+$0x10] =	vst v0  }
0x29: {  	v0 =	vld [tilespmem:s28+$0x2020];
	_ =	sdelay $0x4  }
0x2a: {  	[tilespmem:s26+$0xFFFFFFE0] =	vst v0  }
0x2b: {  	v0 =	vld [tilespmem:s28+$0x20E0];
	_ =	sdelay $0x4  }
0x2c: {  	[tilespmem:s26+$0x20] =	vst v0  }
0x2d: {  	v0 =	vld [tilespmem:s28+$0x2030];
	_ =	sdelay $0x4  }
0x2e: {  	[tilespmem:s26+$0xFFFFFFF0] =	vst v0  }
0x2f: {  	v0 =	vld [tilespmem:s28+$0x20F0];
	_ =	sdelay $0x4  }
0x30: {  	s29 =	simm.s32 $0x800;
	s28 =	simm.s32 $0x100;
	[tilespmem:s26+$0x30] =	vst v0  }
.LBB2_3:
0x31: {  	p0 =	sne.s32 s29, $0xFC00;
	v0 =	vld [tilespmem:s28+$0x2000];
	_ =	sdelay $0x3  }
0x32: {  	s26 =	sadd.s32 $0x80, s26  }
0x33: {  	[tilespmem:s26+$0xFFFFFFC0] =	vst v0  }
0x34: {  	v0 =	vld [tilespmem:s28+$0x20C0];
	_ =	sdelay $0x4  }
0x35: {  	[tilespmem:s26+$0x0] =	vst v0  }
0x36: {  	v0 =	vld [tilespmem:s28+$0x2010];
	_ =	sdelay $0x4  }
0x37: {  	[tilespmem:s26+$0xFFFFFFD0] =	vst v0  }
0x38: {  	v0 =	vld [tilespmem:s28+$0x20D0];
	_ =	sdelay $0x4  }
0x39: {  	[tilespmem:s26+$0x10] =	vst v0  }
0x3a: {  	v0 =	vld [tilespmem:s28+$0x2020];
	_ =	sdelay $0x4  }
0x3b: {  	[tilespmem:s26+$0xFFFFFFE0] =	vst v0  }
0x3c: {  	v0 =	vld [tilespmem:s28+$0x20E0];
	_ =	sdelay $0x4  }
0x3d: {  	[tilespmem:s26+$0x20] =	vst v0  }
0x3e: {  	v0 =	vld [tilespmem:s28+$0x2030];
	_ =	sdelay $0x4  }
0x3f: {  	[tilespmem:s26+$0xFFFFFFF0] =	vst v0  }
0x40: {  	v0 =	vld [tilespmem:s28+$0x20F0]  }
.Ltmp0:
0x41: {  	(pc) =	sbr.rel @p0 .LBB2_3-.Ltmp0, $2  }
0x42: {  	_ =	sdelay $0x2  }
0x43: {  	s28 =	sshra.s32 s29, $0x2;
	s29 =	sadd.s32 $0x400, s29;
	[tilespmem:s26+$0x30] =	vst v0  }
0x44: {  	v0 =	vld [tilespmem:s28+$0x2000];
	_ =	sdelay $0x3  }
0x45: {  	s26 =	sadd.s32 $0x80, s26  }
0x46: {  	[tilespmem:s26+$0xFFFFFFC0] =	vst v0  }
0x47: {  	v0 =	vld [tilespmem:s28+$0x20C0];
	_ =	sdelay $0x4  }
0x48: {  	[tilespmem:s26+$0x0] =	vst v0  }
0x49: {  	v0 =	vld [tilespmem:s28+$0x2010];
	_ =	sdelay $0x4  }
0x4a: {  	[tilespmem:s26+$0xFFFFFFD0] =	vst v0  }
0x4b: {  	v0 =	vld [tilespmem:s28+$0x20D0];
	_ =	sdelay $0x4  }
0x4c: {  	[tilespmem:s26+$0x10] =	vst v0  }
0x4d: {  	v0 =	vld [tilespmem:s28+$0x2020];
	_ =	sdelay $0x4  }
0x4e: {  	[tilespmem:s26+$0xFFFFFFE0] =	vst v0  }
0x4f: {  	v0 =	vld [tilespmem:s28+$0x20E0];
	_ =	sdelay $0x4  }
0x50: {  	[tilespmem:s26+$0x20] =	vst v0  }
0x51: {  	v0 =	vld [tilespmem:s28+$0x2030];
	_ =	sdelay $0x4  }
0x52: {  	[tilespmem:s26+$0xFFFFFFF0] =	vst v0  }
0x53: {  	v0 =	vld [tilespmem:s28+$0x20F0];
	_ =	sdelay $0x3  }
0x54: {  	s28 =	sshll.u32 s22, $0xC  }
0x55: {  	s31 =	sadd.s32 s28, s7;
	s28 =	simm.s32 $0x0;
	[tilespmem:s26+$0x30] =	vst v0  }
0x56: {  	[hbm4b:s31+s28] =	stream.linear.scatter [tilespmem:s17], [sflag:$0x5], $0x2000, $0x38;
	[tilespmem:$0x14000] =	vst v63  }
0x57: {  	_ =	swait.ge [sflag:s11], $0x2000  }
0x58: {  	[sflag:s11] =	ssyncset.done $0x0  }
0x59: {  	[sflag:s11] =	ssyncadd.s32 $0xFFFFE000  }
0x5a: {  	_ =	swait.ge [sflag:s18], $0x4000  }
0x5b: {  	[sflag:s18] =	ssyncset.done $0x0  }
0x5c: {  	s28 =	simm.s32 $0x0;
	[sflag:s18] =	ssyncadd.s32 $0xFFFFC000  }
0x5d: {  	v63 =	vld [tilespmem:s28+$0x6000];
	_ =	sdelay $0x3  }
0x5e: {  	s26 =	simm.s32 $0x12040  }
0x5f: {  	[tilespmem:s26+$0xFFFFFFC0] =	vst v63  }
0x60: {  	v0 =	vld [tilespmem:s28+$0x60C0];
	_ =	sdelay $0x4  }
0x61: {  	[tilespmem:s26+$0x0] =	vst v0  }
0x62: {  	v0 =	vld [tilespmem:s28+$0x6010];
	_ =	sdelay $0x4  }
0x63: {  	[tilespmem:s26+$0xFFFFFFD0] =	vst v0  }
0x64: {  	v0 =	vld [tilespmem:s28+$0x60D0];
	_ =	sdelay $0x4  }
0x65: {  	[tilespmem:s26+$0x10] =	vst v0  }
0x66: {  	v0 =	vld [tilespmem:s28+$0x6020];
	_ =	sdelay $0x4  }
0x67: {  	[tilespmem:s26+$0xFFFFFFE0] =	vst v0  }
0x68: {  	v0 =	vld [tilespmem:s28+$0x60E0];
	_ =	sdelay $0x4  }
0x69: {  	[tilespmem:s26+$0x20] =	vst v0  }
0x6a: {  	v0 =	vld [tilespmem:s28+$0x6030];
	_ =	sdelay $0x4  }
0x6b: {  	[tilespmem:s26+$0xFFFFFFF0] =	vst v0  }
0x6c: {  	v0 =	vld [tilespmem:s28+$0x60F0];
	_ =	sdelay $0x4  }
0x6d: {  	s29 =	simm.s32 $0x800;
	s28 =	simm.s32 $0x100;
	[tilespmem:s26+$0x30] =	vst v0  }
.LBB2_5:
0x6e: {  	p0 =	sne.s32 s29, $0xFC00;
	v0 =	vld [tilespmem:s28+$0x6000];
	_ =	sdelay $0x3  }
0x6f: {  	s26 =	sadd.s32 $0x80, s26  }
0x70: {  	[tilespmem:s26+$0xFFFFFFC0] =	vst v0  }
0x71: {  	v0 =	vld [tilespmem:s28+$0x60C0];
	_ =	sdelay $0x4  }
0x72: {  	[tilespmem:s26+$0x0] =	vst v0  }
0x73: {  	v0 =	vld [tilespmem:s28+$0x6010];
	_ =	sdelay $0x4  }
0x74: {  	[tilespmem:s26+$0xFFFFFFD0] =	vst v0  }
0x75: {  	v0 =	vld [tilespmem:s28+$0x60D0];
	_ =	sdelay $0x4  }
0x76: {  	[tilespmem:s26+$0x10] =	vst v0  }
0x77: {  	v0 =	vld [tilespmem:s28+$0x6020];
	_ =	sdelay $0x4  }
0x78: {  	[tilespmem:s26+$0xFFFFFFE0] =	vst v0  }
0x79: {  	v0 =	vld [tilespmem:s28+$0x60E0];
	_ =	sdelay $0x4  }
0x7a: {  	[tilespmem:s26+$0x20] =	vst v0  }
0x7b: {  	v0 =	vld [tilespmem:s28+$0x6030];
	_ =	sdelay $0x4  }
0x7c: {  	[tilespmem:s26+$0xFFFFFFF0] =	vst v0  }
0x7d: {  	v0 =	vld [tilespmem:s28+$0x60F0]  }
.Ltmp1:
0x7e: {  	(pc) =	sbr.rel @p0 .LBB2_5-.Ltmp1, $2  }
0x7f: {  	_ =	sdelay $0x2  }
0x80: {  	s28 =	sshra.s32 s29, $0x2;
	s29 =	sadd.s32 $0x400, s29;
	[tilespmem:s26+$0x30] =	vst v0  }
0x81: {  	v0 =	vld [tilespmem:s28+$0x6000];
	_ =	sdelay $0x3  }
0x82: {  	s26 =	sadd.s32 $0x80, s26  }
0x83: {  	[tilespmem:s26+$0xFFFFFFC0] =	vst v0  }
0x84: {  	v0 =	vld [tilespmem:s28+$0x60C0];
	_ =	sdelay $0x4  }
0x85: {  	[tilespmem:s26+$0x0] =	vst v0  }
0x86: {  	v0 =	vld [tilespmem:s28+$0x6010];
	_ =	sdelay $0x4  }
0x87: {  	[tilespmem:s26+$0xFFFFFFD0] =	vst v0  }
0x88: {  	v0 =	vld [tilespmem:s28+$0x60D0];
	_ =	sdelay $0x4  }
0x89: {  	[tilespmem:s26+$0x10] =	vst v0  }
0x8a: {  	v0 =	vld [tilespmem:s28+$0x6020];
	_ =	sdelay $0x4  }
0x8b: {  	[tilespmem:s26+$0xFFFFFFE0] =	vst v0  }
0x8c: {  	v0 =	vld [tilespmem:s28+$0x60E0];
	_ =	sdelay $0x4  }
0x8d: {  	[tilespmem:s26+$0x20] =	vst v0  }
0x8e: {  	v0 =	vld [tilespmem:s28+$0x6030];
	_ =	sdelay $0x4  }
0x8f: {  	[tilespmem:s26+$0xFFFFFFF0] =	vst v0  }
0x90: {  	v0 =	vld [tilespmem:s28+$0x60F0];
	_ =	sdelay $0x1  }
0x91: {  	s25 =	sadd.s32 s25, s3  }
0x92: {  	s25 =	sshll.u32 s25, $0x3  }
0x93: {  	s25 =	sadd.s32 s5, s25  }
0x94: {  	s30 =	sadd.s32 $0x400, s25;
	[tilespmem:s26+$0x30] =	vst v0  }
0x95: {  	[hbm4b:s30+s2] =	stream.linear.scatter [tilespmem:s17], [sflag:$0x5], $0x2000, $0x38;
	[tilespmem:$0x14000] =	vst v63  }
0x96: {  	p0 =	seq.s32 s22, $0xF;
	_ =	swait.ge [sflag:s11], $0x2000  }
0x97: {  	s29 =	simm.s32 @!p0 $0x2000;
	[sflag:s11] =	ssyncset.done $0x0  }
0x98: {  	s28 =	simm.s32 @!p0 $0x80;
	s26 =	sadd.s32 @!p0 $0x200, s24;
	[sflag:s11] =	ssyncadd.s32 $0xFFFFE000  }
0x99: {  	[tilespmem:s29], [sflag:$0x1] =	stream.indirect.gather @!p0 [hbm4b:s4+s28], $0x80, s26, s28, $0xb8;
	[tilespmem:$0x14000] =	vst v63  }
0x9a: {  	s24 =	sadd.s32 @!p0 $0x280, s24;
	s26 =	simm.s32 @!p0 $0x6000  }
0x9b: {  	[tilespmem:s26], [sflag:$0x2] =	stream.indirect.gather @!p0 [hbm4b:s4+s28], $0x80, s24, s28, $0xb8;
	[tilespmem:$0x14000] =	vst v63  }
0x9c: {  	_ =	swait.ge [sflag:s19], $0x4000  }
0x9d: {  	[sflag:s19] =	ssyncset.done $0x0  }
0x9e: {  	s31 =	simm.s32 $0x0;
	[sflag:s19] =	ssyncadd.s32 $0xFFFFC000  }
0x9f: {  	v63 =	vld [tilespmem:s31+$0xA000];
	_ =	sdelay $0x3  }
0xa0: {  	s24 =	simm.s32 $0x12040  }
0xa1: {  	[tilespmem:s24+$0xFFFFFFC0] =	vst v63  }
0xa2: {  	v0 =	vld [tilespmem:s31+$0xA0C0];
	_ =	sdelay $0x4  }
0xa3: {  	[tilespmem:s24+$0x0] =	vst v0  }
0xa4: {  	v0 =	vld [tilespmem:s31+$0xA010];
	_ =	sdelay $0x4  }
0xa5: {  	[tilespmem:s24+$0xFFFFFFD0] =	vst v0  }
0xa6: {  	v0 =	vld [tilespmem:s31+$0xA0D0];
	_ =	sdelay $0x4  }
0xa7: {  	[tilespmem:s24+$0x10] =	vst v0  }
0xa8: {  	v0 =	vld [tilespmem:s31+$0xA020];
	_ =	sdelay $0x4  }
0xa9: {  	[tilespmem:s24+$0xFFFFFFE0] =	vst v0  }
0xaa: {  	v0 =	vld [tilespmem:s31+$0xA0E0];
	_ =	sdelay $0x4  }
0xab: {  	[tilespmem:s24+$0x20] =	vst v0  }
0xac: {  	v0 =	vld [tilespmem:s31+$0xA030];
	_ =	sdelay $0x4  }
0xad: {  	[tilespmem:s24+$0xFFFFFFF0] =	vst v0  }
0xae: {  	v0 =	vld [tilespmem:s31+$0xA0F0];
	_ =	sdelay $0x4  }
0xaf: {  	s26 =	simm.s32 $0x100;
	s28 =	simm.s32 $0x800;
	[tilespmem:s24+$0x30] =	vst v0  }
.LBB2_7:
0xb0: {  	p0 =	sne.s32 s28, $0xFC00;
	v0 =	vld [tilespmem:s26+$0xA000];
	_ =	sdelay $0x3  }
0xb1: {  	s24 =	sadd.s32 $0x80, s24  }
0xb2: {  	[tilespmem:s24+$0xFFFFFFC0] =	vst v0  }
0xb3: {  	v0 =	vld [tilespmem:s26+$0xA0C0];
	_ =	sdelay $0x4  }
0xb4: {  	[tilespmem:s24+$0x0] =	vst v0  }
0xb5: {  	v0 =	vld [tilespmem:s26+$0xA010];
	_ =	sdelay $0x4  }
0xb6: {  	[tilespmem:s24+$0xFFFFFFD0] =	vst v0  }
0xb7: {  	v0 =	vld [tilespmem:s26+$0xA0D0];
	_ =	sdelay $0x4  }
0xb8: {  	[tilespmem:s24+$0x10] =	vst v0  }
0xb9: {  	v0 =	vld [tilespmem:s26+$0xA020];
	_ =	sdelay $0x4  }
0xba: {  	[tilespmem:s24+$0xFFFFFFE0] =	vst v0  }
0xbb: {  	v0 =	vld [tilespmem:s26+$0xA0E0];
	_ =	sdelay $0x4  }
0xbc: {  	[tilespmem:s24+$0x20] =	vst v0  }
0xbd: {  	v0 =	vld [tilespmem:s26+$0xA030];
	_ =	sdelay $0x4  }
0xbe: {  	[tilespmem:s24+$0xFFFFFFF0] =	vst v0  }
0xbf: {  	v0 =	vld [tilespmem:s26+$0xA0F0]  }
.Ltmp2:
0xc0: {  	(pc) =	sbr.rel @p0 .LBB2_7-.Ltmp2, $2  }
0xc1: {  	_ =	sdelay $0x2  }
0xc2: {  	s26 =	sshra.s32 s28, $0x2;
	s28 =	sadd.s32 $0x400, s28;
	[tilespmem:s24+$0x30] =	vst v0  }
0xc3: {  	v0 =	vld [tilespmem:s26+$0xA000];
	_ =	sdelay $0x3  }
0xc4: {  	s24 =	sadd.s32 $0x80, s24  }
0xc5: {  	[tilespmem:s24+$0xFFFFFFC0] =	vst v0  }
0xc6: {  	v0 =	vld [tilespmem:s26+$0xA0C0];
	_ =	sdelay $0x4  }
0xc7: {  	[tilespmem:s24+$0x0] =	vst v0  }
0xc8: {  	v0 =	vld [tilespmem:s26+$0xA010];
	_ =	sdelay $0x4  }
0xc9: {  	[tilespmem:s24+$0xFFFFFFD0] =	vst v0  }
0xca: {  	v0 =	vld [tilespmem:s26+$0xA0D0];
	_ =	sdelay $0x4  }
0xcb: {  	[tilespmem:s24+$0x10] =	vst v0  }
0xcc: {  	v0 =	vld [tilespmem:s26+$0xA020];
	_ =	sdelay $0x4  }
0xcd: {  	[tilespmem:s24+$0xFFFFFFE0] =	vst v0  }
0xce: {  	v0 =	vld [tilespmem:s26+$0xA0E0];
	_ =	sdelay $0x4  }
0xcf: {  	[tilespmem:s24+$0x20] =	vst v0  }
0xd0: {  	v0 =	vld [tilespmem:s26+$0xA030];
	_ =	sdelay $0x4  }
0xd1: {  	[tilespmem:s24+$0xFFFFFFF0] =	vst v0  }
0xd2: {  	v0 =	vld [tilespmem:s26+$0xA0F0];
	_ =	sdelay $0x3  }
0xd3: {  	s23 =	sshll.u32 s23, $0xA  }
0xd4: {  	s30 =	simm.s32 $0x0;
	s23 =	sadd.s32 s23, s7;
	[tilespmem:s24+$0x30] =	vst v0  }
0xd5: {  	[hbm4b:s23+s30] =	stream.linear.scatter [tilespmem:s17], [sflag:$0x5], $0x2000, $0x38;
	[tilespmem:$0x14000] =	vst v63  }
0xd6: {  	_ =	swait.ge [sflag:s11], $0x2000  }
0xd7: {  	[sflag:s11] =	ssyncset.done $0x0  }
0xd8: {  	[sflag:s11] =	ssyncadd.s32 $0xFFFFE000  }
0xd9: {  	_ =	swait.ge [sflag:s20], $0x4000  }
0xda: {  	[sflag:s20] =	ssyncset.done $0x0  }
0xdb: {  	s31 =	simm.s32 $0x0;
	[sflag:s20] =	ssyncadd.s32 $0xFFFFC000  }
0xdc: {  	v63 =	vld [tilespmem:s31+$0xE000];
	_ =	sdelay $0x3  }
0xdd: {  	s23 =	simm.s32 $0x12040  }
0xde: {  	[tilespmem:s23+$0xFFFFFFC0] =	vst v63  }
0xdf: {  	v0 =	vld [tilespmem:s31+$0xE0C0];
	_ =	sdelay $0x4  }
0xe0: {  	[tilespmem:s23+$0x0] =	vst v0  }
0xe1: {  	v0 =	vld [tilespmem:s31+$0xE010];
	_ =	sdelay $0x4  }
0xe2: {  	[tilespmem:s23+$0xFFFFFFD0] =	vst v0  }
0xe3: {  	v0 =	vld [tilespmem:s31+$0xE0D0];
	_ =	sdelay $0x4  }
0xe4: {  	[tilespmem:s23+$0x10] =	vst v0  }
0xe5: {  	v0 =	vld [tilespmem:s31+$0xE020];
	_ =	sdelay $0x4  }
0xe6: {  	[tilespmem:s23+$0xFFFFFFE0] =	vst v0  }
0xe7: {  	v0 =	vld [tilespmem:s31+$0xE0E0];
	_ =	sdelay $0x4  }
0xe8: {  	[tilespmem:s23+$0x20] =	vst v0  }
0xe9: {  	v0 =	vld [tilespmem:s31+$0xE030];
	_ =	sdelay $0x4  }
0xea: {  	[tilespmem:s23+$0xFFFFFFF0] =	vst v0  }
0xeb: {  	v0 =	vld [tilespmem:s31+$0xE0F0];
	_ =	sdelay $0x4  }
0xec: {  	s26 =	simm.s32 $0x800;
	s24 =	simm.s32 $0x100;
	[tilespmem:s23+$0x30] =	vst v0  }
.LBB2_9:
0xed: {  	p0 =	sne.s32 s26, $0xFC00;
	v0 =	vld [tilespmem:s24+$0xE000];
	_ =	sdelay $0x3  }
0xee: {  	s23 =	sadd.s32 $0x80, s23  }
0xef: {  	[tilespmem:s23+$0xFFFFFFC0] =	vst v0  }
0xf0: {  	v0 =	vld [tilespmem:s24+$0xE0C0];
	_ =	sdelay $0x4  }
0xf1: {  	[tilespmem:s23+$0x0] =	vst v0  }
0xf2: {  	v0 =	vld [tilespmem:s24+$0xE010];
	_ =	sdelay $0x4  }
0xf3: {  	[tilespmem:s23+$0xFFFFFFD0] =	vst v0  }
0xf4: {  	v0 =	vld [tilespmem:s24+$0xE0D0];
	_ =	sdelay $0x4  }
0xf5: {  	[tilespmem:s23+$0x10] =	vst v0  }
0xf6: {  	v0 =	vld [tilespmem:s24+$0xE020];
	_ =	sdelay $0x4  }
0xf7: {  	[tilespmem:s23+$0xFFFFFFE0] =	vst v0  }
0xf8: {  	v0 =	vld [tilespmem:s24+$0xE0E0];
	_ =	sdelay $0x4  }
0xf9: {  	[tilespmem:s23+$0x20] =	vst v0  }
0xfa: {  	v0 =	vld [tilespmem:s24+$0xE030];
	_ =	sdelay $0x4  }
0xfb: {  	[tilespmem:s23+$0xFFFFFFF0] =	vst v0  }
0xfc: {  	v0 =	vld [tilespmem:s24+$0xE0F0]  }
.Ltmp3:
0xfd: {  	(pc) =	sbr.rel @p0 .LBB2_9-.Ltmp3, $2  }
0xfe: {  	_ =	sdelay $0x2  }
0xff: {  	s24 =	sshra.s32 s26, $0x2;
	s26 =	sadd.s32 $0x400, s26;
	[tilespmem:s23+$0x30] =	vst v0  }
0x100: {  	v0 =	vld [tilespmem:s24+$0xE000];
	_ =	sdelay $0x3  }
0x101: {  	s23 =	sadd.s32 $0x80, s23  }
0x102: {  	[tilespmem:s23+$0xFFFFFFC0] =	vst v0  }
0x103: {  	v0 =	vld [tilespmem:s24+$0xE0C0];
	_ =	sdelay $0x4  }
0x104: {  	[tilespmem:s23+$0x0] =	vst v0  }
0x105: {  	v0 =	vld [tilespmem:s24+$0xE010];
	_ =	sdelay $0x4  }
0x106: {  	[tilespmem:s23+$0xFFFFFFD0] =	vst v0  }
0x107: {  	v0 =	vld [tilespmem:s24+$0xE0D0];
	_ =	sdelay $0x4  }
0x108: {  	[tilespmem:s23+$0x10] =	vst v0  }
0x109: {  	v0 =	vld [tilespmem:s24+$0xE020];
	_ =	sdelay $0x4  }
0x10a: {  	[tilespmem:s23+$0xFFFFFFE0] =	vst v0  }
0x10b: {  	v0 =	vld [tilespmem:s24+$0xE0E0];
	_ =	sdelay $0x4  }
0x10c: {  	[tilespmem:s23+$0x20] =	vst v0  }
0x10d: {  	v0 =	vld [tilespmem:s24+$0xE030];
	_ =	sdelay $0x4  }
0x10e: {  	[tilespmem:s23+$0xFFFFFFF0] =	vst v0  }
0x10f: {  	v0 =	vld [tilespmem:s24+$0xE0F0];
	_ =	sdelay $0x2  }
0x110: {  	s22 =	sadd.s32 $0x1, s22  }
0x111: {  	p0 =	sne.s32 s22, $0x10  }
.Ltmp4:
0x112: {  	s31 =	sadd.s32 $0xC00, s25;
	[tilespmem:s23+$0x30] =	vst v0;
	(pc) =	sbr.rel @p0 .LBB2_2-.Ltmp4, $4  }
0x113: {  	[hbm4b:s31+s2] =	stream.linear.scatter [tilespmem:s17], [sflag:$0x5], $0x2000, $0x38;
	[tilespmem:$0x14000] =	vst v63  }
0x114: {  	_ =	swait.ge [sflag:s11], $0x2000  }
0x115: {  	[sflag:s11] =	ssyncset.done $0x0  }
0x116: {  	[sflag:s11] =	ssyncadd.s32 $0xFFFFE000  }
0x117: {  	s21 =	sadd.s32 $0x1, s21  }
0x118: {  	p0 =	sne.s32 s21, s8  }
.Ltmp5:
0x119: {  	_ = 	snop;
	(pc) =	sbr.rel @p0 .LBB2_1-.Ltmp5, $1  }
0x11a: {  	_ =	sdelay $0x3  }
0x11b: {  	_ =	sfence.sel $0x180000  }
0x11c: {  	[bflag:$0x0] =	sbarrier.arrive $0xFFFF  }
0x11d: {  	p0 =	sne.s32 s0, $0x0;
	_ =	strace $0x90000050  }
0x11e: {  	s0 =	sadd.s32 @!p0 $0x100000, s1;
	[bflag:$0x2] =	sbarrier.arrive $0xFFFF  }
0x11f: {  	[sflag:s0] =	ssyncadd.tile.s32 @!p0 $0x1;
	_ =	shalt  }
.Lfunc_end2:
_tile_overlayer_lowered:
.L_overlay_start_2:
0x120: {  	(tag) =	ssettag $0x2  }
0x121: {  	s0 =	rddreg [dreg:$0x0];
	s2 =	stileid.u32  }
0x122: {  	s1 =	rddreg [dreg:$0x1];
	p0 =	sne.s32 s2, $0x0  }
0x123: {  	s3 =	rddreg [dreg:$0x2];
	[bflag:$0x3] =	sbarrier.arrive $0xFFFF;
	s2 =	simm.s32 @!p0 $0x1C05  }
0x124: {  	[timem:s3], [sflag:s2] =	dma.local @!p0 [hbm:s0], s1  }
0x125: {  	s0 =	simm.s32 @!p0 $0x5  }
0x126: {  	_ =	swait.ge @!p0 [sflag:s0], s1  }
0x127: {  	s1 =	ssub.s32 @!p0 $0x0, s1;
	[sflag:s0] =	ssyncset.done @!p0 $0x0  }
0x128: {  	[sflag:s0] =	ssyncadd.s32 @!p0 s1  }
0x129: {  	[bflag:$0x3] =	sbarrier.arrive $0xFFFF  }
0x12a: {  	_ =	shalt  }

</sc_bundles>
